<compile_context>
chip_gen: v7x
topology: tpu7x:2x2x1
jax: 0.10.2.dev20260603
libtpu: 0.0.44.dev20260713+nightly
codegen_flags: <defaults>
</compile_context>

<pallas_src>
import functools

import jax
import jax.numpy as jnp
from jax import lax
from jax.experimental import pallas as pl
from jax.experimental.pallas import tpu as pltpu
from jax.experimental.pallas import tpu_sc as plsc

N = 10000
D = 128
E = 320000

NC = 2
NS = 16
NW = NC * NS

NP = 10240
EPT = 10240
EP = EPT * NW
C = 128
NCH = EPT // C
NCH2 = NCH // 2
RPS = NP // NS

_mesh = plsc.VectorSubcoreMesh(core_axis_name="c", subcore_axis_name="s")


@functools.partial(
    pl.kernel,
    out_type=jax.ShapeDtypeStruct((3, NC, NP, D), jnp.float32),
    mesh=_mesh,
    scratch_types=[
        pltpu.VMEM_SHARED((NP, D), jnp.float32),
        pltpu.VMEM((C, D), jnp.float32),
        pltpu.VMEM((2, NCH2, C), jnp.int32),
    ],
)
def _deg_kernel(dst_r, ones_h, zeros_h, out, acc, ones_v, didx_v):
    c = lax.axis_index("c")
    s = lax.axis_index("s")
    w = c * NS + s
    for k in range(3):
        pltpu.sync_copy(zeros_h, ones_v)
        for r in range(RPS // C):
            pltpu.sync_copy(ones_v, acc.at[pl.ds(s * RPS + r * C, C)])
        pltpu.sync_copy(ones_h, ones_v)
        plsc.subcore_barrier()
        pltpu.sync_copy(dst_r.at[k, w], didx_v)

        for half in range(2):
            def body(j, carry, half=half):
                pltpu.sync_copy(ones_v, acc.at[didx_v.at[half, j]], add=True)
                return carry

            lax.fori_loop(0, NCH2, body, 0)
        plsc.subcore_barrier()
        pltpu.sync_copy(
            acc.at[pl.ds(s * RPS, RPS)], out.at[k, c, pl.ds(s * RPS, RPS)]
        )
        plsc.subcore_barrier()


@functools.partial(
    pl.kernel,
    out_type=jax.ShapeDtypeStruct((3, NC, NP, D), jnp.float32),
    mesh=_mesh,
    scratch_types=[
        pltpu.VMEM_SHARED((NP, D), jnp.float32),
        pltpu.VMEM((C, D), jnp.float32),
        pltpu.VMEM((C, D), jnp.float32),
        pltpu.VMEM((NCH2, C), jnp.int32),
        pltpu.VMEM((NCH2, C), jnp.int32),
        pltpu.SemaphoreType.DMA,
        pltpu.SemaphoreType.DMA,
    ],
)
def _spmm_kernel(h0, h1, h2, src_r, dst_r, zeros, out,
                 acc, rbufa, rbufb, sidx_v, didx_v, sema, semb):
    c = lax.axis_index("c")
    s = lax.axis_index("s")
    w = c * NS + s
    for k, h in enumerate((h0, h1, h2)):
        pltpu.sync_copy(zeros, rbufa)
        for r in range(RPS // C):
            pltpu.sync_copy(rbufa, acc.at[pl.ds(s * RPS + r * C, C)])
        plsc.subcore_barrier()
        for half in range(2):
            pltpu.sync_copy(src_r.at[k, w, half], sidx_v)
            pltpu.sync_copy(dst_r.at[k, w, half], didx_v)

            pltpu.async_copy(h.at[sidx_v.at[0]], rbufa, sema)
            pltpu.async_copy(h.at[sidx_v.at[1]], rbufb, semb)

            def body(j2, carry):
                j = 2 * j2
                pltpu.make_async_copy(h.at[sidx_v.at[j]], rbufa, sema).wait()
                pltpu.sync_copy(rbufa, acc.at[didx_v.at[j]], add=True)

                @pl.when(j + 2 < NCH2)
                def _():
                    pltpu.async_copy(h.at[sidx_v.at[j + 2]], rbufa, sema)

                pltpu.make_async_copy(
                    h.at[sidx_v.at[j + 1]], rbufb, semb).wait()
                pltpu.sync_copy(rbufb, acc.at[didx_v.at[j + 1]], add=True)

                @pl.when(j + 3 < NCH2)
                def _():
                    pltpu.async_copy(h.at[sidx_v.at[j + 3]], rbufb, semb)

                return carry

            lax.fori_loop(0, NCH2 // 2, body, 0)
        plsc.subcore_barrier()
        pltpu.sync_copy(
            acc.at[pl.ds(s * RPS, RPS)], out.at[k, c, pl.ds(s * RPS, RPS)]
        )
        plsc.subcore_barrier()


_BLK = 1024
_GR = NP // _BLK


def _dot(a, b):
    return jnp.dot(a, b, preferred_element_type=jnp.float32,
                   precision=lax.Precision.HIGHEST)


def _mm_body(x_ref, w1_ref, out_ref):
    out_ref[0] = _dot(x_ref[...], w1_ref[0])


def _mm(x_pad, w1s):
    return pl.pallas_call(
        _mm_body,
        grid=(3, _GR),
        in_specs=[
            pl.BlockSpec((_BLK, D), lambda k, i: (i, 0)),
            pl.BlockSpec((1, D, D), lambda k, i: (k, 0, 0)),
        ],
        out_specs=pl.BlockSpec((1, _BLK, D), lambda k, i: (k, i, 0)),
        out_shape=jax.ShapeDtypeStruct((3, NP, D), jnp.float32),
    )(x_pad, w1s)


def _scale_body(r_ref, degp_ref, out_ref):
    deg = degp_ref[0, 0, :, 0:1] + degp_ref[0, 1, :, 0:1]
    out_ref[0] = lax.rsqrt(deg + 1.0) * r_ref[0]


def _scale(r, degp):
    return pl.pallas_call(
        _scale_body,
        grid=(3, _GR),
        in_specs=[
            pl.BlockSpec((1, _BLK, D), lambda k, i: (k, i, 0)),
            pl.BlockSpec((1, NC, _BLK, D), lambda k, i: (k, 0, i, 0)),
        ],
        out_specs=pl.BlockSpec((1, _BLK, D), lambda k, i: (k, i, 0)),
        out_shape=jax.ShapeDtypeStruct((3, NP, D), jnp.float32),
    )(r, degp)


def _mid_body(p_ref, ys_ref, degp_ref, w2_ref, b1_ref, g1_ref, be1_ref,
              a1_ref, out_ref):
    k = pl.program_id(0)
    deg = degp_ref[0, 0, :, 0:1] + degp_ref[0, 1, :, 0:1]
    dinv = lax.rsqrt(deg + 1.0)
    h = dinv * (p_ref[0, 0] + p_ref[0, 1] + ys_ref[0]) + b1_ref[k]
    m = jnp.mean(h, axis=-1, keepdims=True)
    v = jnp.mean(jnp.square(h - m), axis=-1, keepdims=True)
    hn = (h - m) * lax.rsqrt(v + 1e-5) * g1_ref[k] + be1_ref[k]
    hp = jnp.where(hn >= 0, hn, a1_ref[k] * hn)
    out_ref[0] = dinv * _dot(hp, w2_ref[0])


def _mid(p, ys, degp, w2s, b1s, g1s, be1s, a1s):
    vec = pl.BlockSpec((3, D), lambda k, i: (0, 0))
    return pl.pallas_call(
        _mid_body,
        grid=(3, _GR),
        in_specs=[
            pl.BlockSpec((1, NC, _BLK, D), lambda k, i: (k, 0, i, 0)),
            pl.BlockSpec((1, _BLK, D), lambda k, i: (k, i, 0)),
            pl.BlockSpec((1, NC, _BLK, D), lambda k, i: (k, 0, i, 0)),
            pl.BlockSpec((1, D, D), lambda k, i: (k, 0, 0)),
            vec, vec, vec, vec,
        ],
        out_specs=pl.BlockSpec((1, _BLK, D), lambda k, i: (k, i, 0)),
        out_shape=jax.ShapeDtypeStruct((3, NP, D), jnp.float32),
    )(p, ys, degp, w2s, b1s, g1s, be1s, a1s)


def _fin_body(q_ref, zs_ref, degp_ref, b2_ref, wm_ref, bm_ref, out_ref):
    acc = jnp.zeros((_BLK, D), jnp.float32)
    for k in range(3):
        deg = degp_ref[k, 0, :, 0:1] + degp_ref[k, 1, :, 0:1]
        dinv = lax.rsqrt(deg + 1.0)
        hk = dinv * (q_ref[k, 0] + q_ref[k, 1] + zs_ref[k]) + b2_ref[k]
        acc = acc + _dot(hk, wm_ref[k]) + hk
    out_ref[...] = jnp.maximum(acc + bm_ref[0], 0.0)


def _fin(q, zs, degp, b2s, wms, bm):
    return pl.pallas_call(
        _fin_body,
        grid=(_GR,),
        in_specs=[
            pl.BlockSpec((3, NC, _BLK, D), lambda i: (0, 0, i, 0)),
            pl.BlockSpec((3, _BLK, D), lambda i: (0, i, 0)),
            pl.BlockSpec((3, NC, _BLK, D), lambda i: (0, 0, i, 0)),
            pl.BlockSpec((3, D), lambda i: (0, 0)),
            pl.BlockSpec((3, D, D), lambda i: (0, 0, 0)),
            pl.BlockSpec((1, D), lambda i: (0, 0)),
        ],
        out_specs=pl.BlockSpec((_BLK, D), lambda i: (i, 0)),
        out_shape=jax.ShapeDtypeStruct((NP, D), jnp.float32),
    )(q, zs, degp, b2s, wms, bm)


def _prep_edges(adj):
    pad = N + jnp.arange(EP - E, dtype=jnp.int32) % (NP - N)
    src = jnp.concatenate([adj[0].astype(jnp.int32), pad])
    dst = jnp.concatenate([adj[1].astype(jnp.int32), pad])
    return (src.reshape(NW, 2, NCH2, C), dst.reshape(NW, 2, NCH2, C))


@jax.jit
def kernel(x, params, adj_intra, adj_masked, adj):
    x_pad = jnp.pad(x, ((0, NP - N), (0, 0)))
    edges = [_prep_edges(a) for a in (adj_intra, adj_masked, adj)]
    src_r = jnp.stack([e[0] for e in edges])
    dst_r = jnp.stack([e[1] for e in edges])

    encs = [params["intra"], params["masked"], params["full"]]
    w1s = jnp.stack([p["W1"] for p in encs])
    w2s = jnp.stack([p["W2"] for p in encs])
    b1s = jnp.stack([p["b1"] for p in encs])
    b2s = jnp.stack([p["b2"] for p in encs])
    g1s = jnp.stack([p["g1"] for p in encs])
    be1s = jnp.stack([p["be1"] for p in encs])
    a1s = jnp.stack([jnp.full((D,), p["a1"], jnp.float32) for p in encs])
    wms = params["Wm"].reshape(3, D, D)
    bm = params["bm"].reshape(1, D)

    onesD = jnp.ones((C, D), jnp.float32)
    zerosD = jnp.zeros((C, D), jnp.float32)

    degp = _deg_kernel(dst_r, onesD, zerosD)

    ys = _scale(_mm(x_pad, w1s), degp)
    p = _spmm_kernel(ys[0], ys[1], ys[2], src_r, dst_r, zerosD)
    zs = _mid(p, ys, degp, w2s, b1s, g1s, be1s, a1s)
    q = _spmm_kernel(zs[0], zs[1], zs[2], src_r, dst_r, zerosD)
    out = _fin(q, zs, degp, b2s, wms, bm)
    return out[:N]

# --- scband reference (transcript-rebuilt; emitter-appended) ---
"""Pipeline reference for scband-intra-class-encoder-62723702391607 (READ-ONLY COPY).

The authoritative reference and input builder live on the scoring server;
editing this copy changes nothing except your own understanding.
"""

import jax, jax.numpy as jnp
import numpy as np

N_NODES = 10000
N_EDGES = 320000
D_IN = 128
D_HID = 128


def _enc_params(key, d_in, d_hid):
    k1, k2 = jax.random.split(key)
    return {
        "W1": jax.random.normal(k1, (d_in, d_hid), dtype=jnp.float32) * 0.05,
        "b1": jnp.zeros((d_hid,), dtype=jnp.float32),
        "g1": jnp.ones((d_hid,), dtype=jnp.float32),
        "be1": jnp.zeros((d_hid,), dtype=jnp.float32),
        "a1": jnp.array(0.25, dtype=jnp.float32),
        "W2": jax.random.normal(k2, (d_hid, d_hid), dtype=jnp.float32) * 0.05,
        "b2": jnp.zeros((d_hid,), dtype=jnp.float32),
    }


def setup_inputs(seed: int = 0) -> dict:
    key = jax.random.key(seed)
    kx, k1, k2, k3, kp1, kp2, kp3, kw = jax.random.split(key, 8)
    x = jax.random.normal(kx, (N_NODES, D_IN), dtype=jnp.float32)
    adj_intra = jax.random.randint(k1, (2, N_EDGES), 0, N_NODES, dtype=jnp.int64)
    adj_masked = jax.random.randint(k2, (2, N_EDGES), 0, N_NODES, dtype=jnp.int64)
    adj = jax.random.randint(k3, (2, N_EDGES), 0, N_NODES, dtype=jnp.int64)
    params = {
        "intra": _enc_params(kp1, D_IN, D_HID),
        "masked": _enc_params(kp2, D_IN, D_HID),
        "full": _enc_params(kp3, D_IN, D_HID),
        "Wm": jax.random.normal(kw, (3 * D_HID, D_HID), dtype=jnp.float32) * 0.05,
        "bm": jnp.zeros((D_HID,), dtype=jnp.float32),
    }
    return {"x": x, "params": params, "adj_intra": adj_intra, "adj_masked": adj_masked, "adj": adj}


def _layer_norm(h, g, b):
    m = jnp.mean(h, axis=-1, keepdims=True)
    v = jnp.var(h, axis=-1, keepdims=True)
    return (h - m) / jnp.sqrt(v + 1e-5) * g + b


def _prelu(h, a):
    return jnp.where(h >= 0, h, a * h)


def _encoder(x, edge_index, p):
    N = x.shape[0]
    loop = jnp.arange(N, dtype=edge_index.dtype)
    src = jnp.concatenate([edge_index[0], loop])
    dst = jnp.concatenate([edge_index[1], loop])
    deg = jnp.zeros((N,), dtype=jnp.float32).at[dst].add(1.0)
    dinv = jax.lax.rsqrt(deg)
    norm = dinv[src] * dinv[dst]

    def conv(h, W, b):
        h = h @ W
        msg = h[src] * norm[:, None]
        return jnp.zeros((N, W.shape[1]), dtype=h.dtype).at[dst].add(msg) + b

    h = conv(x, p["W1"], p["b1"])
    h = _layer_norm(h, p["g1"], p["be1"])
    h = _prelu(h, p["a1"])
    h = conv(h, p["W2"], p["b2"])
    return h


def reference(x, params, adj_intra, adj_masked, adj):
    x_intra = _encoder(x, adj_intra, params["intra"])
    x_masked = _encoder(x, adj_masked, params["masked"])
    x_full = _encoder(x, adj, params["full"])
    xs_sum = x_intra + x_masked + x_full
    cat = jnp.concatenate([x_intra, x_masked, x_full], axis=-1)
    out = jax.nn.relu(cat @ params["Wm"] + params["bm"] + xs_sum)
    return out

if __name__ == "__main__":
    import jax
    _d = setup_inputs()
    print(jax.jit(kernel)(*tuple(_d.values())))

</pallas_src>

<mosaic_0001>
#map = affine_map<(d0, d1) -> (0, 0, 0, 0, 0)>
#map1 = affine_map<(d0, d1) -> (0, 0)>
#map2 = affine_map<(d0, d1) -> (0, 0, 0, 0)>
module attributes {stable_mosaic.version = 14 : i64} {
  func.func @_deg_kernel(%arg0: i32, %arg1: i32, %arg2: memref<3x32x2x40x128xi32, #tpu.memory_space<hbm>>, %arg3: memref<128x128xf32, #tpu.memory_space<hbm>>, %arg4: memref<128x128xf32, #tpu.memory_space<hbm>>, %arg5: memref<3x2x10240x128xf32, #tpu.memory_space<hbm>>, %arg6: memref<10240x128xf32, #tpu.memory_space<vmem_shared>>, %arg7: memref<128x128xf32, #tpu.memory_space<vmem>>, %arg8: memref<2x40x128xi32, #tpu.memory_space<vmem>>) attributes {dimension_semantics = [#tpu.dimension_semantics<core_parallel>, #tpu.dimension_semantics<subcore_parallel>], iteration_bounds = array<i64: 2, 16>, scalar_prefetch = 0 : i64, scratch_operands = 3 : i64, tpu.core_type = #tpu.core_type<sc_vector_subcore>, window_params = [{transform_indices = #map}, {transform_indices = #map1}, {transform_indices = #map1}, {transform_indices = #map2}]} {
    %mul3A = arith.constant 16 : i32
    %mul3A_0 = arith.muli %arg0, %mul3A : i32
    %add3A = arith.addi %mul3A_0, %arg1 : i32
    "tpu.region"() ({
      %run_scoped3A_121 = tpu.sem_alloc : memref<!tpu.dma_semaphore, #tpu.memory_space<semaphore_mem>>
      tpu.enqueue_dma source(%arg4 : memref<128x128xf32, #tpu.memory_space<hbm>>) target(%arg7 : memref<128x128xf32, #tpu.memory_space<vmem>>) target_semaphore(%run_scoped3A_121 : memref<!tpu.dma_semaphore, #tpu.memory_space<semaphore_mem>>)
      tpu.wait_dma2 semaphore(%run_scoped3A_121 : memref<!tpu.dma_semaphore, #tpu.memory_space<semaphore_mem>>) src(%arg4 : memref<128x128xf32, #tpu.memory_space<hbm>>) dst(%arg7 : memref<128x128xf32, #tpu.memory_space<vmem>>)
      tpu.yield
    }) : () -> ()
    %mul3A_1 = arith.constant 640 : i32
    %mul3A_2 = arith.muli %arg1, %mul3A_1 : i32
    %add3A_3 = arith.constant 0 : i32
    %add3A_4 = arith.addi %mul3A_2, %add3A_3 : i32
    "tpu.region"() ({
      %run_scoped3A_121 = tpu.sem_alloc : memref<!tpu.dma_semaphore, #tpu.memory_space<semaphore_mem>>
      %dma_start3A = arith.constant 0 : i32
      %dma_start3A_122 = tpu.memref_slice %arg6[%add3A_4, %dma_start3A] : memref<10240x128xf32, #tpu.memory_space<vmem_shared>> -> memref<128x128xf32, #tpu.memory_space<vmem_shared>>
      %dma_start3A_123 = arith.constant 0 : i32
      %dma_start3A_124 = tpu.memref_slice %arg6[%add3A_4, %dma_start3A_123] : memref<10240x128xf32, #tpu.memory_space<vmem_shared>> -> memref<128x128xf32, #tpu.memory_space<vmem_shared>>
      tpu.enqueue_dma source(%arg7 : memref<128x128xf32, #tpu.memory_space<vmem>>) target(%dma_start3A_124 : memref<128x128xf32, #tpu.memory_space<vmem_shared>>) target_semaphore(%run_scoped3A_121 : memref<!tpu.dma_semaphore, #tpu.memory_space<semaphore_mem>>)
      %dma_wait3A = arith.constant 0 : i32
      %dma_wait3A_125 = tpu.memref_slice %arg6[%add3A_4, %dma_wait3A] : memref<10240x128xf32, #tpu.memory_space<vmem_shared>> -> memref<128x128xf32, #tpu.memory_space<vmem_shared>>
      %dma_wait3A_126 = arith.constant 0 : i32
      %dma_wait3A_127 = tpu.memref_slice %arg6[%add3A_4, %dma_wait3A_126] : memref<10240x128xf32, #tpu.memory_space<vmem_shared>> -> memref<128x128xf32, #tpu.memory_space<vmem_shared>>
      tpu.wait_dma2 semaphore(%run_scoped3A_121 : memref<!tpu.dma_semaphore, #tpu.memory_space<semaphore_mem>>) src(%arg7 : memref<128x128xf32, #tpu.memory_space<vmem>>) dst(%dma_wait3A_127 : memref<128x128xf32, #tpu.memory_space<vmem_shared>>)
      tpu.yield
    }) : () -> ()
    %mul3A_5 = arith.constant 640 : i32
    %mul3A_6 = arith.muli %arg1, %mul3A_5 : i32
    %add3A_7 = arith.constant 128 : i32
    %add3A_8 = arith.addi %mul3A_6, %add3A_7 : i32
    "tpu.region"() ({
      %run_scoped3A_121 = tpu.sem_alloc : memref<!tpu.dma_semaphore, #tpu.memory_space<semaphore_mem>>
      %dma_start3A = arith.constant 0 : i32
      %dma_start3A_122 = tpu.memref_slice %arg6[%add3A_8, %dma_start3A] : memref<10240x128xf32, #tpu.memory_space<vmem_shared>> -> memref<128x128xf32, #tpu.memory_space<vmem_shared>>
      %dma_start3A_123 = arith.constant 0 : i32
      %dma_start3A_124 = tpu.memref_slice %arg6[%add3A_8, %dma_start3A_123] : memref<10240x128xf32, #tpu.memory_space<vmem_shared>> -> memref<128x128xf32, #tpu.memory_space<vmem_shared>>
      tpu.enqueue_dma source(%arg7 : memref<128x128xf32, #tpu.memory_space<vmem>>) target(%dma_start3A_124 : memref<128x128xf32, #tpu.memory_space<vmem_shared>>) target_semaphore(%run_scoped3A_121 : memref<!tpu.dma_semaphore, #tpu.memory_space<semaphore_mem>>)
      %dma_wait3A = arith.constant 0 : i32
      %dma_wait3A_125 = tpu.memref_slice %arg6[%add3A_8, %dma_wait3A] : memref<10240x128xf32, #tpu.memory_space<vmem_shared>> -> memref<128x128xf32, #tpu.memory_space<vmem_shared>>
      %dma_wait3A_126 = arith.constant 0 : i32
      %dma_wait3A_127 = tpu.memref_slice %arg6[%add3A_8, %dma_wait3A_126] : memref<10240x128xf32, #tpu.memory_space<vmem_shared>> -> memref<128x128xf32, #tpu.memory_space<vmem_shared>>
      tpu.wait_dma2 semaphore(%run_scoped3A_121 : memref<!tpu.dma_semaphore, #tpu.memory_space<semaphore_mem>>) src(%arg7 : memref<128x128xf32, #tpu.memory_space<vmem>>) dst(%dma_wait3A_127 : memref<128x128xf32, #tpu.memory_space<vmem_shared>>)
      tpu.yield
    }) : () -> ()
    %mul3A_9 = arith.constant 640 : i32
    %mul3A_10 = arith.muli %arg1, %mul3A_9 : i32
    %add3A_11 = arith.constant 256 : i32
    %add3A_12 = arith.addi %mul3A_10, %add3A_11 : i32
    "tpu.region"() ({
      %run_scoped3A_121 = tpu.sem_alloc : memref<!tpu.dma_semaphore, #tpu.memory_space<semaphore_mem>>
      %dma_start3A = arith.constant 0 : i32
      %dma_start3A_122 = tpu.memref_slice %arg6[%add3A_12, %dma_start3A] : memref<10240x128xf32, #tpu.memory_space<vmem_shared>> -> memref<128x128xf32, #tpu.memory_space<vmem_shared>>
      %dma_start3A_123 = arith.constant 0 : i32
      %dma_start3A_124 = tpu.memref_slice %arg6[%add3A_12, %dma_start3A_123] : memref<10240x128xf32, #tpu.memory_space<vmem_shared>> -> memref<128x128xf32, #tpu.memory_space<vmem_shared>>
      tpu.enqueue_dma source(%arg7 : memref<128x128xf32, #tpu.memory_space<vmem>>) target(%dma_start3A_124 : memref<128x128xf32, #tpu.memory_space<vmem_shared>>) target_semaphore(%run_scoped3A_121 : memref<!tpu.dma_semaphore, #tpu.memory_space<semaphore_mem>>)
      %dma_wait3A = arith.constant 0 : i32
      %dma_wait3A_125 = tpu.memref_slice %arg6[%add3A_12, %dma_wait3A] : memref<10240x128xf32, #tpu.memory_space<vmem_shared>> -> memref<128x128xf32, #tpu.memory_space<vmem_shared>>
      %dma_wait3A_126 = arith.constant 0 : i32
      %dma_wait3A_127 = tpu.memref_slice %arg6[%add3A_12, %dma_wait3A_126] : memref<10240x128xf32, #tpu.memory_space<vmem_shared>> -> memref<128x128xf32, #tpu.memory_space<vmem_shared>>
      tpu.wait_dma2 semaphore(%run_scoped3A_121 : memref<!tpu.dma_semaphore, #tpu.memory_space<semaphore_mem>>) src(%arg7 : memref<128x128xf32, #tpu.memory_space<vmem>>) dst(%dma_wait3A_127 : memref<128x128xf32, #tpu.memory_space<vmem_shared>>)
      tpu.yield
    }) : () -> ()
    %mul3A_13 = arith.constant 640 : i32
    %mul3A_14 = arith.muli %arg1, %mul3A_13 : i32
    %add3A_15 = arith.constant 384 : i32
    %add3A_16 = arith.addi %mul3A_14, %add3A_15 : i32
    "tpu.region"() ({
      %run_scoped3A_121 = tpu.sem_alloc : memref<!tpu.dma_semaphore, #tpu.memory_space<semaphore_mem>>
      %dma_start3A = arith.constant 0 : i32
      %dma_start3A_122 = tpu.memref_slice %arg6[%add3A_16, %dma_start3A] : memref<10240x128xf32, #tpu.memory_space<vmem_shared>> -> memref<128x128xf32, #tpu.memory_space<vmem_shared>>
      %dma_start3A_123 = arith.constant 0 : i32
      %dma_start3A_124 = tpu.memref_slice %arg6[%add3A_16, %dma_start3A_123] : memref<10240x128xf32, #tpu.memory_space<vmem_shared>> -> memref<128x128xf32, #tpu.memory_space<vmem_shared>>
      tpu.enqueue_dma source(%arg7 : memref<128x128xf32, #tpu.memory_space<vmem>>) target(%dma_start3A_124 : memref<128x128xf32, #tpu.memory_space<vmem_shared>>) target_semaphore(%run_scoped3A_121 : memref<!tpu.dma_semaphore, #tpu.memory_space<semaphore_mem>>)
      %dma_wait3A = arith.constant 0 : i32
      %dma_wait3A_125 = tpu.memref_slice %arg6[%add3A_16, %dma_wait3A] : memref<10240x128xf32, #tpu.memory_space<vmem_shared>> -> memref<128x128xf32, #tpu.memory_space<vmem_shared>>
      %dma_wait3A_126 = arith.constant 0 : i32
      %dma_wait3A_127 = tpu.memref_slice %arg6[%add3A_16, %dma_wait3A_126] : memref<10240x128xf32, #tpu.memory_space<vmem_shared>> -> memref<128x128xf32, #tpu.memory_space<vmem_shared>>
      tpu.wait_dma2 semaphore(%run_scoped3A_121 : memref<!tpu.dma_semaphore, #tpu.memory_space<semaphore_mem>>) src(%arg7 : memref<128x128xf32, #tpu.memory_space<vmem>>) dst(%dma_wait3A_127 : memref<128x128xf32, #tpu.memory_space<vmem_shared>>)
      tpu.yield
    }) : () -> ()
    %mul3A_17 = arith.constant 640 : i32
    %mul3A_18 = arith.muli %arg1, %mul3A_17 : i32
    %add3A_19 = arith.constant 512 : i32
    %add3A_20 = arith.addi %mul3A_18, %add3A_19 : i32
    "tpu.region"() ({
      %run_scoped3A_121 = tpu.sem_alloc : memref<!tpu.dma_semaphore, #tpu.memory_space<semaphore_mem>>
      %dma_start3A = arith.constant 0 : i32
      %dma_start3A_122 = tpu.memref_slice %arg6[%add3A_20, %dma_start3A] : memref<10240x128xf32, #tpu.memory_space<vmem_shared>> -> memref<128x128xf32, #tpu.memory_space<vmem_shared>>
      %dma_start3A_123 = arith.constant 0 : i32
      %dma_start3A_124 = tpu.memref_slice %arg6[%add3A_20, %dma_start3A_123] : memref<10240x128xf32, #tpu.memory_space<vmem_shared>> -> memref<128x128xf32, #tpu.memory_space<vmem_shared>>
      tpu.enqueue_dma source(%arg7 : memref<128x128xf32, #tpu.memory_space<vmem>>) target(%dma_start3A_124 : memref<128x128xf32, #tpu.memory_space<vmem_shared>>) target_semaphore(%run_scoped3A_121 : memref<!tpu.dma_semaphore, #tpu.memory_space<semaphore_mem>>)
      %dma_wait3A = arith.constant 0 : i32
      %dma_wait3A_125 = tpu.memref_slice %arg6[%add3A_20, %dma_wait3A] : memref<10240x128xf32, #tpu.memory_space<vmem_shared>> -> memref<128x128xf32, #tpu.memory_space<vmem_shared>>
      %dma_wait3A_126 = arith.constant 0 : i32
      %dma_wait3A_127 = tpu.memref_slice %arg6[%add3A_20, %dma_wait3A_126] : memref<10240x128xf32, #tpu.memory_space<vmem_shared>> -> memref<128x128xf32, #tpu.memory_space<vmem_shared>>
      tpu.wait_dma2 semaphore(%run_scoped3A_121 : memref<!tpu.dma_semaphore, #tpu.memory_space<semaphore_mem>>) src(%arg7 : memref<128x128xf32, #tpu.memory_space<vmem>>) dst(%dma_wait3A_127 : memref<128x128xf32, #tpu.memory_space<vmem_shared>>)
      tpu.yield
    }) : () -> ()
    "tpu.region"() ({
      %run_scoped3A_121 = tpu.sem_alloc : memref<!tpu.dma_semaphore, #tpu.memory_space<semaphore_mem>>
      tpu.enqueue_dma source(%arg3 : memref<128x128xf32, #tpu.memory_space<hbm>>) target(%arg7 : memref<128x128xf32, #tpu.memory_space<vmem>>) target_semaphore(%run_scoped3A_121 : memref<!tpu.dma_semaphore, #tpu.memory_space<semaphore_mem>>)
      tpu.wait_dma2 semaphore(%run_scoped3A_121 : memref<!tpu.dma_semaphore, #tpu.memory_space<semaphore_mem>>) src(%arg3 : memref<128x128xf32, #tpu.memory_space<hbm>>) dst(%arg7 : memref<128x128xf32, #tpu.memory_space<vmem>>)
      tpu.yield
    }) : () -> ()
    %barrier3A = arith.constant 0 : index
    tpu.barrier barrier_id(%barrier3A)
    %run_scoped3A = arith.constant 0 : i32
    "tpu.region"() ({
      %run_scoped3A_121 = tpu.sem_alloc : memref<!tpu.dma_semaphore, #tpu.memory_space<semaphore_mem>>
      %dma_start3A = arith.constant 0 : i32
      %dma_start3A_122 = arith.constant 0 : i32
      %dma_start3A_123 = arith.constant 0 : i32
      %dma_start3A_124 = tpu.memref_slice %arg2[%run_scoped3A, %add3A, %dma_start3A, %dma_start3A_122, %dma_start3A_123] : memref<3x32x2x40x128xi32, #tpu.memory_space<hbm>> -> memref<1x1x2x40x128xi32, #tpu.memory_space<hbm>>
      %dma_start3A_125 = tpu.memref_squeeze %dma_start3A_124 : memref<1x1x2x40x128xi32, #tpu.memory_space<hbm>> -> memref<2x40x128xi32, #tpu.memory_space<hbm>>
      %dma_start3A_126 = arith.constant 0 : i32
      %dma_start3A_127 = arith.constant 0 : i32
      %dma_start3A_128 = arith.constant 0 : i32
      %dma_start3A_129 = tpu.memref_slice %arg2[%run_scoped3A, %add3A, %dma_start3A_126, %dma_start3A_127, %dma_start3A_128] : memref<3x32x2x40x128xi32, #tpu.memory_space<hbm>> -> memref<1x1x2x40x128xi32, #tpu.memory_space<hbm>>
      %dma_start3A_130 = tpu.memref_squeeze %dma_start3A_129 : memref<1x1x2x40x128xi32, #tpu.memory_space<hbm>> -> memref<2x40x128xi32, #tpu.memory_space<hbm>>
      tpu.enqueue_dma source(%dma_start3A_130 : memref<2x40x128xi32, #tpu.memory_space<hbm>>) target(%arg8 : memref<2x40x128xi32, #tpu.memory_space<vmem>>) target_semaphore(%run_scoped3A_121 : memref<!tpu.dma_semaphore, #tpu.memory_space<semaphore_mem>>)
      %dma_wait3A = arith.constant 0 : i32
      %dma_wait3A_131 = arith.constant 0 : i32
      %dma_wait3A_132 = arith.constant 0 : i32
      %dma_wait3A_133 = tpu.memref_slice %arg2[%run_scoped3A, %add3A, %dma_wait3A, %dma_wait3A_131, %dma_wait3A_132] : memref<3x32x2x40x128xi32, #tpu.memory_space<hbm>> -> memref<1x1x2x40x128xi32, #tpu.memory_space<hbm>>
      %dma_wait3A_134 = tpu.memref_squeeze %dma_wait3A_133 : memref<1x1x2x40x128xi32, #tpu.memory_space<hbm>> -> memref<2x40x128xi32, #tpu.memory_space<hbm>>
      %dma_wait3A_135 = arith.constant 0 : i32
      %dma_wait3A_136 = arith.constant 0 : i32
      %dma_wait3A_137 = arith.constant 0 : i32
      %dma_wait3A_138 = tpu.memref_slice %arg2[%run_scoped3A, %add3A, %dma_wait3A_135, %dma_wait3A_136, %dma_wait3A_137] : memref<3x32x2x40x128xi32, #tpu.memory_space<hbm>> -> memref<1x1x2x40x128xi32, #tpu.memory_space<hbm>>
      %dma_wait3A_139 = tpu.memref_squeeze %dma_wait3A_138 : memref<1x1x2x40x128xi32, #tpu.memory_space<hbm>> -> memref<2x40x128xi32, #tpu.memory_space<hbm>>
      tpu.wait_dma2 semaphore(%run_scoped3A_121 : memref<!tpu.dma_semaphore, #tpu.memory_space<semaphore_mem>>) src(%dma_wait3A_139 : memref<2x40x128xi32, #tpu.memory_space<hbm>>) dst(%arg8 : memref<2x40x128xi32, #tpu.memory_space<vmem>>)
      tpu.yield
    }) : () -> ()
    %scan3A = arith.constant 0 : i32
    %scan3A_21 = arith.constant 0 : i32
    %scan3A_22 = arith.constant 40 : i32
    %scan3A_23 = arith.addi %scan3A_21, %scan3A_22 : i32
    %scan3A_24 = arith.constant 1 : i32
    scf.for %scan3A_121 = %scan3A_21 to %scan3A_23 step %scan3A_24  : i32 {
      %run_scoped3A_122 = arith.constant 0 : i32
      "tpu.region"() ({
        %run_scoped3A_123 = tpu.sem_alloc : memref<!tpu.dma_semaphore, #tpu.memory_space<semaphore_mem>>
        %dma_start3A = arith.constant 0 : i32
        %dma_start3A_124 = tpu.memref_slice %arg8[%run_scoped3A_122, %scan3A_121, %dma_start3A] : memref<2x40x128xi32, #tpu.memory_space<vmem>> -> memref<1x1x128xi32, #tpu.memory_space<vmem>>
        %dma_start3A_125 = tpu.memref_squeeze %dma_start3A_124 : memref<1x1x128xi32, #tpu.memory_space<vmem>> -> memref<128xi32, #tpu.memory_space<vmem>>
        %dma_start3A_126 = arith.constant 0 : i32
        %dma_start3A_127 = arith.constant 0 : i32
        %dma_start3A_128 = tpu.memref_slice %arg6[%dma_start3A_126, %dma_start3A_127] : memref<10240x128xf32, #tpu.memory_space<vmem_shared>> -> memref<10240x128xf32, #tpu.memory_space<vmem_shared>>
        tpu.enqueue_indirect_dma source(%arg7 : memref<128x128xf32, #tpu.memory_space<vmem>>) target(%dma_start3A_128 : memref<10240x128xf32, #tpu.memory_space<vmem_shared>>) offsets(%dma_start3A_125 : memref<128xi32, #tpu.memory_space<vmem>>) semaphore(%run_scoped3A_123 : memref<!tpu.dma_semaphore, #tpu.memory_space<semaphore_mem>>) {add = true}
        %dma_wait3A = arith.constant 0 : i32
        %dma_wait3A_129 = tpu.memref_slice %arg8[%run_scoped3A_122, %scan3A_121, %dma_wait3A] : memref<2x40x128xi32, #tpu.memory_space<vmem>> -> memref<1x1x128xi32, #tpu.memory_space<vmem>>
        %dma_wait3A_130 = tpu.memref_squeeze %dma_wait3A_129 : memref<1x1x128xi32, #tpu.memory_space<vmem>> -> memref<128xi32, #tpu.memory_space<vmem>>
        %dma_wait3A_131 = arith.constant 0 : i32
        %dma_wait3A_132 = arith.constant 0 : i32
        %dma_wait3A_133 = tpu.memref_slice %arg6[%dma_wait3A_131, %dma_wait3A_132] : memref<10240x128xf32, #tpu.memory_space<vmem_shared>> -> memref<10240x128xf32, #tpu.memory_space<vmem_shared>>
        tpu.wait_indirect_dma semaphore(%run_scoped3A_123 : memref<!tpu.dma_semaphore, #tpu.memory_space<semaphore_mem>>) src(%arg7 : memref<128x128xf32, #tpu.memory_space<vmem>>) dst(%dma_wait3A_133 : memref<10240x128xf32, #tpu.memory_space<vmem_shared>>)
        tpu.yield
      }) : () -> ()
    }
    %scan3A_25 = arith.constant 40 : i32
    %scan3A_26 = arith.constant 0 : i32
    %scan3A_27 = arith.constant 0 : i32
    %scan3A_28 = arith.constant 40 : i32
    %scan3A_29 = arith.addi %scan3A_27, %scan3A_28 : i32
    %scan3A_30 = arith.constant 1 : i32
    scf.for %scan3A_121 = %scan3A_27 to %scan3A_29 step %scan3A_30  : i32 {
      %run_scoped3A_122 = arith.constant 1 : i32
      "tpu.region"() ({
        %run_scoped3A_123 = tpu.sem_alloc : memref<!tpu.dma_semaphore, #tpu.memory_space<semaphore_mem>>
        %dma_start3A = arith.constant 0 : i32
        %dma_start3A_124 = tpu.memref_slice %arg8[%run_scoped3A_122, %scan3A_121, %dma_start3A] : memref<2x40x128xi32, #tpu.memory_space<vmem>> -> memref<1x1x128xi32, #tpu.memory_space<vmem>>
        %dma_start3A_125 = tpu.memref_squeeze %dma_start3A_124 : memref<1x1x128xi32, #tpu.memory_space<vmem>> -> memref<128xi32, #tpu.memory_space<vmem>>
        %dma_start3A_126 = arith.constant 0 : i32
        %dma_start3A_127 = arith.constant 0 : i32
        %dma_start3A_128 = tpu.memref_slice %arg6[%dma_start3A_126, %dma_start3A_127] : memref<10240x128xf32, #tpu.memory_space<vmem_shared>> -> memref<10240x128xf32, #tpu.memory_space<vmem_shared>>
        tpu.enqueue_indirect_dma source(%arg7 : memref<128x128xf32, #tpu.memory_space<vmem>>) target(%dma_start3A_128 : memref<10240x128xf32, #tpu.memory_space<vmem_shared>>) offsets(%dma_start3A_125 : memref<128xi32, #tpu.memory_space<vmem>>) semaphore(%run_scoped3A_123 : memref<!tpu.dma_semaphore, #tpu.memory_space<semaphore_mem>>) {add = true}
        %dma_wait3A = arith.constant 0 : i32
        %dma_wait3A_129 = tpu.memref_slice %arg8[%run_scoped3A_122, %scan3A_121, %dma_wait3A] : memref<2x40x128xi32, #tpu.memory_space<vmem>> -> memref<1x1x128xi32, #tpu.memory_space<vmem>>
        %dma_wait3A_130 = tpu.memref_squeeze %dma_wait3A_129 : memref<1x1x128xi32, #tpu.memory_space<vmem>> -> memref<128xi32, #tpu.memory_space<vmem>>
        %dma_wait3A_131 = arith.constant 0 : i32
        %dma_wait3A_132 = arith.constant 0 : i32
        %dma_wait3A_133 = tpu.memref_slice %arg6[%dma_wait3A_131, %dma_wait3A_132] : memref<10240x128xf32, #tpu.memory_space<vmem_shared>> -> memref<10240x128xf32, #tpu.memory_space<vmem_shared>>
        tpu.wait_indirect_dma semaphore(%run_scoped3A_123 : memref<!tpu.dma_semaphore, #tpu.memory_space<semaphore_mem>>) src(%arg7 : memref<128x128xf32, #tpu.memory_space<vmem>>) dst(%dma_wait3A_133 : memref<10240x128xf32, #tpu.memory_space<vmem_shared>>)
        tpu.yield
      }) : () -> ()
    }
    %scan3A_31 = arith.constant 40 : i32
    %barrier3A_32 = arith.constant 0 : index
    tpu.barrier barrier_id(%barrier3A_32)
    %mul3A_33 = arith.constant 640 : i32
    %mul3A_34 = arith.muli %arg1, %mul3A_33 : i32
    %mul3A_35 = arith.constant 640 : i32
    %mul3A_36 = arith.muli %arg1, %mul3A_35 : i32
    %run_scoped3A_37 = arith.constant 0 : i32
    "tpu.region"() ({
      %run_scoped3A_121 = tpu.sem_alloc : memref<!tpu.dma_semaphore, #tpu.memory_space<semaphore_mem>>
      %dma_start3A = arith.constant 0 : i32
      %dma_start3A_122 = tpu.memref_slice %arg5[%run_scoped3A_37, %arg0, %mul3A_36, %dma_start3A] : memref<3x2x10240x128xf32, #tpu.memory_space<hbm>> -> memref<1x1x640x128xf32, #tpu.memory_space<hbm>>
      %dma_start3A_123 = tpu.memref_squeeze %dma_start3A_122 : memref<1x1x640x128xf32, #tpu.memory_space<hbm>> -> memref<640x128xf32, #tpu.memory_space<hbm>>
      %dma_start3A_124 = arith.constant 0 : i32
      %dma_start3A_125 = tpu.memref_slice %arg6[%mul3A_34, %dma_start3A_124] : memref<10240x128xf32, #tpu.memory_space<vmem_shared>> -> memref<640x128xf32, #tpu.memory_space<vmem_shared>>
      tpu.enqueue_dma source(%dma_start3A_125 : memref<640x128xf32, #tpu.memory_space<vmem_shared>>) target(%dma_start3A_123 : memref<640x128xf32, #tpu.memory_space<hbm>>) target_semaphore(%run_scoped3A_121 : memref<!tpu.dma_semaphore, #tpu.memory_space<semaphore_mem>>)
      %dma_wait3A = arith.constant 0 : i32
      %dma_wait3A_126 = tpu.memref_slice %arg5[%run_scoped3A_37, %arg0, %mul3A_36, %dma_wait3A] : memref<3x2x10240x128xf32, #tpu.memory_space<hbm>> -> memref<1x1x640x128xf32, #tpu.memory_space<hbm>>
      %dma_wait3A_127 = tpu.memref_squeeze %dma_wait3A_126 : memref<1x1x640x128xf32, #tpu.memory_space<hbm>> -> memref<640x128xf32, #tpu.memory_space<hbm>>
      %dma_wait3A_128 = arith.constant 0 : i32
      %dma_wait3A_129 = tpu.memref_slice %arg6[%mul3A_34, %dma_wait3A_128] : memref<10240x128xf32, #tpu.memory_space<vmem_shared>> -> memref<640x128xf32, #tpu.memory_space<vmem_shared>>
      tpu.wait_dma2 semaphore(%run_scoped3A_121 : memref<!tpu.dma_semaphore, #tpu.memory_space<semaphore_mem>>) src(%dma_wait3A_129 : memref<640x128xf32, #tpu.memory_space<vmem_shared>>) dst(%dma_wait3A_127 : memref<640x128xf32, #tpu.memory_space<hbm>>)
      tpu.yield
    }) : () -> ()
    %barrier3A_38 = arith.constant 0 : index
    tpu.barrier barrier_id(%barrier3A_38)
    "tpu.region"() ({
      %run_scoped3A_121 = tpu.sem_alloc : memref<!tpu.dma_semaphore, #tpu.memory_space<semaphore_mem>>
      tpu.enqueue_dma source(%arg4 : memref<128x128xf32, #tpu.memory_space<hbm>>) target(%arg7 : memref<128x128xf32, #tpu.memory_space<vmem>>) target_semaphore(%run_scoped3A_121 : memref<!tpu.dma_semaphore, #tpu.memory_space<semaphore_mem>>)
      tpu.wait_dma2 semaphore(%run_scoped3A_121 : memref<!tpu.dma_semaphore, #tpu.memory_space<semaphore_mem>>) src(%arg4 : memref<128x128xf32, #tpu.memory_space<hbm>>) dst(%arg7 : memref<128x128xf32, #tpu.memory_space<vmem>>)
      tpu.yield
    }) : () -> ()
    %mul3A_39 = arith.constant 640 : i32
    %mul3A_40 = arith.muli %arg1, %mul3A_39 : i32
    %add3A_41 = arith.constant 0 : i32
    %add3A_42 = arith.addi %mul3A_40, %add3A_41 : i32
    "tpu.region"() ({
      %run_scoped3A_121 = tpu.sem_alloc : memref<!tpu.dma_semaphore, #tpu.memory_space<semaphore_mem>>
      %dma_start3A = arith.constant 0 : i32
      %dma_start3A_122 = tpu.memref_slice %arg6[%add3A_42, %dma_start3A] : memref<10240x128xf32, #tpu.memory_space<vmem_shared>> -> memref<128x128xf32, #tpu.memory_space<vmem_shared>>
      %dma_start3A_123 = arith.constant 0 : i32
      %dma_start3A_124 = tpu.memref_slice %arg6[%add3A_42, %dma_start3A_123] : memref<10240x128xf32, #tpu.memory_space<vmem_shared>> -> memref<128x128xf32, #tpu.memory_space<vmem_shared>>
      tpu.enqueue_dma source(%arg7 : memref<128x128xf32, #tpu.memory_space<vmem>>) target(%dma_start3A_124 : memref<128x128xf32, #tpu.memory_space<vmem_shared>>) target_semaphore(%run_scoped3A_121 : memref<!tpu.dma_semaphore, #tpu.memory_space<semaphore_mem>>)
      %dma_wait3A = arith.constant 0 : i32
      %dma_wait3A_125 = tpu.memref_slice %arg6[%add3A_42, %dma_wait3A] : memref<10240x128xf32, #tpu.memory_space<vmem_shared>> -> memref<128x128xf32, #tpu.memory_space<vmem_shared>>
      %dma_wait3A_126 = arith.constant 0 : i32
      %dma_wait3A_127 = tpu.memref_slice %arg6[%add3A_42, %dma_wait3A_126] : memref<10240x128xf32, #tpu.memory_space<vmem_shared>> -> memref<128x128xf32, #tpu.memory_space<vmem_shared>>
      tpu.wait_dma2 semaphore(%run_scoped3A_121 : memref<!tpu.dma_semaphore, #tpu.memory_space<semaphore_mem>>) src(%arg7 : memref<128x128xf32, #tpu.memory_space<vmem>>) dst(%dma_wait3A_127 : memref<128x128xf32, #tpu.memory_space<vmem_shared>>)
      tpu.yield
    }) : () -> ()
    %mul3A_43 = arith.constant 640 : i32
    %mul3A_44 = arith.muli %arg1, %mul3A_43 : i32
    %add3A_45 = arith.constant 128 : i32
    %add3A_46 = arith.addi %mul3A_44, %add3A_45 : i32
    "tpu.region"() ({
      %run_scoped3A_121 = tpu.sem_alloc : memref<!tpu.dma_semaphore, #tpu.memory_space<semaphore_mem>>
      %dma_start3A = arith.constant 0 : i32
      %dma_start3A_122 = tpu.memref_slice %arg6[%add3A_46, %dma_start3A] : memref<10240x128xf32, #tpu.memory_space<vmem_shared>> -> memref<128x128xf32, #tpu.memory_space<vmem_shared>>
      %dma_start3A_123 = arith.constant 0 : i32
      %dma_start3A_124 = tpu.memref_slice %arg6[%add3A_46, %dma_start3A_123] : memref<10240x128xf32, #tpu.memory_space<vmem_shared>> -> memref<128x128xf32, #tpu.memory_space<vmem_shared>>
      tpu.enqueue_dma source(%arg7 : memref<128x128xf32, #tpu.memory_space<vmem>>) target(%dma_start3A_124 : memref<128x128xf32, #tpu.memory_space<vmem_shared>>) target_semaphore(%run_scoped3A_121 : memref<!tpu.dma_semaphore, #tpu.memory_space<semaphore_mem>>)
      %dma_wait3A = arith.constant 0 : i32
      %dma_wait3A_125 = tpu.memref_slice %arg6[%add3A_46, %dma_wait3A] : memref<10240x128xf32, #tpu.memory_space<vmem_shared>> -> memref<128x128xf32, #tpu.memory_space<vmem_shared>>
      %dma_wait3A_126 = arith.constant 0 : i32
      %dma_wait3A_127 = tpu.memref_slice %arg6[%add3A_46, %dma_wait3A_126] : memref<10240x128xf32, #tpu.memory_space<vmem_shared>> -> memref<128x128xf32, #tpu.memory_space<vmem_shared>>
      tpu.wait_dma2 semaphore(%run_scoped3A_121 : memref<!tpu.dma_semaphore, #tpu.memory_space<semaphore_mem>>) src(%arg7 : memref<128x128xf32, #tpu.memory_space<vmem>>) dst(%dma_wait3A_127 : memref<128x128xf32, #tpu.memory_space<vmem_shared>>)
      tpu.yield
    }) : () -> ()
    %mul3A_47 = arith.constant 640 : i32
    %mul3A_48 = arith.muli %arg1, %mul3A_47 : i32
    %add3A_49 = arith.constant 256 : i32
    %add3A_50 = arith.addi %mul3A_48, %add3A_49 : i32
    "tpu.region"() ({
      %run_scoped3A_121 = tpu.sem_alloc : memref<!tpu.dma_semaphore, #tpu.memory_space<semaphore_mem>>
      %dma_start3A = arith.constant 0 : i32
      %dma_start3A_122 = tpu.memref_slice %arg6[%add3A_50, %dma_start3A] : memref<10240x128xf32, #tpu.memory_space<vmem_shared>> -> memref<128x128xf32, #tpu.memory_space<vmem_shared>>
      %dma_start3A_123 = arith.constant 0 : i32
      %dma_start3A_124 = tpu.memref_slice %arg6[%add3A_50, %dma_start3A_123] : memref<10240x128xf32, #tpu.memory_space<vmem_shared>> -> memref<128x128xf32, #tpu.memory_space<vmem_shared>>
      tpu.enqueue_dma source(%arg7 : memref<128x128xf32, #tpu.memory_space<vmem>>) target(%dma_start3A_124 : memref<128x128xf32, #tpu.memory_space<vmem_shared>>) target_semaphore(%run_scoped3A_121 : memref<!tpu.dma_semaphore, #tpu.memory_space<semaphore_mem>>)
      %dma_wait3A = arith.constant 0 : i32
      %dma_wait3A_125 = tpu.memref_slice %arg6[%add3A_50, %dma_wait3A] : memref<10240x128xf32, #tpu.memory_space<vmem_shared>> -> memref<128x128xf32, #tpu.memory_space<vmem_shared>>
      %dma_wait3A_126 = arith.constant 0 : i32
      %dma_wait3A_127 = tpu.memref_slice %arg6[%add3A_50, %dma_wait3A_126] : memref<10240x128xf32, #tpu.memory_space<vmem_shared>> -> memref<128x128xf32, #tpu.memory_space<vmem_shared>>
      tpu.wait_dma2 semaphore(%run_scoped3A_121 : memref<!tpu.dma_semaphore, #tpu.memory_space<semaphore_mem>>) src(%arg7 : memref<128x128xf32, #tpu.memory_space<vmem>>) dst(%dma_wait3A_127 : memref<128x128xf32, #tpu.memory_space<vmem_shared>>)
      tpu.yield
    }) : () -> ()
    %mul3A_51 = arith.constant 640 : i32
    %mul3A_52 = arith.muli %arg1, %mul3A_51 : i32
    %add3A_53 = arith.constant 384 : i32
    %add3A_54 = arith.addi %mul3A_52, %add3A_53 : i32
    "tpu.region"() ({
      %run_scoped3A_121 = tpu.sem_alloc : memref<!tpu.dma_semaphore, #tpu.memory_space<semaphore_mem>>
      %dma_start3A = arith.constant 0 : i32
      %dma_start3A_122 = tpu.memref_slice %arg6[%add3A_54, %dma_start3A] : memref<10240x128xf32, #tpu.memory_space<vmem_shared>> -> memref<128x128xf32, #tpu.memory_space<vmem_shared>>
      %dma_start3A_123 = arith.constant 0 : i32
      %dma_start3A_124 = tpu.memref_slice %arg6[%add3A_54, %dma_start3A_123] : memref<10240x128xf32, #tpu.memory_space<vmem_shared>> -> memref<128x128xf32, #tpu.memory_space<vmem_shared>>
      tpu.enqueue_dma source(%arg7 : memref<128x128xf32, #tpu.memory_space<vmem>>) target(%dma_start3A_124 : memref<128x128xf32, #tpu.memory_space<vmem_shared>>) target_semaphore(%run_scoped3A_121 : memref<!tpu.dma_semaphore, #tpu.memory_space<semaphore_mem>>)
      %dma_wait3A = arith.constant 0 : i32
      %dma_wait3A_125 = tpu.memref_slice %arg6[%add3A_54, %dma_wait3A] : memref<10240x128xf32, #tpu.memory_space<vmem_shared>> -> memref<128x128xf32, #tpu.memory_space<vmem_shared>>
      %dma_wait3A_126 = arith.constant 0 : i32
      %dma_wait3A_127 = tpu.memref_slice %arg6[%add3A_54, %dma_wait3A_126] : memref<10240x128xf32, #tpu.memory_space<vmem_shared>> -> memref<128x128xf32, #tpu.memory_space<vmem_shared>>
      tpu.wait_dma2 semaphore(%run_scoped3A_121 : memref<!tpu.dma_semaphore, #tpu.memory_space<semaphore_mem>>) src(%arg7 : memref<128x128xf32, #tpu.memory_space<vmem>>) dst(%dma_wait3A_127 : memref<128x128xf32, #tpu.memory_space<vmem_shared>>)
      tpu.yield
    }) : () -> ()
    %mul3A_55 = arith.constant 640 : i32
    %mul3A_56 = arith.muli %arg1, %mul3A_55 : i32
    %add3A_57 = arith.constant 512 : i32
    %add3A_58 = arith.addi %mul3A_56, %add3A_57 : i32
    "tpu.region"() ({
      %run_scoped3A_121 = tpu.sem_alloc : memref<!tpu.dma_semaphore, #tpu.memory_space<semaphore_mem>>
      %dma_start3A = arith.constant 0 : i32
      %dma_start3A_122 = tpu.memref_slice %arg6[%add3A_58, %dma_start3A] : memref<10240x128xf32, #tpu.memory_space<vmem_shared>> -> memref<128x128xf32, #tpu.memory_space<vmem_shared>>
      %dma_start3A_123 = arith.constant 0 : i32
      %dma_start3A_124 = tpu.memref_slice %arg6[%add3A_58, %dma_start3A_123] : memref<10240x128xf32, #tpu.memory_space<vmem_shared>> -> memref<128x128xf32, #tpu.memory_space<vmem_shared>>
      tpu.enqueue_dma source(%arg7 : memref<128x128xf32, #tpu.memory_space<vmem>>) target(%dma_start3A_124 : memref<128x128xf32, #tpu.memory_space<vmem_shared>>) target_semaphore(%run_scoped3A_121 : memref<!tpu.dma_semaphore, #tpu.memory_space<semaphore_mem>>)
      %dma_wait3A = arith.constant 0 : i32
      %dma_wait3A_125 = tpu.memref_slice %arg6[%add3A_58, %dma_wait3A] : memref<10240x128xf32, #tpu.memory_space<vmem_shared>> -> memref<128x128xf32, #tpu.memory_space<vmem_shared>>
      %dma_wait3A_126 = arith.constant 0 : i32
      %dma_wait3A_127 = tpu.memref_slice %arg6[%add3A_58, %dma_wait3A_126] : memref<10240x128xf32, #tpu.memory_space<vmem_shared>> -> memref<128x128xf32, #tpu.memory_space<vmem_shared>>
      tpu.wait_dma2 semaphore(%run_scoped3A_121 : memref<!tpu.dma_semaphore, #tpu.memory_space<semaphore_mem>>) src(%arg7 : memref<128x128xf32, #tpu.memory_space<vmem>>) dst(%dma_wait3A_127 : memref<128x128xf32, #tpu.memory_space<vmem_shared>>)
      tpu.yield
    }) : () -> ()
    "tpu.region"() ({
      %run_scoped3A_121 = tpu.sem_alloc : memref<!tpu.dma_semaphore, #tpu.memory_space<semaphore_mem>>
      tpu.enqueue_dma source(%arg3 : memref<128x128xf32, #tpu.memory_space<hbm>>) target(%arg7 : memref<128x128xf32, #tpu.memory_space<vmem>>) target_semaphore(%run_scoped3A_121 : memref<!tpu.dma_semaphore, #tpu.memory_space<semaphore_mem>>)
      tpu.wait_dma2 semaphore(%run_scoped3A_121 : memref<!tpu.dma_semaphore, #tpu.memory_space<semaphore_mem>>) src(%arg3 : memref<128x128xf32, #tpu.memory_space<hbm>>) dst(%arg7 : memref<128x128xf32, #tpu.memory_space<vmem>>)
      tpu.yield
    }) : () -> ()
    %barrier3A_59 = arith.constant 0 : index
    tpu.barrier barrier_id(%barrier3A_59)
    %run_scoped3A_60 = arith.constant 1 : i32
    "tpu.region"() ({
      %run_scoped3A_121 = tpu.sem_alloc : memref<!tpu.dma_semaphore, #tpu.memory_space<semaphore_mem>>
      %dma_start3A = arith.constant 0 : i32
      %dma_start3A_122 = arith.constant 0 : i32
      %dma_start3A_123 = arith.constant 0 : i32
      %dma_start3A_124 = tpu.memref_slice %arg2[%run_scoped3A_60, %add3A, %dma_start3A, %dma_start3A_122, %dma_start3A_123] : memref<3x32x2x40x128xi32, #tpu.memory_space<hbm>> -> memref<1x1x2x40x128xi32, #tpu.memory_space<hbm>>
      %dma_start3A_125 = tpu.memref_squeeze %dma_start3A_124 : memref<1x1x2x40x128xi32, #tpu.memory_space<hbm>> -> memref<2x40x128xi32, #tpu.memory_space<hbm>>
      %dma_start3A_126 = arith.constant 0 : i32
      %dma_start3A_127 = arith.constant 0 : i32
      %dma_start3A_128 = arith.constant 0 : i32
      %dma_start3A_129 = tpu.memref_slice %arg2[%run_scoped3A_60, %add3A, %dma_start3A_126, %dma_start3A_127, %dma_start3A_128] : memref<3x32x2x40x128xi32, #tpu.memory_space<hbm>> -> memref<1x1x2x40x128xi32, #tpu.memory_space<hbm>>
      %dma_start3A_130 = tpu.memref_squeeze %dma_start3A_129 : memref<1x1x2x40x128xi32, #tpu.memory_space<hbm>> -> memref<2x40x128xi32, #tpu.memory_space<hbm>>
      tpu.enqueue_dma source(%dma_start3A_130 : memref<2x40x128xi32, #tpu.memory_space<hbm>>) target(%arg8 : memref<2x40x128xi32, #tpu.memory_space<vmem>>) target_semaphore(%run_scoped3A_121 : memref<!tpu.dma_semaphore, #tpu.memory_space<semaphore_mem>>)
      %dma_wait3A = arith.constant 0 : i32
      %dma_wait3A_131 = arith.constant 0 : i32
      %dma_wait3A_132 = arith.constant 0 : i32
      %dma_wait3A_133 = tpu.memref_slice %arg2[%run_scoped3A_60, %add3A, %dma_wait3A, %dma_wait3A_131, %dma_wait3A_132] : memref<3x32x2x40x128xi32, #tpu.memory_space<hbm>> -> memref<1x1x2x40x128xi32, #tpu.memory_space<hbm>>
      %dma_wait3A_134 = tpu.memref_squeeze %dma_wait3A_133 : memref<1x1x2x40x128xi32, #tpu.memory_space<hbm>> -> memref<2x40x128xi32, #tpu.memory_space<hbm>>
      %dma_wait3A_135 = arith.constant 0 : i32
      %dma_wait3A_136 = arith.constant 0 : i32
      %dma_wait3A_137 = arith.constant 0 : i32
      %dma_wait3A_138 = tpu.memref_slice %arg2[%run_scoped3A_60, %add3A, %dma_wait3A_135, %dma_wait3A_136, %dma_wait3A_137] : memref<3x32x2x40x128xi32, #tpu.memory_space<hbm>> -> memref<1x1x2x40x128xi32, #tpu.memory_space<hbm>>
      %dma_wait3A_139 = tpu.memref_squeeze %dma_wait3A_138 : memref<1x1x2x40x128xi32, #tpu.memory_space<hbm>> -> memref<2x40x128xi32, #tpu.memory_space<hbm>>
      tpu.wait_dma2 semaphore(%run_scoped3A_121 : memref<!tpu.dma_semaphore, #tpu.memory_space<semaphore_mem>>) src(%dma_wait3A_139 : memref<2x40x128xi32, #tpu.memory_space<hbm>>) dst(%arg8 : memref<2x40x128xi32, #tpu.memory_space<vmem>>)
      tpu.yield
    }) : () -> ()
    %scan3A_61 = arith.constant 0 : i32
    %scan3A_62 = arith.constant 0 : i32
    %scan3A_63 = arith.constant 40 : i32
    %scan3A_64 = arith.addi %scan3A_62, %scan3A_63 : i32
    %scan3A_65 = arith.constant 1 : i32
    scf.for %scan3A_121 = %scan3A_62 to %scan3A_64 step %scan3A_65  : i32 {
      %run_scoped3A_122 = arith.constant 0 : i32
      "tpu.region"() ({
        %run_scoped3A_123 = tpu.sem_alloc : memref<!tpu.dma_semaphore, #tpu.memory_space<semaphore_mem>>
        %dma_start3A = arith.constant 0 : i32
        %dma_start3A_124 = tpu.memref_slice %arg8[%run_scoped3A_122, %scan3A_121, %dma_start3A] : memref<2x40x128xi32, #tpu.memory_space<vmem>> -> memref<1x1x128xi32, #tpu.memory_space<vmem>>
        %dma_start3A_125 = tpu.memref_squeeze %dma_start3A_124 : memref<1x1x128xi32, #tpu.memory_space<vmem>> -> memref<128xi32, #tpu.memory_space<vmem>>
        %dma_start3A_126 = arith.constant 0 : i32
        %dma_start3A_127 = arith.constant 0 : i32
        %dma_start3A_128 = tpu.memref_slice %arg6[%dma_start3A_126, %dma_start3A_127] : memref<10240x128xf32, #tpu.memory_space<vmem_shared>> -> memref<10240x128xf32, #tpu.memory_space<vmem_shared>>
        tpu.enqueue_indirect_dma source(%arg7 : memref<128x128xf32, #tpu.memory_space<vmem>>) target(%dma_start3A_128 : memref<10240x128xf32, #tpu.memory_space<vmem_shared>>) offsets(%dma_start3A_125 : memref<128xi32, #tpu.memory_space<vmem>>) semaphore(%run_scoped3A_123 : memref<!tpu.dma_semaphore, #tpu.memory_space<semaphore_mem>>) {add = true}
        %dma_wait3A = arith.constant 0 : i32
        %dma_wait3A_129 = tpu.memref_slice %arg8[%run_scoped3A_122, %scan3A_121, %dma_wait3A] : memref<2x40x128xi32, #tpu.memory_space<vmem>> -> memref<1x1x128xi32, #tpu.memory_space<vmem>>
        %dma_wait3A_130 = tpu.memref_squeeze %dma_wait3A_129 : memref<1x1x128xi32, #tpu.memory_space<vmem>> -> memref<128xi32, #tpu.memory_space<vmem>>
        %dma_wait3A_131 = arith.constant 0 : i32
        %dma_wait3A_132 = arith.constant 0 : i32
        %dma_wait3A_133 = tpu.memref_slice %arg6[%dma_wait3A_131, %dma_wait3A_132] : memref<10240x128xf32, #tpu.memory_space<vmem_shared>> -> memref<10240x128xf32, #tpu.memory_space<vmem_shared>>
        tpu.wait_indirect_dma semaphore(%run_scoped3A_123 : memref<!tpu.dma_semaphore, #tpu.memory_space<semaphore_mem>>) src(%arg7 : memref<128x128xf32, #tpu.memory_space<vmem>>) dst(%dma_wait3A_133 : memref<10240x128xf32, #tpu.memory_space<vmem_shared>>)
        tpu.yield
      }) : () -> ()
    }
    %scan3A_66 = arith.constant 40 : i32
    %scan3A_67 = arith.constant 0 : i32
    %scan3A_68 = arith.constant 0 : i32
    %scan3A_69 = arith.constant 40 : i32
    %scan3A_70 = arith.addi %scan3A_68, %scan3A_69 : i32
    %scan3A_71 = arith.constant 1 : i32
    scf.for %scan3A_121 = %scan3A_68 to %scan3A_70 step %scan3A_71  : i32 {
      %run_scoped3A_122 = arith.constant 1 : i32
      "tpu.region"() ({
        %run_scoped3A_123 = tpu.sem_alloc : memref<!tpu.dma_semaphore, #tpu.memory_space<semaphore_mem>>
        %dma_start3A = arith.constant 0 : i32
        %dma_start3A_124 = tpu.memref_slice %arg8[%run_scoped3A_122, %scan3A_121, %dma_start3A] : memref<2x40x128xi32, #tpu.memory_space<vmem>> -> memref<1x1x128xi32, #tpu.memory_space<vmem>>
        %dma_start3A_125 = tpu.memref_squeeze %dma_start3A_124 : memref<1x1x128xi32, #tpu.memory_space<vmem>> -> memref<128xi32, #tpu.memory_space<vmem>>
        %dma_start3A_126 = arith.constant 0 : i32
        %dma_start3A_127 = arith.constant 0 : i32
        %dma_start3A_128 = tpu.memref_slice %arg6[%dma_start3A_126, %dma_start3A_127] : memref<10240x128xf32, #tpu.memory_space<vmem_shared>> -> memref<10240x128xf32, #tpu.memory_space<vmem_shared>>
        tpu.enqueue_indirect_dma source(%arg7 : memref<128x128xf32, #tpu.memory_space<vmem>>) target(%dma_start3A_128 : memref<10240x128xf32, #tpu.memory_space<vmem_shared>>) offsets(%dma_start3A_125 : memref<128xi32, #tpu.memory_space<vmem>>) semaphore(%run_scoped3A_123 : memref<!tpu.dma_semaphore, #tpu.memory_space<semaphore_mem>>) {add = true}
        %dma_wait3A = arith.constant 0 : i32
        %dma_wait3A_129 = tpu.memref_slice %arg8[%run_scoped3A_122, %scan3A_121, %dma_wait3A] : memref<2x40x128xi32, #tpu.memory_space<vmem>> -> memref<1x1x128xi32, #tpu.memory_space<vmem>>
        %dma_wait3A_130 = tpu.memref_squeeze %dma_wait3A_129 : memref<1x1x128xi32, #tpu.memory_space<vmem>> -> memref<128xi32, #tpu.memory_space<vmem>>
        %dma_wait3A_131 = arith.constant 0 : i32
        %dma_wait3A_132 = arith.constant 0 : i32
        %dma_wait3A_133 = tpu.memref_slice %arg6[%dma_wait3A_131, %dma_wait3A_132] : memref<10240x128xf32, #tpu.memory_space<vmem_shared>> -> memref<10240x128xf32, #tpu.memory_space<vmem_shared>>
        tpu.wait_indirect_dma semaphore(%run_scoped3A_123 : memref<!tpu.dma_semaphore, #tpu.memory_space<semaphore_mem>>) src(%arg7 : memref<128x128xf32, #tpu.memory_space<vmem>>) dst(%dma_wait3A_133 : memref<10240x128xf32, #tpu.memory_space<vmem_shared>>)
        tpu.yield
      }) : () -> ()
    }
    %scan3A_72 = arith.constant 40 : i32
    %barrier3A_73 = arith.constant 0 : index
    tpu.barrier barrier_id(%barrier3A_73)
    %mul3A_74 = arith.constant 640 : i32
    %mul3A_75 = arith.muli %arg1, %mul3A_74 : i32
    %mul3A_76 = arith.constant 640 : i32
    %mul3A_77 = arith.muli %arg1, %mul3A_76 : i32
    %run_scoped3A_78 = arith.constant 1 : i32
    "tpu.region"() ({
      %run_scoped3A_121 = tpu.sem_alloc : memref<!tpu.dma_semaphore, #tpu.memory_space<semaphore_mem>>
      %dma_start3A = arith.constant 0 : i32
      %dma_start3A_122 = tpu.memref_slice %arg5[%run_scoped3A_78, %arg0, %mul3A_77, %dma_start3A] : memref<3x2x10240x128xf32, #tpu.memory_space<hbm>> -> memref<1x1x640x128xf32, #tpu.memory_space<hbm>>
      %dma_start3A_123 = tpu.memref_squeeze %dma_start3A_122 : memref<1x1x640x128xf32, #tpu.memory_space<hbm>> -> memref<640x128xf32, #tpu.memory_space<hbm>>
      %dma_start3A_124 = arith.constant 0 : i32
      %dma_start3A_125 = tpu.memref_slice %arg6[%mul3A_75, %dma_start3A_124] : memref<10240x128xf32, #tpu.memory_space<vmem_shared>> -> memref<640x128xf32, #tpu.memory_space<vmem_shared>>
      tpu.enqueue_dma source(%dma_start3A_125 : memref<640x128xf32, #tpu.memory_space<vmem_shared>>) target(%dma_start3A_123 : memref<640x128xf32, #tpu.memory_space<hbm>>) target_semaphore(%run_scoped3A_121 : memref<!tpu.dma_semaphore, #tpu.memory_space<semaphore_mem>>)
      %dma_wait3A = arith.constant 0 : i32
      %dma_wait3A_126 = tpu.memref_slice %arg5[%run_scoped3A_78, %arg0, %mul3A_77, %dma_wait3A] : memref<3x2x10240x128xf32, #tpu.memory_space<hbm>> -> memref<1x1x640x128xf32, #tpu.memory_space<hbm>>
      %dma_wait3A_127 = tpu.memref_squeeze %dma_wait3A_126 : memref<1x1x640x128xf32, #tpu.memory_space<hbm>> -> memref<640x128xf32, #tpu.memory_space<hbm>>
      %dma_wait3A_128 = arith.constant 0 : i32
      %dma_wait3A_129 = tpu.memref_slice %arg6[%mul3A_75, %dma_wait3A_128] : memref<10240x128xf32, #tpu.memory_space<vmem_shared>> -> memref<640x128xf32, #tpu.memory_space<vmem_shared>>
      tpu.wait_dma2 semaphore(%run_scoped3A_121 : memref<!tpu.dma_semaphore, #tpu.memory_space<semaphore_mem>>) src(%dma_wait3A_129 : memref<640x128xf32, #tpu.memory_space<vmem_shared>>) dst(%dma_wait3A_127 : memref<640x128xf32, #tpu.memory_space<hbm>>)
      tpu.yield
    }) : () -> ()
    %barrier3A_79 = arith.constant 0 : index
    tpu.barrier barrier_id(%barrier3A_79)
    "tpu.region"() ({
      %run_scoped3A_121 = tpu.sem_alloc : memref<!tpu.dma_semaphore, #tpu.memory_space<semaphore_mem>>
      tpu.enqueue_dma source(%arg4 : memref<128x128xf32, #tpu.memory_space<hbm>>) target(%arg7 : memref<128x128xf32, #tpu.memory_space<vmem>>) target_semaphore(%run_scoped3A_121 : memref<!tpu.dma_semaphore, #tpu.memory_space<semaphore_mem>>)
      tpu.wait_dma2 semaphore(%run_scoped3A_121 : memref<!tpu.dma_semaphore, #tpu.memory_space<semaphore_mem>>) src(%arg4 : memref<128x128xf32, #tpu.memory_space<hbm>>) dst(%arg7 : memref<128x128xf32, #tpu.memory_space<vmem>>)
      tpu.yield
    }) : () -> ()
    %mul3A_80 = arith.constant 640 : i32
    %mul3A_81 = arith.muli %arg1, %mul3A_80 : i32
    %add3A_82 = arith.constant 0 : i32
    %add3A_83 = arith.addi %mul3A_81, %add3A_82 : i32
    "tpu.region"() ({
      %run_scoped3A_121 = tpu.sem_alloc : memref<!tpu.dma_semaphore, #tpu.memory_space<semaphore_mem>>
      %dma_start3A = arith.constant 0 : i32
      %dma_start3A_122 = tpu.memref_slice %arg6[%add3A_83, %dma_start3A] : memref<10240x128xf32, #tpu.memory_space<vmem_shared>> -> memref<128x128xf32, #tpu.memory_space<vmem_shared>>
      %dma_start3A_123 = arith.constant 0 : i32
      %dma_start3A_124 = tpu.memref_slice %arg6[%add3A_83, %dma_start3A_123] : memref<10240x128xf32, #tpu.memory_space<vmem_shared>> -> memref<128x128xf32, #tpu.memory_space<vmem_shared>>
      tpu.enqueue_dma source(%arg7 : memref<128x128xf32, #tpu.memory_space<vmem>>) target(%dma_start3A_124 : memref<128x128xf32, #tpu.memory_space<vmem_shared>>) target_semaphore(%run_scoped3A_121 : memref<!tpu.dma_semaphore, #tpu.memory_space<semaphore_mem>>)
      %dma_wait3A = arith.constant 0 : i32
      %dma_wait3A_125 = tpu.memref_slice %arg6[%add3A_83, %dma_wait3A] : memref<10240x128xf32, #tpu.memory_space<vmem_shared>> -> memref<128x128xf32, #tpu.memory_space<vmem_shared>>
      %dma_wait3A_126 = arith.constant 0 : i32
      %dma_wait3A_127 = tpu.memref_slice %arg6[%add3A_83, %dma_wait3A_126] : memref<10240x128xf32, #tpu.memory_space<vmem_shared>> -> memref<128x128xf32, #tpu.memory_space<vmem_shared>>
      tpu.wait_dma2 semaphore(%run_scoped3A_121 : memref<!tpu.dma_semaphore, #tpu.memory_space<semaphore_mem>>) src(%arg7 : memref<128x128xf32, #tpu.memory_space<vmem>>) dst(%dma_wait3A_127 : memref<128x128xf32, #tpu.memory_space<vmem_shared>>)
      tpu.yield
    }) : () -> ()
    %mul3A_84 = arith.constant 640 : i32
    %mul3A_85 = arith.muli %arg1, %mul3A_84 : i32
    %add3A_86 = arith.constant 128 : i32
    %add3A_87 = arith.addi %mul3A_85, %add3A_86 : i32
    "tpu.region"() ({
      %run_scoped3A_121 = tpu.sem_alloc : memref<!tpu.dma_semaphore, #tpu.memory_space<semaphore_mem>>
      %dma_start3A = arith.constant 0 : i32
      %dma_start3A_122 = tpu.memref_slice %arg6[%add3A_87, %dma_start3A] : memref<10240x128xf32, #tpu.memory_space<vmem_shared>> -> memref<128x128xf32, #tpu.memory_space<vmem_shared>>
      %dma_start3A_123 = arith.constant 0 : i32
      %dma_start3A_124 = tpu.memref_slice %arg6[%add3A_87, %dma_start3A_123] : memref<10240x128xf32, #tpu.memory_space<vmem_shared>> -> memref<128x128xf32, #tpu.memory_space<vmem_shared>>
      tpu.enqueue_dma source(%arg7 : memref<128x128xf32, #tpu.memory_space<vmem>>) target(%dma_start3A_124 : memref<128x128xf32, #tpu.memory_space<vmem_shared>>) target_semaphore(%run_scoped3A_121 : memref<!tpu.dma_semaphore, #tpu.memory_space<semaphore_mem>>)
      %dma_wait3A = arith.constant 0 : i32
      %dma_wait3A_125 = tpu.memref_slice %arg6[%add3A_87, %dma_wait3A] : memref<10240x128xf32, #tpu.memory_space<vmem_shared>> -> memref<128x128xf32, #tpu.memory_space<vmem_shared>>
      %dma_wait3A_126 = arith.constant 0 : i32
      %dma_wait3A_127 = tpu.memref_slice %arg6[%add3A_87, %dma_wait3A_126] : memref<10240x128xf32, #tpu.memory_space<vmem_shared>> -> memref<128x128xf32, #tpu.memory_space<vmem_shared>>
      tpu.wait_dma2 semaphore(%run_scoped3A_121 : memref<!tpu.dma_semaphore, #tpu.memory_space<semaphore_mem>>) src(%arg7 : memref<128x128xf32, #tpu.memory_space<vmem>>) dst(%dma_wait3A_127 : memref<128x128xf32, #tpu.memory_space<vmem_shared>>)
      tpu.yield
    }) : () -> ()
    %mul3A_88 = arith.constant 640 : i32
    %mul3A_89 = arith.muli %arg1, %mul3A_88 : i32
    %add3A_90 = arith.constant 256 : i32
    %add3A_91 = arith.addi %mul3A_89, %add3A_90 : i32
    "tpu.region"() ({
      %run_scoped3A_121 = tpu.sem_alloc : memref<!tpu.dma_semaphore, #tpu.memory_space<semaphore_mem>>
      %dma_start3A = arith.constant 0 : i32
      %dma_start3A_122 = tpu.memref_slice %arg6[%add3A_91, %dma_start3A] : memref<10240x128xf32, #tpu.memory_space<vmem_shared>> -> memref<128x128xf32, #tpu.memory_space<vmem_shared>>
      %dma_start3A_123 = arith.constant 0 : i32
      %dma_start3A_124 = tpu.memref_slice %arg6[%add3A_91, %dma_start3A_123] : memref<10240x128xf32, #tpu.memory_space<vmem_shared>> -> memref<128x128xf32, #tpu.memory_space<vmem_shared>>
      tpu.enqueue_dma source(%arg7 : memref<128x128xf32, #tpu.memory_space<vmem>>) target(%dma_start3A_124 : memref<128x128xf32, #tpu.memory_space<vmem_shared>>) target_semaphore(%run_scoped3A_121 : memref<!tpu.dma_semaphore, #tpu.memory_space<semaphore_mem>>)
      %dma_wait3A = arith.constant 0 : i32
      %dma_wait3A_125 = tpu.memref_slice %arg6[%add3A_91, %dma_wait3A] : memref<10240x128xf32, #tpu.memory_space<vmem_shared>> -> memref<128x128xf32, #tpu.memory_space<vmem_shared>>
      %dma_wait3A_126 = arith.constant 0 : i32
      %dma_wait3A_127 = tpu.memref_slice %arg6[%add3A_91, %dma_wait3A_126] : memref<10240x128xf32, #tpu.memory_space<vmem_shared>> -> memref<128x128xf32, #tpu.memory_space<vmem_shared>>
      tpu.wait_dma2 semaphore(%run_scoped3A_121 : memref<!tpu.dma_semaphore, #tpu.memory_space<semaphore_mem>>) src(%arg7 : memref<128x128xf32, #tpu.memory_space<vmem>>) dst(%dma_wait3A_127 : memref<128x128xf32, #tpu.memory_space<vmem_shared>>)
      tpu.yield
    }) : () -> ()
    %mul3A_92 = arith.constant 640 : i32
    %mul3A_93 = arith.muli %arg1, %mul3A_92 : i32
    %add3A_94 = arith.constant 384 : i32
    %add3A_95 = arith.addi %mul3A_93, %add3A_94 : i32
    "tpu.region"() ({
      %run_scoped3A_121 = tpu.sem_alloc : memref<!tpu.dma_semaphore, #tpu.memory_space<semaphore_mem>>
      %dma_start3A = arith.constant 0 : i32
      %dma_start3A_122 = tpu.memref_slice %arg6[%add3A_95, %dma_start3A] : memref<10240x128xf32, #tpu.memory_space<vmem_shared>> -> memref<128x128xf32, #tpu.memory_space<vmem_shared>>
      %dma_start3A_123 = arith.constant 0 : i32
      %dma_start3A_124 = tpu.memref_slice %arg6[%add3A_95, %dma_start3A_123] : memref<10240x128xf32, #tpu.memory_space<vmem_shared>> -> memref<128x128xf32, #tpu.memory_space<vmem_shared>>
      tpu.enqueue_dma source(%arg7 : memref<128x128xf32, #tpu.memory_space<vmem>>) target(%dma_start3A_124 : memref<128x128xf32, #tpu.memory_space<vmem_shared>>) target_semaphore(%run_scoped3A_121 : memref<!tpu.dma_semaphore, #tpu.memory_space<semaphore_mem>>)
      %dma_wait3A = arith.constant 0 : i32
      %dma_wait3A_125 = tpu.memref_slice %arg6[%add3A_95, %dma_wait3A] : memref<10240x128xf32, #tpu.memory_space<vmem_shared>> -> memref<128x128xf32, #tpu.memory_space<vmem_shared>>
      %dma_wait3A_126 = arith.constant 0 : i32
      %dma_wait3A_127 = tpu.memref_slice %arg6[%add3A_95, %dma_wait3A_126] : memref<10240x128xf32, #tpu.memory_space<vmem_shared>> -> memref<128x128xf32, #tpu.memory_space<vmem_shared>>
      tpu.wait_dma2 semaphore(%run_scoped3A_121 : memref<!tpu.dma_semaphore, #tpu.memory_space<semaphore_mem>>) src(%arg7 : memref<128x128xf32, #tpu.memory_space<vmem>>) dst(%dma_wait3A_127 : memref<128x128xf32, #tpu.memory_space<vmem_shared>>)
      tpu.yield
    }) : () -> ()
    %mul3A_96 = arith.constant 640 : i32
    %mul3A_97 = arith.muli %arg1, %mul3A_96 : i32
    %add3A_98 = arith.constant 512 : i32
    %add3A_99 = arith.addi %mul3A_97, %add3A_98 : i32
    "tpu.region"() ({
      %run_scoped3A_121 = tpu.sem_alloc : memref<!tpu.dma_semaphore, #tpu.memory_space<semaphore_mem>>
      %dma_start3A = arith.constant 0 : i32
      %dma_start3A_122 = tpu.memref_slice %arg6[%add3A_99, %dma_start3A] : memref<10240x128xf32, #tpu.memory_space<vmem_shared>> -> memref<128x128xf32, #tpu.memory_space<vmem_shared>>
      %dma_start3A_123 = arith.constant 0 : i32
      %dma_start3A_124 = tpu.memref_slice %arg6[%add3A_99, %dma_start3A_123] : memref<10240x128xf32, #tpu.memory_space<vmem_shared>> -> memref<128x128xf32, #tpu.memory_space<vmem_shared>>
      tpu.enqueue_dma source(%arg7 : memref<128x128xf32, #tpu.memory_space<vmem>>) target(%dma_start3A_124 : memref<128x128xf32, #tpu.memory_space<vmem_shared>>) target_semaphore(%run_scoped3A_121 : memref<!tpu.dma_semaphore, #tpu.memory_space<semaphore_mem>>)
      %dma_wait3A = arith.constant 0 : i32
      %dma_wait3A_125 = tpu.memref_slice %arg6[%add3A_99, %dma_wait3A] : memref<10240x128xf32, #tpu.memory_space<vmem_shared>> -> memref<128x128xf32, #tpu.memory_space<vmem_shared>>
      %dma_wait3A_126 = arith.constant 0 : i32
      %dma_wait3A_127 = tpu.memref_slice %arg6[%add3A_99, %dma_wait3A_126] : memref<10240x128xf32, #tpu.memory_space<vmem_shared>> -> memref<128x128xf32, #tpu.memory_space<vmem_shared>>
      tpu.wait_dma2 semaphore(%run_scoped3A_121 : memref<!tpu.dma_semaphore, #tpu.memory_space<semaphore_mem>>) src(%arg7 : memref<128x128xf32, #tpu.memory_space<vmem>>) dst(%dma_wait3A_127 : memref<128x128xf32, #tpu.memory_space<vmem_shared>>)
      tpu.yield
    }) : () -> ()
    "tpu.region"() ({
      %run_scoped3A_121 = tpu.sem_alloc : memref<!tpu.dma_semaphore, #tpu.memory_space<semaphore_mem>>
      tpu.enqueue_dma source(%arg3 : memref<128x128xf32, #tpu.memory_space<hbm>>) target(%arg7 : memref<128x128xf32, #tpu.memory_space<vmem>>) target_semaphore(%run_scoped3A_121 : memref<!tpu.dma_semaphore, #tpu.memory_space<semaphore_mem>>)
      tpu.wait_dma2 semaphore(%run_scoped3A_121 : memref<!tpu.dma_semaphore, #tpu.memory_space<semaphore_mem>>) src(%arg3 : memref<128x128xf32, #tpu.memory_space<hbm>>) dst(%arg7 : memref<128x128xf32, #tpu.memory_space<vmem>>)
      tpu.yield
    }) : () -> ()
    %barrier3A_100 = arith.constant 0 : index
    tpu.barrier barrier_id(%barrier3A_100)
    %run_scoped3A_101 = arith.constant 2 : i32
    "tpu.region"() ({
      %run_scoped3A_121 = tpu.sem_alloc : memref<!tpu.dma_semaphore, #tpu.memory_space<semaphore_mem>>
      %dma_start3A = arith.constant 0 : i32
      %dma_start3A_122 = arith.constant 0 : i32
      %dma_start3A_123 = arith.constant 0 : i32
      %dma_start3A_124 = tpu.memref_slice %arg2[%run_scoped3A_101, %add3A, %dma_start3A, %dma_start3A_122, %dma_start3A_123] : memref<3x32x2x40x128xi32, #tpu.memory_space<hbm>> -> memref<1x1x2x40x128xi32, #tpu.memory_space<hbm>>
      %dma_start3A_125 = tpu.memref_squeeze %dma_start3A_124 : memref<1x1x2x40x128xi32, #tpu.memory_space<hbm>> -> memref<2x40x128xi32, #tpu.memory_space<hbm>>
      %dma_start3A_126 = arith.constant 0 : i32
      %dma_start3A_127 = arith.constant 0 : i32
      %dma_start3A_128 = arith.constant 0 : i32
      %dma_start3A_129 = tpu.memref_slice %arg2[%run_scoped3A_101, %add3A, %dma_start3A_126, %dma_start3A_127, %dma_start3A_128] : memref<3x32x2x40x128xi32, #tpu.memory_space<hbm>> -> memref<1x1x2x40x128xi32, #tpu.memory_space<hbm>>
      %dma_start3A_130 = tpu.memref_squeeze %dma_start3A_129 : memref<1x1x2x40x128xi32, #tpu.memory_space<hbm>> -> memref<2x40x128xi32, #tpu.memory_space<hbm>>
      tpu.enqueue_dma source(%dma_start3A_130 : memref<2x40x128xi32, #tpu.memory_space<hbm>>) target(%arg8 : memref<2x40x128xi32, #tpu.memory_space<vmem>>) target_semaphore(%run_scoped3A_121 : memref<!tpu.dma_semaphore, #tpu.memory_space<semaphore_mem>>)
      %dma_wait3A = arith.constant 0 : i32
      %dma_wait3A_131 = arith.constant 0 : i32
      %dma_wait3A_132 = arith.constant 0 : i32
      %dma_wait3A_133 = tpu.memref_slice %arg2[%run_scoped3A_101, %add3A, %dma_wait3A, %dma_wait3A_131, %dma_wait3A_132] : memref<3x32x2x40x128xi32, #tpu.memory_space<hbm>> -> memref<1x1x2x40x128xi32, #tpu.memory_space<hbm>>
      %dma_wait3A_134 = tpu.memref_squeeze %dma_wait3A_133 : memref<1x1x2x40x128xi32, #tpu.memory_space<hbm>> -> memref<2x40x128xi32, #tpu.memory_space<hbm>>
      %dma_wait3A_135 = arith.constant 0 : i32
      %dma_wait3A_136 = arith.constant 0 : i32
      %dma_wait3A_137 = arith.constant 0 : i32
      %dma_wait3A_138 = tpu.memref_slice %arg2[%run_scoped3A_101, %add3A, %dma_wait3A_135, %dma_wait3A_136, %dma_wait3A_137] : memref<3x32x2x40x128xi32, #tpu.memory_space<hbm>> -> memref<1x1x2x40x128xi32, #tpu.memory_space<hbm>>
      %dma_wait3A_139 = tpu.memref_squeeze %dma_wait3A_138 : memref<1x1x2x40x128xi32, #tpu.memory_space<hbm>> -> memref<2x40x128xi32, #tpu.memory_space<hbm>>
      tpu.wait_dma2 semaphore(%run_scoped3A_121 : memref<!tpu.dma_semaphore, #tpu.memory_space<semaphore_mem>>) src(%dma_wait3A_139 : memref<2x40x128xi32, #tpu.memory_space<hbm>>) dst(%arg8 : memref<2x40x128xi32, #tpu.memory_space<vmem>>)
      tpu.yield
    }) : () -> ()
    %scan3A_102 = arith.constant 0 : i32
    %scan3A_103 = arith.constant 0 : i32
    %scan3A_104 = arith.constant 40 : i32
    %scan3A_105 = arith.addi %scan3A_103, %scan3A_104 : i32
    %scan3A_106 = arith.constant 1 : i32
    scf.for %scan3A_121 = %scan3A_103 to %scan3A_105 step %scan3A_106  : i32 {
      %run_scoped3A_122 = arith.constant 0 : i32
      "tpu.region"() ({
        %run_scoped3A_123 = tpu.sem_alloc : memref<!tpu.dma_semaphore, #tpu.memory_space<semaphore_mem>>
        %dma_start3A = arith.constant 0 : i32
        %dma_start3A_124 = tpu.memref_slice %arg8[%run_scoped3A_122, %scan3A_121, %dma_start3A] : memref<2x40x128xi32, #tpu.memory_space<vmem>> -> memref<1x1x128xi32, #tpu.memory_space<vmem>>
        %dma_start3A_125 = tpu.memref_squeeze %dma_start3A_124 : memref<1x1x128xi32, #tpu.memory_space<vmem>> -> memref<128xi32, #tpu.memory_space<vmem>>
        %dma_start3A_126 = arith.constant 0 : i32
        %dma_start3A_127 = arith.constant 0 : i32
        %dma_start3A_128 = tpu.memref_slice %arg6[%dma_start3A_126, %dma_start3A_127] : memref<10240x128xf32, #tpu.memory_space<vmem_shared>> -> memref<10240x128xf32, #tpu.memory_space<vmem_shared>>
        tpu.enqueue_indirect_dma source(%arg7 : memref<128x128xf32, #tpu.memory_space<vmem>>) target(%dma_start3A_128 : memref<10240x128xf32, #tpu.memory_space<vmem_shared>>) offsets(%dma_start3A_125 : memref<128xi32, #tpu.memory_space<vmem>>) semaphore(%run_scoped3A_123 : memref<!tpu.dma_semaphore, #tpu.memory_space<semaphore_mem>>) {add = true}
        %dma_wait3A = arith.constant 0 : i32
        %dma_wait3A_129 = tpu.memref_slice %arg8[%run_scoped3A_122, %scan3A_121, %dma_wait3A] : memref<2x40x128xi32, #tpu.memory_space<vmem>> -> memref<1x1x128xi32, #tpu.memory_space<vmem>>
        %dma_wait3A_130 = tpu.memref_squeeze %dma_wait3A_129 : memref<1x1x128xi32, #tpu.memory_space<vmem>> -> memref<128xi32, #tpu.memory_space<vmem>>
        %dma_wait3A_131 = arith.constant 0 : i32
        %dma_wait3A_132 = arith.constant 0 : i32
        %dma_wait3A_133 = tpu.memref_slice %arg6[%dma_wait3A_131, %dma_wait3A_132] : memref<10240x128xf32, #tpu.memory_space<vmem_shared>> -> memref<10240x128xf32, #tpu.memory_space<vmem_shared>>
        tpu.wait_indirect_dma semaphore(%run_scoped3A_123 : memref<!tpu.dma_semaphore, #tpu.memory_space<semaphore_mem>>) src(%arg7 : memref<128x128xf32, #tpu.memory_space<vmem>>) dst(%dma_wait3A_133 : memref<10240x128xf32, #tpu.memory_space<vmem_shared>>)
        tpu.yield
      }) : () -> ()
    }
    %scan3A_107 = arith.constant 40 : i32
    %scan3A_108 = arith.constant 0 : i32
    %scan3A_109 = arith.constant 0 : i32
    %scan3A_110 = arith.constant 40 : i32
    %scan3A_111 = arith.addi %scan3A_109, %scan3A_110 : i32
    %scan3A_112 = arith.constant 1 : i32
    scf.for %scan3A_121 = %scan3A_109 to %scan3A_111 step %scan3A_112  : i32 {
      %run_scoped3A_122 = arith.constant 1 : i32
      "tpu.region"() ({
        %run_scoped3A_123 = tpu.sem_alloc : memref<!tpu.dma_semaphore, #tpu.memory_space<semaphore_mem>>
        %dma_start3A = arith.constant 0 : i32
        %dma_start3A_124 = tpu.memref_slice %arg8[%run_scoped3A_122, %scan3A_121, %dma_start3A] : memref<2x40x128xi32, #tpu.memory_space<vmem>> -> memref<1x1x128xi32, #tpu.memory_space<vmem>>
        %dma_start3A_125 = tpu.memref_squeeze %dma_start3A_124 : memref<1x1x128xi32, #tpu.memory_space<vmem>> -> memref<128xi32, #tpu.memory_space<vmem>>
        %dma_start3A_126 = arith.constant 0 : i32
        %dma_start3A_127 = arith.constant 0 : i32
        %dma_start3A_128 = tpu.memref_slice %arg6[%dma_start3A_126, %dma_start3A_127] : memref<10240x128xf32, #tpu.memory_space<vmem_shared>> -> memref<10240x128xf32, #tpu.memory_space<vmem_shared>>
        tpu.enqueue_indirect_dma source(%arg7 : memref<128x128xf32, #tpu.memory_space<vmem>>) target(%dma_start3A_128 : memref<10240x128xf32, #tpu.memory_space<vmem_shared>>) offsets(%dma_start3A_125 : memref<128xi32, #tpu.memory_space<vmem>>) semaphore(%run_scoped3A_123 : memref<!tpu.dma_semaphore, #tpu.memory_space<semaphore_mem>>) {add = true}
        %dma_wait3A = arith.constant 0 : i32
        %dma_wait3A_129 = tpu.memref_slice %arg8[%run_scoped3A_122, %scan3A_121, %dma_wait3A] : memref<2x40x128xi32, #tpu.memory_space<vmem>> -> memref<1x1x128xi32, #tpu.memory_space<vmem>>
        %dma_wait3A_130 = tpu.memref_squeeze %dma_wait3A_129 : memref<1x1x128xi32, #tpu.memory_space<vmem>> -> memref<128xi32, #tpu.memory_space<vmem>>
        %dma_wait3A_131 = arith.constant 0 : i32
        %dma_wait3A_132 = arith.constant 0 : i32
        %dma_wait3A_133 = tpu.memref_slice %arg6[%dma_wait3A_131, %dma_wait3A_132] : memref<10240x128xf32, #tpu.memory_space<vmem_shared>> -> memref<10240x128xf32, #tpu.memory_space<vmem_shared>>
        tpu.wait_indirect_dma semaphore(%run_scoped3A_123 : memref<!tpu.dma_semaphore, #tpu.memory_space<semaphore_mem>>) src(%arg7 : memref<128x128xf32, #tpu.memory_space<vmem>>) dst(%dma_wait3A_133 : memref<10240x128xf32, #tpu.memory_space<vmem_shared>>)
        tpu.yield
      }) : () -> ()
    }
    %scan3A_113 = arith.constant 40 : i32
    %barrier3A_114 = arith.constant 0 : index
    tpu.barrier barrier_id(%barrier3A_114)
    %mul3A_115 = arith.constant 640 : i32
    %mul3A_116 = arith.muli %arg1, %mul3A_115 : i32
    %mul3A_117 = arith.constant 640 : i32
    %mul3A_118 = arith.muli %arg1, %mul3A_117 : i32
    %run_scoped3A_119 = arith.constant 2 : i32
    "tpu.region"() ({
      %run_scoped3A_121 = tpu.sem_alloc : memref<!tpu.dma_semaphore, #tpu.memory_space<semaphore_mem>>
      %dma_start3A = arith.constant 0 : i32
      %dma_start3A_122 = tpu.memref_slice %arg5[%run_scoped3A_119, %arg0, %mul3A_118, %dma_start3A] : memref<3x2x10240x128xf32, #tpu.memory_space<hbm>> -> memref<1x1x640x128xf32, #tpu.memory_space<hbm>>
      %dma_start3A_123 = tpu.memref_squeeze %dma_start3A_122 : memref<1x1x640x128xf32, #tpu.memory_space<hbm>> -> memref<640x128xf32, #tpu.memory_space<hbm>>
      %dma_start3A_124 = arith.constant 0 : i32
      %dma_start3A_125 = tpu.memref_slice %arg6[%mul3A_116, %dma_start3A_124] : memref<10240x128xf32, #tpu.memory_space<vmem_shared>> -> memref<640x128xf32, #tpu.memory_space<vmem_shared>>
      tpu.enqueue_dma source(%dma_start3A_125 : memref<640x128xf32, #tpu.memory_space<vmem_shared>>) target(%dma_start3A_123 : memref<640x128xf32, #tpu.memory_space<hbm>>) target_semaphore(%run_scoped3A_121 : memref<!tpu.dma_semaphore, #tpu.memory_space<semaphore_mem>>)
      %dma_wait3A = arith.constant 0 : i32
      %dma_wait3A_126 = tpu.memref_slice %arg5[%run_scoped3A_119, %arg0, %mul3A_118, %dma_wait3A] : memref<3x2x10240x128xf32, #tpu.memory_space<hbm>> -> memref<1x1x640x128xf32, #tpu.memory_space<hbm>>
      %dma_wait3A_127 = tpu.memref_squeeze %dma_wait3A_126 : memref<1x1x640x128xf32, #tpu.memory_space<hbm>> -> memref<640x128xf32, #tpu.memory_space<hbm>>
      %dma_wait3A_128 = arith.constant 0 : i32
      %dma_wait3A_129 = tpu.memref_slice %arg6[%mul3A_116, %dma_wait3A_128] : memref<10240x128xf32, #tpu.memory_space<vmem_shared>> -> memref<640x128xf32, #tpu.memory_space<vmem_shared>>
      tpu.wait_dma2 semaphore(%run_scoped3A_121 : memref<!tpu.dma_semaphore, #tpu.memory_space<semaphore_mem>>) src(%dma_wait3A_129 : memref<640x128xf32, #tpu.memory_space<vmem_shared>>) dst(%dma_wait3A_127 : memref<640x128xf32, #tpu.memory_space<hbm>>)
      tpu.yield
    }) : () -> ()
    %barrier3A_120 = arith.constant 0 : index
    tpu.barrier barrier_id(%barrier3A_120)
    return
  }
}

#map = affine_map<(d0, d1) -> (0, 0)>
#map1 = affine_map<(d0, d1) -> (0, 0, 0, 0, 0)>
#map2 = affine_map<(d0, d1) -> (0, 0, 0, 0)>
module attributes {stable_mosaic.version = 14 : i64} {
  func.func @_spmm_kernel(%arg0: i32, %arg1: i32, %arg2: memref<10240x128xf32, #tpu.memory_space<hbm>>, %arg3: memref<10240x128xf32, #tpu.memory_space<hbm>>, %arg4: memref<10240x128xf32, #tpu.memory_space<hbm>>, %arg5: memref<3x32x2x40x128xi32, #tpu.memory_space<hbm>>, %arg6: memref<3x32x2x40x128xi32, #tpu.memory_space<hbm>>, %arg7: memref<128x128xf32, #tpu.memory_space<hbm>>, %arg8: memref<3x2x10240x128xf32, #tpu.memory_space<hbm>>, %arg9: memref<10240x128xf32, #tpu.memory_space<vmem_shared>>, %arg10: memref<128x128xf32, #tpu.memory_space<vmem>>, %arg11: memref<128x128xf32, #tpu.memory_space<vmem>>, %arg12: memref<40x128xi32, #tpu.memory_space<vmem>>, %arg13: memref<40x128xi32, #tpu.memory_space<vmem>>, %arg14: memref<!tpu.dma_semaphore, #tpu.memory_space<semaphore_mem>>, %arg15: memref<!tpu.dma_semaphore, #tpu.memory_space<semaphore_mem>>) attributes {dimension_semantics = [#tpu.dimension_semantics<core_parallel>, #tpu.dimension_semantics<subcore_parallel>], iteration_bounds = array<i64: 2, 16>, scalar_prefetch = 0 : i64, scratch_operands = 7 : i64, tpu.core_type = #tpu.core_type<sc_vector_subcore>, window_params = [{transform_indices = #map}, {transform_indices = #map}, {transform_indices = #map}, {transform_indices = #map1}, {transform_indices = #map1}, {transform_indices = #map}, {transform_indices = #map2}]} {
    %mul3A = arith.constant 16 : i32
    %mul3A_0 = arith.muli %arg0, %mul3A : i32
    %add3A = arith.addi %mul3A_0, %arg1 : i32
    "tpu.region"() ({
      %run_scoped3A_225 = tpu.sem_alloc : memref<!tpu.dma_semaphore, #tpu.memory_space<semaphore_mem>>
      tpu.enqueue_dma source(%arg7 : memref<128x128xf32, #tpu.memory_space<hbm>>) target(%arg10 : memref<128x128xf32, #tpu.memory_space<vmem>>) target_semaphore(%run_scoped3A_225 : memref<!tpu.dma_semaphore, #tpu.memory_space<semaphore_mem>>)
      tpu.wait_dma2 semaphore(%run_scoped3A_225 : memref<!tpu.dma_semaphore, #tpu.memory_space<semaphore_mem>>) src(%arg7 : memref<128x128xf32, #tpu.memory_space<hbm>>) dst(%arg10 : memref<128x128xf32, #tpu.memory_space<vmem>>)
      tpu.yield
    }) : () -> ()
    %mul3A_1 = arith.constant 640 : i32
    %mul3A_2 = arith.muli %arg1, %mul3A_1 : i32
    %add3A_3 = arith.constant 0 : i32
    %add3A_4 = arith.addi %mul3A_2, %add3A_3 : i32
    "tpu.region"() ({
      %run_scoped3A_225 = tpu.sem_alloc : memref<!tpu.dma_semaphore, #tpu.memory_space<semaphore_mem>>
      %dma_start3A_226 = arith.constant 0 : i32
      %dma_start3A_227 = tpu.memref_slice %arg9[%add3A_4, %dma_start3A_226] : memref<10240x128xf32, #tpu.memory_space<vmem_shared>> -> memref<128x128xf32, #tpu.memory_space<vmem_shared>>
      %dma_start3A_228 = arith.constant 0 : i32
      %dma_start3A_229 = tpu.memref_slice %arg9[%add3A_4, %dma_start3A_228] : memref<10240x128xf32, #tpu.memory_space<vmem_shared>> -> memref<128x128xf32, #tpu.memory_space<vmem_shared>>
      tpu.enqueue_dma source(%arg10 : memref<128x128xf32, #tpu.memory_space<vmem>>) target(%dma_start3A_229 : memref<128x128xf32, #tpu.memory_space<vmem_shared>>) target_semaphore(%run_scoped3A_225 : memref<!tpu.dma_semaphore, #tpu.memory_space<semaphore_mem>>)
      %dma_wait3A = arith.constant 0 : i32
      %dma_wait3A_230 = tpu.memref_slice %arg9[%add3A_4, %dma_wait3A] : memref<10240x128xf32, #tpu.memory_space<vmem_shared>> -> memref<128x128xf32, #tpu.memory_space<vmem_shared>>
      %dma_wait3A_231 = arith.constant 0 : i32
      %dma_wait3A_232 = tpu.memref_slice %arg9[%add3A_4, %dma_wait3A_231] : memref<10240x128xf32, #tpu.memory_space<vmem_shared>> -> memref<128x128xf32, #tpu.memory_space<vmem_shared>>
      tpu.wait_dma2 semaphore(%run_scoped3A_225 : memref<!tpu.dma_semaphore, #tpu.memory_space<semaphore_mem>>) src(%arg10 : memref<128x128xf32, #tpu.memory_space<vmem>>) dst(%dma_wait3A_232 : memref<128x128xf32, #tpu.memory_space<vmem_shared>>)
      tpu.yield
    }) : () -> ()
    %mul3A_5 = arith.constant 640 : i32
    %mul3A_6 = arith.muli %arg1, %mul3A_5 : i32
    %add3A_7 = arith.constant 128 : i32
    %add3A_8 = arith.addi %mul3A_6, %add3A_7 : i32
    "tpu.region"() ({
      %run_scoped3A_225 = tpu.sem_alloc : memref<!tpu.dma_semaphore, #tpu.memory_space<semaphore_mem>>
      %dma_start3A_226 = arith.constant 0 : i32
      %dma_start3A_227 = tpu.memref_slice %arg9[%add3A_8, %dma_start3A_226] : memref<10240x128xf32, #tpu.memory_space<vmem_shared>> -> memref<128x128xf32, #tpu.memory_space<vmem_shared>>
      %dma_start3A_228 = arith.constant 0 : i32
      %dma_start3A_229 = tpu.memref_slice %arg9[%add3A_8, %dma_start3A_228] : memref<10240x128xf32, #tpu.memory_space<vmem_shared>> -> memref<128x128xf32, #tpu.memory_space<vmem_shared>>
      tpu.enqueue_dma source(%arg10 : memref<128x128xf32, #tpu.memory_space<vmem>>) target(%dma_start3A_229 : memref<128x128xf32, #tpu.memory_space<vmem_shared>>) target_semaphore(%run_scoped3A_225 : memref<!tpu.dma_semaphore, #tpu.memory_space<semaphore_mem>>)
      %dma_wait3A = arith.constant 0 : i32
      %dma_wait3A_230 = tpu.memref_slice %arg9[%add3A_8, %dma_wait3A] : memref<10240x128xf32, #tpu.memory_space<vmem_shared>> -> memref<128x128xf32, #tpu.memory_space<vmem_shared>>
      %dma_wait3A_231 = arith.constant 0 : i32
      %dma_wait3A_232 = tpu.memref_slice %arg9[%add3A_8, %dma_wait3A_231] : memref<10240x128xf32, #tpu.memory_space<vmem_shared>> -> memref<128x128xf32, #tpu.memory_space<vmem_shared>>
      tpu.wait_dma2 semaphore(%run_scoped3A_225 : memref<!tpu.dma_semaphore, #tpu.memory_space<semaphore_mem>>) src(%arg10 : memref<128x128xf32, #tpu.memory_space<vmem>>) dst(%dma_wait3A_232 : memref<128x128xf32, #tpu.memory_space<vmem_shared>>)
      tpu.yield
    }) : () -> ()
    %mul3A_9 = arith.constant 640 : i32
    %mul3A_10 = arith.muli %arg1, %mul3A_9 : i32
    %add3A_11 = arith.constant 256 : i32
    %add3A_12 = arith.addi %mul3A_10, %add3A_11 : i32
    "tpu.region"() ({
      %run_scoped3A_225 = tpu.sem_alloc : memref<!tpu.dma_semaphore, #tpu.memory_space<semaphore_mem>>
      %dma_start3A_226 = arith.constant 0 : i32
      %dma_start3A_227 = tpu.memref_slice %arg9[%add3A_12, %dma_start3A_226] : memref<10240x128xf32, #tpu.memory_space<vmem_shared>> -> memref<128x128xf32, #tpu.memory_space<vmem_shared>>
      %dma_start3A_228 = arith.constant 0 : i32
      %dma_start3A_229 = tpu.memref_slice %arg9[%add3A_12, %dma_start3A_228] : memref<10240x128xf32, #tpu.memory_space<vmem_shared>> -> memref<128x128xf32, #tpu.memory_space<vmem_shared>>
      tpu.enqueue_dma source(%arg10 : memref<128x128xf32, #tpu.memory_space<vmem>>) target(%dma_start3A_229 : memref<128x128xf32, #tpu.memory_space<vmem_shared>>) target_semaphore(%run_scoped3A_225 : memref<!tpu.dma_semaphore, #tpu.memory_space<semaphore_mem>>)
      %dma_wait3A = arith.constant 0 : i32
      %dma_wait3A_230 = tpu.memref_slice %arg9[%add3A_12, %dma_wait3A] : memref<10240x128xf32, #tpu.memory_space<vmem_shared>> -> memref<128x128xf32, #tpu.memory_space<vmem_shared>>
      %dma_wait3A_231 = arith.constant 0 : i32
      %dma_wait3A_232 = tpu.memref_slice %arg9[%add3A_12, %dma_wait3A_231] : memref<10240x128xf32, #tpu.memory_space<vmem_shared>> -> memref<128x128xf32, #tpu.memory_space<vmem_shared>>
      tpu.wait_dma2 semaphore(%run_scoped3A_225 : memref<!tpu.dma_semaphore, #tpu.memory_space<semaphore_mem>>) src(%arg10 : memref<128x128xf32, #tpu.memory_space<vmem>>) dst(%dma_wait3A_232 : memref<128x128xf32, #tpu.memory_space<vmem_shared>>)
      tpu.yield
    }) : () -> ()
    %mul3A_13 = arith.constant 640 : i32
    %mul3A_14 = arith.muli %arg1, %mul3A_13 : i32
    %add3A_15 = arith.constant 384 : i32
    %add3A_16 = arith.addi %mul3A_14, %add3A_15 : i32
    "tpu.region"() ({
      %run_scoped3A_225 = tpu.sem_alloc : memref<!tpu.dma_semaphore, #tpu.memory_space<semaphore_mem>>
      %dma_start3A_226 = arith.constant 0 : i32
      %dma_start3A_227 = tpu.memref_slice %arg9[%add3A_16, %dma_start3A_226] : memref<10240x128xf32, #tpu.memory_space<vmem_shared>> -> memref<128x128xf32, #tpu.memory_space<vmem_shared>>
      %dma_start3A_228 = arith.constant 0 : i32
      %dma_start3A_229 = tpu.memref_slice %arg9[%add3A_16, %dma_start3A_228] : memref<10240x128xf32, #tpu.memory_space<vmem_shared>> -> memref<128x128xf32, #tpu.memory_space<vmem_shared>>
      tpu.enqueue_dma source(%arg10 : memref<128x128xf32, #tpu.memory_space<vmem>>) target(%dma_start3A_229 : memref<128x128xf32, #tpu.memory_space<vmem_shared>>) target_semaphore(%run_scoped3A_225 : memref<!tpu.dma_semaphore, #tpu.memory_space<semaphore_mem>>)
      %dma_wait3A = arith.constant 0 : i32
      %dma_wait3A_230 = tpu.memref_slice %arg9[%add3A_16, %dma_wait3A] : memref<10240x128xf32, #tpu.memory_space<vmem_shared>> -> memref<128x128xf32, #tpu.memory_space<vmem_shared>>
      %dma_wait3A_231 = arith.constant 0 : i32
      %dma_wait3A_232 = tpu.memref_slice %arg9[%add3A_16, %dma_wait3A_231] : memref<10240x128xf32, #tpu.memory_space<vmem_shared>> -> memref<128x128xf32, #tpu.memory_space<vmem_shared>>
      tpu.wait_dma2 semaphore(%run_scoped3A_225 : memref<!tpu.dma_semaphore, #tpu.memory_space<semaphore_mem>>) src(%arg10 : memref<128x128xf32, #tpu.memory_space<vmem>>) dst(%dma_wait3A_232 : memref<128x128xf32, #tpu.memory_space<vmem_shared>>)
      tpu.yield
    }) : () -> ()
    %mul3A_17 = arith.constant 640 : i32
    %mul3A_18 = arith.muli %arg1, %mul3A_17 : i32
    %add3A_19 = arith.constant 512 : i32
    %add3A_20 = arith.addi %mul3A_18, %add3A_19 : i32
    "tpu.region"() ({
      %run_scoped3A_225 = tpu.sem_alloc : memref<!tpu.dma_semaphore, #tpu.memory_space<semaphore_mem>>
      %dma_start3A_226 = arith.constant 0 : i32
      %dma_start3A_227 = tpu.memref_slice %arg9[%add3A_20, %dma_start3A_226] : memref<10240x128xf32, #tpu.memory_space<vmem_shared>> -> memref<128x128xf32, #tpu.memory_space<vmem_shared>>
      %dma_start3A_228 = arith.constant 0 : i32
      %dma_start3A_229 = tpu.memref_slice %arg9[%add3A_20, %dma_start3A_228] : memref<10240x128xf32, #tpu.memory_space<vmem_shared>> -> memref<128x128xf32, #tpu.memory_space<vmem_shared>>
      tpu.enqueue_dma source(%arg10 : memref<128x128xf32, #tpu.memory_space<vmem>>) target(%dma_start3A_229 : memref<128x128xf32, #tpu.memory_space<vmem_shared>>) target_semaphore(%run_scoped3A_225 : memref<!tpu.dma_semaphore, #tpu.memory_space<semaphore_mem>>)
      %dma_wait3A = arith.constant 0 : i32
      %dma_wait3A_230 = tpu.memref_slice %arg9[%add3A_20, %dma_wait3A] : memref<10240x128xf32, #tpu.memory_space<vmem_shared>> -> memref<128x128xf32, #tpu.memory_space<vmem_shared>>
      %dma_wait3A_231 = arith.constant 0 : i32
      %dma_wait3A_232 = tpu.memref_slice %arg9[%add3A_20, %dma_wait3A_231] : memref<10240x128xf32, #tpu.memory_space<vmem_shared>> -> memref<128x128xf32, #tpu.memory_space<vmem_shared>>
      tpu.wait_dma2 semaphore(%run_scoped3A_225 : memref<!tpu.dma_semaphore, #tpu.memory_space<semaphore_mem>>) src(%arg10 : memref<128x128xf32, #tpu.memory_space<vmem>>) dst(%dma_wait3A_232 : memref<128x128xf32, #tpu.memory_space<vmem_shared>>)
      tpu.yield
    }) : () -> ()
    %barrier3A = arith.constant 0 : index
    tpu.barrier barrier_id(%barrier3A)
    %run_scoped3A = arith.constant 0 : i32
    %run_scoped3A_21 = arith.constant 0 : i32
    "tpu.region"() ({
      %run_scoped3A_225 = tpu.sem_alloc : memref<!tpu.dma_semaphore, #tpu.memory_space<semaphore_mem>>
      %dma_start3A_226 = arith.constant 0 : i32
      %dma_start3A_227 = arith.constant 0 : i32
      %dma_start3A_228 = tpu.memref_slice %arg5[%run_scoped3A, %add3A, %run_scoped3A_21, %dma_start3A_226, %dma_start3A_227] : memref<3x32x2x40x128xi32, #tpu.memory_space<hbm>> -> memref<1x1x1x40x128xi32, #tpu.memory_space<hbm>>
      %dma_start3A_229 = tpu.memref_squeeze %dma_start3A_228 : memref<1x1x1x40x128xi32, #tpu.memory_space<hbm>> -> memref<40x128xi32, #tpu.memory_space<hbm>>
      %dma_start3A_230 = arith.constant 0 : i32
      %dma_start3A_231 = arith.constant 0 : i32
      %dma_start3A_232 = tpu.memref_slice %arg5[%run_scoped3A, %add3A, %run_scoped3A_21, %dma_start3A_230, %dma_start3A_231] : memref<3x32x2x40x128xi32, #tpu.memory_space<hbm>> -> memref<1x1x1x40x128xi32, #tpu.memory_space<hbm>>
      %dma_start3A_233 = tpu.memref_squeeze %dma_start3A_232 : memref<1x1x1x40x128xi32, #tpu.memory_space<hbm>> -> memref<40x128xi32, #tpu.memory_space<hbm>>
      tpu.enqueue_dma source(%dma_start3A_233 : memref<40x128xi32, #tpu.memory_space<hbm>>) target(%arg12 : memref<40x128xi32, #tpu.memory_space<vmem>>) target_semaphore(%run_scoped3A_225 : memref<!tpu.dma_semaphore, #tpu.memory_space<semaphore_mem>>)
      %dma_wait3A = arith.constant 0 : i32
      %dma_wait3A_234 = arith.constant 0 : i32
      %dma_wait3A_235 = tpu.memref_slice %arg5[%run_scoped3A, %add3A, %run_scoped3A_21, %dma_wait3A, %dma_wait3A_234] : memref<3x32x2x40x128xi32, #tpu.memory_space<hbm>> -> memref<1x1x1x40x128xi32, #tpu.memory_space<hbm>>
      %dma_wait3A_236 = tpu.memref_squeeze %dma_wait3A_235 : memref<1x1x1x40x128xi32, #tpu.memory_space<hbm>> -> memref<40x128xi32, #tpu.memory_space<hbm>>
      %dma_wait3A_237 = arith.constant 0 : i32
      %dma_wait3A_238 = arith.constant 0 : i32
      %dma_wait3A_239 = tpu.memref_slice %arg5[%run_scoped3A, %add3A, %run_scoped3A_21, %dma_wait3A_237, %dma_wait3A_238] : memref<3x32x2x40x128xi32, #tpu.memory_space<hbm>> -> memref<1x1x1x40x128xi32, #tpu.memory_space<hbm>>
      %dma_wait3A_240 = tpu.memref_squeeze %dma_wait3A_239 : memref<1x1x1x40x128xi32, #tpu.memory_space<hbm>> -> memref<40x128xi32, #tpu.memory_space<hbm>>
      tpu.wait_dma2 semaphore(%run_scoped3A_225 : memref<!tpu.dma_semaphore, #tpu.memory_space<semaphore_mem>>) src(%dma_wait3A_240 : memref<40x128xi32, #tpu.memory_space<hbm>>) dst(%arg12 : memref<40x128xi32, #tpu.memory_space<vmem>>)
      tpu.yield
    }) : () -> ()
    %run_scoped3A_22 = arith.constant 0 : i32
    %run_scoped3A_23 = arith.constant 0 : i32
    "tpu.region"() ({
      %run_scoped3A_225 = tpu.sem_alloc : memref<!tpu.dma_semaphore, #tpu.memory_space<semaphore_mem>>
      %dma_start3A_226 = arith.constant 0 : i32
      %dma_start3A_227 = arith.constant 0 : i32
      %dma_start3A_228 = tpu.memref_slice %arg6[%run_scoped3A_22, %add3A, %run_scoped3A_23, %dma_start3A_226, %dma_start3A_227] : memref<3x32x2x40x128xi32, #tpu.memory_space<hbm>> -> memref<1x1x1x40x128xi32, #tpu.memory_space<hbm>>
      %dma_start3A_229 = tpu.memref_squeeze %dma_start3A_228 : memref<1x1x1x40x128xi32, #tpu.memory_space<hbm>> -> memref<40x128xi32, #tpu.memory_space<hbm>>
      %dma_start3A_230 = arith.constant 0 : i32
      %dma_start3A_231 = arith.constant 0 : i32
      %dma_start3A_232 = tpu.memref_slice %arg6[%run_scoped3A_22, %add3A, %run_scoped3A_23, %dma_start3A_230, %dma_start3A_231] : memref<3x32x2x40x128xi32, #tpu.memory_space<hbm>> -> memref<1x1x1x40x128xi32, #tpu.memory_space<hbm>>
      %dma_start3A_233 = tpu.memref_squeeze %dma_start3A_232 : memref<1x1x1x40x128xi32, #tpu.memory_space<hbm>> -> memref<40x128xi32, #tpu.memory_space<hbm>>
      tpu.enqueue_dma source(%dma_start3A_233 : memref<40x128xi32, #tpu.memory_space<hbm>>) target(%arg13 : memref<40x128xi32, #tpu.memory_space<vmem>>) target_semaphore(%run_scoped3A_225 : memref<!tpu.dma_semaphore, #tpu.memory_space<semaphore_mem>>)
      %dma_wait3A = arith.constant 0 : i32
      %dma_wait3A_234 = arith.constant 0 : i32
      %dma_wait3A_235 = tpu.memref_slice %arg6[%run_scoped3A_22, %add3A, %run_scoped3A_23, %dma_wait3A, %dma_wait3A_234] : memref<3x32x2x40x128xi32, #tpu.memory_space<hbm>> -> memref<1x1x1x40x128xi32, #tpu.memory_space<hbm>>
      %dma_wait3A_236 = tpu.memref_squeeze %dma_wait3A_235 : memref<1x1x1x40x128xi32, #tpu.memory_space<hbm>> -> memref<40x128xi32, #tpu.memory_space<hbm>>
      %dma_wait3A_237 = arith.constant 0 : i32
      %dma_wait3A_238 = arith.constant 0 : i32
      %dma_wait3A_239 = tpu.memref_slice %arg6[%run_scoped3A_22, %add3A, %run_scoped3A_23, %dma_wait3A_237, %dma_wait3A_238] : memref<3x32x2x40x128xi32, #tpu.memory_space<hbm>> -> memref<1x1x1x40x128xi32, #tpu.memory_space<hbm>>
      %dma_wait3A_240 = tpu.memref_squeeze %dma_wait3A_239 : memref<1x1x1x40x128xi32, #tpu.memory_space<hbm>> -> memref<40x128xi32, #tpu.memory_space<hbm>>
      tpu.wait_dma2 semaphore(%run_scoped3A_225 : memref<!tpu.dma_semaphore, #tpu.memory_space<semaphore_mem>>) src(%dma_wait3A_240 : memref<40x128xi32, #tpu.memory_space<hbm>>) dst(%arg13 : memref<40x128xi32, #tpu.memory_space<vmem>>)
      tpu.yield
    }) : () -> ()
    %dma_start3A = arith.constant 0 : i32
    %dma_start3A_24 = arith.constant 0 : i32
    %dma_start3A_25 = tpu.memref_slice %arg12[%dma_start3A, %dma_start3A_24] : memref<40x128xi32, #tpu.memory_space<vmem>> -> memref<1x128xi32, #tpu.memory_space<vmem>>
    %dma_start3A_26 = tpu.memref_squeeze %dma_start3A_25 : memref<1x128xi32, #tpu.memory_space<vmem>> -> memref<128xi32, #tpu.memory_space<vmem>>
    %dma_start3A_27 = arith.constant 0 : i32
    %dma_start3A_28 = arith.constant 0 : i32
    %dma_start3A_29 = tpu.memref_slice %arg2[%dma_start3A_27, %dma_start3A_28] : memref<10240x128xf32, #tpu.memory_space<hbm>> -> memref<10240x128xf32, #tpu.memory_space<hbm>>
    tpu.enqueue_indirect_dma source(%dma_start3A_29 : memref<10240x128xf32, #tpu.memory_space<hbm>>) target(%arg10 : memref<128x128xf32, #tpu.memory_space<vmem>>) offsets(%dma_start3A_26 : memref<128xi32, #tpu.memory_space<vmem>>) semaphore(%arg14 : memref<!tpu.dma_semaphore, #tpu.memory_space<semaphore_mem>>)
    %dma_start3A_30 = arith.constant 1 : i32
    %dma_start3A_31 = arith.constant 0 : i32
    %dma_start3A_32 = tpu.memref_slice %arg12[%dma_start3A_30, %dma_start3A_31] : memref<40x128xi32, #tpu.memory_space<vmem>> -> memref<1x128xi32, #tpu.memory_space<vmem>>
    %dma_start3A_33 = tpu.memref_squeeze %dma_start3A_32 : memref<1x128xi32, #tpu.memory_space<vmem>> -> memref<128xi32, #tpu.memory_space<vmem>>
    %dma_start3A_34 = arith.constant 0 : i32
    %dma_start3A_35 = arith.constant 0 : i32
    %dma_start3A_36 = tpu.memref_slice %arg2[%dma_start3A_34, %dma_start3A_35] : memref<10240x128xf32, #tpu.memory_space<hbm>> -> memref<10240x128xf32, #tpu.memory_space<hbm>>
    tpu.enqueue_indirect_dma source(%dma_start3A_36 : memref<10240x128xf32, #tpu.memory_space<hbm>>) target(%arg11 : memref<128x128xf32, #tpu.memory_space<vmem>>) offsets(%dma_start3A_33 : memref<128xi32, #tpu.memory_space<vmem>>) semaphore(%arg15 : memref<!tpu.dma_semaphore, #tpu.memory_space<semaphore_mem>>)
    %scan3A = arith.constant 0 : i32
    %scan3A_37 = arith.constant 0 : i32
    %scan3A_38 = arith.constant 20 : i32
    %scan3A_39 = arith.addi %scan3A_37, %scan3A_38 : i32
    %scan3A_40 = arith.constant 1 : i32
    scf.for %scan3A_225 = %scan3A_37 to %scan3A_39 step %scan3A_40  : i32 {
      %mul3A_226 = arith.constant 2 : i32
      %mul3A_227 = arith.muli %mul3A_226, %scan3A_225 : i32
      %dma_wait3A = arith.constant 0 : i32
      %dma_wait3A_228 = tpu.memref_slice %arg12[%mul3A_227, %dma_wait3A] : memref<40x128xi32, #tpu.memory_space<vmem>> -> memref<1x128xi32, #tpu.memory_space<vmem>>
      %dma_wait3A_229 = tpu.memref_squeeze %dma_wait3A_228 : memref<1x128xi32, #tpu.memory_space<vmem>> -> memref<128xi32, #tpu.memory_space<vmem>>
      %dma_wait3A_230 = arith.constant 0 : i32
      %dma_wait3A_231 = arith.constant 0 : i32
      %dma_wait3A_232 = tpu.memref_slice %arg2[%dma_wait3A_230, %dma_wait3A_231] : memref<10240x128xf32, #tpu.memory_space<hbm>> -> memref<10240x128xf32, #tpu.memory_space<hbm>>
      tpu.wait_indirect_dma semaphore(%arg14 : memref<!tpu.dma_semaphore, #tpu.memory_space<semaphore_mem>>) src(%dma_wait3A_232 : memref<10240x128xf32, #tpu.memory_space<hbm>>) dst(%arg10 : memref<128x128xf32, #tpu.memory_space<vmem>>)
      "tpu.region"() ({
        %run_scoped3A_254 = tpu.sem_alloc : memref<!tpu.dma_semaphore, #tpu.memory_space<semaphore_mem>>
        %dma_start3A_255 = arith.constant 0 : i32
        %dma_start3A_256 = tpu.memref_slice %arg13[%mul3A_227, %dma_start3A_255] : memref<40x128xi32, #tpu.memory_space<vmem>> -> memref<1x128xi32, #tpu.memory_space<vmem>>
        %dma_start3A_257 = tpu.memref_squeeze %dma_start3A_256 : memref<1x128xi32, #tpu.memory_space<vmem>> -> memref<128xi32, #tpu.memory_space<vmem>>
        %dma_start3A_258 = arith.constant 0 : i32
        %dma_start3A_259 = arith.constant 0 : i32
        %dma_start3A_260 = tpu.memref_slice %arg9[%dma_start3A_258, %dma_start3A_259] : memref<10240x128xf32, #tpu.memory_space<vmem_shared>> -> memref<10240x128xf32, #tpu.memory_space<vmem_shared>>
        tpu.enqueue_indirect_dma source(%arg10 : memref<128x128xf32, #tpu.memory_space<vmem>>) target(%dma_start3A_260 : memref<10240x128xf32, #tpu.memory_space<vmem_shared>>) offsets(%dma_start3A_257 : memref<128xi32, #tpu.memory_space<vmem>>) semaphore(%run_scoped3A_254 : memref<!tpu.dma_semaphore, #tpu.memory_space<semaphore_mem>>) {add = true}
        %dma_wait3A_261 = arith.constant 0 : i32
        %dma_wait3A_262 = tpu.memref_slice %arg13[%mul3A_227, %dma_wait3A_261] : memref<40x128xi32, #tpu.memory_space<vmem>> -> memref<1x128xi32, #tpu.memory_space<vmem>>
        %dma_wait3A_263 = tpu.memref_squeeze %dma_wait3A_262 : memref<1x128xi32, #tpu.memory_space<vmem>> -> memref<128xi32, #tpu.memory_space<vmem>>
        %dma_wait3A_264 = arith.constant 0 : i32
        %dma_wait3A_265 = arith.constant 0 : i32
        %dma_wait3A_266 = tpu.memref_slice %arg9[%dma_wait3A_264, %dma_wait3A_265] : memref<10240x128xf32, #tpu.memory_space<vmem_shared>> -> memref<10240x128xf32, #tpu.memory_space<vmem_shared>>
        tpu.wait_indirect_dma semaphore(%run_scoped3A_254 : memref<!tpu.dma_semaphore, #tpu.memory_space<semaphore_mem>>) src(%arg10 : memref<128x128xf32, #tpu.memory_space<vmem>>) dst(%dma_wait3A_266 : memref<10240x128xf32, #tpu.memory_space<vmem_shared>>)
        tpu.yield
      }) : () -> ()
      %add3A_233 = arith.constant 2 : i32
      %add3A_234 = arith.addi %mul3A_227, %add3A_233 : i32
      %lt3A = arith.constant 40 : i32
      %lt3A_235 = arith.cmpi slt, %add3A_234, %lt3A : i32
      %convert_element_type3A = arith.extui %lt3A_235 : i1 to i32
      %cond3A = arith.constant 0 : i32
      %cond3A_236 = arith.cmpi ne, %convert_element_type3A, %cond3A : i32
      scf.if %cond3A_236 {
        %add3A_254 = arith.constant 2 : i32
        %add3A_255 = arith.addi %mul3A_227, %add3A_254 : i32
        %dma_start3A_256 = arith.constant 0 : i32
        %dma_start3A_257 = tpu.memref_slice %arg12[%add3A_255, %dma_start3A_256] : memref<40x128xi32, #tpu.memory_space<vmem>> -> memref<1x128xi32, #tpu.memory_space<vmem>>
        %dma_start3A_258 = tpu.memref_squeeze %dma_start3A_257 : memref<1x128xi32, #tpu.memory_space<vmem>> -> memref<128xi32, #tpu.memory_space<vmem>>
        %dma_start3A_259 = arith.constant 0 : i32
        %dma_start3A_260 = arith.constant 0 : i32
        %dma_start3A_261 = tpu.memref_slice %arg2[%dma_start3A_259, %dma_start3A_260] : memref<10240x128xf32, #tpu.memory_space<hbm>> -> memref<10240x128xf32, #tpu.memory_space<hbm>>
        tpu.enqueue_indirect_dma source(%dma_start3A_261 : memref<10240x128xf32, #tpu.memory_space<hbm>>) target(%arg10 : memref<128x128xf32, #tpu.memory_space<vmem>>) offsets(%dma_start3A_258 : memref<128xi32, #tpu.memory_space<vmem>>) semaphore(%arg14 : memref<!tpu.dma_semaphore, #tpu.memory_space<semaphore_mem>>)
      } else {
      }
      %add3A_237 = arith.constant 1 : i32
      %add3A_238 = arith.addi %mul3A_227, %add3A_237 : i32
      %dma_wait3A_239 = arith.constant 0 : i32
      %dma_wait3A_240 = tpu.memref_slice %arg12[%add3A_238, %dma_wait3A_239] : memref<40x128xi32, #tpu.memory_space<vmem>> -> memref<1x128xi32, #tpu.memory_space<vmem>>
      %dma_wait3A_241 = tpu.memref_squeeze %dma_wait3A_240 : memref<1x128xi32, #tpu.memory_space<vmem>> -> memref<128xi32, #tpu.memory_space<vmem>>
      %dma_wait3A_242 = arith.constant 0 : i32
      %dma_wait3A_243 = arith.constant 0 : i32
      %dma_wait3A_244 = tpu.memref_slice %arg2[%dma_wait3A_242, %dma_wait3A_243] : memref<10240x128xf32, #tpu.memory_space<hbm>> -> memref<10240x128xf32, #tpu.memory_space<hbm>>
      tpu.wait_indirect_dma semaphore(%arg15 : memref<!tpu.dma_semaphore, #tpu.memory_space<semaphore_mem>>) src(%dma_wait3A_244 : memref<10240x128xf32, #tpu.memory_space<hbm>>) dst(%arg11 : memref<128x128xf32, #tpu.memory_space<vmem>>)
      %add3A_245 = arith.constant 1 : i32
      %add3A_246 = arith.addi %mul3A_227, %add3A_245 : i32
      "tpu.region"() ({
        %run_scoped3A_254 = tpu.sem_alloc : memref<!tpu.dma_semaphore, #tpu.memory_space<semaphore_mem>>
        %dma_start3A_255 = arith.constant 0 : i32
        %dma_start3A_256 = tpu.memref_slice %arg13[%add3A_246, %dma_start3A_255] : memref<40x128xi32, #tpu.memory_space<vmem>> -> memref<1x128xi32, #tpu.memory_space<vmem>>
        %dma_start3A_257 = tpu.memref_squeeze %dma_start3A_256 : memref<1x128xi32, #tpu.memory_space<vmem>> -> memref<128xi32, #tpu.memory_space<vmem>>
        %dma_start3A_258 = arith.constant 0 : i32
        %dma_start3A_259 = arith.constant 0 : i32
        %dma_start3A_260 = tpu.memref_slice %arg9[%dma_start3A_258, %dma_start3A_259] : memref<10240x128xf32, #tpu.memory_space<vmem_shared>> -> memref<10240x128xf32, #tpu.memory_space<vmem_shared>>
        tpu.enqueue_indirect_dma source(%arg11 : memref<128x128xf32, #tpu.memory_space<vmem>>) target(%dma_start3A_260 : memref<10240x128xf32, #tpu.memory_space<vmem_shared>>) offsets(%dma_start3A_257 : memref<128xi32, #tpu.memory_space<vmem>>) semaphore(%run_scoped3A_254 : memref<!tpu.dma_semaphore, #tpu.memory_space<semaphore_mem>>) {add = true}
        %dma_wait3A_261 = arith.constant 0 : i32
        %dma_wait3A_262 = tpu.memref_slice %arg13[%add3A_246, %dma_wait3A_261] : memref<40x128xi32, #tpu.memory_space<vmem>> -> memref<1x128xi32, #tpu.memory_space<vmem>>
        %dma_wait3A_263 = tpu.memref_squeeze %dma_wait3A_262 : memref<1x128xi32, #tpu.memory_space<vmem>> -> memref<128xi32, #tpu.memory_space<vmem>>
        %dma_wait3A_264 = arith.constant 0 : i32
        %dma_wait3A_265 = arith.constant 0 : i32
        %dma_wait3A_266 = tpu.memref_slice %arg9[%dma_wait3A_264, %dma_wait3A_265] : memref<10240x128xf32, #tpu.memory_space<vmem_shared>> -> memref<10240x128xf32, #tpu.memory_space<vmem_shared>>
        tpu.wait_indirect_dma semaphore(%run_scoped3A_254 : memref<!tpu.dma_semaphore, #tpu.memory_space<semaphore_mem>>) src(%arg11 : memref<128x128xf32, #tpu.memory_space<vmem>>) dst(%dma_wait3A_266 : memref<10240x128xf32, #tpu.memory_space<vmem_shared>>)
        tpu.yield
      }) : () -> ()
      %add3A_247 = arith.constant 3 : i32
      %add3A_248 = arith.addi %mul3A_227, %add3A_247 : i32
      %lt3A_249 = arith.constant 40 : i32
      %lt3A_250 = arith.cmpi slt, %add3A_248, %lt3A_249 : i32
      %convert_element_type3A_251 = arith.extui %lt3A_250 : i1 to i32
      %cond3A_252 = arith.constant 0 : i32
      %cond3A_253 = arith.cmpi ne, %convert_element_type3A_251, %cond3A_252 : i32
      scf.if %cond3A_253 {
        %add3A_254 = arith.constant 3 : i32
        %add3A_255 = arith.addi %mul3A_227, %add3A_254 : i32
        %dma_start3A_256 = arith.constant 0 : i32
        %dma_start3A_257 = tpu.memref_slice %arg12[%add3A_255, %dma_start3A_256] : memref<40x128xi32, #tpu.memory_space<vmem>> -> memref<1x128xi32, #tpu.memory_space<vmem>>
        %dma_start3A_258 = tpu.memref_squeeze %dma_start3A_257 : memref<1x128xi32, #tpu.memory_space<vmem>> -> memref<128xi32, #tpu.memory_space<vmem>>
        %dma_start3A_259 = arith.constant 0 : i32
        %dma_start3A_260 = arith.constant 0 : i32
        %dma_start3A_261 = tpu.memref_slice %arg2[%dma_start3A_259, %dma_start3A_260] : memref<10240x128xf32, #tpu.memory_space<hbm>> -> memref<10240x128xf32, #tpu.memory_space<hbm>>
        tpu.enqueue_indirect_dma source(%dma_start3A_261 : memref<10240x128xf32, #tpu.memory_space<hbm>>) target(%arg11 : memref<128x128xf32, #tpu.memory_space<vmem>>) offsets(%dma_start3A_258 : memref<128xi32, #tpu.memory_space<vmem>>) semaphore(%arg15 : memref<!tpu.dma_semaphore, #tpu.memory_space<semaphore_mem>>)
      } else {
      }
    }
    %scan3A_41 = arith.constant 20 : i32
    %run_scoped3A_42 = arith.constant 0 : i32
    %run_scoped3A_43 = arith.constant 1 : i32
    "tpu.region"() ({
      %run_scoped3A_225 = tpu.sem_alloc : memref<!tpu.dma_semaphore, #tpu.memory_space<semaphore_mem>>
      %dma_start3A_226 = arith.constant 0 : i32
      %dma_start3A_227 = arith.constant 0 : i32
      %dma_start3A_228 = tpu.memref_slice %arg5[%run_scoped3A_42, %add3A, %run_scoped3A_43, %dma_start3A_226, %dma_start3A_227] : memref<3x32x2x40x128xi32, #tpu.memory_space<hbm>> -> memref<1x1x1x40x128xi32, #tpu.memory_space<hbm>>
      %dma_start3A_229 = tpu.memref_squeeze %dma_start3A_228 : memref<1x1x1x40x128xi32, #tpu.memory_space<hbm>> -> memref<40x128xi32, #tpu.memory_space<hbm>>
      %dma_start3A_230 = arith.constant 0 : i32
      %dma_start3A_231 = arith.constant 0 : i32
      %dma_start3A_232 = tpu.memref_slice %arg5[%run_scoped3A_42, %add3A, %run_scoped3A_43, %dma_start3A_230, %dma_start3A_231] : memref<3x32x2x40x128xi32, #tpu.memory_space<hbm>> -> memref<1x1x1x40x128xi32, #tpu.memory_space<hbm>>
      %dma_start3A_233 = tpu.memref_squeeze %dma_start3A_232 : memref<1x1x1x40x128xi32, #tpu.memory_space<hbm>> -> memref<40x128xi32, #tpu.memory_space<hbm>>
      tpu.enqueue_dma source(%dma_start3A_233 : memref<40x128xi32, #tpu.memory_space<hbm>>) target(%arg12 : memref<40x128xi32, #tpu.memory_space<vmem>>) target_semaphore(%run_scoped3A_225 : memref<!tpu.dma_semaphore, #tpu.memory_space<semaphore_mem>>)
      %dma_wait3A = arith.constant 0 : i32
      %dma_wait3A_234 = arith.constant 0 : i32
      %dma_wait3A_235 = tpu.memref_slice %arg5[%run_scoped3A_42, %add3A, %run_scoped3A_43, %dma_wait3A, %dma_wait3A_234] : memref<3x32x2x40x128xi32, #tpu.memory_space<hbm>> -> memref<1x1x1x40x128xi32, #tpu.memory_space<hbm>>
      %dma_wait3A_236 = tpu.memref_squeeze %dma_wait3A_235 : memref<1x1x1x40x128xi32, #tpu.memory_space<hbm>> -> memref<40x128xi32, #tpu.memory_space<hbm>>
      %dma_wait3A_237 = arith.constant 0 : i32
      %dma_wait3A_238 = arith.constant 0 : i32
      %dma_wait3A_239 = tpu.memref_slice %arg5[%run_scoped3A_42, %add3A, %run_scoped3A_43, %dma_wait3A_237, %dma_wait3A_238] : memref<3x32x2x40x128xi32, #tpu.memory_space<hbm>> -> memref<1x1x1x40x128xi32, #tpu.memory_space<hbm>>
      %dma_wait3A_240 = tpu.memref_squeeze %dma_wait3A_239 : memref<1x1x1x40x128xi32, #tpu.memory_space<hbm>> -> memref<40x128xi32, #tpu.memory_space<hbm>>
      tpu.wait_dma2 semaphore(%run_scoped3A_225 : memref<!tpu.dma_semaphore, #tpu.memory_space<semaphore_mem>>) src(%dma_wait3A_240 : memref<40x128xi32, #tpu.memory_space<hbm>>) dst(%arg12 : memref<40x128xi32, #tpu.memory_space<vmem>>)
      tpu.yield
    }) : () -> ()
    %run_scoped3A_44 = arith.constant 0 : i32
    %run_scoped3A_45 = arith.constant 1 : i32
    "tpu.region"() ({
      %run_scoped3A_225 = tpu.sem_alloc : memref<!tpu.dma_semaphore, #tpu.memory_space<semaphore_mem>>
      %dma_start3A_226 = arith.constant 0 : i32
      %dma_start3A_227 = arith.constant 0 : i32
      %dma_start3A_228 = tpu.memref_slice %arg6[%run_scoped3A_44, %add3A, %run_scoped3A_45, %dma_start3A_226, %dma_start3A_227] : memref<3x32x2x40x128xi32, #tpu.memory_space<hbm>> -> memref<1x1x1x40x128xi32, #tpu.memory_space<hbm>>
      %dma_start3A_229 = tpu.memref_squeeze %dma_start3A_228 : memref<1x1x1x40x128xi32, #tpu.memory_space<hbm>> -> memref<40x128xi32, #tpu.memory_space<hbm>>
      %dma_start3A_230 = arith.constant 0 : i32
      %dma_start3A_231 = arith.constant 0 : i32
      %dma_start3A_232 = tpu.memref_slice %arg6[%run_scoped3A_44, %add3A, %run_scoped3A_45, %dma_start3A_230, %dma_start3A_231] : memref<3x32x2x40x128xi32, #tpu.memory_space<hbm>> -> memref<1x1x1x40x128xi32, #tpu.memory_space<hbm>>
      %dma_start3A_233 = tpu.memref_squeeze %dma_start3A_232 : memref<1x1x1x40x128xi32, #tpu.memory_space<hbm>> -> memref<40x128xi32, #tpu.memory_space<hbm>>
      tpu.enqueue_dma source(%dma_start3A_233 : memref<40x128xi32, #tpu.memory_space<hbm>>) target(%arg13 : memref<40x128xi32, #tpu.memory_space<vmem>>) target_semaphore(%run_scoped3A_225 : memref<!tpu.dma_semaphore, #tpu.memory_space<semaphore_mem>>)
      %dma_wait3A = arith.constant 0 : i32
      %dma_wait3A_234 = arith.constant 0 : i32
      %dma_wait3A_235 = tpu.memref_slice %arg6[%run_scoped3A_44, %add3A, %run_scoped3A_45, %dma_wait3A, %dma_wait3A_234] : memref<3x32x2x40x128xi32, #tpu.memory_space<hbm>> -> memref<1x1x1x40x128xi32, #tpu.memory_space<hbm>>
      %dma_wait3A_236 = tpu.memref_squeeze %dma_wait3A_235 : memref<1x1x1x40x128xi32, #tpu.memory_space<hbm>> -> memref<40x128xi32, #tpu.memory_space<hbm>>
      %dma_wait3A_237 = arith.constant 0 : i32
      %dma_wait3A_238 = arith.constant 0 : i32
      %dma_wait3A_239 = tpu.memref_slice %arg6[%run_scoped3A_44, %add3A, %run_scoped3A_45, %dma_wait3A_237, %dma_wait3A_238] : memref<3x32x2x40x128xi32, #tpu.memory_space<hbm>> -> memref<1x1x1x40x128xi32, #tpu.memory_space<hbm>>
      %dma_wait3A_240 = tpu.memref_squeeze %dma_wait3A_239 : memref<1x1x1x40x128xi32, #tpu.memory_space<hbm>> -> memref<40x128xi32, #tpu.memory_space<hbm>>
      tpu.wait_dma2 semaphore(%run_scoped3A_225 : memref<!tpu.dma_semaphore, #tpu.memory_space<semaphore_mem>>) src(%dma_wait3A_240 : memref<40x128xi32, #tpu.memory_space<hbm>>) dst(%arg13 : memref<40x128xi32, #tpu.memory_space<vmem>>)
      tpu.yield
    }) : () -> ()
    %dma_start3A_46 = arith.constant 0 : i32
    %dma_start3A_47 = arith.constant 0 : i32
    %dma_start3A_48 = tpu.memref_slice %arg12[%dma_start3A_46, %dma_start3A_47] : memref<40x128xi32, #tpu.memory_space<vmem>> -> memref<1x128xi32, #tpu.memory_space<vmem>>
    %dma_start3A_49 = tpu.memref_squeeze %dma_start3A_48 : memref<1x128xi32, #tpu.memory_space<vmem>> -> memref<128xi32, #tpu.memory_space<vmem>>
    %dma_start3A_50 = arith.constant 0 : i32
    %dma_start3A_51 = arith.constant 0 : i32
    %dma_start3A_52 = tpu.memref_slice %arg2[%dma_start3A_50, %dma_start3A_51] : memref<10240x128xf32, #tpu.memory_space<hbm>> -> memref<10240x128xf32, #tpu.memory_space<hbm>>
    tpu.enqueue_indirect_dma source(%dma_start3A_52 : memref<10240x128xf32, #tpu.memory_space<hbm>>) target(%arg10 : memref<128x128xf32, #tpu.memory_space<vmem>>) offsets(%dma_start3A_49 : memref<128xi32, #tpu.memory_space<vmem>>) semaphore(%arg14 : memref<!tpu.dma_semaphore, #tpu.memory_space<semaphore_mem>>)
    %dma_start3A_53 = arith.constant 1 : i32
    %dma_start3A_54 = arith.constant 0 : i32
    %dma_start3A_55 = tpu.memref_slice %arg12[%dma_start3A_53, %dma_start3A_54] : memref<40x128xi32, #tpu.memory_space<vmem>> -> memref<1x128xi32, #tpu.memory_space<vmem>>
    %dma_start3A_56 = tpu.memref_squeeze %dma_start3A_55 : memref<1x128xi32, #tpu.memory_space<vmem>> -> memref<128xi32, #tpu.memory_space<vmem>>
    %dma_start3A_57 = arith.constant 0 : i32
    %dma_start3A_58 = arith.constant 0 : i32
    %dma_start3A_59 = tpu.memref_slice %arg2[%dma_start3A_57, %dma_start3A_58] : memref<10240x128xf32, #tpu.memory_space<hbm>> -> memref<10240x128xf32, #tpu.memory_space<hbm>>
    tpu.enqueue_indirect_dma source(%dma_start3A_59 : memref<10240x128xf32, #tpu.memory_space<hbm>>) target(%arg11 : memref<128x128xf32, #tpu.memory_space<vmem>>) offsets(%dma_start3A_56 : memref<128xi32, #tpu.memory_space<vmem>>) semaphore(%arg15 : memref<!tpu.dma_semaphore, #tpu.memory_space<semaphore_mem>>)
    %scan3A_60 = arith.constant 0 : i32
    %scan3A_61 = arith.constant 0 : i32
    %scan3A_62 = arith.constant 20 : i32
    %scan3A_63 = arith.addi %scan3A_61, %scan3A_62 : i32
    %scan3A_64 = arith.constant 1 : i32
    scf.for %scan3A_225 = %scan3A_61 to %scan3A_63 step %scan3A_64  : i32 {
      %mul3A_226 = arith.constant 2 : i32
      %mul3A_227 = arith.muli %mul3A_226, %scan3A_225 : i32
      %dma_wait3A = arith.constant 0 : i32
      %dma_wait3A_228 = tpu.memref_slice %arg12[%mul3A_227, %dma_wait3A] : memref<40x128xi32, #tpu.memory_space<vmem>> -> memref<1x128xi32, #tpu.memory_space<vmem>>
      %dma_wait3A_229 = tpu.memref_squeeze %dma_wait3A_228 : memref<1x128xi32, #tpu.memory_space<vmem>> -> memref<128xi32, #tpu.memory_space<vmem>>
      %dma_wait3A_230 = arith.constant 0 : i32
      %dma_wait3A_231 = arith.constant 0 : i32
      %dma_wait3A_232 = tpu.memref_slice %arg2[%dma_wait3A_230, %dma_wait3A_231] : memref<10240x128xf32, #tpu.memory_space<hbm>> -> memref<10240x128xf32, #tpu.memory_space<hbm>>
      tpu.wait_indirect_dma semaphore(%arg14 : memref<!tpu.dma_semaphore, #tpu.memory_space<semaphore_mem>>) src(%dma_wait3A_232 : memref<10240x128xf32, #tpu.memory_space<hbm>>) dst(%arg10 : memref<128x128xf32, #tpu.memory_space<vmem>>)
      "tpu.region"() ({
        %run_scoped3A_254 = tpu.sem_alloc : memref<!tpu.dma_semaphore, #tpu.memory_space<semaphore_mem>>
        %dma_start3A_255 = arith.constant 0 : i32
        %dma_start3A_256 = tpu.memref_slice %arg13[%mul3A_227, %dma_start3A_255] : memref<40x128xi32, #tpu.memory_space<vmem>> -> memref<1x128xi32, #tpu.memory_space<vmem>>
        %dma_start3A_257 = tpu.memref_squeeze %dma_start3A_256 : memref<1x128xi32, #tpu.memory_space<vmem>> -> memref<128xi32, #tpu.memory_space<vmem>>
        %dma_start3A_258 = arith.constant 0 : i32
        %dma_start3A_259 = arith.constant 0 : i32
        %dma_start3A_260 = tpu.memref_slice %arg9[%dma_start3A_258, %dma_start3A_259] : memref<10240x128xf32, #tpu.memory_space<vmem_shared>> -> memref<10240x128xf32, #tpu.memory_space<vmem_shared>>
        tpu.enqueue_indirect_dma source(%arg10 : memref<128x128xf32, #tpu.memory_space<vmem>>) target(%dma_start3A_260 : memref<10240x128xf32, #tpu.memory_space<vmem_shared>>) offsets(%dma_start3A_257 : memref<128xi32, #tpu.memory_space<vmem>>) semaphore(%run_scoped3A_254 : memref<!tpu.dma_semaphore, #tpu.memory_space<semaphore_mem>>) {add = true}
        %dma_wait3A_261 = arith.constant 0 : i32
        %dma_wait3A_262 = tpu.memref_slice %arg13[%mul3A_227, %dma_wait3A_261] : memref<40x128xi32, #tpu.memory_space<vmem>> -> memref<1x128xi32, #tpu.memory_space<vmem>>
        %dma_wait3A_263 = tpu.memref_squeeze %dma_wait3A_262 : memref<1x128xi32, #tpu.memory_space<vmem>> -> memref<128xi32, #tpu.memory_space<vmem>>
        %dma_wait3A_264 = arith.constant 0 : i32
        %dma_wait3A_265 = arith.constant 0 : i32
        %dma_wait3A_266 = tpu.memref_slice %arg9[%dma_wait3A_264, %dma_wait3A_265] : memref<10240x128xf32, #tpu.memory_space<vmem_shared>> -> memref<10240x128xf32, #tpu.memory_space<vmem_shared>>
        tpu.wait_indirect_dma semaphore(%run_scoped3A_254 : memref<!tpu.dma_semaphore, #tpu.memory_space<semaphore_mem>>) src(%arg10 : memref<128x128xf32, #tpu.memory_space<vmem>>) dst(%dma_wait3A_266 : memref<10240x128xf32, #tpu.memory_space<vmem_shared>>)
        tpu.yield
      }) : () -> ()
      %add3A_233 = arith.constant 2 : i32
      %add3A_234 = arith.addi %mul3A_227, %add3A_233 : i32
      %lt3A = arith.constant 40 : i32
      %lt3A_235 = arith.cmpi slt, %add3A_234, %lt3A : i32
      %convert_element_type3A = arith.extui %lt3A_235 : i1 to i32
      %cond3A = arith.constant 0 : i32
      %cond3A_236 = arith.cmpi ne, %convert_element_type3A, %cond3A : i32
      scf.if %cond3A_236 {
        %add3A_254 = arith.constant 2 : i32
        %add3A_255 = arith.addi %mul3A_227, %add3A_254 : i32
        %dma_start3A_256 = arith.constant 0 : i32
        %dma_start3A_257 = tpu.memref_slice %arg12[%add3A_255, %dma_start3A_256] : memref<40x128xi32, #tpu.memory_space<vmem>> -> memref<1x128xi32, #tpu.memory_space<vmem>>
        %dma_start3A_258 = tpu.memref_squeeze %dma_start3A_257 : memref<1x128xi32, #tpu.memory_space<vmem>> -> memref<128xi32, #tpu.memory_space<vmem>>
        %dma_start3A_259 = arith.constant 0 : i32
        %dma_start3A_260 = arith.constant 0 : i32
        %dma_start3A_261 = tpu.memref_slice %arg2[%dma_start3A_259, %dma_start3A_260] : memref<10240x128xf32, #tpu.memory_space<hbm>> -> memref<10240x128xf32, #tpu.memory_space<hbm>>
        tpu.enqueue_indirect_dma source(%dma_start3A_261 : memref<10240x128xf32, #tpu.memory_space<hbm>>) target(%arg10 : memref<128x128xf32, #tpu.memory_space<vmem>>) offsets(%dma_start3A_258 : memref<128xi32, #tpu.memory_space<vmem>>) semaphore(%arg14 : memref<!tpu.dma_semaphore, #tpu.memory_space<semaphore_mem>>)
      } else {
      }
      %add3A_237 = arith.constant 1 : i32
      %add3A_238 = arith.addi %mul3A_227, %add3A_237 : i32
      %dma_wait3A_239 = arith.constant 0 : i32
      %dma_wait3A_240 = tpu.memref_slice %arg12[%add3A_238, %dma_wait3A_239] : memref<40x128xi32, #tpu.memory_space<vmem>> -> memref<1x128xi32, #tpu.memory_space<vmem>>
      %dma_wait3A_241 = tpu.memref_squeeze %dma_wait3A_240 : memref<1x128xi32, #tpu.memory_space<vmem>> -> memref<128xi32, #tpu.memory_space<vmem>>
      %dma_wait3A_242 = arith.constant 0 : i32
      %dma_wait3A_243 = arith.constant 0 : i32
      %dma_wait3A_244 = tpu.memref_slice %arg2[%dma_wait3A_242, %dma_wait3A_243] : memref<10240x128xf32, #tpu.memory_space<hbm>> -> memref<10240x128xf32, #tpu.memory_space<hbm>>
      tpu.wait_indirect_dma semaphore(%arg15 : memref<!tpu.dma_semaphore, #tpu.memory_space<semaphore_mem>>) src(%dma_wait3A_244 : memref<10240x128xf32, #tpu.memory_space<hbm>>) dst(%arg11 : memref<128x128xf32, #tpu.memory_space<vmem>>)
      %add3A_245 = arith.constant 1 : i32
      %add3A_246 = arith.addi %mul3A_227, %add3A_245 : i32
      "tpu.region"() ({
        %run_scoped3A_254 = tpu.sem_alloc : memref<!tpu.dma_semaphore, #tpu.memory_space<semaphore_mem>>
        %dma_start3A_255 = arith.constant 0 : i32
        %dma_start3A_256 = tpu.memref_slice %arg13[%add3A_246, %dma_start3A_255] : memref<40x128xi32, #tpu.memory_space<vmem>> -> memref<1x128xi32, #tpu.memory_space<vmem>>
        %dma_start3A_257 = tpu.memref_squeeze %dma_start3A_256 : memref<1x128xi32, #tpu.memory_space<vmem>> -> memref<128xi32, #tpu.memory_space<vmem>>
        %dma_start3A_258 = arith.constant 0 : i32
        %dma_start3A_259 = arith.constant 0 : i32
        %dma_start3A_260 = tpu.memref_slice %arg9[%dma_start3A_258, %dma_start3A_259] : memref<10240x128xf32, #tpu.memory_space<vmem_shared>> -> memref<10240x128xf32, #tpu.memory_space<vmem_shared>>
        tpu.enqueue_indirect_dma source(%arg11 : memref<128x128xf32, #tpu.memory_space<vmem>>) target(%dma_start3A_260 : memref<10240x128xf32, #tpu.memory_space<vmem_shared>>) offsets(%dma_start3A_257 : memref<128xi32, #tpu.memory_space<vmem>>) semaphore(%run_scoped3A_254 : memref<!tpu.dma_semaphore, #tpu.memory_space<semaphore_mem>>) {add = true}
        %dma_wait3A_261 = arith.constant 0 : i32
        %dma_wait3A_262 = tpu.memref_slice %arg13[%add3A_246, %dma_wait3A_261] : memref<40x128xi32, #tpu.memory_space<vmem>> -> memref<1x128xi32, #tpu.memory_space<vmem>>
        %dma_wait3A_263 = tpu.memref_squeeze %dma_wait3A_262 : memref<1x128xi32, #tpu.memory_space<vmem>> -> memref<128xi32, #tpu.memory_space<vmem>>
        %dma_wait3A_264 = arith.constant 0 : i32
        %dma_wait3A_265 = arith.constant 0 : i32
        %dma_wait3A_266 = tpu.memref_slice %arg9[%dma_wait3A_264, %dma_wait3A_265] : memref<10240x128xf32, #tpu.memory_space<vmem_shared>> -> memref<10240x128xf32, #tpu.memory_space<vmem_shared>>
        tpu.wait_indirect_dma semaphore(%run_scoped3A_254 : memref<!tpu.dma_semaphore, #tpu.memory_space<semaphore_mem>>) src(%arg11 : memref<128x128xf32, #tpu.memory_space<vmem>>) dst(%dma_wait3A_266 : memref<10240x128xf32, #tpu.memory_space<vmem_shared>>)
        tpu.yield
      }) : () -> ()
      %add3A_247 = arith.constant 3 : i32
      %add3A_248 = arith.addi %mul3A_227, %add3A_247 : i32
      %lt3A_249 = arith.constant 40 : i32
      %lt3A_250 = arith.cmpi slt, %add3A_248, %lt3A_249 : i32
      %convert_element_type3A_251 = arith.extui %lt3A_250 : i1 to i32
      %cond3A_252 = arith.constant 0 : i32
      %cond3A_253 = arith.cmpi ne, %convert_element_type3A_251, %cond3A_252 : i32
      scf.if %cond3A_253 {
        %add3A_254 = arith.constant 3 : i32
        %add3A_255 = arith.addi %mul3A_227, %add3A_254 : i32
        %dma_start3A_256 = arith.constant 0 : i32
        %dma_start3A_257 = tpu.memref_slice %arg12[%add3A_255, %dma_start3A_256] : memref<40x128xi32, #tpu.memory_space<vmem>> -> memref<1x128xi32, #tpu.memory_space<vmem>>
        %dma_start3A_258 = tpu.memref_squeeze %dma_start3A_257 : memref<1x128xi32, #tpu.memory_space<vmem>> -> memref<128xi32, #tpu.memory_space<vmem>>
        %dma_start3A_259 = arith.constant 0 : i32
        %dma_start3A_260 = arith.constant 0 : i32
        %dma_start3A_261 = tpu.memref_slice %arg2[%dma_start3A_259, %dma_start3A_260] : memref<10240x128xf32, #tpu.memory_space<hbm>> -> memref<10240x128xf32, #tpu.memory_space<hbm>>
        tpu.enqueue_indirect_dma source(%dma_start3A_261 : memref<10240x128xf32, #tpu.memory_space<hbm>>) target(%arg11 : memref<128x128xf32, #tpu.memory_space<vmem>>) offsets(%dma_start3A_258 : memref<128xi32, #tpu.memory_space<vmem>>) semaphore(%arg15 : memref<!tpu.dma_semaphore, #tpu.memory_space<semaphore_mem>>)
      } else {
      }
    }
    %scan3A_65 = arith.constant 20 : i32
    %barrier3A_66 = arith.constant 0 : index
    tpu.barrier barrier_id(%barrier3A_66)
    %mul3A_67 = arith.constant 640 : i32
    %mul3A_68 = arith.muli %arg1, %mul3A_67 : i32
    %mul3A_69 = arith.constant 640 : i32
    %mul3A_70 = arith.muli %arg1, %mul3A_69 : i32
    %run_scoped3A_71 = arith.constant 0 : i32
    "tpu.region"() ({
      %run_scoped3A_225 = tpu.sem_alloc : memref<!tpu.dma_semaphore, #tpu.memory_space<semaphore_mem>>
      %dma_start3A_226 = arith.constant 0 : i32
      %dma_start3A_227 = tpu.memref_slice %arg8[%run_scoped3A_71, %arg0, %mul3A_70, %dma_start3A_226] : memref<3x2x10240x128xf32, #tpu.memory_space<hbm>> -> memref<1x1x640x128xf32, #tpu.memory_space<hbm>>
      %dma_start3A_228 = tpu.memref_squeeze %dma_start3A_227 : memref<1x1x640x128xf32, #tpu.memory_space<hbm>> -> memref<640x128xf32, #tpu.memory_space<hbm>>
      %dma_start3A_229 = arith.constant 0 : i32
      %dma_start3A_230 = tpu.memref_slice %arg9[%mul3A_68, %dma_start3A_229] : memref<10240x128xf32, #tpu.memory_space<vmem_shared>> -> memref<640x128xf32, #tpu.memory_space<vmem_shared>>
      tpu.enqueue_dma source(%dma_start3A_230 : memref<640x128xf32, #tpu.memory_space<vmem_shared>>) target(%dma_start3A_228 : memref<640x128xf32, #tpu.memory_space<hbm>>) target_semaphore(%run_scoped3A_225 : memref<!tpu.dma_semaphore, #tpu.memory_space<semaphore_mem>>)
      %dma_wait3A = arith.constant 0 : i32
      %dma_wait3A_231 = tpu.memref_slice %arg8[%run_scoped3A_71, %arg0, %mul3A_70, %dma_wait3A] : memref<3x2x10240x128xf32, #tpu.memory_space<hbm>> -> memref<1x1x640x128xf32, #tpu.memory_space<hbm>>
      %dma_wait3A_232 = tpu.memref_squeeze %dma_wait3A_231 : memref<1x1x640x128xf32, #tpu.memory_space<hbm>> -> memref<640x128xf32, #tpu.memory_space<hbm>>
      %dma_wait3A_233 = arith.constant 0 : i32
      %dma_wait3A_234 = tpu.memref_slice %arg9[%mul3A_68, %dma_wait3A_233] : memref<10240x128xf32, #tpu.memory_space<vmem_shared>> -> memref<640x128xf32, #tpu.memory_space<vmem_shared>>
      tpu.wait_dma2 semaphore(%run_scoped3A_225 : memref<!tpu.dma_semaphore, #tpu.memory_space<semaphore_mem>>) src(%dma_wait3A_234 : memref<640x128xf32, #tpu.memory_space<vmem_shared>>) dst(%dma_wait3A_232 : memref<640x128xf32, #tpu.memory_space<hbm>>)
      tpu.yield
    }) : () -> ()
    %barrier3A_72 = arith.constant 0 : index
    tpu.barrier barrier_id(%barrier3A_72)
    "tpu.region"() ({
      %run_scoped3A_225 = tpu.sem_alloc : memref<!tpu.dma_semaphore, #tpu.memory_space<semaphore_mem>>
      tpu.enqueue_dma source(%arg7 : memref<128x128xf32, #tpu.memory_space<hbm>>) target(%arg10 : memref<128x128xf32, #tpu.memory_space<vmem>>) target_semaphore(%run_scoped3A_225 : memref<!tpu.dma_semaphore, #tpu.memory_space<semaphore_mem>>)
      tpu.wait_dma2 semaphore(%run_scoped3A_225 : memref<!tpu.dma_semaphore, #tpu.memory_space<semaphore_mem>>) src(%arg7 : memref<128x128xf32, #tpu.memory_space<hbm>>) dst(%arg10 : memref<128x128xf32, #tpu.memory_space<vmem>>)
      tpu.yield
    }) : () -> ()
    %mul3A_73 = arith.constant 640 : i32
    %mul3A_74 = arith.muli %arg1, %mul3A_73 : i32
    %add3A_75 = arith.constant 0 : i32
    %add3A_76 = arith.addi %mul3A_74, %add3A_75 : i32
    "tpu.region"() ({
      %run_scoped3A_225 = tpu.sem_alloc : memref<!tpu.dma_semaphore, #tpu.memory_space<semaphore_mem>>
      %dma_start3A_226 = arith.constant 0 : i32
      %dma_start3A_227 = tpu.memref_slice %arg9[%add3A_76, %dma_start3A_226] : memref<10240x128xf32, #tpu.memory_space<vmem_shared>> -> memref<128x128xf32, #tpu.memory_space<vmem_shared>>
      %dma_start3A_228 = arith.constant 0 : i32
      %dma_start3A_229 = tpu.memref_slice %arg9[%add3A_76, %dma_start3A_228] : memref<10240x128xf32, #tpu.memory_space<vmem_shared>> -> memref<128x128xf32, #tpu.memory_space<vmem_shared>>
      tpu.enqueue_dma source(%arg10 : memref<128x128xf32, #tpu.memory_space<vmem>>) target(%dma_start3A_229 : memref<128x128xf32, #tpu.memory_space<vmem_shared>>) target_semaphore(%run_scoped3A_225 : memref<!tpu.dma_semaphore, #tpu.memory_space<semaphore_mem>>)
      %dma_wait3A = arith.constant 0 : i32
      %dma_wait3A_230 = tpu.memref_slice %arg9[%add3A_76, %dma_wait3A] : memref<10240x128xf32, #tpu.memory_space<vmem_shared>> -> memref<128x128xf32, #tpu.memory_space<vmem_shared>>
      %dma_wait3A_231 = arith.constant 0 : i32
      %dma_wait3A_232 = tpu.memref_slice %arg9[%add3A_76, %dma_wait3A_231] : memref<10240x128xf32, #tpu.memory_space<vmem_shared>> -> memref<128x128xf32, #tpu.memory_space<vmem_shared>>
      tpu.wait_dma2 semaphore(%run_scoped3A_225 : memref<!tpu.dma_semaphore, #tpu.memory_space<semaphore_mem>>) src(%arg10 : memref<128x128xf32, #tpu.memory_space<vmem>>) dst(%dma_wait3A_232 : memref<128x128xf32, #tpu.memory_space<vmem_shared>>)
      tpu.yield
    }) : () -> ()
    %mul3A_77 = arith.constant 640 : i32
    %mul3A_78 = arith.muli %arg1, %mul3A_77 : i32
    %add3A_79 = arith.constant 128 : i32
    %add3A_80 = arith.addi %mul3A_78, %add3A_79 : i32
    "tpu.region"() ({
      %run_scoped3A_225 = tpu.sem_alloc : memref<!tpu.dma_semaphore, #tpu.memory_space<semaphore_mem>>
      %dma_start3A_226 = arith.constant 0 : i32
      %dma_start3A_227 = tpu.memref_slice %arg9[%add3A_80, %dma_start3A_226] : memref<10240x128xf32, #tpu.memory_space<vmem_shared>> -> memref<128x128xf32, #tpu.memory_space<vmem_shared>>
      %dma_start3A_228 = arith.constant 0 : i32
      %dma_start3A_229 = tpu.memref_slice %arg9[%add3A_80, %dma_start3A_228] : memref<10240x128xf32, #tpu.memory_space<vmem_shared>> -> memref<128x128xf32, #tpu.memory_space<vmem_shared>>
      tpu.enqueue_dma source(%arg10 : memref<128x128xf32, #tpu.memory_space<vmem>>) target(%dma_start3A_229 : memref<128x128xf32, #tpu.memory_space<vmem_shared>>) target_semaphore(%run_scoped3A_225 : memref<!tpu.dma_semaphore, #tpu.memory_space<semaphore_mem>>)
      %dma_wait3A = arith.constant 0 : i32
      %dma_wait3A_230 = tpu.memref_slice %arg9[%add3A_80, %dma_wait3A] : memref<10240x128xf32, #tpu.memory_space<vmem_shared>> -> memref<128x128xf32, #tpu.memory_space<vmem_shared>>
      %dma_wait3A_231 = arith.constant 0 : i32
      %dma_wait3A_232 = tpu.memref_slice %arg9[%add3A_80, %dma_wait3A_231] : memref<10240x128xf32, #tpu.memory_space<vmem_shared>> -> memref<128x128xf32, #tpu.memory_space<vmem_shared>>
      tpu.wait_dma2 semaphore(%run_scoped3A_225 : memref<!tpu.dma_semaphore, #tpu.memory_space<semaphore_mem>>) src(%arg10 : memref<128x128xf32, #tpu.memory_space<vmem>>) dst(%dma_wait3A_232 : memref<128x128xf32, #tpu.memory_space<vmem_shared>>)
      tpu.yield
    }) : () -> ()
    %mul3A_81 = arith.constant 640 : i32
    %mul3A_82 = arith.muli %arg1, %mul3A_81 : i32
    %add3A_83 = arith.constant 256 : i32
    %add3A_84 = arith.addi %mul3A_82, %add3A_83 : i32
    "tpu.region"() ({
      %run_scoped3A_225 = tpu.sem_alloc : memref<!tpu.dma_semaphore, #tpu.memory_space<semaphore_mem>>
      %dma_start3A_226 = arith.constant 0 : i32
      %dma_start3A_227 = tpu.memref_slice %arg9[%add3A_84, %dma_start3A_226] : memref<10240x128xf32, #tpu.memory_space<vmem_shared>> -> memref<128x128xf32, #tpu.memory_space<vmem_shared>>
      %dma_start3A_228 = arith.constant 0 : i32
      %dma_start3A_229 = tpu.memref_slice %arg9[%add3A_84, %dma_start3A_228] : memref<10240x128xf32, #tpu.memory_space<vmem_shared>> -> memref<128x128xf32, #tpu.memory_space<vmem_shared>>
      tpu.enqueue_dma source(%arg10 : memref<128x128xf32, #tpu.memory_space<vmem>>) target(%dma_start3A_229 : memref<128x128xf32, #tpu.memory_space<vmem_shared>>) target_semaphore(%run_scoped3A_225 : memref<!tpu.dma_semaphore, #tpu.memory_space<semaphore_mem>>)
      %dma_wait3A = arith.constant 0 : i32
      %dma_wait3A_230 = tpu.memref_slice %arg9[%add3A_84, %dma_wait3A] : memref<10240x128xf32, #tpu.memory_space<vmem_shared>> -> memref<128x128xf32, #tpu.memory_space<vmem_shared>>
      %dma_wait3A_231 = arith.constant 0 : i32
      %dma_wait3A_232 = tpu.memref_slice %arg9[%add3A_84, %dma_wait3A_231] : memref<10240x128xf32, #tpu.memory_space<vmem_shared>> -> memref<128x128xf32, #tpu.memory_space<vmem_shared>>
      tpu.wait_dma2 semaphore(%run_scoped3A_225 : memref<!tpu.dma_semaphore, #tpu.memory_space<semaphore_mem>>) src(%arg10 : memref<128x128xf32, #tpu.memory_space<vmem>>) dst(%dma_wait3A_232 : memref<128x128xf32, #tpu.memory_space<vmem_shared>>)
      tpu.yield
    }) : () -> ()
    %mul3A_85 = arith.constant 640 : i32
    %mul3A_86 = arith.muli %arg1, %mul3A_85 : i32
    %add3A_87 = arith.constant 384 : i32
    %add3A_88 = arith.addi %mul3A_86, %add3A_87 : i32
    "tpu.region"() ({
      %run_scoped3A_225 = tpu.sem_alloc : memref<!tpu.dma_semaphore, #tpu.memory_space<semaphore_mem>>
      %dma_start3A_226 = arith.constant 0 : i32
      %dma_start3A_227 = tpu.memref_slice %arg9[%add3A_88, %dma_start3A_226] : memref<10240x128xf32, #tpu.memory_space<vmem_shared>> -> memref<128x128xf32, #tpu.memory_space<vmem_shared>>
      %dma_start3A_228 = arith.constant 0 : i32
      %dma_start3A_229 = tpu.memref_slice %arg9[%add3A_88, %dma_start3A_228] : memref<10240x128xf32, #tpu.memory_space<vmem_shared>> -> memref<128x128xf32, #tpu.memory_space<vmem_shared>>
      tpu.enqueue_dma source(%arg10 : memref<128x128xf32, #tpu.memory_space<vmem>>) target(%dma_start3A_229 : memref<128x128xf32, #tpu.memory_space<vmem_shared>>) target_semaphore(%run_scoped3A_225 : memref<!tpu.dma_semaphore, #tpu.memory_space<semaphore_mem>>)
      %dma_wait3A = arith.constant 0 : i32
      %dma_wait3A_230 = tpu.memref_slice %arg9[%add3A_88, %dma_wait3A] : memref<10240x128xf32, #tpu.memory_space<vmem_shared>> -> memref<128x128xf32, #tpu.memory_space<vmem_shared>>
      %dma_wait3A_231 = arith.constant 0 : i32
      %dma_wait3A_232 = tpu.memref_slice %arg9[%add3A_88, %dma_wait3A_231] : memref<10240x128xf32, #tpu.memory_space<vmem_shared>> -> memref<128x128xf32, #tpu.memory_space<vmem_shared>>
      tpu.wait_dma2 semaphore(%run_scoped3A_225 : memref<!tpu.dma_semaphore, #tpu.memory_space<semaphore_mem>>) src(%arg10 : memref<128x128xf32, #tpu.memory_space<vmem>>) dst(%dma_wait3A_232 : memref<128x128xf32, #tpu.memory_space<vmem_shared>>)
      tpu.yield
    }) : () -> ()
    %mul3A_89 = arith.constant 640 : i32
    %mul3A_90 = arith.muli %arg1, %mul3A_89 : i32
    %add3A_91 = arith.constant 512 : i32
    %add3A_92 = arith.addi %mul3A_90, %add3A_91 : i32
    "tpu.region"() ({
      %run_scoped3A_225 = tpu.sem_alloc : memref<!tpu.dma_semaphore, #tpu.memory_space<semaphore_mem>>
      %dma_start3A_226 = arith.constant 0 : i32
      %dma_start3A_227 = tpu.memref_slice %arg9[%add3A_92, %dma_start3A_226] : memref<10240x128xf32, #tpu.memory_space<vmem_shared>> -> memref<128x128xf32, #tpu.memory_space<vmem_shared>>
      %dma_start3A_228 = arith.constant 0 : i32
      %dma_start3A_229 = tpu.memref_slice %arg9[%add3A_92, %dma_start3A_228] : memref<10240x128xf32, #tpu.memory_space<vmem_shared>> -> memref<128x128xf32, #tpu.memory_space<vmem_shared>>
      tpu.enqueue_dma source(%arg10 : memref<128x128xf32, #tpu.memory_space<vmem>>) target(%dma_start3A_229 : memref<128x128xf32, #tpu.memory_space<vmem_shared>>) target_semaphore(%run_scoped3A_225 : memref<!tpu.dma_semaphore, #tpu.memory_space<semaphore_mem>>)
      %dma_wait3A = arith.constant 0 : i32
      %dma_wait3A_230 = tpu.memref_slice %arg9[%add3A_92, %dma_wait3A] : memref<10240x128xf32, #tpu.memory_space<vmem_shared>> -> memref<128x128xf32, #tpu.memory_space<vmem_shared>>
      %dma_wait3A_231 = arith.constant 0 : i32
      %dma_wait3A_232 = tpu.memref_slice %arg9[%add3A_92, %dma_wait3A_231] : memref<10240x128xf32, #tpu.memory_space<vmem_shared>> -> memref<128x128xf32, #tpu.memory_space<vmem_shared>>
      tpu.wait_dma2 semaphore(%run_scoped3A_225 : memref<!tpu.dma_semaphore, #tpu.memory_space<semaphore_mem>>) src(%arg10 : memref<128x128xf32, #tpu.memory_space<vmem>>) dst(%dma_wait3A_232 : memref<128x128xf32, #tpu.memory_space<vmem_shared>>)
      tpu.yield
    }) : () -> ()
    %barrier3A_93 = arith.constant 0 : index
    tpu.barrier barrier_id(%barrier3A_93)
    %run_scoped3A_94 = arith.constant 1 : i32
    %run_scoped3A_95 = arith.constant 0 : i32
    "tpu.region"() ({
      %run_scoped3A_225 = tpu.sem_alloc : memref<!tpu.dma_semaphore, #tpu.memory_space<semaphore_mem>>
      %dma_start3A_226 = arith.constant 0 : i32
      %dma_start3A_227 = arith.constant 0 : i32
      %dma_start3A_228 = tpu.memref_slice %arg5[%run_scoped3A_94, %add3A, %run_scoped3A_95, %dma_start3A_226, %dma_start3A_227] : memref<3x32x2x40x128xi32, #tpu.memory_space<hbm>> -> memref<1x1x1x40x128xi32, #tpu.memory_space<hbm>>
      %dma_start3A_229 = tpu.memref_squeeze %dma_start3A_228 : memref<1x1x1x40x128xi32, #tpu.memory_space<hbm>> -> memref<40x128xi32, #tpu.memory_space<hbm>>
      %dma_start3A_230 = arith.constant 0 : i32
      %dma_start3A_231 = arith.constant 0 : i32
      %dma_start3A_232 = tpu.memref_slice %arg5[%run_scoped3A_94, %add3A, %run_scoped3A_95, %dma_start3A_230, %dma_start3A_231] : memref<3x32x2x40x128xi32, #tpu.memory_space<hbm>> -> memref<1x1x1x40x128xi32, #tpu.memory_space<hbm>>
      %dma_start3A_233 = tpu.memref_squeeze %dma_start3A_232 : memref<1x1x1x40x128xi32, #tpu.memory_space<hbm>> -> memref<40x128xi32, #tpu.memory_space<hbm>>
      tpu.enqueue_dma source(%dma_start3A_233 : memref<40x128xi32, #tpu.memory_space<hbm>>) target(%arg12 : memref<40x128xi32, #tpu.memory_space<vmem>>) target_semaphore(%run_scoped3A_225 : memref<!tpu.dma_semaphore, #tpu.memory_space<semaphore_mem>>)
      %dma_wait3A = arith.constant 0 : i32
      %dma_wait3A_234 = arith.constant 0 : i32
      %dma_wait3A_235 = tpu.memref_slice %arg5[%run_scoped3A_94, %add3A, %run_scoped3A_95, %dma_wait3A, %dma_wait3A_234] : memref<3x32x2x40x128xi32, #tpu.memory_space<hbm>> -> memref<1x1x1x40x128xi32, #tpu.memory_space<hbm>>
      %dma_wait3A_236 = tpu.memref_squeeze %dma_wait3A_235 : memref<1x1x1x40x128xi32, #tpu.memory_space<hbm>> -> memref<40x128xi32, #tpu.memory_space<hbm>>
      %dma_wait3A_237 = arith.constant 0 : i32
      %dma_wait3A_238 = arith.constant 0 : i32
      %dma_wait3A_239 = tpu.memref_slice %arg5[%run_scoped3A_94, %add3A, %run_scoped3A_95, %dma_wait3A_237, %dma_wait3A_238] : memref<3x32x2x40x128xi32, #tpu.memory_space<hbm>> -> memref<1x1x1x40x128xi32, #tpu.memory_space<hbm>>
      %dma_wait3A_240 = tpu.memref_squeeze %dma_wait3A_239 : memref<1x1x1x40x128xi32, #tpu.memory_space<hbm>> -> memref<40x128xi32, #tpu.memory_space<hbm>>
      tpu.wait_dma2 semaphore(%run_scoped3A_225 : memref<!tpu.dma_semaphore, #tpu.memory_space<semaphore_mem>>) src(%dma_wait3A_240 : memref<40x128xi32, #tpu.memory_space<hbm>>) dst(%arg12 : memref<40x128xi32, #tpu.memory_space<vmem>>)
      tpu.yield
    }) : () -> ()
    %run_scoped3A_96 = arith.constant 1 : i32
    %run_scoped3A_97 = arith.constant 0 : i32
    "tpu.region"() ({
      %run_scoped3A_225 = tpu.sem_alloc : memref<!tpu.dma_semaphore, #tpu.memory_space<semaphore_mem>>
      %dma_start3A_226 = arith.constant 0 : i32
      %dma_start3A_227 = arith.constant 0 : i32
      %dma_start3A_228 = tpu.memref_slice %arg6[%run_scoped3A_96, %add3A, %run_scoped3A_97, %dma_start3A_226, %dma_start3A_227] : memref<3x32x2x40x128xi32, #tpu.memory_space<hbm>> -> memref<1x1x1x40x128xi32, #tpu.memory_space<hbm>>
      %dma_start3A_229 = tpu.memref_squeeze %dma_start3A_228 : memref<1x1x1x40x128xi32, #tpu.memory_space<hbm>> -> memref<40x128xi32, #tpu.memory_space<hbm>>
      %dma_start3A_230 = arith.constant 0 : i32
      %dma_start3A_231 = arith.constant 0 : i32
      %dma_start3A_232 = tpu.memref_slice %arg6[%run_scoped3A_96, %add3A, %run_scoped3A_97, %dma_start3A_230, %dma_start3A_231] : memref<3x32x2x40x128xi32, #tpu.memory_space<hbm>> -> memref<1x1x1x40x128xi32, #tpu.memory_space<hbm>>
      %dma_start3A_233 = tpu.memref_squeeze %dma_start3A_232 : memref<1x1x1x40x128xi32, #tpu.memory_space<hbm>> -> memref<40x128xi32, #tpu.memory_space<hbm>>
      tpu.enqueue_dma source(%dma_start3A_233 : memref<40x128xi32, #tpu.memory_space<hbm>>) target(%arg13 : memref<40x128xi32, #tpu.memory_space<vmem>>) target_semaphore(%run_scoped3A_225 : memref<!tpu.dma_semaphore, #tpu.memory_space<semaphore_mem>>)
      %dma_wait3A = arith.constant 0 : i32
      %dma_wait3A_234 = arith.constant 0 : i32
      %dma_wait3A_235 = tpu.memref_slice %arg6[%run_scoped3A_96, %add3A, %run_scoped3A_97, %dma_wait3A, %dma_wait3A_234] : memref<3x32x2x40x128xi32, #tpu.memory_space<hbm>> -> memref<1x1x1x40x128xi32, #tpu.memory_space<hbm>>
      %dma_wait3A_236 = tpu.memref_squeeze %dma_wait3A_235 : memref<1x1x1x40x128xi32, #tpu.memory_space<hbm>> -> memref<40x128xi32, #tpu.memory_space<hbm>>
      %dma_wait3A_237 = arith.constant 0 : i32
      %dma_wait3A_238 = arith.constant 0 : i32
      %dma_wait3A_239 = tpu.memref_slice %arg6[%run_scoped3A_96, %add3A, %run_scoped3A_97, %dma_wait3A_237, %dma_wait3A_238] : memref<3x32x2x40x128xi32, #tpu.memory_space<hbm>> -> memref<1x1x1x40x128xi32, #tpu.memory_space<hbm>>
      %dma_wait3A_240 = tpu.memref_squeeze %dma_wait3A_239 : memref<1x1x1x40x128xi32, #tpu.memory_space<hbm>> -> memref<40x128xi32, #tpu.memory_space<hbm>>
      tpu.wait_dma2 semaphore(%run_scoped3A_225 : memref<!tpu.dma_semaphore, #tpu.memory_space<semaphore_mem>>) src(%dma_wait3A_240 : memref<40x128xi32, #tpu.memory_space<hbm>>) dst(%arg13 : memref<40x128xi32, #tpu.memory_space<vmem>>)
      tpu.yield
    }) : () -> ()
    %dma_start3A_98 = arith.constant 0 : i32
    %dma_start3A_99 = arith.constant 0 : i32
    %dma_start3A_100 = tpu.memref_slice %arg12[%dma_start3A_98, %dma_start3A_99] : memref<40x128xi32, #tpu.memory_space<vmem>> -> memref<1x128xi32, #tpu.memory_space<vmem>>
    %dma_start3A_101 = tpu.memref_squeeze %dma_start3A_100 : memref<1x128xi32, #tpu.memory_space<vmem>> -> memref<128xi32, #tpu.memory_space<vmem>>
    %dma_start3A_102 = arith.constant 0 : i32
    %dma_start3A_103 = arith.constant 0 : i32
    %dma_start3A_104 = tpu.memref_slice %arg3[%dma_start3A_102, %dma_start3A_103] : memref<10240x128xf32, #tpu.memory_space<hbm>> -> memref<10240x128xf32, #tpu.memory_space<hbm>>
    tpu.enqueue_indirect_dma source(%dma_start3A_104 : memref<10240x128xf32, #tpu.memory_space<hbm>>) target(%arg10 : memref<128x128xf32, #tpu.memory_space<vmem>>) offsets(%dma_start3A_101 : memref<128xi32, #tpu.memory_space<vmem>>) semaphore(%arg14 : memref<!tpu.dma_semaphore, #tpu.memory_space<semaphore_mem>>)
    %dma_start3A_105 = arith.constant 1 : i32
    %dma_start3A_106 = arith.constant 0 : i32
    %dma_start3A_107 = tpu.memref_slice %arg12[%dma_start3A_105, %dma_start3A_106] : memref<40x128xi32, #tpu.memory_space<vmem>> -> memref<1x128xi32, #tpu.memory_space<vmem>>
    %dma_start3A_108 = tpu.memref_squeeze %dma_start3A_107 : memref<1x128xi32, #tpu.memory_space<vmem>> -> memref<128xi32, #tpu.memory_space<vmem>>
    %dma_start3A_109 = arith.constant 0 : i32
    %dma_start3A_110 = arith.constant 0 : i32
    %dma_start3A_111 = tpu.memref_slice %arg3[%dma_start3A_109, %dma_start3A_110] : memref<10240x128xf32, #tpu.memory_space<hbm>> -> memref<10240x128xf32, #tpu.memory_space<hbm>>
    tpu.enqueue_indirect_dma source(%dma_start3A_111 : memref<10240x128xf32, #tpu.memory_space<hbm>>) target(%arg11 : memref<128x128xf32, #tpu.memory_space<vmem>>) offsets(%dma_start3A_108 : memref<128xi32, #tpu.memory_space<vmem>>) semaphore(%arg15 : memref<!tpu.dma_semaphore, #tpu.memory_space<semaphore_mem>>)
    %scan3A_112 = arith.constant 0 : i32
    %scan3A_113 = arith.constant 0 : i32
    %scan3A_114 = arith.constant 20 : i32
    %scan3A_115 = arith.addi %scan3A_113, %scan3A_114 : i32
    %scan3A_116 = arith.constant 1 : i32
    scf.for %scan3A_225 = %scan3A_113 to %scan3A_115 step %scan3A_116  : i32 {
      %mul3A_226 = arith.constant 2 : i32
      %mul3A_227 = arith.muli %mul3A_226, %scan3A_225 : i32
      %dma_wait3A = arith.constant 0 : i32
      %dma_wait3A_228 = tpu.memref_slice %arg12[%mul3A_227, %dma_wait3A] : memref<40x128xi32, #tpu.memory_space<vmem>> -> memref<1x128xi32, #tpu.memory_space<vmem>>
      %dma_wait3A_229 = tpu.memref_squeeze %dma_wait3A_228 : memref<1x128xi32, #tpu.memory_space<vmem>> -> memref<128xi32, #tpu.memory_space<vmem>>
      %dma_wait3A_230 = arith.constant 0 : i32
      %dma_wait3A_231 = arith.constant 0 : i32
      %dma_wait3A_232 = tpu.memref_slice %arg3[%dma_wait3A_230, %dma_wait3A_231] : memref<10240x128xf32, #tpu.memory_space<hbm>> -> memref<10240x128xf32, #tpu.memory_space<hbm>>
      tpu.wait_indirect_dma semaphore(%arg14 : memref<!tpu.dma_semaphore, #tpu.memory_space<semaphore_mem>>) src(%dma_wait3A_232 : memref<10240x128xf32, #tpu.memory_space<hbm>>) dst(%arg10 : memref<128x128xf32, #tpu.memory_space<vmem>>)
      "tpu.region"() ({
        %run_scoped3A_254 = tpu.sem_alloc : memref<!tpu.dma_semaphore, #tpu.memory_space<semaphore_mem>>
        %dma_start3A_255 = arith.constant 0 : i32
        %dma_start3A_256 = tpu.memref_slice %arg13[%mul3A_227, %dma_start3A_255] : memref<40x128xi32, #tpu.memory_space<vmem>> -> memref<1x128xi32, #tpu.memory_space<vmem>>
        %dma_start3A_257 = tpu.memref_squeeze %dma_start3A_256 : memref<1x128xi32, #tpu.memory_space<vmem>> -> memref<128xi32, #tpu.memory_space<vmem>>
        %dma_start3A_258 = arith.constant 0 : i32
        %dma_start3A_259 = arith.constant 0 : i32
        %dma_start3A_260 = tpu.memref_slice %arg9[%dma_start3A_258, %dma_start3A_259] : memref<10240x128xf32, #tpu.memory_space<vmem_shared>> -> memref<10240x128xf32, #tpu.memory_space<vmem_shared>>
        tpu.enqueue_indirect_dma source(%arg10 : memref<128x128xf32, #tpu.memory_space<vmem>>) target(%dma_start3A_260 : memref<10240x128xf32, #tpu.memory_space<vmem_shared>>) offsets(%dma_start3A_257 : memref<128xi32, #tpu.memory_space<vmem>>) semaphore(%run_scoped3A_254 : memref<!tpu.dma_semaphore, #tpu.memory_space<semaphore_mem>>) {add = true}
        %dma_wait3A_261 = arith.constant 0 : i32
        %dma_wait3A_262 = tpu.memref_slice %arg13[%mul3A_227, %dma_wait3A_261] : memref<40x128xi32, #tpu.memory_space<vmem>> -> memref<1x128xi32, #tpu.memory_space<vmem>>
        %dma_wait3A_263 = tpu.memref_squeeze %dma_wait3A_262 : memref<1x128xi32, #tpu.memory_space<vmem>> -> memref<128xi32, #tpu.memory_space<vmem>>
        %dma_wait3A_264 = arith.constant 0 : i32
        %dma_wait3A_265 = arith.constant 0 : i32
        %dma_wait3A_266 = tpu.memref_slice %arg9[%dma_wait3A_264, %dma_wait3A_265] : memref<10240x128xf32, #tpu.memory_space<vmem_shared>> -> memref<10240x128xf32, #tpu.memory_space<vmem_shared>>
        tpu.wait_indirect_dma semaphore(%run_scoped3A_254 : memref<!tpu.dma_semaphore, #tpu.memory_space<semaphore_mem>>) src(%arg10 : memref<128x128xf32, #tpu.memory_space<vmem>>) dst(%dma_wait3A_266 : memref<10240x128xf32, #tpu.memory_space<vmem_shared>>)
        tpu.yield
      }) : () -> ()
      %add3A_233 = arith.constant 2 : i32
      %add3A_234 = arith.addi %mul3A_227, %add3A_233 : i32
      %lt3A = arith.constant 40 : i32
      %lt3A_235 = arith.cmpi slt, %add3A_234, %lt3A : i32
      %convert_element_type3A = arith.extui %lt3A_235 : i1 to i32
      %cond3A = arith.constant 0 : i32
      %cond3A_236 = arith.cmpi ne, %convert_element_type3A, %cond3A : i32
      scf.if %cond3A_236 {
        %add3A_254 = arith.constant 2 : i32
        %add3A_255 = arith.addi %mul3A_227, %add3A_254 : i32
        %dma_start3A_256 = arith.constant 0 : i32
        %dma_start3A_257 = tpu.memref_slice %arg12[%add3A_255, %dma_start3A_256] : memref<40x128xi32, #tpu.memory_space<vmem>> -> memref<1x128xi32, #tpu.memory_space<vmem>>
        %dma_start3A_258 = tpu.memref_squeeze %dma_start3A_257 : memref<1x128xi32, #tpu.memory_space<vmem>> -> memref<128xi32, #tpu.memory_space<vmem>>
        %dma_start3A_259 = arith.constant 0 : i32
        %dma_start3A_260 = arith.constant 0 : i32
        %dma_start3A_261 = tpu.memref_slice %arg3[%dma_start3A_259, %dma_start3A_260] : memref<10240x128xf32, #tpu.memory_space<hbm>> -> memref<10240x128xf32, #tpu.memory_space<hbm>>
        tpu.enqueue_indirect_dma source(%dma_start3A_261 : memref<10240x128xf32, #tpu.memory_space<hbm>>) target(%arg10 : memref<128x128xf32, #tpu.memory_space<vmem>>) offsets(%dma_start3A_258 : memref<128xi32, #tpu.memory_space<vmem>>) semaphore(%arg14 : memref<!tpu.dma_semaphore, #tpu.memory_space<semaphore_mem>>)
      } else {
      }
      %add3A_237 = arith.constant 1 : i32
      %add3A_238 = arith.addi %mul3A_227, %add3A_237 : i32
      %dma_wait3A_239 = arith.constant 0 : i32
      %dma_wait3A_240 = tpu.memref_slice %arg12[%add3A_238, %dma_wait3A_239] : memref<40x128xi32, #tpu.memory_space<vmem>> -> memref<1x128xi32, #tpu.memory_space<vmem>>
      %dma_wait3A_241 = tpu.memref_squeeze %dma_wait3A_240 : memref<1x128xi32, #tpu.memory_space<vmem>> -> memref<128xi32, #tpu.memory_space<vmem>>
      %dma_wait3A_242 = arith.constant 0 : i32
      %dma_wait3A_243 = arith.constant 0 : i32
      %dma_wait3A_244 = tpu.memref_slice %arg3[%dma_wait3A_242, %dma_wait3A_243] : memref<10240x128xf32, #tpu.memory_space<hbm>> -> memref<10240x128xf32, #tpu.memory_space<hbm>>
      tpu.wait_indirect_dma semaphore(%arg15 : memref<!tpu.dma_semaphore, #tpu.memory_space<semaphore_mem>>) src(%dma_wait3A_244 : memref<10240x128xf32, #tpu.memory_space<hbm>>) dst(%arg11 : memref<128x128xf32, #tpu.memory_space<vmem>>)
      %add3A_245 = arith.constant 1 : i32
      %add3A_246 = arith.addi %mul3A_227, %add3A_245 : i32
      "tpu.region"() ({
        %run_scoped3A_254 = tpu.sem_alloc : memref<!tpu.dma_semaphore, #tpu.memory_space<semaphore_mem>>
        %dma_start3A_255 = arith.constant 0 : i32
        %dma_start3A_256 = tpu.memref_slice %arg13[%add3A_246, %dma_start3A_255] : memref<40x128xi32, #tpu.memory_space<vmem>> -> memref<1x128xi32, #tpu.memory_space<vmem>>
        %dma_start3A_257 = tpu.memref_squeeze %dma_start3A_256 : memref<1x128xi32, #tpu.memory_space<vmem>> -> memref<128xi32, #tpu.memory_space<vmem>>
        %dma_start3A_258 = arith.constant 0 : i32
        %dma_start3A_259 = arith.constant 0 : i32
        %dma_start3A_260 = tpu.memref_slice %arg9[%dma_start3A_258, %dma_start3A_259] : memref<10240x128xf32, #tpu.memory_space<vmem_shared>> -> memref<10240x128xf32, #tpu.memory_space<vmem_shared>>
        tpu.enqueue_indirect_dma source(%arg11 : memref<128x128xf32, #tpu.memory_space<vmem>>) target(%dma_start3A_260 : memref<10240x128xf32, #tpu.memory_space<vmem_shared>>) offsets(%dma_start3A_257 : memref<128xi32, #tpu.memory_space<vmem>>) semaphore(%run_scoped3A_254 : memref<!tpu.dma_semaphore, #tpu.memory_space<semaphore_mem>>) {add = true}
        %dma_wait3A_261 = arith.constant 0 : i32
        %dma_wait3A_262 = tpu.memref_slice %arg13[%add3A_246, %dma_wait3A_261] : memref<40x128xi32, #tpu.memory_space<vmem>> -> memref<1x128xi32, #tpu.memory_space<vmem>>
        %dma_wait3A_263 = tpu.memref_squeeze %dma_wait3A_262 : memref<1x128xi32, #tpu.memory_space<vmem>> -> memref<128xi32, #tpu.memory_space<vmem>>
        %dma_wait3A_264 = arith.constant 0 : i32
        %dma_wait3A_265 = arith.constant 0 : i32
        %dma_wait3A_266 = tpu.memref_slice %arg9[%dma_wait3A_264, %dma_wait3A_265] : memref<10240x128xf32, #tpu.memory_space<vmem_shared>> -> memref<10240x128xf32, #tpu.memory_space<vmem_shared>>
        tpu.wait_indirect_dma semaphore(%run_scoped3A_254 : memref<!tpu.dma_semaphore, #tpu.memory_space<semaphore_mem>>) src(%arg11 : memref<128x128xf32, #tpu.memory_space<vmem>>) dst(%dma_wait3A_266 : memref<10240x128xf32, #tpu.memory_space<vmem_shared>>)
        tpu.yield
      }) : () -> ()
      %add3A_247 = arith.constant 3 : i32
      %add3A_248 = arith.addi %mul3A_227, %add3A_247 : i32
      %lt3A_249 = arith.constant 40 : i32
      %lt3A_250 = arith.cmpi slt, %add3A_248, %lt3A_249 : i32
      %convert_element_type3A_251 = arith.extui %lt3A_250 : i1 to i32
      %cond3A_252 = arith.constant 0 : i32
      %cond3A_253 = arith.cmpi ne, %convert_element_type3A_251, %cond3A_252 : i32
      scf.if %cond3A_253 {
        %add3A_254 = arith.constant 3 : i32
        %add3A_255 = arith.addi %mul3A_227, %add3A_254 : i32
        %dma_start3A_256 = arith.constant 0 : i32
        %dma_start3A_257 = tpu.memref_slice %arg12[%add3A_255, %dma_start3A_256] : memref<40x128xi32, #tpu.memory_space<vmem>> -> memref<1x128xi32, #tpu.memory_space<vmem>>
        %dma_start3A_258 = tpu.memref_squeeze %dma_start3A_257 : memref<1x128xi32, #tpu.memory_space<vmem>> -> memref<128xi32, #tpu.memory_space<vmem>>
        %dma_start3A_259 = arith.constant 0 : i32
        %dma_start3A_260 = arith.constant 0 : i32
        %dma_start3A_261 = tpu.memref_slice %arg3[%dma_start3A_259, %dma_start3A_260] : memref<10240x128xf32, #tpu.memory_space<hbm>> -> memref<10240x128xf32, #tpu.memory_space<hbm>>
        tpu.enqueue_indirect_dma source(%dma_start3A_261 : memref<10240x128xf32, #tpu.memory_space<hbm>>) target(%arg11 : memref<128x128xf32, #tpu.memory_space<vmem>>) offsets(%dma_start3A_258 : memref<128xi32, #tpu.memory_space<vmem>>) semaphore(%arg15 : memref<!tpu.dma_semaphore, #tpu.memory_space<semaphore_mem>>)
      } else {
      }
    }
    %scan3A_117 = arith.constant 20 : i32
    %run_scoped3A_118 = arith.constant 1 : i32
    %run_scoped3A_119 = arith.constant 1 : i32
    "tpu.region"() ({
      %run_scoped3A_225 = tpu.sem_alloc : memref<!tpu.dma_semaphore, #tpu.memory_space<semaphore_mem>>
      %dma_start3A_226 = arith.constant 0 : i32
      %dma_start3A_227 = arith.constant 0 : i32
      %dma_start3A_228 = tpu.memref_slice %arg5[%run_scoped3A_118, %add3A, %run_scoped3A_119, %dma_start3A_226, %dma_start3A_227] : memref<3x32x2x40x128xi32, #tpu.memory_space<hbm>> -> memref<1x1x1x40x128xi32, #tpu.memory_space<hbm>>
      %dma_start3A_229 = tpu.memref_squeeze %dma_start3A_228 : memref<1x1x1x40x128xi32, #tpu.memory_space<hbm>> -> memref<40x128xi32, #tpu.memory_space<hbm>>
      %dma_start3A_230 = arith.constant 0 : i32
      %dma_start3A_231 = arith.constant 0 : i32
      %dma_start3A_232 = tpu.memref_slice %arg5[%run_scoped3A_118, %add3A, %run_scoped3A_119, %dma_start3A_230, %dma_start3A_231] : memref<3x32x2x40x128xi32, #tpu.memory_space<hbm>> -> memref<1x1x1x40x128xi32, #tpu.memory_space<hbm>>
      %dma_start3A_233 = tpu.memref_squeeze %dma_start3A_232 : memref<1x1x1x40x128xi32, #tpu.memory_space<hbm>> -> memref<40x128xi32, #tpu.memory_space<hbm>>
      tpu.enqueue_dma source(%dma_start3A_233 : memref<40x128xi32, #tpu.memory_space<hbm>>) target(%arg12 : memref<40x128xi32, #tpu.memory_space<vmem>>) target_semaphore(%run_scoped3A_225 : memref<!tpu.dma_semaphore, #tpu.memory_space<semaphore_mem>>)
      %dma_wait3A = arith.constant 0 : i32
      %dma_wait3A_234 = arith.constant 0 : i32
      %dma_wait3A_235 = tpu.memref_slice %arg5[%run_scoped3A_118, %add3A, %run_scoped3A_119, %dma_wait3A, %dma_wait3A_234] : memref<3x32x2x40x128xi32, #tpu.memory_space<hbm>> -> memref<1x1x1x40x128xi32, #tpu.memory_space<hbm>>
      %dma_wait3A_236 = tpu.memref_squeeze %dma_wait3A_235 : memref<1x1x1x40x128xi32, #tpu.memory_space<hbm>> -> memref<40x128xi32, #tpu.memory_space<hbm>>
      %dma_wait3A_237 = arith.constant 0 : i32
      %dma_wait3A_238 = arith.constant 0 : i32
      %dma_wait3A_239 = tpu.memref_slice %arg5[%run_scoped3A_118, %add3A, %run_scoped3A_119, %dma_wait3A_237, %dma_wait3A_238] : memref<3x32x2x40x128xi32, #tpu.memory_space<hbm>> -> memref<1x1x1x40x128xi32, #tpu.memory_space<hbm>>
      %dma_wait3A_240 = tpu.memref_squeeze %dma_wait3A_239 : memref<1x1x1x40x128xi32, #tpu.memory_space<hbm>> -> memref<40x128xi32, #tpu.memory_space<hbm>>
      tpu.wait_dma2 semaphore(%run_scoped3A_225 : memref<!tpu.dma_semaphore, #tpu.memory_space<semaphore_mem>>) src(%dma_wait3A_240 : memref<40x128xi32, #tpu.memory_space<hbm>>) dst(%arg12 : memref<40x128xi32, #tpu.memory_space<vmem>>)
      tpu.yield
    }) : () -> ()
    %run_scoped3A_120 = arith.constant 1 : i32
    %run_scoped3A_121 = arith.constant 1 : i32
    "tpu.region"() ({
      %run_scoped3A_225 = tpu.sem_alloc : memref<!tpu.dma_semaphore, #tpu.memory_space<semaphore_mem>>
      %dma_start3A_226 = arith.constant 0 : i32
      %dma_start3A_227 = arith.constant 0 : i32
      %dma_start3A_228 = tpu.memref_slice %arg6[%run_scoped3A_120, %add3A, %run_scoped3A_121, %dma_start3A_226, %dma_start3A_227] : memref<3x32x2x40x128xi32, #tpu.memory_space<hbm>> -> memref<1x1x1x40x128xi32, #tpu.memory_space<hbm>>
      %dma_start3A_229 = tpu.memref_squeeze %dma_start3A_228 : memref<1x1x1x40x128xi32, #tpu.memory_space<hbm>> -> memref<40x128xi32, #tpu.memory_space<hbm>>
      %dma_start3A_230 = arith.constant 0 : i32
      %dma_start3A_231 = arith.constant 0 : i32
      %dma_start3A_232 = tpu.memref_slice %arg6[%run_scoped3A_120, %add3A, %run_scoped3A_121, %dma_start3A_230, %dma_start3A_231] : memref<3x32x2x40x128xi32, #tpu.memory_space<hbm>> -> memref<1x1x1x40x128xi32, #tpu.memory_space<hbm>>
      %dma_start3A_233 = tpu.memref_squeeze %dma_start3A_232 : memref<1x1x1x40x128xi32, #tpu.memory_space<hbm>> -> memref<40x128xi32, #tpu.memory_space<hbm>>
      tpu.enqueue_dma source(%dma_start3A_233 : memref<40x128xi32, #tpu.memory_space<hbm>>) target(%arg13 : memref<40x128xi32, #tpu.memory_space<vmem>>) target_semaphore(%run_scoped3A_225 : memref<!tpu.dma_semaphore, #tpu.memory_space<semaphore_mem>>)
      %dma_wait3A = arith.constant 0 : i32
      %dma_wait3A_234 = arith.constant 0 : i32
      %dma_wait3A_235 = tpu.memref_slice %arg6[%run_scoped3A_120, %add3A, %run_scoped3A_121, %dma_wait3A, %dma_wait3A_234] : memref<3x32x2x40x128xi32, #tpu.memory_space<hbm>> -> memref<1x1x1x40x128xi32, #tpu.memory_space<hbm>>
      %dma_wait3A_236 = tpu.memref_squeeze %dma_wait3A_235 : memref<1x1x1x40x128xi32, #tpu.memory_space<hbm>> -> memref<40x128xi32, #tpu.memory_space<hbm>>
      %dma_wait3A_237 = arith.constant 0 : i32
      %dma_wait3A_238 = arith.constant 0 : i32
      %dma_wait3A_239 = tpu.memref_slice %arg6[%run_scoped3A_120, %add3A, %run_scoped3A_121, %dma_wait3A_237, %dma_wait3A_238] : memref<3x32x2x40x128xi32, #tpu.memory_space<hbm>> -> memref<1x1x1x40x128xi32, #tpu.memory_space<hbm>>
      %dma_wait3A_240 = tpu.memref_squeeze %dma_wait3A_239 : memref<1x1x1x40x128xi32, #tpu.memory_space<hbm>> -> memref<40x128xi32, #tpu.memory_space<hbm>>
      tpu.wait_dma2 semaphore(%run_scoped3A_225 : memref<!tpu.dma_semaphore, #tpu.memory_space<semaphore_mem>>) src(%dma_wait3A_240 : memref<40x128xi32, #tpu.memory_space<hbm>>) dst(%arg13 : memref<40x128xi32, #tpu.memory_space<vmem>>)
      tpu.yield
    }) : () -> ()
    %dma_start3A_122 = arith.constant 0 : i32
    %dma_start3A_123 = arith.constant 0 : i32
    %dma_start3A_124 = tpu.memref_slice %arg12[%dma_start3A_122, %dma_start3A_123] : memref<40x128xi32, #tpu.memory_space<vmem>> -> memref<1x128xi32, #tpu.memory_space<vmem>>
    %dma_start3A_125 = tpu.memref_squeeze %dma_start3A_124 : memref<1x128xi32, #tpu.memory_space<vmem>> -> memref<128xi32, #tpu.memory_space<vmem>>
    %dma_start3A_126 = arith.constant 0 : i32
    %dma_start3A_127 = arith.constant 0 : i32
    %dma_start3A_128 = tpu.memref_slice %arg3[%dma_start3A_126, %dma_start3A_127] : memref<10240x128xf32, #tpu.memory_space<hbm>> -> memref<10240x128xf32, #tpu.memory_space<hbm>>
    tpu.enqueue_indirect_dma source(%dma_start3A_128 : memref<10240x128xf32, #tpu.memory_space<hbm>>) target(%arg10 : memref<128x128xf32, #tpu.memory_space<vmem>>) offsets(%dma_start3A_125 : memref<128xi32, #tpu.memory_space<vmem>>) semaphore(%arg14 : memref<!tpu.dma_semaphore, #tpu.memory_space<semaphore_mem>>)
    %dma_start3A_129 = arith.constant 1 : i32
    %dma_start3A_130 = arith.constant 0 : i32
    %dma_start3A_131 = tpu.memref_slice %arg12[%dma_start3A_129, %dma_start3A_130] : memref<40x128xi32, #tpu.memory_space<vmem>> -> memref<1x128xi32, #tpu.memory_space<vmem>>
    %dma_start3A_132 = tpu.memref_squeeze %dma_start3A_131 : memref<1x128xi32, #tpu.memory_space<vmem>> -> memref<128xi32, #tpu.memory_space<vmem>>
    %dma_start3A_133 = arith.constant 0 : i32
    %dma_start3A_134 = arith.constant 0 : i32
    %dma_start3A_135 = tpu.memref_slice %arg3[%dma_start3A_133, %dma_start3A_134] : memref<10240x128xf32, #tpu.memory_space<hbm>> -> memref<10240x128xf32, #tpu.memory_space<hbm>>
    tpu.enqueue_indirect_dma source(%dma_start3A_135 : memref<10240x128xf32, #tpu.memory_space<hbm>>) target(%arg11 : memref<128x128xf32, #tpu.memory_space<vmem>>) offsets(%dma_start3A_132 : memref<128xi32, #tpu.memory_space<vmem>>) semaphore(%arg15 : memref<!tpu.dma_semaphore, #tpu.memory_space<semaphore_mem>>)
    %scan3A_136 = arith.constant 0 : i32
    %scan3A_137 = arith.constant 0 : i32
    %scan3A_138 = arith.constant 20 : i32
    %scan3A_139 = arith.addi %scan3A_137, %scan3A_138 : i32
    %scan3A_140 = arith.constant 1 : i32
    scf.for %scan3A_225 = %scan3A_137 to %scan3A_139 step %scan3A_140  : i32 {
      %mul3A_226 = arith.constant 2 : i32
      %mul3A_227 = arith.muli %mul3A_226, %scan3A_225 : i32
      %dma_wait3A = arith.constant 0 : i32
      %dma_wait3A_228 = tpu.memref_slice %arg12[%mul3A_227, %dma_wait3A] : memref<40x128xi32, #tpu.memory_space<vmem>> -> memref<1x128xi32, #tpu.memory_space<vmem>>
      %dma_wait3A_229 = tpu.memref_squeeze %dma_wait3A_228 : memref<1x128xi32, #tpu.memory_space<vmem>> -> memref<128xi32, #tpu.memory_space<vmem>>
      %dma_wait3A_230 = arith.constant 0 : i32
      %dma_wait3A_231 = arith.constant 0 : i32
      %dma_wait3A_232 = tpu.memref_slice %arg3[%dma_wait3A_230, %dma_wait3A_231] : memref<10240x128xf32, #tpu.memory_space<hbm>> -> memref<10240x128xf32, #tpu.memory_space<hbm>>
      tpu.wait_indirect_dma semaphore(%arg14 : memref<!tpu.dma_semaphore, #tpu.memory_space<semaphore_mem>>) src(%dma_wait3A_232 : memref<10240x128xf32, #tpu.memory_space<hbm>>) dst(%arg10 : memref<128x128xf32, #tpu.memory_space<vmem>>)
      "tpu.region"() ({
        %run_scoped3A_254 = tpu.sem_alloc : memref<!tpu.dma_semaphore, #tpu.memory_space<semaphore_mem>>
        %dma_start3A_255 = arith.constant 0 : i32
        %dma_start3A_256 = tpu.memref_slice %arg13[%mul3A_227, %dma_start3A_255] : memref<40x128xi32, #tpu.memory_space<vmem>> -> memref<1x128xi32, #tpu.memory_space<vmem>>
        %dma_start3A_257 = tpu.memref_squeeze %dma_start3A_256 : memref<1x128xi32, #tpu.memory_space<vmem>> -> memref<128xi32, #tpu.memory_space<vmem>>
        %dma_start3A_258 = arith.constant 0 : i32
        %dma_start3A_259 = arith.constant 0 : i32
        %dma_start3A_260 = tpu.memref_slice %arg9[%dma_start3A_258, %dma_start3A_259] : memref<10240x128xf32, #tpu.memory_space<vmem_shared>> -> memref<10240x128xf32, #tpu.memory_space<vmem_shared>>
        tpu.enqueue_indirect_dma source(%arg10 : memref<128x128xf32, #tpu.memory_space<vmem>>) target(%dma_start3A_260 : memref<10240x128xf32, #tpu.memory_space<vmem_shared>>) offsets(%dma_start3A_257 : memref<128xi32, #tpu.memory_space<vmem>>) semaphore(%run_scoped3A_254 : memref<!tpu.dma_semaphore, #tpu.memory_space<semaphore_mem>>) {add = true}
        %dma_wait3A_261 = arith.constant 0 : i32
        %dma_wait3A_262 = tpu.memref_slice %arg13[%mul3A_227, %dma_wait3A_261] : memref<40x128xi32, #tpu.memory_space<vmem>> -> memref<1x128xi32, #tpu.memory_space<vmem>>
        %dma_wait3A_263 = tpu.memref_squeeze %dma_wait3A_262 : memref<1x128xi32, #tpu.memory_space<vmem>> -> memref<128xi32, #tpu.memory_space<vmem>>
        %dma_wait3A_264 = arith.constant 0 : i32
        %dma_wait3A_265 = arith.constant 0 : i32
        %dma_wait3A_266 = tpu.memref_slice %arg9[%dma_wait3A_264, %dma_wait3A_265] : memref<10240x128xf32, #tpu.memory_space<vmem_shared>> -> memref<10240x128xf32, #tpu.memory_space<vmem_shared>>
        tpu.wait_indirect_dma semaphore(%run_scoped3A_254 : memref<!tpu.dma_semaphore, #tpu.memory_space<semaphore_mem>>) src(%arg10 : memref<128x128xf32, #tpu.memory_space<vmem>>) dst(%dma_wait3A_266 : memref<10240x128xf32, #tpu.memory_space<vmem_shared>>)
        tpu.yield
      }) : () -> ()
      %add3A_233 = arith.constant 2 : i32
      %add3A_234 = arith.addi %mul3A_227, %add3A_233 : i32
      %lt3A = arith.constant 40 : i32
      %lt3A_235 = arith.cmpi slt, %add3A_234, %lt3A : i32
      %convert_element_type3A = arith.extui %lt3A_235 : i1 to i32
      %cond3A = arith.constant 0 : i32
      %cond3A_236 = arith.cmpi ne, %convert_element_type3A, %cond3A : i32
      scf.if %cond3A_236 {
        %add3A_254 = arith.constant 2 : i32
        %add3A_255 = arith.addi %mul3A_227, %add3A_254 : i32
        %dma_start3A_256 = arith.constant 0 : i32
        %dma_start3A_257 = tpu.memref_slice %arg12[%add3A_255, %dma_start3A_256] : memref<40x128xi32, #tpu.memory_space<vmem>> -> memref<1x128xi32, #tpu.memory_space<vmem>>
        %dma_start3A_258 = tpu.memref_squeeze %dma_start3A_257 : memref<1x128xi32, #tpu.memory_space<vmem>> -> memref<128xi32, #tpu.memory_space<vmem>>
        %dma_start3A_259 = arith.constant 0 : i32
        %dma_start3A_260 = arith.constant 0 : i32
        %dma_start3A_261 = tpu.memref_slice %arg3[%dma_start3A_259, %dma_start3A_260] : memref<10240x128xf32, #tpu.memory_space<hbm>> -> memref<10240x128xf32, #tpu.memory_space<hbm>>
        tpu.enqueue_indirect_dma source(%dma_start3A_261 : memref<10240x128xf32, #tpu.memory_space<hbm>>) target(%arg10 : memref<128x128xf32, #tpu.memory_space<vmem>>) offsets(%dma_start3A_258 : memref<128xi32, #tpu.memory_space<vmem>>) semaphore(%arg14 : memref<!tpu.dma_semaphore, #tpu.memory_space<semaphore_mem>>)
      } else {
      }
      %add3A_237 = arith.constant 1 : i32
      %add3A_238 = arith.addi %mul3A_227, %add3A_237 : i32
      %dma_wait3A_239 = arith.constant 0 : i32
      %dma_wait3A_240 = tpu.memref_slice %arg12[%add3A_238, %dma_wait3A_239] : memref<40x128xi32, #tpu.memory_space<vmem>> -> memref<1x128xi32, #tpu.memory_space<vmem>>
      %dma_wait3A_241 = tpu.memref_squeeze %dma_wait3A_240 : memref<1x128xi32, #tpu.memory_space<vmem>> -> memref<128xi32, #tpu.memory_space<vmem>>
      %dma_wait3A_242 = arith.constant 0 : i32
      %dma_wait3A_243 = arith.constant 0 : i32
      %dma_wait3A_244 = tpu.memref_slice %arg3[%dma_wait3A_242, %dma_wait3A_243] : memref<10240x128xf32, #tpu.memory_space<hbm>> -> memref<10240x128xf32, #tpu.memory_space<hbm>>
      tpu.wait_indirect_dma semaphore(%arg15 : memref<!tpu.dma_semaphore, #tpu.memory_space<semaphore_mem>>) src(%dma_wait3A_244 : memref<10240x128xf32, #tpu.memory_space<hbm>>) dst(%arg11 : memref<128x128xf32, #tpu.memory_space<vmem>>)
      %add3A_245 = arith.constant 1 : i32
      %add3A_246 = arith.addi %mul3A_227, %add3A_245 : i32
      "tpu.region"() ({
        %run_scoped3A_254 = tpu.sem_alloc : memref<!tpu.dma_semaphore, #tpu.memory_space<semaphore_mem>>
        %dma_start3A_255 = arith.constant 0 : i32
        %dma_start3A_256 = tpu.memref_slice %arg13[%add3A_246, %dma_start3A_255] : memref<40x128xi32, #tpu.memory_space<vmem>> -> memref<1x128xi32, #tpu.memory_space<vmem>>
        %dma_start3A_257 = tpu.memref_squeeze %dma_start3A_256 : memref<1x128xi32, #tpu.memory_space<vmem>> -> memref<128xi32, #tpu.memory_space<vmem>>
        %dma_start3A_258 = arith.constant 0 : i32
        %dma_start3A_259 = arith.constant 0 : i32
        %dma_start3A_260 = tpu.memref_slice %arg9[%dma_start3A_258, %dma_start3A_259] : memref<10240x128xf32, #tpu.memory_space<vmem_shared>> -> memref<10240x128xf32, #tpu.memory_space<vmem_shared>>
        tpu.enqueue_indirect_dma source(%arg11 : memref<128x128xf32, #tpu.memory_space<vmem>>) target(%dma_start3A_260 : memref<10240x128xf32, #tpu.memory_space<vmem_shared>>) offsets(%dma_start3A_257 : memref<128xi32, #tpu.memory_space<vmem>>) semaphore(%run_scoped3A_254 : memref<!tpu.dma_semaphore, #tpu.memory_space<semaphore_mem>>) {add = true}
        %dma_wait3A_261 = arith.constant 0 : i32
        %dma_wait3A_262 = tpu.memref_slice %arg13[%add3A_246, %dma_wait3A_261] : memref<40x128xi32, #tpu.memory_space<vmem>> -> memref<1x128xi32, #tpu.memory_space<vmem>>
        %dma_wait3A_263 = tpu.memref_squeeze %dma_wait3A_262 : memref<1x128xi32, #tpu.memory_space<vmem>> -> memref<128xi32, #tpu.memory_space<vmem>>
        %dma_wait3A_264 = arith.constant 0 : i32
        %dma_wait3A_265 = arith.constant 0 : i32
        %dma_wait3A_266 = tpu.memref_slice %arg9[%dma_wait3A_264, %dma_wait3A_265] : memref<10240x128xf32, #tpu.memory_space<vmem_shared>> -> memref<10240x128xf32, #tpu.memory_space<vmem_shared>>
        tpu.wait_indirect_dma semaphore(%run_scoped3A_254 : memref<!tpu.dma_semaphore, #tpu.memory_space<semaphore_mem>>) src(%arg11 : memref<128x128xf32, #tpu.memory_space<vmem>>) dst(%dma_wait3A_266 : memref<10240x128xf32, #tpu.memory_space<vmem_shared>>)
        tpu.yield
      }) : () -> ()
      %add3A_247 = arith.constant 3 : i32
      %add3A_248 = arith.addi %mul3A_227, %add3A_247 : i32
      %lt3A_249 = arith.constant 40 : i32
      %lt3A_250 = arith.cmpi slt, %add3A_248, %lt3A_249 : i32
      %convert_element_type3A_251 = arith.extui %lt3A_250 : i1 to i32
      %cond3A_252 = arith.constant 0 : i32
      %cond3A_253 = arith.cmpi ne, %convert_element_type3A_251, %cond3A_252 : i32
      scf.if %cond3A_253 {
        %add3A_254 = arith.constant 3 : i32
        %add3A_255 = arith.addi %mul3A_227, %add3A_254 : i32
        %dma_start3A_256 = arith.constant 0 : i32
        %dma_start3A_257 = tpu.memref_slice %arg12[%add3A_255, %dma_start3A_256] : memref<40x128xi32, #tpu.memory_space<vmem>> -> memref<1x128xi32, #tpu.memory_space<vmem>>
        %dma_start3A_258 = tpu.memref_squeeze %dma_start3A_257 : memref<1x128xi32, #tpu.memory_space<vmem>> -> memref<128xi32, #tpu.memory_space<vmem>>
        %dma_start3A_259 = arith.constant 0 : i32
        %dma_start3A_260 = arith.constant 0 : i32
        %dma_start3A_261 = tpu.memref_slice %arg3[%dma_start3A_259, %dma_start3A_260] : memref<10240x128xf32, #tpu.memory_space<hbm>> -> memref<10240x128xf32, #tpu.memory_space<hbm>>
        tpu.enqueue_indirect_dma source(%dma_start3A_261 : memref<10240x128xf32, #tpu.memory_space<hbm>>) target(%arg11 : memref<128x128xf32, #tpu.memory_space<vmem>>) offsets(%dma_start3A_258 : memref<128xi32, #tpu.memory_space<vmem>>) semaphore(%arg15 : memref<!tpu.dma_semaphore, #tpu.memory_space<semaphore_mem>>)
      } else {
      }
    }
    %scan3A_141 = arith.constant 20 : i32
    %barrier3A_142 = arith.constant 0 : index
    tpu.barrier barrier_id(%barrier3A_142)
    %mul3A_143 = arith.constant 640 : i32
    %mul3A_144 = arith.muli %arg1, %mul3A_143 : i32
    %mul3A_145 = arith.constant 640 : i32
    %mul3A_146 = arith.muli %arg1, %mul3A_145 : i32
    %run_scoped3A_147 = arith.constant 1 : i32
    "tpu.region"() ({
      %run_scoped3A_225 = tpu.sem_alloc : memref<!tpu.dma_semaphore, #tpu.memory_space<semaphore_mem>>
      %dma_start3A_226 = arith.constant 0 : i32
      %dma_start3A_227 = tpu.memref_slice %arg8[%run_scoped3A_147, %arg0, %mul3A_146, %dma_start3A_226] : memref<3x2x10240x128xf32, #tpu.memory_space<hbm>> -> memref<1x1x640x128xf32, #tpu.memory_space<hbm>>
      %dma_start3A_228 = tpu.memref_squeeze %dma_start3A_227 : memref<1x1x640x128xf32, #tpu.memory_space<hbm>> -> memref<640x128xf32, #tpu.memory_space<hbm>>
      %dma_start3A_229 = arith.constant 0 : i32
      %dma_start3A_230 = tpu.memref_slice %arg9[%mul3A_144, %dma_start3A_229] : memref<10240x128xf32, #tpu.memory_space<vmem_shared>> -> memref<640x128xf32, #tpu.memory_space<vmem_shared>>
      tpu.enqueue_dma source(%dma_start3A_230 : memref<640x128xf32, #tpu.memory_space<vmem_shared>>) target(%dma_start3A_228 : memref<640x128xf32, #tpu.memory_space<hbm>>) target_semaphore(%run_scoped3A_225 : memref<!tpu.dma_semaphore, #tpu.memory_space<semaphore_mem>>)
      %dma_wait3A = arith.constant 0 : i32
      %dma_wait3A_231 = tpu.memref_slice %arg8[%run_scoped3A_147, %arg0, %mul3A_146, %dma_wait3A] : memref<3x2x10240x128xf32, #tpu.memory_space<hbm>> -> memref<1x1x640x128xf32, #tpu.memory_space<hbm>>
      %dma_wait3A_232 = tpu.memref_squeeze %dma_wait3A_231 : memref<1x1x640x128xf32, #tpu.memory_space<hbm>> -> memref<640x128xf32, #tpu.memory_space<hbm>>
      %dma_wait3A_233 = arith.constant 0 : i32
      %dma_wait3A_234 = tpu.memref_slice %arg9[%mul3A_144, %dma_wait3A_233] : memref<10240x128xf32, #tpu.memory_space<vmem_shared>> -> memref<640x128xf32, #tpu.memory_space<vmem_shared>>
      tpu.wait_dma2 semaphore(%run_scoped3A_225 : memref<!tpu.dma_semaphore, #tpu.memory_space<semaphore_mem>>) src(%dma_wait3A_234 : memref<640x128xf32, #tpu.memory_space<vmem_shared>>) dst(%dma_wait3A_232 : memref<640x128xf32, #tpu.memory_space<hbm>>)
      tpu.yield
    }) : () -> ()
    %barrier3A_148 = arith.constant 0 : index
    tpu.barrier barrier_id(%barrier3A_148)
    "tpu.region"() ({
      %run_scoped3A_225 = tpu.sem_alloc : memref<!tpu.dma_semaphore, #tpu.memory_space<semaphore_mem>>
      tpu.enqueue_dma source(%arg7 : memref<128x128xf32, #tpu.memory_space<hbm>>) target(%arg10 : memref<128x128xf32, #tpu.memory_space<vmem>>) target_semaphore(%run_scoped3A_225 : memref<!tpu.dma_semaphore, #tpu.memory_space<semaphore_mem>>)
      tpu.wait_dma2 semaphore(%run_scoped3A_225 : memref<!tpu.dma_semaphore, #tpu.memory_space<semaphore_mem>>) src(%arg7 : memref<128x128xf32, #tpu.memory_space<hbm>>) dst(%arg10 : memref<128x128xf32, #tpu.memory_space<vmem>>)
      tpu.yield
    }) : () -> ()
    %mul3A_149 = arith.constant 640 : i32
    %mul3A_150 = arith.muli %arg1, %mul3A_149 : i32
    %add3A_151 = arith.constant 0 : i32
    %add3A_152 = arith.addi %mul3A_150, %add3A_151 : i32
    "tpu.region"() ({
      %run_scoped3A_225 = tpu.sem_alloc : memref<!tpu.dma_semaphore, #tpu.memory_space<semaphore_mem>>
      %dma_start3A_226 = arith.constant 0 : i32
      %dma_start3A_227 = tpu.memref_slice %arg9[%add3A_152, %dma_start3A_226] : memref<10240x128xf32, #tpu.memory_space<vmem_shared>> -> memref<128x128xf32, #tpu.memory_space<vmem_shared>>
      %dma_start3A_228 = arith.constant 0 : i32
      %dma_start3A_229 = tpu.memref_slice %arg9[%add3A_152, %dma_start3A_228] : memref<10240x128xf32, #tpu.memory_space<vmem_shared>> -> memref<128x128xf32, #tpu.memory_space<vmem_shared>>
      tpu.enqueue_dma source(%arg10 : memref<128x128xf32, #tpu.memory_space<vmem>>) target(%dma_start3A_229 : memref<128x128xf32, #tpu.memory_space<vmem_shared>>) target_semaphore(%run_scoped3A_225 : memref<!tpu.dma_semaphore, #tpu.memory_space<semaphore_mem>>)
      %dma_wait3A = arith.constant 0 : i32
      %dma_wait3A_230 = tpu.memref_slice %arg9[%add3A_152, %dma_wait3A] : memref<10240x128xf32, #tpu.memory_space<vmem_shared>> -> memref<128x128xf32, #tpu.memory_space<vmem_shared>>
      %dma_wait3A_231 = arith.constant 0 : i32
      %dma_wait3A_232 = tpu.memref_slice %arg9[%add3A_152, %dma_wait3A_231] : memref<10240x128xf32, #tpu.memory_space<vmem_shared>> -> memref<128x128xf32, #tpu.memory_space<vmem_shared>>
      tpu.wait_dma2 semaphore(%run_scoped3A_225 : memref<!tpu.dma_semaphore, #tpu.memory_space<semaphore_mem>>) src(%arg10 : memref<128x128xf32, #tpu.memory_space<vmem>>) dst(%dma_wait3A_232 : memref<128x128xf32, #tpu.memory_space<vmem_shared>>)
      tpu.yield
    }) : () -> ()
    %mul3A_153 = arith.constant 640 : i32
    %mul3A_154 = arith.muli %arg1, %mul3A_153 : i32
    %add3A_155 = arith.constant 128 : i32
    %add3A_156 = arith.addi %mul3A_154, %add3A_155 : i32
    "tpu.region"() ({
      %run_scoped3A_225 = tpu.sem_alloc : memref<!tpu.dma_semaphore, #tpu.memory_space<semaphore_mem>>
      %dma_start3A_226 = arith.constant 0 : i32
      %dma_start3A_227 = tpu.memref_slice %arg9[%add3A_156, %dma_start3A_226] : memref<10240x128xf32, #tpu.memory_space<vmem_shared>> -> memref<128x128xf32, #tpu.memory_space<vmem_shared>>
      %dma_start3A_228 = arith.constant 0 : i32
      %dma_start3A_229 = tpu.memref_slice %arg9[%add3A_156, %dma_start3A_228] : memref<10240x128xf32, #tpu.memory_space<vmem_shared>> -> memref<128x128xf32, #tpu.memory_space<vmem_shared>>
      tpu.enqueue_dma source(%arg10 : memref<128x128xf32, #tpu.memory_space<vmem>>) target(%dma_start3A_229 : memref<128x128xf32, #tpu.memory_space<vmem_shared>>) target_semaphore(%run_scoped3A_225 : memref<!tpu.dma_semaphore, #tpu.memory_space<semaphore_mem>>)
      %dma_wait3A = arith.constant 0 : i32
      %dma_wait3A_230 = tpu.memref_slice %arg9[%add3A_156, %dma_wait3A] : memref<10240x128xf32, #tpu.memory_space<vmem_shared>> -> memref<128x128xf32, #tpu.memory_space<vmem_shared>>
      %dma_wait3A_231 = arith.constant 0 : i32
      %dma_wait3A_232 = tpu.memref_slice %arg9[%add3A_156, %dma_wait3A_231] : memref<10240x128xf32, #tpu.memory_space<vmem_shared>> -> memref<128x128xf32, #tpu.memory_space<vmem_shared>>
      tpu.wait_dma2 semaphore(%run_scoped3A_225 : memref<!tpu.dma_semaphore, #tpu.memory_space<semaphore_mem>>) src(%arg10 : memref<128x128xf32, #tpu.memory_space<vmem>>) dst(%dma_wait3A_232 : memref<128x128xf32, #tpu.memory_space<vmem_shared>>)
      tpu.yield
    }) : () -> ()
    %mul3A_157 = arith.constant 640 : i32
    %mul3A_158 = arith.muli %arg1, %mul3A_157 : i32
    %add3A_159 = arith.constant 256 : i32
    %add3A_160 = arith.addi %mul3A_158, %add3A_159 : i32
    "tpu.region"() ({
      %run_scoped3A_225 = tpu.sem_alloc : memref<!tpu.dma_semaphore, #tpu.memory_space<semaphore_mem>>
      %dma_start3A_226 = arith.constant 0 : i32
      %dma_start3A_227 = tpu.memref_slice %arg9[%add3A_160, %dma_start3A_226] : memref<10240x128xf32, #tpu.memory_space<vmem_shared>> -> memref<128x128xf32, #tpu.memory_space<vmem_shared>>
      %dma_start3A_228 = arith.constant 0 : i32
      %dma_start3A_229 = tpu.memref_slice %arg9[%add3A_160, %dma_start3A_228] : memref<10240x128xf32, #tpu.memory_space<vmem_shared>> -> memref<128x128xf32, #tpu.memory_space<vmem_shared>>
      tpu.enqueue_dma source(%arg10 : memref<128x128xf32, #tpu.memory_space<vmem>>) target(%dma_start3A_229 : memref<128x128xf32, #tpu.memory_space<vmem_shared>>) target_semaphore(%run_scoped3A_225 : memref<!tpu.dma_semaphore, #tpu.memory_space<semaphore_mem>>)
      %dma_wait3A = arith.constant 0 : i32
      %dma_wait3A_230 = tpu.memref_slice %arg9[%add3A_160, %dma_wait3A] : memref<10240x128xf32, #tpu.memory_space<vmem_shared>> -> memref<128x128xf32, #tpu.memory_space<vmem_shared>>
      %dma_wait3A_231 = arith.constant 0 : i32
      %dma_wait3A_232 = tpu.memref_slice %arg9[%add3A_160, %dma_wait3A_231] : memref<10240x128xf32, #tpu.memory_space<vmem_shared>> -> memref<128x128xf32, #tpu.memory_space<vmem_shared>>
      tpu.wait_dma2 semaphore(%run_scoped3A_225 : memref<!tpu.dma_semaphore, #tpu.memory_space<semaphore_mem>>) src(%arg10 : memref<128x128xf32, #tpu.memory_space<vmem>>) dst(%dma_wait3A_232 : memref<128x128xf32, #tpu.memory_space<vmem_shared>>)
      tpu.yield
    }) : () -> ()
    %mul3A_161 = arith.constant 640 : i32
    %mul3A_162 = arith.muli %arg1, %mul3A_161 : i32
    %add3A_163 = arith.constant 384 : i32
    %add3A_164 = arith.addi %mul3A_162, %add3A_163 : i32
    "tpu.region"() ({
      %run_scoped3A_225 = tpu.sem_alloc : memref<!tpu.dma_semaphore, #tpu.memory_space<semaphore_mem>>
      %dma_start3A_226 = arith.constant 0 : i32
      %dma_start3A_227 = tpu.memref_slice %arg9[%add3A_164, %dma_start3A_226] : memref<10240x128xf32, #tpu.memory_space<vmem_shared>> -> memref<128x128xf32, #tpu.memory_space<vmem_shared>>
      %dma_start3A_228 = arith.constant 0 : i32
      %dma_start3A_229 = tpu.memref_slice %arg9[%add3A_164, %dma_start3A_228] : memref<10240x128xf32, #tpu.memory_space<vmem_shared>> -> memref<128x128xf32, #tpu.memory_space<vmem_shared>>
      tpu.enqueue_dma source(%arg10 : memref<128x128xf32, #tpu.memory_space<vmem>>) target(%dma_start3A_229 : memref<128x128xf32, #tpu.memory_space<vmem_shared>>) target_semaphore(%run_scoped3A_225 : memref<!tpu.dma_semaphore, #tpu.memory_space<semaphore_mem>>)
      %dma_wait3A = arith.constant 0 : i32
      %dma_wait3A_230 = tpu.memref_slice %arg9[%add3A_164, %dma_wait3A] : memref<10240x128xf32, #tpu.memory_space<vmem_shared>> -> memref<128x128xf32, #tpu.memory_space<vmem_shared>>
      %dma_wait3A_231 = arith.constant 0 : i32
      %dma_wait3A_232 = tpu.memref_slice %arg9[%add3A_164, %dma_wait3A_231] : memref<10240x128xf32, #tpu.memory_space<vmem_shared>> -> memref<128x128xf32, #tpu.memory_space<vmem_shared>>
      tpu.wait_dma2 semaphore(%run_scoped3A_225 : memref<!tpu.dma_semaphore, #tpu.memory_space<semaphore_mem>>) src(%arg10 : memref<128x128xf32, #tpu.memory_space<vmem>>) dst(%dma_wait3A_232 : memref<128x128xf32, #tpu.memory_space<vmem_shared>>)
      tpu.yield
    }) : () -> ()
    %mul3A_165 = arith.constant 640 : i32
    %mul3A_166 = arith.muli %arg1, %mul3A_165 : i32
    %add3A_167 = arith.constant 512 : i32
    %add3A_168 = arith.addi %mul3A_166, %add3A_167 : i32
    "tpu.region"() ({
      %run_scoped3A_225 = tpu.sem_alloc : memref<!tpu.dma_semaphore, #tpu.memory_space<semaphore_mem>>
      %dma_start3A_226 = arith.constant 0 : i32
      %dma_start3A_227 = tpu.memref_slice %arg9[%add3A_168, %dma_start3A_226] : memref<10240x128xf32, #tpu.memory_space<vmem_shared>> -> memref<128x128xf32, #tpu.memory_space<vmem_shared>>
      %dma_start3A_228 = arith.constant 0 : i32
      %dma_start3A_229 = tpu.memref_slice %arg9[%add3A_168, %dma_start3A_228] : memref<10240x128xf32, #tpu.memory_space<vmem_shared>> -> memref<128x128xf32, #tpu.memory_space<vmem_shared>>
      tpu.enqueue_dma source(%arg10 : memref<128x128xf32, #tpu.memory_space<vmem>>) target(%dma_start3A_229 : memref<128x128xf32, #tpu.memory_space<vmem_shared>>) target_semaphore(%run_scoped3A_225 : memref<!tpu.dma_semaphore, #tpu.memory_space<semaphore_mem>>)
      %dma_wait3A = arith.constant 0 : i32
      %dma_wait3A_230 = tpu.memref_slice %arg9[%add3A_168, %dma_wait3A] : memref<10240x128xf32, #tpu.memory_space<vmem_shared>> -> memref<128x128xf32, #tpu.memory_space<vmem_shared>>
      %dma_wait3A_231 = arith.constant 0 : i32
      %dma_wait3A_232 = tpu.memref_slice %arg9[%add3A_168, %dma_wait3A_231] : memref<10240x128xf32, #tpu.memory_space<vmem_shared>> -> memref<128x128xf32, #tpu.memory_space<vmem_shared>>
      tpu.wait_dma2 semaphore(%run_scoped3A_225 : memref<!tpu.dma_semaphore, #tpu.memory_space<semaphore_mem>>) src(%arg10 : memref<128x128xf32, #tpu.memory_space<vmem>>) dst(%dma_wait3A_232 : memref<128x128xf32, #tpu.memory_space<vmem_shared>>)
      tpu.yield
    }) : () -> ()
    %barrier3A_169 = arith.constant 0 : index
    tpu.barrier barrier_id(%barrier3A_169)
    %run_scoped3A_170 = arith.constant 2 : i32
    %run_scoped3A_171 = arith.constant 0 : i32
    "tpu.region"() ({
      %run_scoped3A_225 = tpu.sem_alloc : memref<!tpu.dma_semaphore, #tpu.memory_space<semaphore_mem>>
      %dma_start3A_226 = arith.constant 0 : i32
      %dma_start3A_227 = arith.constant 0 : i32
      %dma_start3A_228 = tpu.memref_slice %arg5[%run_scoped3A_170, %add3A, %run_scoped3A_171, %dma_start3A_226, %dma_start3A_227] : memref<3x32x2x40x128xi32, #tpu.memory_space<hbm>> -> memref<1x1x1x40x128xi32, #tpu.memory_space<hbm>>
      %dma_start3A_229 = tpu.memref_squeeze %dma_start3A_228 : memref<1x1x1x40x128xi32, #tpu.memory_space<hbm>> -> memref<40x128xi32, #tpu.memory_space<hbm>>
      %dma_start3A_230 = arith.constant 0 : i32
      %dma_start3A_231 = arith.constant 0 : i32
      %dma_start3A_232 = tpu.memref_slice %arg5[%run_scoped3A_170, %add3A, %run_scoped3A_171, %dma_start3A_230, %dma_start3A_231] : memref<3x32x2x40x128xi32, #tpu.memory_space<hbm>> -> memref<1x1x1x40x128xi32, #tpu.memory_space<hbm>>
      %dma_start3A_233 = tpu.memref_squeeze %dma_start3A_232 : memref<1x1x1x40x128xi32, #tpu.memory_space<hbm>> -> memref<40x128xi32, #tpu.memory_space<hbm>>
      tpu.enqueue_dma source(%dma_start3A_233 : memref<40x128xi32, #tpu.memory_space<hbm>>) target(%arg12 : memref<40x128xi32, #tpu.memory_space<vmem>>) target_semaphore(%run_scoped3A_225 : memref<!tpu.dma_semaphore, #tpu.memory_space<semaphore_mem>>)
      %dma_wait3A = arith.constant 0 : i32
      %dma_wait3A_234 = arith.constant 0 : i32
      %dma_wait3A_235 = tpu.memref_slice %arg5[%run_scoped3A_170, %add3A, %run_scoped3A_171, %dma_wait3A, %dma_wait3A_234] : memref<3x32x2x40x128xi32, #tpu.memory_space<hbm>> -> memref<1x1x1x40x128xi32, #tpu.memory_space<hbm>>
      %dma_wait3A_236 = tpu.memref_squeeze %dma_wait3A_235 : memref<1x1x1x40x128xi32, #tpu.memory_space<hbm>> -> memref<40x128xi32, #tpu.memory_space<hbm>>
      %dma_wait3A_237 = arith.constant 0 : i32
      %dma_wait3A_238 = arith.constant 0 : i32
      %dma_wait3A_239 = tpu.memref_slice %arg5[%run_scoped3A_170, %add3A, %run_scoped3A_171, %dma_wait3A_237, %dma_wait3A_238] : memref<3x32x2x40x128xi32, #tpu.memory_space<hbm>> -> memref<1x1x1x40x128xi32, #tpu.memory_space<hbm>>
      %dma_wait3A_240 = tpu.memref_squeeze %dma_wait3A_239 : memref<1x1x1x40x128xi32, #tpu.memory_space<hbm>> -> memref<40x128xi32, #tpu.memory_space<hbm>>
      tpu.wait_dma2 semaphore(%run_scoped3A_225 : memref<!tpu.dma_semaphore, #tpu.memory_space<semaphore_mem>>) src(%dma_wait3A_240 : memref<40x128xi32, #tpu.memory_space<hbm>>) dst(%arg12 : memref<40x128xi32, #tpu.memory_space<vmem>>)
      tpu.yield
    }) : () -> ()
    %run_scoped3A_172 = arith.constant 2 : i32
    %run_scoped3A_173 = arith.constant 0 : i32
    "tpu.region"() ({
      %run_scoped3A_225 = tpu.sem_alloc : memref<!tpu.dma_semaphore, #tpu.memory_space<semaphore_mem>>
      %dma_start3A_226 = arith.constant 0 : i32
      %dma_start3A_227 = arith.constant 0 : i32
      %dma_start3A_228 = tpu.memref_slice %arg6[%run_scoped3A_172, %add3A, %run_scoped3A_173, %dma_start3A_226, %dma_start3A_227] : memref<3x32x2x40x128xi32, #tpu.memory_space<hbm>> -> memref<1x1x1x40x128xi32, #tpu.memory_space<hbm>>
      %dma_start3A_229 = tpu.memref_squeeze %dma_start3A_228 : memref<1x1x1x40x128xi32, #tpu.memory_space<hbm>> -> memref<40x128xi32, #tpu.memory_space<hbm>>
      %dma_start3A_230 = arith.constant 0 : i32
      %dma_start3A_231 = arith.constant 0 : i32
      %dma_start3A_232 = tpu.memref_slice %arg6[%run_scoped3A_172, %add3A, %run_scoped3A_173, %dma_start3A_230, %dma_start3A_231] : memref<3x32x2x40x128xi32, #tpu.memory_space<hbm>> -> memref<1x1x1x40x128xi32, #tpu.memory_space<hbm>>
      %dma_start3A_233 = tpu.memref_squeeze %dma_start3A_232 : memref<1x1x1x40x128xi32, #tpu.memory_space<hbm>> -> memref<40x128xi32, #tpu.memory_space<hbm>>
      tpu.enqueue_dma source(%dma_start3A_233 : memref<40x128xi32, #tpu.memory_space<hbm>>) target(%arg13 : memref<40x128xi32, #tpu.memory_space<vmem>>) target_semaphore(%run_scoped3A_225 : memref<!tpu.dma_semaphore, #tpu.memory_space<semaphore_mem>>)
      %dma_wait3A = arith.constant 0 : i32
      %dma_wait3A_234 = arith.constant 0 : i32
      %dma_wait3A_235 = tpu.memref_slice %arg6[%run_scoped3A_172, %add3A, %run_scoped3A_173, %dma_wait3A, %dma_wait3A_234] : memref<3x32x2x40x128xi32, #tpu.memory_space<hbm>> -> memref<1x1x1x40x128xi32, #tpu.memory_space<hbm>>
      %dma_wait3A_236 = tpu.memref_squeeze %dma_wait3A_235 : memref<1x1x1x40x128xi32, #tpu.memory_space<hbm>> -> memref<40x128xi32, #tpu.memory_space<hbm>>
      %dma_wait3A_237 = arith.constant 0 : i32
      %dma_wait3A_238 = arith.constant 0 : i32
      %dma_wait3A_239 = tpu.memref_slice %arg6[%run_scoped3A_172, %add3A, %run_scoped3A_173, %dma_wait3A_237, %dma_wait3A_238] : memref<3x32x2x40x128xi32, #tpu.memory_space<hbm>> -> memref<1x1x1x40x128xi32, #tpu.memory_space<hbm>>
      %dma_wait3A_240 = tpu.memref_squeeze %dma_wait3A_239 : memref<1x1x1x40x128xi32, #tpu.memory_space<hbm>> -> memref<40x128xi32, #tpu.memory_space<hbm>>
      tpu.wait_dma2 semaphore(%run_scoped3A_225 : memref<!tpu.dma_semaphore, #tpu.memory_space<semaphore_mem>>) src(%dma_wait3A_240 : memref<40x128xi32, #tpu.memory_space<hbm>>) dst(%arg13 : memref<40x128xi32, #tpu.memory_space<vmem>>)
      tpu.yield
    }) : () -> ()
    %dma_start3A_174 = arith.constant 0 : i32
    %dma_start3A_175 = arith.constant 0 : i32
    %dma_start3A_176 = tpu.memref_slice %arg12[%dma_start3A_174, %dma_start3A_175] : memref<40x128xi32, #tpu.memory_space<vmem>> -> memref<1x128xi32, #tpu.memory_space<vmem>>
    %dma_start3A_177 = tpu.memref_squeeze %dma_start3A_176 : memref<1x128xi32, #tpu.memory_space<vmem>> -> memref<128xi32, #tpu.memory_space<vmem>>
    %dma_start3A_178 = arith.constant 0 : i32
    %dma_start3A_179 = arith.constant 0 : i32
    %dma_start3A_180 = tpu.memref_slice %arg4[%dma_start3A_178, %dma_start3A_179] : memref<10240x128xf32, #tpu.memory_space<hbm>> -> memref<10240x128xf32, #tpu.memory_space<hbm>>
    tpu.enqueue_indirect_dma source(%dma_start3A_180 : memref<10240x128xf32, #tpu.memory_space<hbm>>) target(%arg10 : memref<128x128xf32, #tpu.memory_space<vmem>>) offsets(%dma_start3A_177 : memref<128xi32, #tpu.memory_space<vmem>>) semaphore(%arg14 : memref<!tpu.dma_semaphore, #tpu.memory_space<semaphore_mem>>)
    %dma_start3A_181 = arith.constant 1 : i32
    %dma_start3A_182 = arith.constant 0 : i32
    %dma_start3A_183 = tpu.memref_slice %arg12[%dma_start3A_181, %dma_start3A_182] : memref<40x128xi32, #tpu.memory_space<vmem>> -> memref<1x128xi32, #tpu.memory_space<vmem>>
    %dma_start3A_184 = tpu.memref_squeeze %dma_start3A_183 : memref<1x128xi32, #tpu.memory_space<vmem>> -> memref<128xi32, #tpu.memory_space<vmem>>
    %dma_start3A_185 = arith.constant 0 : i32
    %dma_start3A_186 = arith.constant 0 : i32
    %dma_start3A_187 = tpu.memref_slice %arg4[%dma_start3A_185, %dma_start3A_186] : memref<10240x128xf32, #tpu.memory_space<hbm>> -> memref<10240x128xf32, #tpu.memory_space<hbm>>
    tpu.enqueue_indirect_dma source(%dma_start3A_187 : memref<10240x128xf32, #tpu.memory_space<hbm>>) target(%arg11 : memref<128x128xf32, #tpu.memory_space<vmem>>) offsets(%dma_start3A_184 : memref<128xi32, #tpu.memory_space<vmem>>) semaphore(%arg15 : memref<!tpu.dma_semaphore, #tpu.memory_space<semaphore_mem>>)
    %scan3A_188 = arith.constant 0 : i32
    %scan3A_189 = arith.constant 0 : i32
    %scan3A_190 = arith.constant 20 : i32
    %scan3A_191 = arith.addi %scan3A_189, %scan3A_190 : i32
    %scan3A_192 = arith.constant 1 : i32
    scf.for %scan3A_225 = %scan3A_189 to %scan3A_191 step %scan3A_192  : i32 {
      %mul3A_226 = arith.constant 2 : i32
      %mul3A_227 = arith.muli %mul3A_226, %scan3A_225 : i32
      %dma_wait3A = arith.constant 0 : i32
      %dma_wait3A_228 = tpu.memref_slice %arg12[%mul3A_227, %dma_wait3A] : memref<40x128xi32, #tpu.memory_space<vmem>> -> memref<1x128xi32, #tpu.memory_space<vmem>>
      %dma_wait3A_229 = tpu.memref_squeeze %dma_wait3A_228 : memref<1x128xi32, #tpu.memory_space<vmem>> -> memref<128xi32, #tpu.memory_space<vmem>>
      %dma_wait3A_230 = arith.constant 0 : i32
      %dma_wait3A_231 = arith.constant 0 : i32
      %dma_wait3A_232 = tpu.memref_slice %arg4[%dma_wait3A_230, %dma_wait3A_231] : memref<10240x128xf32, #tpu.memory_space<hbm>> -> memref<10240x128xf32, #tpu.memory_space<hbm>>
      tpu.wait_indirect_dma semaphore(%arg14 : memref<!tpu.dma_semaphore, #tpu.memory_space<semaphore_mem>>) src(%dma_wait3A_232 : memref<10240x128xf32, #tpu.memory_space<hbm>>) dst(%arg10 : memref<128x128xf32, #tpu.memory_space<vmem>>)
      "tpu.region"() ({
        %run_scoped3A_254 = tpu.sem_alloc : memref<!tpu.dma_semaphore, #tpu.memory_space<semaphore_mem>>
        %dma_start3A_255 = arith.constant 0 : i32
        %dma_start3A_256 = tpu.memref_slice %arg13[%mul3A_227, %dma_start3A_255] : memref<40x128xi32, #tpu.memory_space<vmem>> -> memref<1x128xi32, #tpu.memory_space<vmem>>
        %dma_start3A_257 = tpu.memref_squeeze %dma_start3A_256 : memref<1x128xi32, #tpu.memory_space<vmem>> -> memref<128xi32, #tpu.memory_space<vmem>>
        %dma_start3A_258 = arith.constant 0 : i32
        %dma_start3A_259 = arith.constant 0 : i32
        %dma_start3A_260 = tpu.memref_slice %arg9[%dma_start3A_258, %dma_start3A_259] : memref<10240x128xf32, #tpu.memory_space<vmem_shared>> -> memref<10240x128xf32, #tpu.memory_space<vmem_shared>>
        tpu.enqueue_indirect_dma source(%arg10 : memref<128x128xf32, #tpu.memory_space<vmem>>) target(%dma_start3A_260 : memref<10240x128xf32, #tpu.memory_space<vmem_shared>>) offsets(%dma_start3A_257 : memref<128xi32, #tpu.memory_space<vmem>>) semaphore(%run_scoped3A_254 : memref<!tpu.dma_semaphore, #tpu.memory_space<semaphore_mem>>) {add = true}
        %dma_wait3A_261 = arith.constant 0 : i32
        %dma_wait3A_262 = tpu.memref_slice %arg13[%mul3A_227, %dma_wait3A_261] : memref<40x128xi32, #tpu.memory_space<vmem>> -> memref<1x128xi32, #tpu.memory_space<vmem>>
        %dma_wait3A_263 = tpu.memref_squeeze %dma_wait3A_262 : memref<1x128xi32, #tpu.memory_space<vmem>> -> memref<128xi32, #tpu.memory_space<vmem>>
        %dma_wait3A_264 = arith.constant 0 : i32
        %dma_wait3A_265 = arith.constant 0 : i32
        %dma_wait3A_266 = tpu.memref_slice %arg9[%dma_wait3A_264, %dma_wait3A_265] : memref<10240x128xf32, #tpu.memory_space<vmem_shared>> -> memref<10240x128xf32, #tpu.memory_space<vmem_shared>>
        tpu.wait_indirect_dma semaphore(%run_scoped3A_254 : memref<!tpu.dma_semaphore, #tpu.memory_space<semaphore_mem>>) src(%arg10 : memref<128x128xf32, #tpu.memory_space<vmem>>) dst(%dma_wait3A_266 : memref<10240x128xf32, #tpu.memory_space<vmem_shared>>)
        tpu.yield
      }) : () -> ()
      %add3A_233 = arith.constant 2 : i32
      %add3A_234 = arith.addi %mul3A_227, %add3A_233 : i32
      %lt3A = arith.constant 40 : i32
      %lt3A_235 = arith.cmpi slt, %add3A_234, %lt3A : i32
      %convert_element_type3A = arith.extui %lt3A_235 : i1 to i32
      %cond3A = arith.constant 0 : i32
      %cond3A_236 = arith.cmpi ne, %convert_element_type3A, %cond3A : i32
      scf.if %cond3A_236 {
        %add3A_254 = arith.constant 2 : i32
        %add3A_255 = arith.addi %mul3A_227, %add3A_254 : i32
        %dma_start3A_256 = arith.constant 0 : i32
        %dma_start3A_257 = tpu.memref_slice %arg12[%add3A_255, %dma_start3A_256] : memref<40x128xi32, #tpu.memory_space<vmem>> -> memref<1x128xi32, #tpu.memory_space<vmem>>
        %dma_start3A_258 = tpu.memref_squeeze %dma_start3A_257 : memref<1x128xi32, #tpu.memory_space<vmem>> -> memref<128xi32, #tpu.memory_space<vmem>>
        %dma_start3A_259 = arith.constant 0 : i32
        %dma_start3A_260 = arith.constant 0 : i32
        %dma_start3A_261 = tpu.memref_slice %arg4[%dma_start3A_259, %dma_start3A_260] : memref<10240x128xf32, #tpu.memory_space<hbm>> -> memref<10240x128xf32, #tpu.memory_space<hbm>>
        tpu.enqueue_indirect_dma source(%dma_start3A_261 : memref<10240x128xf32, #tpu.memory_space<hbm>>) target(%arg10 : memref<128x128xf32, #tpu.memory_space<vmem>>) offsets(%dma_start3A_258 : memref<128xi32, #tpu.memory_space<vmem>>) semaphore(%arg14 : memref<!tpu.dma_semaphore, #tpu.memory_space<semaphore_mem>>)
      } else {
      }
      %add3A_237 = arith.constant 1 : i32
      %add3A_238 = arith.addi %mul3A_227, %add3A_237 : i32
      %dma_wait3A_239 = arith.constant 0 : i32
      %dma_wait3A_240 = tpu.memref_slice %arg12[%add3A_238, %dma_wait3A_239] : memref<40x128xi32, #tpu.memory_space<vmem>> -> memref<1x128xi32, #tpu.memory_space<vmem>>
      %dma_wait3A_241 = tpu.memref_squeeze %dma_wait3A_240 : memref<1x128xi32, #tpu.memory_space<vmem>> -> memref<128xi32, #tpu.memory_space<vmem>>
      %dma_wait3A_242 = arith.constant 0 : i32
      %dma_wait3A_243 = arith.constant 0 : i32
      %dma_wait3A_244 = tpu.memref_slice %arg4[%dma_wait3A_242, %dma_wait3A_243] : memref<10240x128xf32, #tpu.memory_space<hbm>> -> memref<10240x128xf32, #tpu.memory_space<hbm>>
      tpu.wait_indirect_dma semaphore(%arg15 : memref<!tpu.dma_semaphore, #tpu.memory_space<semaphore_mem>>) src(%dma_wait3A_244 : memref<10240x128xf32, #tpu.memory_space<hbm>>) dst(%arg11 : memref<128x128xf32, #tpu.memory_space<vmem>>)
      %add3A_245 = arith.constant 1 : i32
      %add3A_246 = arith.addi %mul3A_227, %add3A_245 : i32
      "tpu.region"() ({
        %run_scoped3A_254 = tpu.sem_alloc : memref<!tpu.dma_semaphore, #tpu.memory_space<semaphore_mem>>
        %dma_start3A_255 = arith.constant 0 : i32
        %dma_start3A_256 = tpu.memref_slice %arg13[%add3A_246, %dma_start3A_255] : memref<40x128xi32, #tpu.memory_space<vmem>> -> memref<1x128xi32, #tpu.memory_space<vmem>>
        %dma_start3A_257 = tpu.memref_squeeze %dma_start3A_256 : memref<1x128xi32, #tpu.memory_space<vmem>> -> memref<128xi32, #tpu.memory_space<vmem>>
        %dma_start3A_258 = arith.constant 0 : i32
        %dma_start3A_259 = arith.constant 0 : i32
        %dma_start3A_260 = tpu.memref_slice %arg9[%dma_start3A_258, %dma_start3A_259] : memref<10240x128xf32, #tpu.memory_space<vmem_shared>> -> memref<10240x128xf32, #tpu.memory_space<vmem_shared>>
        tpu.enqueue_indirect_dma source(%arg11 : memref<128x128xf32, #tpu.memory_space<vmem>>) target(%dma_start3A_260 : memref<10240x128xf32, #tpu.memory_space<vmem_shared>>) offsets(%dma_start3A_257 : memref<128xi32, #tpu.memory_space<vmem>>) semaphore(%run_scoped3A_254 : memref<!tpu.dma_semaphore, #tpu.memory_space<semaphore_mem>>) {add = true}
        %dma_wait3A_261 = arith.constant 0 : i32
        %dma_wait3A_262 = tpu.memref_slice %arg13[%add3A_246, %dma_wait3A_261] : memref<40x128xi32, #tpu.memory_space<vmem>> -> memref<1x128xi32, #tpu.memory_space<vmem>>
        %dma_wait3A_263 = tpu.memref_squeeze %dma_wait3A_262 : memref<1x128xi32, #tpu.memory_space<vmem>> -> memref<128xi32, #tpu.memory_space<vmem>>
        %dma_wait3A_264 = arith.constant 0 : i32
        %dma_wait3A_265 = arith.constant 0 : i32
        %dma_wait3A_266 = tpu.memref_slice %arg9[%dma_wait3A_264, %dma_wait3A_265] : memref<10240x128xf32, #tpu.memory_space<vmem_shared>> -> memref<10240x128xf32, #tpu.memory_space<vmem_shared>>
        tpu.wait_indirect_dma semaphore(%run_scoped3A_254 : memref<!tpu.dma_semaphore, #tpu.memory_space<semaphore_mem>>) src(%arg11 : memref<128x128xf32, #tpu.memory_space<vmem>>) dst(%dma_wait3A_266 : memref<10240x128xf32, #tpu.memory_space<vmem_shared>>)
        tpu.yield
      }) : () -> ()
      %add3A_247 = arith.constant 3 : i32
      %add3A_248 = arith.addi %mul3A_227, %add3A_247 : i32
      %lt3A_249 = arith.constant 40 : i32
      %lt3A_250 = arith.cmpi slt, %add3A_248, %lt3A_249 : i32
      %convert_element_type3A_251 = arith.extui %lt3A_250 : i1 to i32
      %cond3A_252 = arith.constant 0 : i32
      %cond3A_253 = arith.cmpi ne, %convert_element_type3A_251, %cond3A_252 : i32
      scf.if %cond3A_253 {
        %add3A_254 = arith.constant 3 : i32
        %add3A_255 = arith.addi %mul3A_227, %add3A_254 : i32
        %dma_start3A_256 = arith.constant 0 : i32
        %dma_start3A_257 = tpu.memref_slice %arg12[%add3A_255, %dma_start3A_256] : memref<40x128xi32, #tpu.memory_space<vmem>> -> memref<1x128xi32, #tpu.memory_space<vmem>>
        %dma_start3A_258 = tpu.memref_squeeze %dma_start3A_257 : memref<1x128xi32, #tpu.memory_space<vmem>> -> memref<128xi32, #tpu.memory_space<vmem>>
        %dma_start3A_259 = arith.constant 0 : i32
        %dma_start3A_260 = arith.constant 0 : i32
        %dma_start3A_261 = tpu.memref_slice %arg4[%dma_start3A_259, %dma_start3A_260] : memref<10240x128xf32, #tpu.memory_space<hbm>> -> memref<10240x128xf32, #tpu.memory_space<hbm>>
        tpu.enqueue_indirect_dma source(%dma_start3A_261 : memref<10240x128xf32, #tpu.memory_space<hbm>>) target(%arg11 : memref<128x128xf32, #tpu.memory_space<vmem>>) offsets(%dma_start3A_258 : memref<128xi32, #tpu.memory_space<vmem>>) semaphore(%arg15 : memref<!tpu.dma_semaphore, #tpu.memory_space<semaphore_mem>>)
      } else {
      }
    }
    %scan3A_193 = arith.constant 20 : i32
    %run_scoped3A_194 = arith.constant 2 : i32
    %run_scoped3A_195 = arith.constant 1 : i32
    "tpu.region"() ({
      %run_scoped3A_225 = tpu.sem_alloc : memref<!tpu.dma_semaphore, #tpu.memory_space<semaphore_mem>>
      %dma_start3A_226 = arith.constant 0 : i32
      %dma_start3A_227 = arith.constant 0 : i32
      %dma_start3A_228 = tpu.memref_slice %arg5[%run_scoped3A_194, %add3A, %run_scoped3A_195, %dma_start3A_226, %dma_start3A_227] : memref<3x32x2x40x128xi32, #tpu.memory_space<hbm>> -> memref<1x1x1x40x128xi32, #tpu.memory_space<hbm>>
      %dma_start3A_229 = tpu.memref_squeeze %dma_start3A_228 : memref<1x1x1x40x128xi32, #tpu.memory_space<hbm>> -> memref<40x128xi32, #tpu.memory_space<hbm>>
      %dma_start3A_230 = arith.constant 0 : i32
      %dma_start3A_231 = arith.constant 0 : i32
      %dma_start3A_232 = tpu.memref_slice %arg5[%run_scoped3A_194, %add3A, %run_scoped3A_195, %dma_start3A_230, %dma_start3A_231] : memref<3x32x2x40x128xi32, #tpu.memory_space<hbm>> -> memref<1x1x1x40x128xi32, #tpu.memory_space<hbm>>
      %dma_start3A_233 = tpu.memref_squeeze %dma_start3A_232 : memref<1x1x1x40x128xi32, #tpu.memory_space<hbm>> -> memref<40x128xi32, #tpu.memory_space<hbm>>
      tpu.enqueue_dma source(%dma_start3A_233 : memref<40x128xi32, #tpu.memory_space<hbm>>) target(%arg12 : memref<40x128xi32, #tpu.memory_space<vmem>>) target_semaphore(%run_scoped3A_225 : memref<!tpu.dma_semaphore, #tpu.memory_space<semaphore_mem>>)
      %dma_wait3A = arith.constant 0 : i32
      %dma_wait3A_234 = arith.constant 0 : i32
      %dma_wait3A_235 = tpu.memref_slice %arg5[%run_scoped3A_194, %add3A, %run_scoped3A_195, %dma_wait3A, %dma_wait3A_234] : memref<3x32x2x40x128xi32, #tpu.memory_space<hbm>> -> memref<1x1x1x40x128xi32, #tpu.memory_space<hbm>>
      %dma_wait3A_236 = tpu.memref_squeeze %dma_wait3A_235 : memref<1x1x1x40x128xi32, #tpu.memory_space<hbm>> -> memref<40x128xi32, #tpu.memory_space<hbm>>
      %dma_wait3A_237 = arith.constant 0 : i32
      %dma_wait3A_238 = arith.constant 0 : i32
      %dma_wait3A_239 = tpu.memref_slice %arg5[%run_scoped3A_194, %add3A, %run_scoped3A_195, %dma_wait3A_237, %dma_wait3A_238] : memref<3x32x2x40x128xi32, #tpu.memory_space<hbm>> -> memref<1x1x1x40x128xi32, #tpu.memory_space<hbm>>
      %dma_wait3A_240 = tpu.memref_squeeze %dma_wait3A_239 : memref<1x1x1x40x128xi32, #tpu.memory_space<hbm>> -> memref<40x128xi32, #tpu.memory_space<hbm>>
      tpu.wait_dma2 semaphore(%run_scoped3A_225 : memref<!tpu.dma_semaphore, #tpu.memory_space<semaphore_mem>>) src(%dma_wait3A_240 : memref<40x128xi32, #tpu.memory_space<hbm>>) dst(%arg12 : memref<40x128xi32, #tpu.memory_space<vmem>>)
      tpu.yield
    }) : () -> ()
    %run_scoped3A_196 = arith.constant 2 : i32
    %run_scoped3A_197 = arith.constant 1 : i32
    "tpu.region"() ({
      %run_scoped3A_225 = tpu.sem_alloc : memref<!tpu.dma_semaphore, #tpu.memory_space<semaphore_mem>>
      %dma_start3A_226 = arith.constant 0 : i32
      %dma_start3A_227 = arith.constant 0 : i32
      %dma_start3A_228 = tpu.memref_slice %arg6[%run_scoped3A_196, %add3A, %run_scoped3A_197, %dma_start3A_226, %dma_start3A_227] : memref<3x32x2x40x128xi32, #tpu.memory_space<hbm>> -> memref<1x1x1x40x128xi32, #tpu.memory_space<hbm>>
      %dma_start3A_229 = tpu.memref_squeeze %dma_start3A_228 : memref<1x1x1x40x128xi32, #tpu.memory_space<hbm>> -> memref<40x128xi32, #tpu.memory_space<hbm>>
      %dma_start3A_230 = arith.constant 0 : i32
      %dma_start3A_231 = arith.constant 0 : i32
      %dma_start3A_232 = tpu.memref_slice %arg6[%run_scoped3A_196, %add3A, %run_scoped3A_197, %dma_start3A_230, %dma_start3A_231] : memref<3x32x2x40x128xi32, #tpu.memory_space<hbm>> -> memref<1x1x1x40x128xi32, #tpu.memory_space<hbm>>
      %dma_start3A_233 = tpu.memref_squeeze %dma_start3A_232 : memref<1x1x1x40x128xi32, #tpu.memory_space<hbm>> -> memref<40x128xi32, #tpu.memory_space<hbm>>
      tpu.enqueue_dma source(%dma_start3A_233 : memref<40x128xi32, #tpu.memory_space<hbm>>) target(%arg13 : memref<40x128xi32, #tpu.memory_space<vmem>>) target_semaphore(%run_scoped3A_225 : memref<!tpu.dma_semaphore, #tpu.memory_space<semaphore_mem>>)
      %dma_wait3A = arith.constant 0 : i32
      %dma_wait3A_234 = arith.constant 0 : i32
      %dma_wait3A_235 = tpu.memref_slice %arg6[%run_scoped3A_196, %add3A, %run_scoped3A_197, %dma_wait3A, %dma_wait3A_234] : memref<3x32x2x40x128xi32, #tpu.memory_space<hbm>> -> memref<1x1x1x40x128xi32, #tpu.memory_space<hbm>>
      %dma_wait3A_236 = tpu.memref_squeeze %dma_wait3A_235 : memref<1x1x1x40x128xi32, #tpu.memory_space<hbm>> -> memref<40x128xi32, #tpu.memory_space<hbm>>
      %dma_wait3A_237 = arith.constant 0 : i32
      %dma_wait3A_238 = arith.constant 0 : i32
      %dma_wait3A_239 = tpu.memref_slice %arg6[%run_scoped3A_196, %add3A, %run_scoped3A_197, %dma_wait3A_237, %dma_wait3A_238] : memref<3x32x2x40x128xi32, #tpu.memory_space<hbm>> -> memref<1x1x1x40x128xi32, #tpu.memory_space<hbm>>
      %dma_wait3A_240 = tpu.memref_squeeze %dma_wait3A_239 : memref<1x1x1x40x128xi32, #tpu.memory_space<hbm>> -> memref<40x128xi32, #tpu.memory_space<hbm>>
      tpu.wait_dma2 semaphore(%run_scoped3A_225 : memref<!tpu.dma_semaphore, #tpu.memory_space<semaphore_mem>>) src(%dma_wait3A_240 : memref<40x128xi32, #tpu.memory_space<hbm>>) dst(%arg13 : memref<40x128xi32, #tpu.memory_space<vmem>>)
      tpu.yield
    }) : () -> ()
    %dma_start3A_198 = arith.constant 0 : i32
    %dma_start3A_199 = arith.constant 0 : i32
    %dma_start3A_200 = tpu.memref_slice %arg12[%dma_start3A_198, %dma_start3A_199] : memref<40x128xi32, #tpu.memory_space<vmem>> -> memref<1x128xi32, #tpu.memory_space<vmem>>
    %dma_start3A_201 = tpu.memref_squeeze %dma_start3A_200 : memref<1x128xi32, #tpu.memory_space<vmem>> -> memref<128xi32, #tpu.memory_space<vmem>>
    %dma_start3A_202 = arith.constant 0 : i32
    %dma_start3A_203 = arith.constant 0 : i32
    %dma_start3A_204 = tpu.memref_slice %arg4[%dma_start3A_202, %dma_start3A_203] : memref<10240x128xf32, #tpu.memory_space<hbm>> -> memref<10240x128xf32, #tpu.memory_space<hbm>>
    tpu.enqueue_indirect_dma source(%dma_start3A_204 : memref<10240x128xf32, #tpu.memory_space<hbm>>) target(%arg10 : memref<128x128xf32, #tpu.memory_space<vmem>>) offsets(%dma_start3A_201 : memref<128xi32, #tpu.memory_space<vmem>>) semaphore(%arg14 : memref<!tpu.dma_semaphore, #tpu.memory_space<semaphore_mem>>)
    %dma_start3A_205 = arith.constant 1 : i32
    %dma_start3A_206 = arith.constant 0 : i32
    %dma_start3A_207 = tpu.memref_slice %arg12[%dma_start3A_205, %dma_start3A_206] : memref<40x128xi32, #tpu.memory_space<vmem>> -> memref<1x128xi32, #tpu.memory_space<vmem>>
    %dma_start3A_208 = tpu.memref_squeeze %dma_start3A_207 : memref<1x128xi32, #tpu.memory_space<vmem>> -> memref<128xi32, #tpu.memory_space<vmem>>
    %dma_start3A_209 = arith.constant 0 : i32
    %dma_start3A_210 = arith.constant 0 : i32
    %dma_start3A_211 = tpu.memref_slice %arg4[%dma_start3A_209, %dma_start3A_210] : memref<10240x128xf32, #tpu.memory_space<hbm>> -> memref<10240x128xf32, #tpu.memory_space<hbm>>
    tpu.enqueue_indirect_dma source(%dma_start3A_211 : memref<10240x128xf32, #tpu.memory_space<hbm>>) target(%arg11 : memref<128x128xf32, #tpu.memory_space<vmem>>) offsets(%dma_start3A_208 : memref<128xi32, #tpu.memory_space<vmem>>) semaphore(%arg15 : memref<!tpu.dma_semaphore, #tpu.memory_space<semaphore_mem>>)
    %scan3A_212 = arith.constant 0 : i32
    %scan3A_213 = arith.constant 0 : i32
    %scan3A_214 = arith.constant 20 : i32
    %scan3A_215 = arith.addi %scan3A_213, %scan3A_214 : i32
    %scan3A_216 = arith.constant 1 : i32
    scf.for %scan3A_225 = %scan3A_213 to %scan3A_215 step %scan3A_216  : i32 {
      %mul3A_226 = arith.constant 2 : i32
      %mul3A_227 = arith.muli %mul3A_226, %scan3A_225 : i32
      %dma_wait3A = arith.constant 0 : i32
      %dma_wait3A_228 = tpu.memref_slice %arg12[%mul3A_227, %dma_wait3A] : memref<40x128xi32, #tpu.memory_space<vmem>> -> memref<1x128xi32, #tpu.memory_space<vmem>>
      %dma_wait3A_229 = tpu.memref_squeeze %dma_wait3A_228 : memref<1x128xi32, #tpu.memory_space<vmem>> -> memref<128xi32, #tpu.memory_space<vmem>>
      %dma_wait3A_230 = arith.constant 0 : i32
      %dma_wait3A_231 = arith.constant 0 : i32
      %dma_wait3A_232 = tpu.memref_slice %arg4[%dma_wait3A_230, %dma_wait3A_231] : memref<10240x128xf32, #tpu.memory_space<hbm>> -> memref<10240x128xf32, #tpu.memory_space<hbm>>
      tpu.wait_indirect_dma semaphore(%arg14 : memref<!tpu.dma_semaphore, #tpu.memory_space<semaphore_mem>>) src(%dma_wait3A_232 : memref<10240x128xf32, #tpu.memory_space<hbm>>) dst(%arg10 : memref<128x128xf32, #tpu.memory_space<vmem>>)
      "tpu.region"() ({
        %run_scoped3A_254 = tpu.sem_alloc : memref<!tpu.dma_semaphore, #tpu.memory_space<semaphore_mem>>
        %dma_start3A_255 = arith.constant 0 : i32
        %dma_start3A_256 = tpu.memref_slice %arg13[%mul3A_227, %dma_start3A_255] : memref<40x128xi32, #tpu.memory_space<vmem>> -> memref<1x128xi32, #tpu.memory_space<vmem>>
        %dma_start3A_257 = tpu.memref_squeeze %dma_start3A_256 : memref<1x128xi32, #tpu.memory_space<vmem>> -> memref<128xi32, #tpu.memory_space<vmem>>
        %dma_start3A_258 = arith.constant 0 : i32
        %dma_start3A_259 = arith.constant 0 : i32
        %dma_start3A_260 = tpu.memref_slice %arg9[%dma_start3A_258, %dma_start3A_259] : memref<10240x128xf32, #tpu.memory_space<vmem_shared>> -> memref<10240x128xf32, #tpu.memory_space<vmem_shared>>
        tpu.enqueue_indirect_dma source(%arg10 : memref<128x128xf32, #tpu.memory_space<vmem>>) target(%dma_start3A_260 : memref<10240x128xf32, #tpu.memory_space<vmem_shared>>) offsets(%dma_start3A_257 : memref<128xi32, #tpu.memory_space<vmem>>) semaphore(%run_scoped3A_254 : memref<!tpu.dma_semaphore, #tpu.memory_space<semaphore_mem>>) {add = true}
        %dma_wait3A_261 = arith.constant 0 : i32
        %dma_wait3A_262 = tpu.memref_slice %arg13[%mul3A_227, %dma_wait3A_261] : memref<40x128xi32, #tpu.memory_space<vmem>> -> memref<1x128xi32, #tpu.memory_space<vmem>>
        %dma_wait3A_263 = tpu.memref_squeeze %dma_wait3A_262 : memref<1x128xi32, #tpu.memory_space<vmem>> -> memref<128xi32, #tpu.memory_space<vmem>>
        %dma_wait3A_264 = arith.constant 0 : i32
        %dma_wait3A_265 = arith.constant 0 : i32
        %dma_wait3A_266 = tpu.memref_slice %arg9[%dma_wait3A_264, %dma_wait3A_265] : memref<10240x128xf32, #tpu.memory_space<vmem_shared>> -> memref<10240x128xf32, #tpu.memory_space<vmem_shared>>
        tpu.wait_indirect_dma semaphore(%run_scoped3A_254 : memref<!tpu.dma_semaphore, #tpu.memory_space<semaphore_mem>>) src(%arg10 : memref<128x128xf32, #tpu.memory_space<vmem>>) dst(%dma_wait3A_266 : memref<10240x128xf32, #tpu.memory_space<vmem_shared>>)
        tpu.yield
      }) : () -> ()
      %add3A_233 = arith.constant 2 : i32
      %add3A_234 = arith.addi %mul3A_227, %add3A_233 : i32
      %lt3A = arith.constant 40 : i32
      %lt3A_235 = arith.cmpi slt, %add3A_234, %lt3A : i32
      %convert_element_type3A = arith.extui %lt3A_235 : i1 to i32
      %cond3A = arith.constant 0 : i32
      %cond3A_236 = arith.cmpi ne, %convert_element_type3A, %cond3A : i32
      scf.if %cond3A_236 {
        %add3A_254 = arith.constant 2 : i32
        %add3A_255 = arith.addi %mul3A_227, %add3A_254 : i32
        %dma_start3A_256 = arith.constant 0 : i32
        %dma_start3A_257 = tpu.memref_slice %arg12[%add3A_255, %dma_start3A_256] : memref<40x128xi32, #tpu.memory_space<vmem>> -> memref<1x128xi32, #tpu.memory_space<vmem>>
        %dma_start3A_258 = tpu.memref_squeeze %dma_start3A_257 : memref<1x128xi32, #tpu.memory_space<vmem>> -> memref<128xi32, #tpu.memory_space<vmem>>
        %dma_start3A_259 = arith.constant 0 : i32
        %dma_start3A_260 = arith.constant 0 : i32
        %dma_start3A_261 = tpu.memref_slice %arg4[%dma_start3A_259, %dma_start3A_260] : memref<10240x128xf32, #tpu.memory_space<hbm>> -> memref<10240x128xf32, #tpu.memory_space<hbm>>
        tpu.enqueue_indirect_dma source(%dma_start3A_261 : memref<10240x128xf32, #tpu.memory_space<hbm>>) target(%arg10 : memref<128x128xf32, #tpu.memory_space<vmem>>) offsets(%dma_start3A_258 : memref<128xi32, #tpu.memory_space<vmem>>) semaphore(%arg14 : memref<!tpu.dma_semaphore, #tpu.memory_space<semaphore_mem>>)
      } else {
      }
      %add3A_237 = arith.constant 1 : i32
      %add3A_238 = arith.addi %mul3A_227, %add3A_237 : i32
      %dma_wait3A_239 = arith.constant 0 : i32
      %dma_wait3A_240 = tpu.memref_slice %arg12[%add3A_238, %dma_wait3A_239] : memref<40x128xi32, #tpu.memory_space<vmem>> -> memref<1x128xi32, #tpu.memory_space<vmem>>
      %dma_wait3A_241 = tpu.memref_squeeze %dma_wait3A_240 : memref<1x128xi32, #tpu.memory_space<vmem>> -> memref<128xi32, #tpu.memory_space<vmem>>
      %dma_wait3A_242 = arith.constant 0 : i32
      %dma_wait3A_243 = arith.constant 0 : i32
      %dma_wait3A_244 = tpu.memref_slice %arg4[%dma_wait3A_242, %dma_wait3A_243] : memref<10240x128xf32, #tpu.memory_space<hbm>> -> memref<10240x128xf32, #tpu.memory_space<hbm>>
      tpu.wait_indirect_dma semaphore(%arg15 : memref<!tpu.dma_semaphore, #tpu.memory_space<semaphore_mem>>) src(%dma_wait3A_244 : memref<10240x128xf32, #tpu.memory_space<hbm>>) dst(%arg11 : memref<128x128xf32, #tpu.memory_space<vmem>>)
      %add3A_245 = arith.constant 1 : i32
      %add3A_246 = arith.addi %mul3A_227, %add3A_245 : i32
      "tpu.region"() ({
        %run_scoped3A_254 = tpu.sem_alloc : memref<!tpu.dma_semaphore, #tpu.memory_space<semaphore_mem>>
        %dma_start3A_255 = arith.constant 0 : i32
        %dma_start3A_256 = tpu.memref_slice %arg13[%add3A_246, %dma_start3A_255] : memref<40x128xi32, #tpu.memory_space<vmem>> -> memref<1x128xi32, #tpu.memory_space<vmem>>
        %dma_start3A_257 = tpu.memref_squeeze %dma_start3A_256 : memref<1x128xi32, #tpu.memory_space<vmem>> -> memref<128xi32, #tpu.memory_space<vmem>>
        %dma_start3A_258 = arith.constant 0 : i32
        %dma_start3A_259 = arith.constant 0 : i32
        %dma_start3A_260 = tpu.memref_slice %arg9[%dma_start3A_258, %dma_start3A_259] : memref<10240x128xf32, #tpu.memory_space<vmem_shared>> -> memref<10240x128xf32, #tpu.memory_space<vmem_shared>>
        tpu.enqueue_indirect_dma source(%arg11 : memref<128x128xf32, #tpu.memory_space<vmem>>) target(%dma_start3A_260 : memref<10240x128xf32, #tpu.memory_space<vmem_shared>>) offsets(%dma_start3A_257 : memref<128xi32, #tpu.memory_space<vmem>>) semaphore(%run_scoped3A_254 : memref<!tpu.dma_semaphore, #tpu.memory_space<semaphore_mem>>) {add = true}
        %dma_wait3A_261 = arith.constant 0 : i32
        %dma_wait3A_262 = tpu.memref_slice %arg13[%add3A_246, %dma_wait3A_261] : memref<40x128xi32, #tpu.memory_space<vmem>> -> memref<1x128xi32, #tpu.memory_space<vmem>>
        %dma_wait3A_263 = tpu.memref_squeeze %dma_wait3A_262 : memref<1x128xi32, #tpu.memory_space<vmem>> -> memref<128xi32, #tpu.memory_space<vmem>>
        %dma_wait3A_264 = arith.constant 0 : i32
        %dma_wait3A_265 = arith.constant 0 : i32
        %dma_wait3A_266 = tpu.memref_slice %arg9[%dma_wait3A_264, %dma_wait3A_265] : memref<10240x128xf32, #tpu.memory_space<vmem_shared>> -> memref<10240x128xf32, #tpu.memory_space<vmem_shared>>
        tpu.wait_indirect_dma semaphore(%run_scoped3A_254 : memref<!tpu.dma_semaphore, #tpu.memory_space<semaphore_mem>>) src(%arg11 : memref<128x128xf32, #tpu.memory_space<vmem>>) dst(%dma_wait3A_266 : memref<10240x128xf32, #tpu.memory_space<vmem_shared>>)
        tpu.yield
      }) : () -> ()
      %add3A_247 = arith.constant 3 : i32
      %add3A_248 = arith.addi %mul3A_227, %add3A_247 : i32
      %lt3A_249 = arith.constant 40 : i32
      %lt3A_250 = arith.cmpi slt, %add3A_248, %lt3A_249 : i32
      %convert_element_type3A_251 = arith.extui %lt3A_250 : i1 to i32
      %cond3A_252 = arith.constant 0 : i32
      %cond3A_253 = arith.cmpi ne, %convert_element_type3A_251, %cond3A_252 : i32
      scf.if %cond3A_253 {
        %add3A_254 = arith.constant 3 : i32
        %add3A_255 = arith.addi %mul3A_227, %add3A_254 : i32
        %dma_start3A_256 = arith.constant 0 : i32
        %dma_start3A_257 = tpu.memref_slice %arg12[%add3A_255, %dma_start3A_256] : memref<40x128xi32, #tpu.memory_space<vmem>> -> memref<1x128xi32, #tpu.memory_space<vmem>>
        %dma_start3A_258 = tpu.memref_squeeze %dma_start3A_257 : memref<1x128xi32, #tpu.memory_space<vmem>> -> memref<128xi32, #tpu.memory_space<vmem>>
        %dma_start3A_259 = arith.constant 0 : i32
        %dma_start3A_260 = arith.constant 0 : i32
        %dma_start3A_261 = tpu.memref_slice %arg4[%dma_start3A_259, %dma_start3A_260] : memref<10240x128xf32, #tpu.memory_space<hbm>> -> memref<10240x128xf32, #tpu.memory_space<hbm>>
        tpu.enqueue_indirect_dma source(%dma_start3A_261 : memref<10240x128xf32, #tpu.memory_space<hbm>>) target(%arg11 : memref<128x128xf32, #tpu.memory_space<vmem>>) offsets(%dma_start3A_258 : memref<128xi32, #tpu.memory_space<vmem>>) semaphore(%arg15 : memref<!tpu.dma_semaphore, #tpu.memory_space<semaphore_mem>>)
      } else {
      }
    }
    %scan3A_217 = arith.constant 20 : i32
    %barrier3A_218 = arith.constant 0 : index
    tpu.barrier barrier_id(%barrier3A_218)
    %mul3A_219 = arith.constant 640 : i32
    %mul3A_220 = arith.muli %arg1, %mul3A_219 : i32
    %mul3A_221 = arith.constant 640 : i32
    %mul3A_222 = arith.muli %arg1, %mul3A_221 : i32
    %run_scoped3A_223 = arith.constant 2 : i32
    "tpu.region"() ({
      %run_scoped3A_225 = tpu.sem_alloc : memref<!tpu.dma_semaphore, #tpu.memory_space<semaphore_mem>>
      %dma_start3A_226 = arith.constant 0 : i32
      %dma_start3A_227 = tpu.memref_slice %arg8[%run_scoped3A_223, %arg0, %mul3A_222, %dma_start3A_226] : memref<3x2x10240x128xf32, #tpu.memory_space<hbm>> -> memref<1x1x640x128xf32, #tpu.memory_space<hbm>>
      %dma_start3A_228 = tpu.memref_squeeze %dma_start3A_227 : memref<1x1x640x128xf32, #tpu.memory_space<hbm>> -> memref<640x128xf32, #tpu.memory_space<hbm>>
      %dma_start3A_229 = arith.constant 0 : i32
      %dma_start3A_230 = tpu.memref_slice %arg9[%mul3A_220, %dma_start3A_229] : memref<10240x128xf32, #tpu.memory_space<vmem_shared>> -> memref<640x128xf32, #tpu.memory_space<vmem_shared>>
      tpu.enqueue_dma source(%dma_start3A_230 : memref<640x128xf32, #tpu.memory_space<vmem_shared>>) target(%dma_start3A_228 : memref<640x128xf32, #tpu.memory_space<hbm>>) target_semaphore(%run_scoped3A_225 : memref<!tpu.dma_semaphore, #tpu.memory_space<semaphore_mem>>)
      %dma_wait3A = arith.constant 0 : i32
      %dma_wait3A_231 = tpu.memref_slice %arg8[%run_scoped3A_223, %arg0, %mul3A_222, %dma_wait3A] : memref<3x2x10240x128xf32, #tpu.memory_space<hbm>> -> memref<1x1x640x128xf32, #tpu.memory_space<hbm>>
      %dma_wait3A_232 = tpu.memref_squeeze %dma_wait3A_231 : memref<1x1x640x128xf32, #tpu.memory_space<hbm>> -> memref<640x128xf32, #tpu.memory_space<hbm>>
      %dma_wait3A_233 = arith.constant 0 : i32
      %dma_wait3A_234 = tpu.memref_slice %arg9[%mul3A_220, %dma_wait3A_233] : memref<10240x128xf32, #tpu.memory_space<vmem_shared>> -> memref<640x128xf32, #tpu.memory_space<vmem_shared>>
      tpu.wait_dma2 semaphore(%run_scoped3A_225 : memref<!tpu.dma_semaphore, #tpu.memory_space<semaphore_mem>>) src(%dma_wait3A_234 : memref<640x128xf32, #tpu.memory_space<vmem_shared>>) dst(%dma_wait3A_232 : memref<640x128xf32, #tpu.memory_space<hbm>>)
      tpu.yield
    }) : () -> ()
    %barrier3A_224 = arith.constant 0 : index
    tpu.barrier barrier_id(%barrier3A_224)
    return
  }
}

#map = affine_map<(d0, d1) -> (0, 0)>
#map1 = affine_map<(d0, d1) -> (0, 0, 0, 0, 0)>
#map2 = affine_map<(d0, d1) -> (0, 0, 0, 0)>
module attributes {stable_mosaic.version = 14 : i64} {
  func.func @_spmm_kernel(%arg0: i32, %arg1: i32, %arg2: memref<10240x128xf32, #tpu.memory_space<hbm>>, %arg3: memref<10240x128xf32, #tpu.memory_space<hbm>>, %arg4: memref<10240x128xf32, #tpu.memory_space<hbm>>, %arg5: memref<3x32x2x40x128xi32, #tpu.memory_space<hbm>>, %arg6: memref<3x32x2x40x128xi32, #tpu.memory_space<hbm>>, %arg7: memref<128x128xf32, #tpu.memory_space<hbm>>, %arg8: memref<3x2x10240x128xf32, #tpu.memory_space<hbm>>, %arg9: memref<10240x128xf32, #tpu.memory_space<vmem_shared>>, %arg10: memref<128x128xf32, #tpu.memory_space<vmem>>, %arg11: memref<128x128xf32, #tpu.memory_space<vmem>>, %arg12: memref<40x128xi32, #tpu.memory_space<vmem>>, %arg13: memref<40x128xi32, #tpu.memory_space<vmem>>, %arg14: memref<!tpu.dma_semaphore, #tpu.memory_space<semaphore_mem>>, %arg15: memref<!tpu.dma_semaphore, #tpu.memory_space<semaphore_mem>>) attributes {dimension_semantics = [#tpu.dimension_semantics<core_parallel>, #tpu.dimension_semantics<subcore_parallel>], iteration_bounds = array<i64: 2, 16>, scalar_prefetch = 0 : i64, scratch_operands = 7 : i64, tpu.core_type = #tpu.core_type<sc_vector_subcore>, window_params = [{transform_indices = #map}, {transform_indices = #map}, {transform_indices = #map}, {transform_indices = #map1}, {transform_indices = #map1}, {transform_indices = #map}, {transform_indices = #map2}]} {
    %mul3A = arith.constant 16 : i32
    %mul3A_0 = arith.muli %arg0, %mul3A : i32
    %add3A = arith.addi %mul3A_0, %arg1 : i32
    "tpu.region"() ({
      %run_scoped3A_225 = tpu.sem_alloc : memref<!tpu.dma_semaphore, #tpu.memory_space<semaphore_mem>>
      tpu.enqueue_dma source(%arg7 : memref<128x128xf32, #tpu.memory_space<hbm>>) target(%arg10 : memref<128x128xf32, #tpu.memory_space<vmem>>) target_semaphore(%run_scoped3A_225 : memref<!tpu.dma_semaphore, #tpu.memory_space<semaphore_mem>>)
      tpu.wait_dma2 semaphore(%run_scoped3A_225 : memref<!tpu.dma_semaphore, #tpu.memory_space<semaphore_mem>>) src(%arg7 : memref<128x128xf32, #tpu.memory_space<hbm>>) dst(%arg10 : memref<128x128xf32, #tpu.memory_space<vmem>>)
      tpu.yield
    }) : () -> ()
    %mul3A_1 = arith.constant 640 : i32
    %mul3A_2 = arith.muli %arg1, %mul3A_1 : i32
    %add3A_3 = arith.constant 0 : i32
    %add3A_4 = arith.addi %mul3A_2, %add3A_3 : i32
    "tpu.region"() ({
      %run_scoped3A_225 = tpu.sem_alloc : memref<!tpu.dma_semaphore, #tpu.memory_space<semaphore_mem>>
      %dma_start3A_226 = arith.constant 0 : i32
      %dma_start3A_227 = tpu.memref_slice %arg9[%add3A_4, %dma_start3A_226] : memref<10240x128xf32, #tpu.memory_space<vmem_shared>> -> memref<128x128xf32, #tpu.memory_space<vmem_shared>>
      %dma_start3A_228 = arith.constant 0 : i32
      %dma_start3A_229 = tpu.memref_slice %arg9[%add3A_4, %dma_start3A_228] : memref<10240x128xf32, #tpu.memory_space<vmem_shared>> -> memref<128x128xf32, #tpu.memory_space<vmem_shared>>
      tpu.enqueue_dma source(%arg10 : memref<128x128xf32, #tpu.memory_space<vmem>>) target(%dma_start3A_229 : memref<128x128xf32, #tpu.memory_space<vmem_shared>>) target_semaphore(%run_scoped3A_225 : memref<!tpu.dma_semaphore, #tpu.memory_space<semaphore_mem>>)
      %dma_wait3A = arith.constant 0 : i32
      %dma_wait3A_230 = tpu.memref_slice %arg9[%add3A_4, %dma_wait3A] : memref<10240x128xf32, #tpu.memory_space<vmem_shared>> -> memref<128x128xf32, #tpu.memory_space<vmem_shared>>
      %dma_wait3A_231 = arith.constant 0 : i32
      %dma_wait3A_232 = tpu.memref_slice %arg9[%add3A_4, %dma_wait3A_231] : memref<10240x128xf32, #tpu.memory_space<vmem_shared>> -> memref<128x128xf32, #tpu.memory_space<vmem_shared>>
      tpu.wait_dma2 semaphore(%run_scoped3A_225 : memref<!tpu.dma_semaphore, #tpu.memory_space<semaphore_mem>>) src(%arg10 : memref<128x128xf32, #tpu.memory_space<vmem>>) dst(%dma_wait3A_232 : memref<128x128xf32, #tpu.memory_space<vmem_shared>>)
      tpu.yield
    }) : () -> ()
    %mul3A_5 = arith.constant 640 : i32
    %mul3A_6 = arith.muli %arg1, %mul3A_5 : i32
    %add3A_7 = arith.constant 128 : i32
    %add3A_8 = arith.addi %mul3A_6, %add3A_7 : i32
    "tpu.region"() ({
      %run_scoped3A_225 = tpu.sem_alloc : memref<!tpu.dma_semaphore, #tpu.memory_space<semaphore_mem>>
      %dma_start3A_226 = arith.constant 0 : i32
      %dma_start3A_227 = tpu.memref_slice %arg9[%add3A_8, %dma_start3A_226] : memref<10240x128xf32, #tpu.memory_space<vmem_shared>> -> memref<128x128xf32, #tpu.memory_space<vmem_shared>>
      %dma_start3A_228 = arith.constant 0 : i32
      %dma_start3A_229 = tpu.memref_slice %arg9[%add3A_8, %dma_start3A_228] : memref<10240x128xf32, #tpu.memory_space<vmem_shared>> -> memref<128x128xf32, #tpu.memory_space<vmem_shared>>
      tpu.enqueue_dma source(%arg10 : memref<128x128xf32, #tpu.memory_space<vmem>>) target(%dma_start3A_229 : memref<128x128xf32, #tpu.memory_space<vmem_shared>>) target_semaphore(%run_scoped3A_225 : memref<!tpu.dma_semaphore, #tpu.memory_space<semaphore_mem>>)
      %dma_wait3A = arith.constant 0 : i32
      %dma_wait3A_230 = tpu.memref_slice %arg9[%add3A_8, %dma_wait3A] : memref<10240x128xf32, #tpu.memory_space<vmem_shared>> -> memref<128x128xf32, #tpu.memory_space<vmem_shared>>
      %dma_wait3A_231 = arith.constant 0 : i32
      %dma_wait3A_232 = tpu.memref_slice %arg9[%add3A_8, %dma_wait3A_231] : memref<10240x128xf32, #tpu.memory_space<vmem_shared>> -> memref<128x128xf32, #tpu.memory_space<vmem_shared>>
      tpu.wait_dma2 semaphore(%run_scoped3A_225 : memref<!tpu.dma_semaphore, #tpu.memory_space<semaphore_mem>>) src(%arg10 : memref<128x128xf32, #tpu.memory_space<vmem>>) dst(%dma_wait3A_232 : memref<128x128xf32, #tpu.memory_space<vmem_shared>>)
      tpu.yield
    }) : () -> ()
    %mul3A_9 = arith.constant 640 : i32
    %mul3A_10 = arith.muli %arg1, %mul3A_9 : i32
    %add3A_11 = arith.constant 256 : i32
    %add3A_12 = arith.addi %mul3A_10, %add3A_11 : i32
    "tpu.region"() ({
      %run_scoped3A_225 = tpu.sem_alloc : memref<!tpu.dma_semaphore, #tpu.memory_space<semaphore_mem>>
      %dma_start3A_226 = arith.constant 0 : i32
      %dma_start3A_227 = tpu.memref_slice %arg9[%add3A_12, %dma_start3A_226] : memref<10240x128xf32, #tpu.memory_space<vmem_shared>> -> memref<128x128xf32, #tpu.memory_space<vmem_shared>>
      %dma_start3A_228 = arith.constant 0 : i32
      %dma_start3A_229 = tpu.memref_slice %arg9[%add3A_12, %dma_start3A_228] : memref<10240x128xf32, #tpu.memory_space<vmem_shared>> -> memref<128x128xf32, #tpu.memory_space<vmem_shared>>
      tpu.enqueue_dma source(%arg10 : memref<128x128xf32, #tpu.memory_space<vmem>>) target(%dma_start3A_229 : memref<128x128xf32, #tpu.memory_space<vmem_shared>>) target_semaphore(%run_scoped3A_225 : memref<!tpu.dma_semaphore, #tpu.memory_space<semaphore_mem>>)
      %dma_wait3A = arith.constant 0 : i32
      %dma_wait3A_230 = tpu.memref_slice %arg9[%add3A_12, %dma_wait3A] : memref<10240x128xf32, #tpu.memory_space<vmem_shared>> -> memref<128x128xf32, #tpu.memory_space<vmem_shared>>
      %dma_wait3A_231 = arith.constant 0 : i32
      %dma_wait3A_232 = tpu.memref_slice %arg9[%add3A_12, %dma_wait3A_231] : memref<10240x128xf32, #tpu.memory_space<vmem_shared>> -> memref<128x128xf32, #tpu.memory_space<vmem_shared>>
      tpu.wait_dma2 semaphore(%run_scoped3A_225 : memref<!tpu.dma_semaphore, #tpu.memory_space<semaphore_mem>>) src(%arg10 : memref<128x128xf32, #tpu.memory_space<vmem>>) dst(%dma_wait3A_232 : memref<128x128xf32, #tpu.memory_space<vmem_shared>>)
      tpu.yield
    }) : () -> ()
    %mul3A_13 = arith.constant 640 : i32
    %mul3A_14 = arith.muli %arg1, %mul3A_13 : i32
    %add3A_15 = arith.constant 384 : i32
    %add3A_16 = arith.addi %mul3A_14, %add3A_15 : i32
    "tpu.region"() ({
      %run_scoped3A_225 = tpu.sem_alloc : memref<!tpu.dma_semaphore, #tpu.memory_space<semaphore_mem>>
      %dma_start3A_226 = arith.constant 0 : i32
      %dma_start3A_227 = tpu.memref_slice %arg9[%add3A_16, %dma_start3A_226] : memref<10240x128xf32, #tpu.memory_space<vmem_shared>> -> memref<128x128xf32, #tpu.memory_space<vmem_shared>>
      %dma_start3A_228 = arith.constant 0 : i32
      %dma_start3A_229 = tpu.memref_slice %arg9[%add3A_16, %dma_start3A_228] : memref<10240x128xf32, #tpu.memory_space<vmem_shared>> -> memref<128x128xf32, #tpu.memory_space<vmem_shared>>
      tpu.enqueue_dma source(%arg10 : memref<128x128xf32, #tpu.memory_space<vmem>>) target(%dma_start3A_229 : memref<128x128xf32, #tpu.memory_space<vmem_shared>>) target_semaphore(%run_scoped3A_225 : memref<!tpu.dma_semaphore, #tpu.memory_space<semaphore_mem>>)
      %dma_wait3A = arith.constant 0 : i32
      %dma_wait3A_230 = tpu.memref_slice %arg9[%add3A_16, %dma_wait3A] : memref<10240x128xf32, #tpu.memory_space<vmem_shared>> -> memref<128x128xf32, #tpu.memory_space<vmem_shared>>
      %dma_wait3A_231 = arith.constant 0 : i32
      %dma_wait3A_232 = tpu.memref_slice %arg9[%add3A_16, %dma_wait3A_231] : memref<10240x128xf32, #tpu.memory_space<vmem_shared>> -> memref<128x128xf32, #tpu.memory_space<vmem_shared>>
      tpu.wait_dma2 semaphore(%run_scoped3A_225 : memref<!tpu.dma_semaphore, #tpu.memory_space<semaphore_mem>>) src(%arg10 : memref<128x128xf32, #tpu.memory_space<vmem>>) dst(%dma_wait3A_232 : memref<128x128xf32, #tpu.memory_space<vmem_shared>>)
      tpu.yield
    }) : () -> ()
    %mul3A_17 = arith.constant 640 : i32
    %mul3A_18 = arith.muli %arg1, %mul3A_17 : i32
    %add3A_19 = arith.constant 512 : i32
    %add3A_20 = arith.addi %mul3A_18, %add3A_19 : i32
    "tpu.region"() ({
      %run_scoped3A_225 = tpu.sem_alloc : memref<!tpu.dma_semaphore, #tpu.memory_space<semaphore_mem>>
      %dma_start3A_226 = arith.constant 0 : i32
      %dma_start3A_227 = tpu.memref_slice %arg9[%add3A_20, %dma_start3A_226] : memref<10240x128xf32, #tpu.memory_space<vmem_shared>> -> memref<128x128xf32, #tpu.memory_space<vmem_shared>>
      %dma_start3A_228 = arith.constant 0 : i32
      %dma_start3A_229 = tpu.memref_slice %arg9[%add3A_20, %dma_start3A_228] : memref<10240x128xf32, #tpu.memory_space<vmem_shared>> -> memref<128x128xf32, #tpu.memory_space<vmem_shared>>
      tpu.enqueue_dma source(%arg10 : memref<128x128xf32, #tpu.memory_space<vmem>>) target(%dma_start3A_229 : memref<128x128xf32, #tpu.memory_space<vmem_shared>>) target_semaphore(%run_scoped3A_225 : memref<!tpu.dma_semaphore, #tpu.memory_space<semaphore_mem>>)
      %dma_wait3A = arith.constant 0 : i32
      %dma_wait3A_230 = tpu.memref_slice %arg9[%add3A_20, %dma_wait3A] : memref<10240x128xf32, #tpu.memory_space<vmem_shared>> -> memref<128x128xf32, #tpu.memory_space<vmem_shared>>
      %dma_wait3A_231 = arith.constant 0 : i32
      %dma_wait3A_232 = tpu.memref_slice %arg9[%add3A_20, %dma_wait3A_231] : memref<10240x128xf32, #tpu.memory_space<vmem_shared>> -> memref<128x128xf32, #tpu.memory_space<vmem_shared>>
      tpu.wait_dma2 semaphore(%run_scoped3A_225 : memref<!tpu.dma_semaphore, #tpu.memory_space<semaphore_mem>>) src(%arg10 : memref<128x128xf32, #tpu.memory_space<vmem>>) dst(%dma_wait3A_232 : memref<128x128xf32, #tpu.memory_space<vmem_shared>>)
      tpu.yield
    }) : () -> ()
    %barrier3A = arith.constant 0 : index
    tpu.barrier barrier_id(%barrier3A)
    %run_scoped3A = arith.constant 0 : i32
    %run_scoped3A_21 = arith.constant 0 : i32
    "tpu.region"() ({
      %run_scoped3A_225 = tpu.sem_alloc : memref<!tpu.dma_semaphore, #tpu.memory_space<semaphore_mem>>
      %dma_start3A_226 = arith.constant 0 : i32
      %dma_start3A_227 = arith.constant 0 : i32
      %dma_start3A_228 = tpu.memref_slice %arg5[%run_scoped3A, %add3A, %run_scoped3A_21, %dma_start3A_226, %dma_start3A_227] : memref<3x32x2x40x128xi32, #tpu.memory_space<hbm>> -> memref<1x1x1x40x128xi32, #tpu.memory_space<hbm>>
      %dma_start3A_229 = tpu.memref_squeeze %dma_start3A_228 : memref<1x1x1x40x128xi32, #tpu.memory_space<hbm>> -> memref<40x128xi32, #tpu.memory_space<hbm>>
      %dma_start3A_230 = arith.constant 0 : i32
      %dma_start3A_231 = arith.constant 0 : i32
      %dma_start3A_232 = tpu.memref_slice %arg5[%run_scoped3A, %add3A, %run_scoped3A_21, %dma_start3A_230, %dma_start3A_231] : memref<3x32x2x40x128xi32, #tpu.memory_space<hbm>> -> memref<1x1x1x40x128xi32, #tpu.memory_space<hbm>>
      %dma_start3A_233 = tpu.memref_squeeze %dma_start3A_232 : memref<1x1x1x40x128xi32, #tpu.memory_space<hbm>> -> memref<40x128xi32, #tpu.memory_space<hbm>>
      tpu.enqueue_dma source(%dma_start3A_233 : memref<40x128xi32, #tpu.memory_space<hbm>>) target(%arg12 : memref<40x128xi32, #tpu.memory_space<vmem>>) target_semaphore(%run_scoped3A_225 : memref<!tpu.dma_semaphore, #tpu.memory_space<semaphore_mem>>)
      %dma_wait3A = arith.constant 0 : i32
      %dma_wait3A_234 = arith.constant 0 : i32
      %dma_wait3A_235 = tpu.memref_slice %arg5[%run_scoped3A, %add3A, %run_scoped3A_21, %dma_wait3A, %dma_wait3A_234] : memref<3x32x2x40x128xi32, #tpu.memory_space<hbm>> -> memref<1x1x1x40x128xi32, #tpu.memory_space<hbm>>
      %dma_wait3A_236 = tpu.memref_squeeze %dma_wait3A_235 : memref<1x1x1x40x128xi32, #tpu.memory_space<hbm>> -> memref<40x128xi32, #tpu.memory_space<hbm>>
      %dma_wait3A_237 = arith.constant 0 : i32
      %dma_wait3A_238 = arith.constant 0 : i32
      %dma_wait3A_239 = tpu.memref_slice %arg5[%run_scoped3A, %add3A, %run_scoped3A_21, %dma_wait3A_237, %dma_wait3A_238] : memref<3x32x2x40x128xi32, #tpu.memory_space<hbm>> -> memref<1x1x1x40x128xi32, #tpu.memory_space<hbm>>
      %dma_wait3A_240 = tpu.memref_squeeze %dma_wait3A_239 : memref<1x1x1x40x128xi32, #tpu.memory_space<hbm>> -> memref<40x128xi32, #tpu.memory_space<hbm>>
      tpu.wait_dma2 semaphore(%run_scoped3A_225 : memref<!tpu.dma_semaphore, #tpu.memory_space<semaphore_mem>>) src(%dma_wait3A_240 : memref<40x128xi32, #tpu.memory_space<hbm>>) dst(%arg12 : memref<40x128xi32, #tpu.memory_space<vmem>>)
      tpu.yield
    }) : () -> ()
    %run_scoped3A_22 = arith.constant 0 : i32
    %run_scoped3A_23 = arith.constant 0 : i32
    "tpu.region"() ({
      %run_scoped3A_225 = tpu.sem_alloc : memref<!tpu.dma_semaphore, #tpu.memory_space<semaphore_mem>>
      %dma_start3A_226 = arith.constant 0 : i32
      %dma_start3A_227 = arith.constant 0 : i32
      %dma_start3A_228 = tpu.memref_slice %arg6[%run_scoped3A_22, %add3A, %run_scoped3A_23, %dma_start3A_226, %dma_start3A_227] : memref<3x32x2x40x128xi32, #tpu.memory_space<hbm>> -> memref<1x1x1x40x128xi32, #tpu.memory_space<hbm>>
      %dma_start3A_229 = tpu.memref_squeeze %dma_start3A_228 : memref<1x1x1x40x128xi32, #tpu.memory_space<hbm>> -> memref<40x128xi32, #tpu.memory_space<hbm>>
      %dma_start3A_230 = arith.constant 0 : i32
      %dma_start3A_231 = arith.constant 0 : i32
      %dma_start3A_232 = tpu.memref_slice %arg6[%run_scoped3A_22, %add3A, %run_scoped3A_23, %dma_start3A_230, %dma_start3A_231] : memref<3x32x2x40x128xi32, #tpu.memory_space<hbm>> -> memref<1x1x1x40x128xi32, #tpu.memory_space<hbm>>
      %dma_start3A_233 = tpu.memref_squeeze %dma_start3A_232 : memref<1x1x1x40x128xi32, #tpu.memory_space<hbm>> -> memref<40x128xi32, #tpu.memory_space<hbm>>
      tpu.enqueue_dma source(%dma_start3A_233 : memref<40x128xi32, #tpu.memory_space<hbm>>) target(%arg13 : memref<40x128xi32, #tpu.memory_space<vmem>>) target_semaphore(%run_scoped3A_225 : memref<!tpu.dma_semaphore, #tpu.memory_space<semaphore_mem>>)
      %dma_wait3A = arith.constant 0 : i32
      %dma_wait3A_234 = arith.constant 0 : i32
      %dma_wait3A_235 = tpu.memref_slice %arg6[%run_scoped3A_22, %add3A, %run_scoped3A_23, %dma_wait3A, %dma_wait3A_234] : memref<3x32x2x40x128xi32, #tpu.memory_space<hbm>> -> memref<1x1x1x40x128xi32, #tpu.memory_space<hbm>>
      %dma_wait3A_236 = tpu.memref_squeeze %dma_wait3A_235 : memref<1x1x1x40x128xi32, #tpu.memory_space<hbm>> -> memref<40x128xi32, #tpu.memory_space<hbm>>
      %dma_wait3A_237 = arith.constant 0 : i32
      %dma_wait3A_238 = arith.constant 0 : i32
      %dma_wait3A_239 = tpu.memref_slice %arg6[%run_scoped3A_22, %add3A, %run_scoped3A_23, %dma_wait3A_237, %dma_wait3A_238] : memref<3x32x2x40x128xi32, #tpu.memory_space<hbm>> -> memref<1x1x1x40x128xi32, #tpu.memory_space<hbm>>
      %dma_wait3A_240 = tpu.memref_squeeze %dma_wait3A_239 : memref<1x1x1x40x128xi32, #tpu.memory_space<hbm>> -> memref<40x128xi32, #tpu.memory_space<hbm>>
      tpu.wait_dma2 semaphore(%run_scoped3A_225 : memref<!tpu.dma_semaphore, #tpu.memory_space<semaphore_mem>>) src(%dma_wait3A_240 : memref<40x128xi32, #tpu.memory_space<hbm>>) dst(%arg13 : memref<40x128xi32, #tpu.memory_space<vmem>>)
      tpu.yield
    }) : () -> ()
    %dma_start3A = arith.constant 0 : i32
    %dma_start3A_24 = arith.constant 0 : i32
    %dma_start3A_25 = tpu.memref_slice %arg12[%dma_start3A, %dma_start3A_24] : memref<40x128xi32, #tpu.memory_space<vmem>> -> memref<1x128xi32, #tpu.memory_space<vmem>>
    %dma_start3A_26 = tpu.memref_squeeze %dma_start3A_25 : memref<1x128xi32, #tpu.memory_space<vmem>> -> memref<128xi32, #tpu.memory_space<vmem>>
    %dma_start3A_27 = arith.constant 0 : i32
    %dma_start3A_28 = arith.constant 0 : i32
    %dma_start3A_29 = tpu.memref_slice %arg2[%dma_start3A_27, %dma_start3A_28] : memref<10240x128xf32, #tpu.memory_space<hbm>> -> memref<10240x128xf32, #tpu.memory_space<hbm>>
    tpu.enqueue_indirect_dma source(%dma_start3A_29 : memref<10240x128xf32, #tpu.memory_space<hbm>>) target(%arg10 : memref<128x128xf32, #tpu.memory_space<vmem>>) offsets(%dma_start3A_26 : memref<128xi32, #tpu.memory_space<vmem>>) semaphore(%arg14 : memref<!tpu.dma_semaphore, #tpu.memory_space<semaphore_mem>>)
    %dma_start3A_30 = arith.constant 1 : i32
    %dma_start3A_31 = arith.constant 0 : i32
    %dma_start3A_32 = tpu.memref_slice %arg12[%dma_start3A_30, %dma_start3A_31] : memref<40x128xi32, #tpu.memory_space<vmem>> -> memref<1x128xi32, #tpu.memory_space<vmem>>
    %dma_start3A_33 = tpu.memref_squeeze %dma_start3A_32 : memref<1x128xi32, #tpu.memory_space<vmem>> -> memref<128xi32, #tpu.memory_space<vmem>>
    %dma_start3A_34 = arith.constant 0 : i32
    %dma_start3A_35 = arith.constant 0 : i32
    %dma_start3A_36 = tpu.memref_slice %arg2[%dma_start3A_34, %dma_start3A_35] : memref<10240x128xf32, #tpu.memory_space<hbm>> -> memref<10240x128xf32, #tpu.memory_space<hbm>>
    tpu.enqueue_indirect_dma source(%dma_start3A_36 : memref<10240x128xf32, #tpu.memory_space<hbm>>) target(%arg11 : memref<128x128xf32, #tpu.memory_space<vmem>>) offsets(%dma_start3A_33 : memref<128xi32, #tpu.memory_space<vmem>>) semaphore(%arg15 : memref<!tpu.dma_semaphore, #tpu.memory_space<semaphore_mem>>)
    %scan3A = arith.constant 0 : i32
    %scan3A_37 = arith.constant 0 : i32
    %scan3A_38 = arith.constant 20 : i32
    %scan3A_39 = arith.addi %scan3A_37, %scan3A_38 : i32
    %scan3A_40 = arith.constant 1 : i32
    scf.for %scan3A_225 = %scan3A_37 to %scan3A_39 step %scan3A_40  : i32 {
      %mul3A_226 = arith.constant 2 : i32
      %mul3A_227 = arith.muli %mul3A_226, %scan3A_225 : i32
      %dma_wait3A = arith.constant 0 : i32
      %dma_wait3A_228 = tpu.memref_slice %arg12[%mul3A_227, %dma_wait3A] : memref<40x128xi32, #tpu.memory_space<vmem>> -> memref<1x128xi32, #tpu.memory_space<vmem>>
      %dma_wait3A_229 = tpu.memref_squeeze %dma_wait3A_228 : memref<1x128xi32, #tpu.memory_space<vmem>> -> memref<128xi32, #tpu.memory_space<vmem>>
      %dma_wait3A_230 = arith.constant 0 : i32
      %dma_wait3A_231 = arith.constant 0 : i32
      %dma_wait3A_232 = tpu.memref_slice %arg2[%dma_wait3A_230, %dma_wait3A_231] : memref<10240x128xf32, #tpu.memory_space<hbm>> -> memref<10240x128xf32, #tpu.memory_space<hbm>>
      tpu.wait_indirect_dma semaphore(%arg14 : memref<!tpu.dma_semaphore, #tpu.memory_space<semaphore_mem>>) src(%dma_wait3A_232 : memref<10240x128xf32, #tpu.memory_space<hbm>>) dst(%arg10 : memref<128x128xf32, #tpu.memory_space<vmem>>)
      "tpu.region"() ({
        %run_scoped3A_254 = tpu.sem_alloc : memref<!tpu.dma_semaphore, #tpu.memory_space<semaphore_mem>>
        %dma_start3A_255 = arith.constant 0 : i32
        %dma_start3A_256 = tpu.memref_slice %arg13[%mul3A_227, %dma_start3A_255] : memref<40x128xi32, #tpu.memory_space<vmem>> -> memref<1x128xi32, #tpu.memory_space<vmem>>
        %dma_start3A_257 = tpu.memref_squeeze %dma_start3A_256 : memref<1x128xi32, #tpu.memory_space<vmem>> -> memref<128xi32, #tpu.memory_space<vmem>>
        %dma_start3A_258 = arith.constant 0 : i32
        %dma_start3A_259 = arith.constant 0 : i32
        %dma_start3A_260 = tpu.memref_slice %arg9[%dma_start3A_258, %dma_start3A_259] : memref<10240x128xf32, #tpu.memory_space<vmem_shared>> -> memref<10240x128xf32, #tpu.memory_space<vmem_shared>>
        tpu.enqueue_indirect_dma source(%arg10 : memref<128x128xf32, #tpu.memory_space<vmem>>) target(%dma_start3A_260 : memref<10240x128xf32, #tpu.memory_space<vmem_shared>>) offsets(%dma_start3A_257 : memref<128xi32, #tpu.memory_space<vmem>>) semaphore(%run_scoped3A_254 : memref<!tpu.dma_semaphore, #tpu.memory_space<semaphore_mem>>) {add = true}
        %dma_wait3A_261 = arith.constant 0 : i32
        %dma_wait3A_262 = tpu.memref_slice %arg13[%mul3A_227, %dma_wait3A_261] : memref<40x128xi32, #tpu.memory_space<vmem>> -> memref<1x128xi32, #tpu.memory_space<vmem>>
        %dma_wait3A_263 = tpu.memref_squeeze %dma_wait3A_262 : memref<1x128xi32, #tpu.memory_space<vmem>> -> memref<128xi32, #tpu.memory_space<vmem>>
        %dma_wait3A_264 = arith.constant 0 : i32
        %dma_wait3A_265 = arith.constant 0 : i32
        %dma_wait3A_266 = tpu.memref_slice %arg9[%dma_wait3A_264, %dma_wait3A_265] : memref<10240x128xf32, #tpu.memory_space<vmem_shared>> -> memref<10240x128xf32, #tpu.memory_space<vmem_shared>>
        tpu.wait_indirect_dma semaphore(%run_scoped3A_254 : memref<!tpu.dma_semaphore, #tpu.memory_space<semaphore_mem>>) src(%arg10 : memref<128x128xf32, #tpu.memory_space<vmem>>) dst(%dma_wait3A_266 : memref<10240x128xf32, #tpu.memory_space<vmem_shared>>)
        tpu.yield
      }) : () -> ()
      %add3A_233 = arith.constant 2 : i32
      %add3A_234 = arith.addi %mul3A_227, %add3A_233 : i32
      %lt3A = arith.constant 40 : i32
      %lt3A_235 = arith.cmpi slt, %add3A_234, %lt3A : i32
      %convert_element_type3A = arith.extui %lt3A_235 : i1 to i32
      %cond3A = arith.constant 0 : i32
      %cond3A_236 = arith.cmpi ne, %convert_element_type3A, %cond3A : i32
      scf.if %cond3A_236 {
        %add3A_254 = arith.constant 2 : i32
        %add3A_255 = arith.addi %mul3A_227, %add3A_254 : i32
        %dma_start3A_256 = arith.constant 0 : i32
        %dma_start3A_257 = tpu.memref_slice %arg12[%add3A_255, %dma_start3A_256] : memref<40x128xi32, #tpu.memory_space<vmem>> -> memref<1x128xi32, #tpu.memory_space<vmem>>
        %dma_start3A_258 = tpu.memref_squeeze %dma_start3A_257 : memref<1x128xi32, #tpu.memory_space<vmem>> -> memref<128xi32, #tpu.memory_space<vmem>>
        %dma_start3A_259 = arith.constant 0 : i32
        %dma_start3A_260 = arith.constant 0 : i32
        %dma_start3A_261 = tpu.memref_slice %arg2[%dma_start3A_259, %dma_start3A_260] : memref<10240x128xf32, #tpu.memory_space<hbm>> -> memref<10240x128xf32, #tpu.memory_space<hbm>>
        tpu.enqueue_indirect_dma source(%dma_start3A_261 : memref<10240x128xf32, #tpu.memory_space<hbm>>) target(%arg10 : memref<128x128xf32, #tpu.memory_space<vmem>>) offsets(%dma_start3A_258 : memref<128xi32, #tpu.memory_space<vmem>>) semaphore(%arg14 : memref<!tpu.dma_semaphore, #tpu.memory_space<semaphore_mem>>)
      } else {
      }
      %add3A_237 = arith.constant 1 : i32
      %add3A_238 = arith.addi %mul3A_227, %add3A_237 : i32
      %dma_wait3A_239 = arith.constant 0 : i32
      %dma_wait3A_240 = tpu.memref_slice %arg12[%add3A_238, %dma_wait3A_239] : memref<40x128xi32, #tpu.memory_space<vmem>> -> memref<1x128xi32, #tpu.memory_space<vmem>>
      %dma_wait3A_241 = tpu.memref_squeeze %dma_wait3A_240 : memref<1x128xi32, #tpu.memory_space<vmem>> -> memref<128xi32, #tpu.memory_space<vmem>>
      %dma_wait3A_242 = arith.constant 0 : i32
      %dma_wait3A_243 = arith.constant 0 : i32
      %dma_wait3A_244 = tpu.memref_slice %arg2[%dma_wait3A_242, %dma_wait3A_243] : memref<10240x128xf32, #tpu.memory_space<hbm>> -> memref<10240x128xf32, #tpu.memory_space<hbm>>
      tpu.wait_indirect_dma semaphore(%arg15 : memref<!tpu.dma_semaphore, #tpu.memory_space<semaphore_mem>>) src(%dma_wait3A_244 : memref<10240x128xf32, #tpu.memory_space<hbm>>) dst(%arg11 : memref<128x128xf32, #tpu.memory_space<vmem>>)
      %add3A_245 = arith.constant 1 : i32
      %add3A_246 = arith.addi %mul3A_227, %add3A_245 : i32
      "tpu.region"() ({
        %run_scoped3A_254 = tpu.sem_alloc : memref<!tpu.dma_semaphore, #tpu.memory_space<semaphore_mem>>
        %dma_start3A_255 = arith.constant 0 : i32
        %dma_start3A_256 = tpu.memref_slice %arg13[%add3A_246, %dma_start3A_255] : memref<40x128xi32, #tpu.memory_space<vmem>> -> memref<1x128xi32, #tpu.memory_space<vmem>>
        %dma_start3A_257 = tpu.memref_squeeze %dma_start3A_256 : memref<1x128xi32, #tpu.memory_space<vmem>> -> memref<128xi32, #tpu.memory_space<vmem>>
        %dma_start3A_258 = arith.constant 0 : i32
        %dma_start3A_259 = arith.constant 0 : i32
        %dma_start3A_260 = tpu.memref_slice %arg9[%dma_start3A_258, %dma_start3A_259] : memref<10240x128xf32, #tpu.memory_space<vmem_shared>> -> memref<10240x128xf32, #tpu.memory_space<vmem_shared>>
        tpu.enqueue_indirect_dma source(%arg11 : memref<128x128xf32, #tpu.memory_space<vmem>>) target(%dma_start3A_260 : memref<10240x128xf32, #tpu.memory_space<vmem_shared>>) offsets(%dma_start3A_257 : memref<128xi32, #tpu.memory_space<vmem>>) semaphore(%run_scoped3A_254 : memref<!tpu.dma_semaphore, #tpu.memory_space<semaphore_mem>>) {add = true}
        %dma_wait3A_261 = arith.constant 0 : i32
        %dma_wait3A_262 = tpu.memref_slice %arg13[%add3A_246, %dma_wait3A_261] : memref<40x128xi32, #tpu.memory_space<vmem>> -> memref<1x128xi32, #tpu.memory_space<vmem>>
        %dma_wait3A_263 = tpu.memref_squeeze %dma_wait3A_262 : memref<1x128xi32, #tpu.memory_space<vmem>> -> memref<128xi32, #tpu.memory_space<vmem>>
        %dma_wait3A_264 = arith.constant 0 : i32
        %dma_wait3A_265 = arith.constant 0 : i32
        %dma_wait3A_266 = tpu.memref_slice %arg9[%dma_wait3A_264, %dma_wait3A_265] : memref<10240x128xf32, #tpu.memory_space<vmem_shared>> -> memref<10240x128xf32, #tpu.memory_space<vmem_shared>>
        tpu.wait_indirect_dma semaphore(%run_scoped3A_254 : memref<!tpu.dma_semaphore, #tpu.memory_space<semaphore_mem>>) src(%arg11 : memref<128x128xf32, #tpu.memory_space<vmem>>) dst(%dma_wait3A_266 : memref<10240x128xf32, #tpu.memory_space<vmem_shared>>)
        tpu.yield
      }) : () -> ()
      %add3A_247 = arith.constant 3 : i32
      %add3A_248 = arith.addi %mul3A_227, %add3A_247 : i32
      %lt3A_249 = arith.constant 40 : i32
      %lt3A_250 = arith.cmpi slt, %add3A_248, %lt3A_249 : i32
      %convert_element_type3A_251 = arith.extui %lt3A_250 : i1 to i32
      %cond3A_252 = arith.constant 0 : i32
      %cond3A_253 = arith.cmpi ne, %convert_element_type3A_251, %cond3A_252 : i32
      scf.if %cond3A_253 {
        %add3A_254 = arith.constant 3 : i32
        %add3A_255 = arith.addi %mul3A_227, %add3A_254 : i32
        %dma_start3A_256 = arith.constant 0 : i32
        %dma_start3A_257 = tpu.memref_slice %arg12[%add3A_255, %dma_start3A_256] : memref<40x128xi32, #tpu.memory_space<vmem>> -> memref<1x128xi32, #tpu.memory_space<vmem>>
        %dma_start3A_258 = tpu.memref_squeeze %dma_start3A_257 : memref<1x128xi32, #tpu.memory_space<vmem>> -> memref<128xi32, #tpu.memory_space<vmem>>
        %dma_start3A_259 = arith.constant 0 : i32
        %dma_start3A_260 = arith.constant 0 : i32
        %dma_start3A_261 = tpu.memref_slice %arg2[%dma_start3A_259, %dma_start3A_260] : memref<10240x128xf32, #tpu.memory_space<hbm>> -> memref<10240x128xf32, #tpu.memory_space<hbm>>
        tpu.enqueue_indirect_dma source(%dma_start3A_261 : memref<10240x128xf32, #tpu.memory_space<hbm>>) target(%arg11 : memref<128x128xf32, #tpu.memory_space<vmem>>) offsets(%dma_start3A_258 : memref<128xi32, #tpu.memory_space<vmem>>) semaphore(%arg15 : memref<!tpu.dma_semaphore, #tpu.memory_space<semaphore_mem>>)
      } else {
      }
    }
    %scan3A_41 = arith.constant 20 : i32
    %run_scoped3A_42 = arith.constant 0 : i32
    %run_scoped3A_43 = arith.constant 1 : i32
    "tpu.region"() ({
      %run_scoped3A_225 = tpu.sem_alloc : memref<!tpu.dma_semaphore, #tpu.memory_space<semaphore_mem>>
      %dma_start3A_226 = arith.constant 0 : i32
      %dma_start3A_227 = arith.constant 0 : i32
      %dma_start3A_228 = tpu.memref_slice %arg5[%run_scoped3A_42, %add3A, %run_scoped3A_43, %dma_start3A_226, %dma_start3A_227] : memref<3x32x2x40x128xi32, #tpu.memory_space<hbm>> -> memref<1x1x1x40x128xi32, #tpu.memory_space<hbm>>
      %dma_start3A_229 = tpu.memref_squeeze %dma_start3A_228 : memref<1x1x1x40x128xi32, #tpu.memory_space<hbm>> -> memref<40x128xi32, #tpu.memory_space<hbm>>
      %dma_start3A_230 = arith.constant 0 : i32
      %dma_start3A_231 = arith.constant 0 : i32
      %dma_start3A_232 = tpu.memref_slice %arg5[%run_scoped3A_42, %add3A, %run_scoped3A_43, %dma_start3A_230, %dma_start3A_231] : memref<3x32x2x40x128xi32, #tpu.memory_space<hbm>> -> memref<1x1x1x40x128xi32, #tpu.memory_space<hbm>>
      %dma_start3A_233 = tpu.memref_squeeze %dma_start3A_232 : memref<1x1x1x40x128xi32, #tpu.memory_space<hbm>> -> memref<40x128xi32, #tpu.memory_space<hbm>>
      tpu.enqueue_dma source(%dma_start3A_233 : memref<40x128xi32, #tpu.memory_space<hbm>>) target(%arg12 : memref<40x128xi32, #tpu.memory_space<vmem>>) target_semaphore(%run_scoped3A_225 : memref<!tpu.dma_semaphore, #tpu.memory_space<semaphore_mem>>)
      %dma_wait3A = arith.constant 0 : i32
      %dma_wait3A_234 = arith.constant 0 : i32
      %dma_wait3A_235 = tpu.memref_slice %arg5[%run_scoped3A_42, %add3A, %run_scoped3A_43, %dma_wait3A, %dma_wait3A_234] : memref<3x32x2x40x128xi32, #tpu.memory_space<hbm>> -> memref<1x1x1x40x128xi32, #tpu.memory_space<hbm>>
      %dma_wait3A_236 = tpu.memref_squeeze %dma_wait3A_235 : memref<1x1x1x40x128xi32, #tpu.memory_space<hbm>> -> memref<40x128xi32, #tpu.memory_space<hbm>>
      %dma_wait3A_237 = arith.constant 0 : i32
      %dma_wait3A_238 = arith.constant 0 : i32
      %dma_wait3A_239 = tpu.memref_slice %arg5[%run_scoped3A_42, %add3A, %run_scoped3A_43, %dma_wait3A_237, %dma_wait3A_238] : memref<3x32x2x40x128xi32, #tpu.memory_space<hbm>> -> memref<1x1x1x40x128xi32, #tpu.memory_space<hbm>>
      %dma_wait3A_240 = tpu.memref_squeeze %dma_wait3A_239 : memref<1x1x1x40x128xi32, #tpu.memory_space<hbm>> -> memref<40x128xi32, #tpu.memory_space<hbm>>
      tpu.wait_dma2 semaphore(%run_scoped3A_225 : memref<!tpu.dma_semaphore, #tpu.memory_space<semaphore_mem>>) src(%dma_wait3A_240 : memref<40x128xi32, #tpu.memory_space<hbm>>) dst(%arg12 : memref<40x128xi32, #tpu.memory_space<vmem>>)
      tpu.yield
    }) : () -> ()
    %run_scoped3A_44 = arith.constant 0 : i32
    %run_scoped3A_45 = arith.constant 1 : i32
    "tpu.region"() ({
      %run_scoped3A_225 = tpu.sem_alloc : memref<!tpu.dma_semaphore, #tpu.memory_space<semaphore_mem>>
      %dma_start3A_226 = arith.constant 0 : i32
      %dma_start3A_227 = arith.constant 0 : i32
      %dma_start3A_228 = tpu.memref_slice %arg6[%run_scoped3A_44, %add3A, %run_scoped3A_45, %dma_start3A_226, %dma_start3A_227] : memref<3x32x2x40x128xi32, #tpu.memory_space<hbm>> -> memref<1x1x1x40x128xi32, #tpu.memory_space<hbm>>
      %dma_start3A_229 = tpu.memref_squeeze %dma_start3A_228 : memref<1x1x1x40x128xi32, #tpu.memory_space<hbm>> -> memref<40x128xi32, #tpu.memory_space<hbm>>
      %dma_start3A_230 = arith.constant 0 : i32
      %dma_start3A_231 = arith.constant 0 : i32
      %dma_start3A_232 = tpu.memref_slice %arg6[%run_scoped3A_44, %add3A, %run_scoped3A_45, %dma_start3A_230, %dma_start3A_231] : memref<3x32x2x40x128xi32, #tpu.memory_space<hbm>> -> memref<1x1x1x40x128xi32, #tpu.memory_space<hbm>>
      %dma_start3A_233 = tpu.memref_squeeze %dma_start3A_232 : memref<1x1x1x40x128xi32, #tpu.memory_space<hbm>> -> memref<40x128xi32, #tpu.memory_space<hbm>>
      tpu.enqueue_dma source(%dma_start3A_233 : memref<40x128xi32, #tpu.memory_space<hbm>>) target(%arg13 : memref<40x128xi32, #tpu.memory_space<vmem>>) target_semaphore(%run_scoped3A_225 : memref<!tpu.dma_semaphore, #tpu.memory_space<semaphore_mem>>)
      %dma_wait3A = arith.constant 0 : i32
      %dma_wait3A_234 = arith.constant 0 : i32
      %dma_wait3A_235 = tpu.memref_slice %arg6[%run_scoped3A_44, %add3A, %run_scoped3A_45, %dma_wait3A, %dma_wait3A_234] : memref<3x32x2x40x128xi32, #tpu.memory_space<hbm>> -> memref<1x1x1x40x128xi32, #tpu.memory_space<hbm>>
      %dma_wait3A_236 = tpu.memref_squeeze %dma_wait3A_235 : memref<1x1x1x40x128xi32, #tpu.memory_space<hbm>> -> memref<40x128xi32, #tpu.memory_space<hbm>>
      %dma_wait3A_237 = arith.constant 0 : i32
      %dma_wait3A_238 = arith.constant 0 : i32
      %dma_wait3A_239 = tpu.memref_slice %arg6[%run_scoped3A_44, %add3A, %run_scoped3A_45, %dma_wait3A_237, %dma_wait3A_238] : memref<3x32x2x40x128xi32, #tpu.memory_space<hbm>> -> memref<1x1x1x40x128xi32, #tpu.memory_space<hbm>>
      %dma_wait3A_240 = tpu.memref_squeeze %dma_wait3A_239 : memref<1x1x1x40x128xi32, #tpu.memory_space<hbm>> -> memref<40x128xi32, #tpu.memory_space<hbm>>
      tpu.wait_dma2 semaphore(%run_scoped3A_225 : memref<!tpu.dma_semaphore, #tpu.memory_space<semaphore_mem>>) src(%dma_wait3A_240 : memref<40x128xi32, #tpu.memory_space<hbm>>) dst(%arg13 : memref<40x128xi32, #tpu.memory_space<vmem>>)
      tpu.yield
    }) : () -> ()
    %dma_start3A_46 = arith.constant 0 : i32
    %dma_start3A_47 = arith.constant 0 : i32
    %dma_start3A_48 = tpu.memref_slice %arg12[%dma_start3A_46, %dma_start3A_47] : memref<40x128xi32, #tpu.memory_space<vmem>> -> memref<1x128xi32, #tpu.memory_space<vmem>>
    %dma_start3A_49 = tpu.memref_squeeze %dma_start3A_48 : memref<1x128xi32, #tpu.memory_space<vmem>> -> memref<128xi32, #tpu.memory_space<vmem>>
    %dma_start3A_50 = arith.constant 0 : i32
    %dma_start3A_51 = arith.constant 0 : i32
    %dma_start3A_52 = tpu.memref_slice %arg2[%dma_start3A_50, %dma_start3A_51] : memref<10240x128xf32, #tpu.memory_space<hbm>> -> memref<10240x128xf32, #tpu.memory_space<hbm>>
    tpu.enqueue_indirect_dma source(%dma_start3A_52 : memref<10240x128xf32, #tpu.memory_space<hbm>>) target(%arg10 : memref<128x128xf32, #tpu.memory_space<vmem>>) offsets(%dma_start3A_49 : memref<128xi32, #tpu.memory_space<vmem>>) semaphore(%arg14 : memref<!tpu.dma_semaphore, #tpu.memory_space<semaphore_mem>>)
    %dma_start3A_53 = arith.constant 1 : i32
    %dma_start3A_54 = arith.constant 0 : i32
    %dma_start3A_55 = tpu.memref_slice %arg12[%dma_start3A_53, %dma_start3A_54] : memref<40x128xi32, #tpu.memory_space<vmem>> -> memref<1x128xi32, #tpu.memory_space<vmem>>
    %dma_start3A_56 = tpu.memref_squeeze %dma_start3A_55 : memref<1x128xi32, #tpu.memory_space<vmem>> -> memref<128xi32, #tpu.memory_space<vmem>>
    %dma_start3A_57 = arith.constant 0 : i32
    %dma_start3A_58 = arith.constant 0 : i32
    %dma_start3A_59 = tpu.memref_slice %arg2[%dma_start3A_57, %dma_start3A_58] : memref<10240x128xf32, #tpu.memory_space<hbm>> -> memref<10240x128xf32, #tpu.memory_space<hbm>>
    tpu.enqueue_indirect_dma source(%dma_start3A_59 : memref<10240x128xf32, #tpu.memory_space<hbm>>) target(%arg11 : memref<128x128xf32, #tpu.memory_space<vmem>>) offsets(%dma_start3A_56 : memref<128xi32, #tpu.memory_space<vmem>>) semaphore(%arg15 : memref<!tpu.dma_semaphore, #tpu.memory_space<semaphore_mem>>)
    %scan3A_60 = arith.constant 0 : i32
    %scan3A_61 = arith.constant 0 : i32
    %scan3A_62 = arith.constant 20 : i32
    %scan3A_63 = arith.addi %scan3A_61, %scan3A_62 : i32
    %scan3A_64 = arith.constant 1 : i32
    scf.for %scan3A_225 = %scan3A_61 to %scan3A_63 step %scan3A_64  : i32 {
      %mul3A_226 = arith.constant 2 : i32
      %mul3A_227 = arith.muli %mul3A_226, %scan3A_225 : i32
      %dma_wait3A = arith.constant 0 : i32
      %dma_wait3A_228 = tpu.memref_slice %arg12[%mul3A_227, %dma_wait3A] : memref<40x128xi32, #tpu.memory_space<vmem>> -> memref<1x128xi32, #tpu.memory_space<vmem>>
      %dma_wait3A_229 = tpu.memref_squeeze %dma_wait3A_228 : memref<1x128xi32, #tpu.memory_space<vmem>> -> memref<128xi32, #tpu.memory_space<vmem>>
      %dma_wait3A_230 = arith.constant 0 : i32
      %dma_wait3A_231 = arith.constant 0 : i32
      %dma_wait3A_232 = tpu.memref_slice %arg2[%dma_wait3A_230, %dma_wait3A_231] : memref<10240x128xf32, #tpu.memory_space<hbm>> -> memref<10240x128xf32, #tpu.memory_space<hbm>>
      tpu.wait_indirect_dma semaphore(%arg14 : memref<!tpu.dma_semaphore, #tpu.memory_space<semaphore_mem>>) src(%dma_wait3A_232 : memref<10240x128xf32, #tpu.memory_space<hbm>>) dst(%arg10 : memref<128x128xf32, #tpu.memory_space<vmem>>)
      "tpu.region"() ({
        %run_scoped3A_254 = tpu.sem_alloc : memref<!tpu.dma_semaphore, #tpu.memory_space<semaphore_mem>>
        %dma_start3A_255 = arith.constant 0 : i32
        %dma_start3A_256 = tpu.memref_slice %arg13[%mul3A_227, %dma_start3A_255] : memref<40x128xi32, #tpu.memory_space<vmem>> -> memref<1x128xi32, #tpu.memory_space<vmem>>
        %dma_start3A_257 = tpu.memref_squeeze %dma_start3A_256 : memref<1x128xi32, #tpu.memory_space<vmem>> -> memref<128xi32, #tpu.memory_space<vmem>>
        %dma_start3A_258 = arith.constant 0 : i32
        %dma_start3A_259 = arith.constant 0 : i32
        %dma_start3A_260 = tpu.memref_slice %arg9[%dma_start3A_258, %dma_start3A_259] : memref<10240x128xf32, #tpu.memory_space<vmem_shared>> -> memref<10240x128xf32, #tpu.memory_space<vmem_shared>>
        tpu.enqueue_indirect_dma source(%arg10 : memref<128x128xf32, #tpu.memory_space<vmem>>) target(%dma_start3A_260 : memref<10240x128xf32, #tpu.memory_space<vmem_shared>>) offsets(%dma_start3A_257 : memref<128xi32, #tpu.memory_space<vmem>>) semaphore(%run_scoped3A_254 : memref<!tpu.dma_semaphore, #tpu.memory_space<semaphore_mem>>) {add = true}
        %dma_wait3A_261 = arith.constant 0 : i32
        %dma_wait3A_262 = tpu.memref_slice %arg13[%mul3A_227, %dma_wait3A_261] : memref<40x128xi32, #tpu.memory_space<vmem>> -> memref<1x128xi32, #tpu.memory_space<vmem>>
        %dma_wait3A_263 = tpu.memref_squeeze %dma_wait3A_262 : memref<1x128xi32, #tpu.memory_space<vmem>> -> memref<128xi32, #tpu.memory_space<vmem>>
        %dma_wait3A_264 = arith.constant 0 : i32
        %dma_wait3A_265 = arith.constant 0 : i32
        %dma_wait3A_266 = tpu.memref_slice %arg9[%dma_wait3A_264, %dma_wait3A_265] : memref<10240x128xf32, #tpu.memory_space<vmem_shared>> -> memref<10240x128xf32, #tpu.memory_space<vmem_shared>>
        tpu.wait_indirect_dma semaphore(%run_scoped3A_254 : memref<!tpu.dma_semaphore, #tpu.memory_space<semaphore_mem>>) src(%arg10 : memref<128x128xf32, #tpu.memory_space<vmem>>) dst(%dma_wait3A_266 : memref<10240x128xf32, #tpu.memory_space<vmem_shared>>)
        tpu.yield
      }) : () -> ()
      %add3A_233 = arith.constant 2 : i32
      %add3A_234 = arith.addi %mul3A_227, %add3A_233 : i32
      %lt3A = arith.constant 40 : i32
      %lt3A_235 = arith.cmpi slt, %add3A_234, %lt3A : i32
      %convert_element_type3A = arith.extui %lt3A_235 : i1 to i32
      %cond3A = arith.constant 0 : i32
      %cond3A_236 = arith.cmpi ne, %convert_element_type3A, %cond3A : i32
      scf.if %cond3A_236 {
        %add3A_254 = arith.constant 2 : i32
        %add3A_255 = arith.addi %mul3A_227, %add3A_254 : i32
        %dma_start3A_256 = arith.constant 0 : i32
        %dma_start3A_257 = tpu.memref_slice %arg12[%add3A_255, %dma_start3A_256] : memref<40x128xi32, #tpu.memory_space<vmem>> -> memref<1x128xi32, #tpu.memory_space<vmem>>
        %dma_start3A_258 = tpu.memref_squeeze %dma_start3A_257 : memref<1x128xi32, #tpu.memory_space<vmem>> -> memref<128xi32, #tpu.memory_space<vmem>>
        %dma_start3A_259 = arith.constant 0 : i32
        %dma_start3A_260 = arith.constant 0 : i32
        %dma_start3A_261 = tpu.memref_slice %arg2[%dma_start3A_259, %dma_start3A_260] : memref<10240x128xf32, #tpu.memory_space<hbm>> -> memref<10240x128xf32, #tpu.memory_space<hbm>>
        tpu.enqueue_indirect_dma source(%dma_start3A_261 : memref<10240x128xf32, #tpu.memory_space<hbm>>) target(%arg10 : memref<128x128xf32, #tpu.memory_space<vmem>>) offsets(%dma_start3A_258 : memref<128xi32, #tpu.memory_space<vmem>>) semaphore(%arg14 : memref<!tpu.dma_semaphore, #tpu.memory_space<semaphore_mem>>)
      } else {
      }
      %add3A_237 = arith.constant 1 : i32
      %add3A_238 = arith.addi %mul3A_227, %add3A_237 : i32
      %dma_wait3A_239 = arith.constant 0 : i32
      %dma_wait3A_240 = tpu.memref_slice %arg12[%add3A_238, %dma_wait3A_239] : memref<40x128xi32, #tpu.memory_space<vmem>> -> memref<1x128xi32, #tpu.memory_space<vmem>>
      %dma_wait3A_241 = tpu.memref_squeeze %dma_wait3A_240 : memref<1x128xi32, #tpu.memory_space<vmem>> -> memref<128xi32, #tpu.memory_space<vmem>>
      %dma_wait3A_242 = arith.constant 0 : i32
      %dma_wait3A_243 = arith.constant 0 : i32
      %dma_wait3A_244 = tpu.memref_slice %arg2[%dma_wait3A_242, %dma_wait3A_243] : memref<10240x128xf32, #tpu.memory_space<hbm>> -> memref<10240x128xf32, #tpu.memory_space<hbm>>
      tpu.wait_indirect_dma semaphore(%arg15 : memref<!tpu.dma_semaphore, #tpu.memory_space<semaphore_mem>>) src(%dma_wait3A_244 : memref<10240x128xf32, #tpu.memory_space<hbm>>) dst(%arg11 : memref<128x128xf32, #tpu.memory_space<vmem>>)
      %add3A_245 = arith.constant 1 : i32
      %add3A_246 = arith.addi %mul3A_227, %add3A_245 : i32
      "tpu.region"() ({
        %run_scoped3A_254 = tpu.sem_alloc : memref<!tpu.dma_semaphore, #tpu.memory_space<semaphore_mem>>
        %dma_start3A_255 = arith.constant 0 : i32
        %dma_start3A_256 = tpu.memref_slice %arg13[%add3A_246, %dma_start3A_255] : memref<40x128xi32, #tpu.memory_space<vmem>> -> memref<1x128xi32, #tpu.memory_space<vmem>>
        %dma_start3A_257 = tpu.memref_squeeze %dma_start3A_256 : memref<1x128xi32, #tpu.memory_space<vmem>> -> memref<128xi32, #tpu.memory_space<vmem>>
        %dma_start3A_258 = arith.constant 0 : i32
        %dma_start3A_259 = arith.constant 0 : i32
        %dma_start3A_260 = tpu.memref_slice %arg9[%dma_start3A_258, %dma_start3A_259] : memref<10240x128xf32, #tpu.memory_space<vmem_shared>> -> memref<10240x128xf32, #tpu.memory_space<vmem_shared>>
        tpu.enqueue_indirect_dma source(%arg11 : memref<128x128xf32, #tpu.memory_space<vmem>>) target(%dma_start3A_260 : memref<10240x128xf32, #tpu.memory_space<vmem_shared>>) offsets(%dma_start3A_257 : memref<128xi32, #tpu.memory_space<vmem>>) semaphore(%run_scoped3A_254 : memref<!tpu.dma_semaphore, #tpu.memory_space<semaphore_mem>>) {add = true}
        %dma_wait3A_261 = arith.constant 0 : i32
        %dma_wait3A_262 = tpu.memref_slice %arg13[%add3A_246, %dma_wait3A_261] : memref<40x128xi32, #tpu.memory_space<vmem>> -> memref<1x128xi32, #tpu.memory_space<vmem>>
        %dma_wait3A_263 = tpu.memref_squeeze %dma_wait3A_262 : memref<1x128xi32, #tpu.memory_space<vmem>> -> memref<128xi32, #tpu.memory_space<vmem>>
        %dma_wait3A_264 = arith.constant 0 : i32
        %dma_wait3A_265 = arith.constant 0 : i32
        %dma_wait3A_266 = tpu.memref_slice %arg9[%dma_wait3A_264, %dma_wait3A_265] : memref<10240x128xf32, #tpu.memory_space<vmem_shared>> -> memref<10240x128xf32, #tpu.memory_space<vmem_shared>>
        tpu.wait_indirect_dma semaphore(%run_scoped3A_254 : memref<!tpu.dma_semaphore, #tpu.memory_space<semaphore_mem>>) src(%arg11 : memref<128x128xf32, #tpu.memory_space<vmem>>) dst(%dma_wait3A_266 : memref<10240x128xf32, #tpu.memory_space<vmem_shared>>)
        tpu.yield
      }) : () -> ()
      %add3A_247 = arith.constant 3 : i32
      %add3A_248 = arith.addi %mul3A_227, %add3A_247 : i32
      %lt3A_249 = arith.constant 40 : i32
      %lt3A_250 = arith.cmpi slt, %add3A_248, %lt3A_249 : i32
      %convert_element_type3A_251 = arith.extui %lt3A_250 : i1 to i32
      %cond3A_252 = arith.constant 0 : i32
      %cond3A_253 = arith.cmpi ne, %convert_element_type3A_251, %cond3A_252 : i32
      scf.if %cond3A_253 {
        %add3A_254 = arith.constant 3 : i32
        %add3A_255 = arith.addi %mul3A_227, %add3A_254 : i32
        %dma_start3A_256 = arith.constant 0 : i32
        %dma_start3A_257 = tpu.memref_slice %arg12[%add3A_255, %dma_start3A_256] : memref<40x128xi32, #tpu.memory_space<vmem>> -> memref<1x128xi32, #tpu.memory_space<vmem>>
        %dma_start3A_258 = tpu.memref_squeeze %dma_start3A_257 : memref<1x128xi32, #tpu.memory_space<vmem>> -> memref<128xi32, #tpu.memory_space<vmem>>
        %dma_start3A_259 = arith.constant 0 : i32
        %dma_start3A_260 = arith.constant 0 : i32
        %dma_start3A_261 = tpu.memref_slice %arg2[%dma_start3A_259, %dma_start3A_260] : memref<10240x128xf32, #tpu.memory_space<hbm>> -> memref<10240x128xf32, #tpu.memory_space<hbm>>
        tpu.enqueue_indirect_dma source(%dma_start3A_261 : memref<10240x128xf32, #tpu.memory_space<hbm>>) target(%arg11 : memref<128x128xf32, #tpu.memory_space<vmem>>) offsets(%dma_start3A_258 : memref<128xi32, #tpu.memory_space<vmem>>) semaphore(%arg15 : memref<!tpu.dma_semaphore, #tpu.memory_space<semaphore_mem>>)
      } else {
      }
    }
    %scan3A_65 = arith.constant 20 : i32
    %barrier3A_66 = arith.constant 0 : index
    tpu.barrier barrier_id(%barrier3A_66)
    %mul3A_67 = arith.constant 640 : i32
    %mul3A_68 = arith.muli %arg1, %mul3A_67 : i32
    %mul3A_69 = arith.constant 640 : i32
    %mul3A_70 = arith.muli %arg1, %mul3A_69 : i32
    %run_scoped3A_71 = arith.constant 0 : i32
    "tpu.region"() ({
      %run_scoped3A_225 = tpu.sem_alloc : memref<!tpu.dma_semaphore, #tpu.memory_space<semaphore_mem>>
      %dma_start3A_226 = arith.constant 0 : i32
      %dma_start3A_227 = tpu.memref_slice %arg8[%run_scoped3A_71, %arg0, %mul3A_70, %dma_start3A_226] : memref<3x2x10240x128xf32, #tpu.memory_space<hbm>> -> memref<1x1x640x128xf32, #tpu.memory_space<hbm>>
      %dma_start3A_228 = tpu.memref_squeeze %dma_start3A_227 : memref<1x1x640x128xf32, #tpu.memory_space<hbm>> -> memref<640x128xf32, #tpu.memory_space<hbm>>
      %dma_start3A_229 = arith.constant 0 : i32
      %dma_start3A_230 = tpu.memref_slice %arg9[%mul3A_68, %dma_start3A_229] : memref<10240x128xf32, #tpu.memory_space<vmem_shared>> -> memref<640x128xf32, #tpu.memory_space<vmem_shared>>
      tpu.enqueue_dma source(%dma_start3A_230 : memref<640x128xf32, #tpu.memory_space<vmem_shared>>) target(%dma_start3A_228 : memref<640x128xf32, #tpu.memory_space<hbm>>) target_semaphore(%run_scoped3A_225 : memref<!tpu.dma_semaphore, #tpu.memory_space<semaphore_mem>>)
      %dma_wait3A = arith.constant 0 : i32
      %dma_wait3A_231 = tpu.memref_slice %arg8[%run_scoped3A_71, %arg0, %mul3A_70, %dma_wait3A] : memref<3x2x10240x128xf32, #tpu.memory_space<hbm>> -> memref<1x1x640x128xf32, #tpu.memory_space<hbm>>
      %dma_wait3A_232 = tpu.memref_squeeze %dma_wait3A_231 : memref<1x1x640x128xf32, #tpu.memory_space<hbm>> -> memref<640x128xf32, #tpu.memory_space<hbm>>
      %dma_wait3A_233 = arith.constant 0 : i32
      %dma_wait3A_234 = tpu.memref_slice %arg9[%mul3A_68, %dma_wait3A_233] : memref<10240x128xf32, #tpu.memory_space<vmem_shared>> -> memref<640x128xf32, #tpu.memory_space<vmem_shared>>
      tpu.wait_dma2 semaphore(%run_scoped3A_225 : memref<!tpu.dma_semaphore, #tpu.memory_space<semaphore_mem>>) src(%dma_wait3A_234 : memref<640x128xf32, #tpu.memory_space<vmem_shared>>) dst(%dma_wait3A_232 : memref<640x128xf32, #tpu.memory_space<hbm>>)
      tpu.yield
    }) : () -> ()
    %barrier3A_72 = arith.constant 0 : index
    tpu.barrier barrier_id(%barrier3A_72)
    "tpu.region"() ({
      %run_scoped3A_225 = tpu.sem_alloc : memref<!tpu.dma_semaphore, #tpu.memory_space<semaphore_mem>>
      tpu.enqueue_dma source(%arg7 : memref<128x128xf32, #tpu.memory_space<hbm>>) target(%arg10 : memref<128x128xf32, #tpu.memory_space<vmem>>) target_semaphore(%run_scoped3A_225 : memref<!tpu.dma_semaphore, #tpu.memory_space<semaphore_mem>>)
      tpu.wait_dma2 semaphore(%run_scoped3A_225 : memref<!tpu.dma_semaphore, #tpu.memory_space<semaphore_mem>>) src(%arg7 : memref<128x128xf32, #tpu.memory_space<hbm>>) dst(%arg10 : memref<128x128xf32, #tpu.memory_space<vmem>>)
      tpu.yield
    }) : () -> ()
    %mul3A_73 = arith.constant 640 : i32
    %mul3A_74 = arith.muli %arg1, %mul3A_73 : i32
    %add3A_75 = arith.constant 0 : i32
    %add3A_76 = arith.addi %mul3A_74, %add3A_75 : i32
    "tpu.region"() ({
      %run_scoped3A_225 = tpu.sem_alloc : memref<!tpu.dma_semaphore, #tpu.memory_space<semaphore_mem>>
      %dma_start3A_226 = arith.constant 0 : i32
      %dma_start3A_227 = tpu.memref_slice %arg9[%add3A_76, %dma_start3A_226] : memref<10240x128xf32, #tpu.memory_space<vmem_shared>> -> memref<128x128xf32, #tpu.memory_space<vmem_shared>>
      %dma_start3A_228 = arith.constant 0 : i32
      %dma_start3A_229 = tpu.memref_slice %arg9[%add3A_76, %dma_start3A_228] : memref<10240x128xf32, #tpu.memory_space<vmem_shared>> -> memref<128x128xf32, #tpu.memory_space<vmem_shared>>
      tpu.enqueue_dma source(%arg10 : memref<128x128xf32, #tpu.memory_space<vmem>>) target(%dma_start3A_229 : memref<128x128xf32, #tpu.memory_space<vmem_shared>>) target_semaphore(%run_scoped3A_225 : memref<!tpu.dma_semaphore, #tpu.memory_space<semaphore_mem>>)
      %dma_wait3A = arith.constant 0 : i32
      %dma_wait3A_230 = tpu.memref_slice %arg9[%add3A_76, %dma_wait3A] : memref<10240x128xf32, #tpu.memory_space<vmem_shared>> -> memref<128x128xf32, #tpu.memory_space<vmem_shared>>
      %dma_wait3A_231 = arith.constant 0 : i32
      %dma_wait3A_232 = tpu.memref_slice %arg9[%add3A_76, %dma_wait3A_231] : memref<10240x128xf32, #tpu.memory_space<vmem_shared>> -> memref<128x128xf32, #tpu.memory_space<vmem_shared>>
      tpu.wait_dma2 semaphore(%run_scoped3A_225 : memref<!tpu.dma_semaphore, #tpu.memory_space<semaphore_mem>>) src(%arg10 : memref<128x128xf32, #tpu.memory_space<vmem>>) dst(%dma_wait3A_232 : memref<128x128xf32, #tpu.memory_space<vmem_shared>>)
      tpu.yield
    }) : () -> ()
    %mul3A_77 = arith.constant 640 : i32
    %mul3A_78 = arith.muli %arg1, %mul3A_77 : i32
    %add3A_79 = arith.constant 128 : i32
    %add3A_80 = arith.addi %mul3A_78, %add3A_79 : i32
    "tpu.region"() ({
      %run_scoped3A_225 = tpu.sem_alloc : memref<!tpu.dma_semaphore, #tpu.memory_space<semaphore_mem>>
      %dma_start3A_226 = arith.constant 0 : i32
      %dma_start3A_227 = tpu.memref_slice %arg9[%add3A_80, %dma_start3A_226] : memref<10240x128xf32, #tpu.memory_space<vmem_shared>> -> memref<128x128xf32, #tpu.memory_space<vmem_shared>>
      %dma_start3A_228 = arith.constant 0 : i32
      %dma_start3A_229 = tpu.memref_slice %arg9[%add3A_80, %dma_start3A_228] : memref<10240x128xf32, #tpu.memory_space<vmem_shared>> -> memref<128x128xf32, #tpu.memory_space<vmem_shared>>
      tpu.enqueue_dma source(%arg10 : memref<128x128xf32, #tpu.memory_space<vmem>>) target(%dma_start3A_229 : memref<128x128xf32, #tpu.memory_space<vmem_shared>>) target_semaphore(%run_scoped3A_225 : memref<!tpu.dma_semaphore, #tpu.memory_space<semaphore_mem>>)
      %dma_wait3A = arith.constant 0 : i32
      %dma_wait3A_230 = tpu.memref_slice %arg9[%add3A_80, %dma_wait3A] : memref<10240x128xf32, #tpu.memory_space<vmem_shared>> -> memref<128x128xf32, #tpu.memory_space<vmem_shared>>
      %dma_wait3A_231 = arith.constant 0 : i32
      %dma_wait3A_232 = tpu.memref_slice %arg9[%add3A_80, %dma_wait3A_231] : memref<10240x128xf32, #tpu.memory_space<vmem_shared>> -> memref<128x128xf32, #tpu.memory_space<vmem_shared>>
      tpu.wait_dma2 semaphore(%run_scoped3A_225 : memref<!tpu.dma_semaphore, #tpu.memory_space<semaphore_mem>>) src(%arg10 : memref<128x128xf32, #tpu.memory_space<vmem>>) dst(%dma_wait3A_232 : memref<128x128xf32, #tpu.memory_space<vmem_shared>>)
      tpu.yield
    }) : () -> ()
    %mul3A_81 = arith.constant 640 : i32
    %mul3A_82 = arith.muli %arg1, %mul3A_81 : i32
    %add3A_83 = arith.constant 256 : i32
    %add3A_84 = arith.addi %mul3A_82, %add3A_83 : i32
    "tpu.region"() ({
      %run_scoped3A_225 = tpu.sem_alloc : memref<!tpu.dma_semaphore, #tpu.memory_space<semaphore_mem>>
      %dma_start3A_226 = arith.constant 0 : i32
      %dma_start3A_227 = tpu.memref_slice %arg9[%add3A_84, %dma_start3A_226] : memref<10240x128xf32, #tpu.memory_space<vmem_shared>> -> memref<128x128xf32, #tpu.memory_space<vmem_shared>>
      %dma_start3A_228 = arith.constant 0 : i32
      %dma_start3A_229 = tpu.memref_slice %arg9[%add3A_84, %dma_start3A_228] : memref<10240x128xf32, #tpu.memory_space<vmem_shared>> -> memref<128x128xf32, #tpu.memory_space<vmem_shared>>
      tpu.enqueue_dma source(%arg10 : memref<128x128xf32, #tpu.memory_space<vmem>>) target(%dma_start3A_229 : memref<128x128xf32, #tpu.memory_space<vmem_shared>>) target_semaphore(%run_scoped3A_225 : memref<!tpu.dma_semaphore, #tpu.memory_space<semaphore_mem>>)
      %dma_wait3A = arith.constant 0 : i32
      %dma_wait3A_230 = tpu.memref_slice %arg9[%add3A_84, %dma_wait3A] : memref<10240x128xf32, #tpu.memory_space<vmem_shared>> -> memref<128x128xf32, #tpu.memory_space<vmem_shared>>
      %dma_wait3A_231 = arith.constant 0 : i32
      %dma_wait3A_232 = tpu.memref_slice %arg9[%add3A_84, %dma_wait3A_231] : memref<10240x128xf32, #tpu.memory_space<vmem_shared>> -> memref<128x128xf32, #tpu.memory_space<vmem_shared>>
      tpu.wait_dma2 semaphore(%run_scoped3A_225 : memref<!tpu.dma_semaphore, #tpu.memory_space<semaphore_mem>>) src(%arg10 : memref<128x128xf32, #tpu.memory_space<vmem>>) dst(%dma_wait3A_232 : memref<128x128xf32, #tpu.memory_space<vmem_shared>>)
      tpu.yield
    }) : () -> ()
    %mul3A_85 = arith.constant 640 : i32
    %mul3A_86 = arith.muli %arg1, %mul3A_85 : i32
    %add3A_87 = arith.constant 384 : i32
    %add3A_88 = arith.addi %mul3A_86, %add3A_87 : i32
    "tpu.region"() ({
      %run_scoped3A_225 = tpu.sem_alloc : memref<!tpu.dma_semaphore, #tpu.memory_space<semaphore_mem>>
      %dma_start3A_226 = arith.constant 0 : i32
      %dma_start3A_227 = tpu.memref_slice %arg9[%add3A_88, %dma_start3A_226] : memref<10240x128xf32, #tpu.memory_space<vmem_shared>> -> memref<128x128xf32, #tpu.memory_space<vmem_shared>>
      %dma_start3A_228 = arith.constant 0 : i32
      %dma_start3A_229 = tpu.memref_slice %arg9[%add3A_88, %dma_start3A_228] : memref<10240x128xf32, #tpu.memory_space<vmem_shared>> -> memref<128x128xf32, #tpu.memory_space<vmem_shared>>
      tpu.enqueue_dma source(%arg10 : memref<128x128xf32, #tpu.memory_space<vmem>>) target(%dma_start3A_229 : memref<128x128xf32, #tpu.memory_space<vmem_shared>>) target_semaphore(%run_scoped3A_225 : memref<!tpu.dma_semaphore, #tpu.memory_space<semaphore_mem>>)
      %dma_wait3A = arith.constant 0 : i32
      %dma_wait3A_230 = tpu.memref_slice %arg9[%add3A_88, %dma_wait3A] : memref<10240x128xf32, #tpu.memory_space<vmem_shared>> -> memref<128x128xf32, #tpu.memory_space<vmem_shared>>
      %dma_wait3A_231 = arith.constant 0 : i32
      %dma_wait3A_232 = tpu.memref_slice %arg9[%add3A_88, %dma_wait3A_231] : memref<10240x128xf32, #tpu.memory_space<vmem_shared>> -> memref<128x128xf32, #tpu.memory_space<vmem_shared>>
      tpu.wait_dma2 semaphore(%run_scoped3A_225 : memref<!tpu.dma_semaphore, #tpu.memory_space<semaphore_mem>>) src(%arg10 : memref<128x128xf32, #tpu.memory_space<vmem>>) dst(%dma_wait3A_232 : memref<128x128xf32, #tpu.memory_space<vmem_shared>>)
      tpu.yield
    }) : () -> ()
    %mul3A_89 = arith.constant 640 : i32
    %mul3A_90 = arith.muli %arg1, %mul3A_89 : i32
    %add3A_91 = arith.constant 512 : i32
    %add3A_92 = arith.addi %mul3A_90, %add3A_91 : i32
    "tpu.region"() ({
      %run_scoped3A_225 = tpu.sem_alloc : memref<!tpu.dma_semaphore, #tpu.memory_space<semaphore_mem>>
      %dma_start3A_226 = arith.constant 0 : i32
      %dma_start3A_227 = tpu.memref_slice %arg9[%add3A_92, %dma_start3A_226] : memref<10240x128xf32, #tpu.memory_space<vmem_shared>> -> memref<128x128xf32, #tpu.memory_space<vmem_shared>>
      %dma_start3A_228 = arith.constant 0 : i32
      %dma_start3A_229 = tpu.memref_slice %arg9[%add3A_92, %dma_start3A_228] : memref<10240x128xf32, #tpu.memory_space<vmem_shared>> -> memref<128x128xf32, #tpu.memory_space<vmem_shared>>
      tpu.enqueue_dma source(%arg10 : memref<128x128xf32, #tpu.memory_space<vmem>>) target(%dma_start3A_229 : memref<128x128xf32, #tpu.memory_space<vmem_shared>>) target_semaphore(%run_scoped3A_225 : memref<!tpu.dma_semaphore, #tpu.memory_space<semaphore_mem>>)
      %dma_wait3A = arith.constant 0 : i32
      %dma_wait3A_230 = tpu.memref_slice %arg9[%add3A_92, %dma_wait3A] : memref<10240x128xf32, #tpu.memory_space<vmem_shared>> -> memref<128x128xf32, #tpu.memory_space<vmem_shared>>
      %dma_wait3A_231 = arith.constant 0 : i32
      %dma_wait3A_232 = tpu.memref_slice %arg9[%add3A_92, %dma_wait3A_231] : memref<10240x128xf32, #tpu.memory_space<vmem_shared>> -> memref<128x128xf32, #tpu.memory_space<vmem_shared>>
      tpu.wait_dma2 semaphore(%run_scoped3A_225 : memref<!tpu.dma_semaphore, #tpu.memory_space<semaphore_mem>>) src(%arg10 : memref<128x128xf32, #tpu.memory_space<vmem>>) dst(%dma_wait3A_232 : memref<128x128xf32, #tpu.memory_space<vmem_shared>>)
      tpu.yield
    }) : () -> ()
    %barrier3A_93 = arith.constant 0 : index
    tpu.barrier barrier_id(%barrier3A_93)
    %run_scoped3A_94 = arith.constant 1 : i32
    %run_scoped3A_95 = arith.constant 0 : i32
    "tpu.region"() ({
      %run_scoped3A_225 = tpu.sem_alloc : memref<!tpu.dma_semaphore, #tpu.memory_space<semaphore_mem>>
      %dma_start3A_226 = arith.constant 0 : i32
      %dma_start3A_227 = arith.constant 0 : i32
      %dma_start3A_228 = tpu.memref_slice %arg5[%run_scoped3A_94, %add3A, %run_scoped3A_95, %dma_start3A_226, %dma_start3A_227] : memref<3x32x2x40x128xi32, #tpu.memory_space<hbm>> -> memref<1x1x1x40x128xi32, #tpu.memory_space<hbm>>
      %dma_start3A_229 = tpu.memref_squeeze %dma_start3A_228 : memref<1x1x1x40x128xi32, #tpu.memory_space<hbm>> -> memref<40x128xi32, #tpu.memory_space<hbm>>
      %dma_start3A_230 = arith.constant 0 : i32
      %dma_start3A_231 = arith.constant 0 : i32
      %dma_start3A_232 = tpu.memref_slice %arg5[%run_scoped3A_94, %add3A, %run_scoped3A_95, %dma_start3A_230, %dma_start3A_231] : memref<3x32x2x40x128xi32, #tpu.memory_space<hbm>> -> memref<1x1x1x40x128xi32, #tpu.memory_space<hbm>>
      %dma_start3A_233 = tpu.memref_squeeze %dma_start3A_232 : memref<1x1x1x40x128xi32, #tpu.memory_space<hbm>> -> memref<40x128xi32, #tpu.memory_space<hbm>>
      tpu.enqueue_dma source(%dma_start3A_233 : memref<40x128xi32, #tpu.memory_space<hbm>>) target(%arg12 : memref<40x128xi32, #tpu.memory_space<vmem>>) target_semaphore(%run_scoped3A_225 : memref<!tpu.dma_semaphore, #tpu.memory_space<semaphore_mem>>)
      %dma_wait3A = arith.constant 0 : i32
      %dma_wait3A_234 = arith.constant 0 : i32
      %dma_wait3A_235 = tpu.memref_slice %arg5[%run_scoped3A_94, %add3A, %run_scoped3A_95, %dma_wait3A, %dma_wait3A_234] : memref<3x32x2x40x128xi32, #tpu.memory_space<hbm>> -> memref<1x1x1x40x128xi32, #tpu.memory_space<hbm>>
      %dma_wait3A_236 = tpu.memref_squeeze %dma_wait3A_235 : memref<1x1x1x40x128xi32, #tpu.memory_space<hbm>> -> memref<40x128xi32, #tpu.memory_space<hbm>>
      %dma_wait3A_237 = arith.constant 0 : i32
      %dma_wait3A_238 = arith.constant 0 : i32
      %dma_wait3A_239 = tpu.memref_slice %arg5[%run_scoped3A_94, %add3A, %run_scoped3A_95, %dma_wait3A_237, %dma_wait3A_238] : memref<3x32x2x40x128xi32, #tpu.memory_space<hbm>> -> memref<1x1x1x40x128xi32, #tpu.memory_space<hbm>>
      %dma_wait3A_240 = tpu.memref_squeeze %dma_wait3A_239 : memref<1x1x1x40x128xi32, #tpu.memory_space<hbm>> -> memref<40x128xi32, #tpu.memory_space<hbm>>
      tpu.wait_dma2 semaphore(%run_scoped3A_225 : memref<!tpu.dma_semaphore, #tpu.memory_space<semaphore_mem>>) src(%dma_wait3A_240 : memref<40x128xi32, #tpu.memory_space<hbm>>) dst(%arg12 : memref<40x128xi32, #tpu.memory_space<vmem>>)
      tpu.yield
    }) : () -> ()
    %run_scoped3A_96 = arith.constant 1 : i32
    %run_scoped3A_97 = arith.constant 0 : i32
    "tpu.region"() ({
      %run_scoped3A_225 = tpu.sem_alloc : memref<!tpu.dma_semaphore, #tpu.memory_space<semaphore_mem>>
      %dma_start3A_226 = arith.constant 0 : i32
      %dma_start3A_227 = arith.constant 0 : i32
      %dma_start3A_228 = tpu.memref_slice %arg6[%run_scoped3A_96, %add3A, %run_scoped3A_97, %dma_start3A_226, %dma_start3A_227] : memref<3x32x2x40x128xi32, #tpu.memory_space<hbm>> -> memref<1x1x1x40x128xi32, #tpu.memory_space<hbm>>
      %dma_start3A_229 = tpu.memref_squeeze %dma_start3A_228 : memref<1x1x1x40x128xi32, #tpu.memory_space<hbm>> -> memref<40x128xi32, #tpu.memory_space<hbm>>
      %dma_start3A_230 = arith.constant 0 : i32
      %dma_start3A_231 = arith.constant 0 : i32
      %dma_start3A_232 = tpu.memref_slice %arg6[%run_scoped3A_96, %add3A, %run_scoped3A_97, %dma_start3A_230, %dma_start3A_231] : memref<3x32x2x40x128xi32, #tpu.memory_space<hbm>> -> memref<1x1x1x40x128xi32, #tpu.memory_space<hbm>>
      %dma_start3A_233 = tpu.memref_squeeze %dma_start3A_232 : memref<1x1x1x40x128xi32, #tpu.memory_space<hbm>> -> memref<40x128xi32, #tpu.memory_space<hbm>>
      tpu.enqueue_dma source(%dma_start3A_233 : memref<40x128xi32, #tpu.memory_space<hbm>>) target(%arg13 : memref<40x128xi32, #tpu.memory_space<vmem>>) target_semaphore(%run_scoped3A_225 : memref<!tpu.dma_semaphore, #tpu.memory_space<semaphore_mem>>)
      %dma_wait3A = arith.constant 0 : i32
      %dma_wait3A_234 = arith.constant 0 : i32
      %dma_wait3A_235 = tpu.memref_slice %arg6[%run_scoped3A_96, %add3A, %run_scoped3A_97, %dma_wait3A, %dma_wait3A_234] : memref<3x32x2x40x128xi32, #tpu.memory_space<hbm>> -> memref<1x1x1x40x128xi32, #tpu.memory_space<hbm>>
      %dma_wait3A_236 = tpu.memref_squeeze %dma_wait3A_235 : memref<1x1x1x40x128xi32, #tpu.memory_space<hbm>> -> memref<40x128xi32, #tpu.memory_space<hbm>>
      %dma_wait3A_237 = arith.constant 0 : i32
      %dma_wait3A_238 = arith.constant 0 : i32
      %dma_wait3A_239 = tpu.memref_slice %arg6[%run_scoped3A_96, %add3A, %run_scoped3A_97, %dma_wait3A_237, %dma_wait3A_238] : memref<3x32x2x40x128xi32, #tpu.memory_space<hbm>> -> memref<1x1x1x40x128xi32, #tpu.memory_space<hbm>>
      %dma_wait3A_240 = tpu.memref_squeeze %dma_wait3A_239 : memref<1x1x1x40x128xi32, #tpu.memory_space<hbm>> -> memref<40x128xi32, #tpu.memory_space<hbm>>
      tpu.wait_dma2 semaphore(%run_scoped3A_225 : memref<!tpu.dma_semaphore, #tpu.memory_space<semaphore_mem>>) src(%dma_wait3A_240 : memref<40x128xi32, #tpu.memory_space<hbm>>) dst(%arg13 : memref<40x128xi32, #tpu.memory_space<vmem>>)
      tpu.yield
    }) : () -> ()
    %dma_start3A_98 = arith.constant 0 : i32
    %dma_start3A_99 = arith.constant 0 : i32
    %dma_start3A_100 = tpu.memref_slice %arg12[%dma_start3A_98, %dma_start3A_99] : memref<40x128xi32, #tpu.memory_space<vmem>> -> memref<1x128xi32, #tpu.memory_space<vmem>>
    %dma_start3A_101 = tpu.memref_squeeze %dma_start3A_100 : memref<1x128xi32, #tpu.memory_space<vmem>> -> memref<128xi32, #tpu.memory_space<vmem>>
    %dma_start3A_102 = arith.constant 0 : i32
    %dma_start3A_103 = arith.constant 0 : i32
    %dma_start3A_104 = tpu.memref_slice %arg3[%dma_start3A_102, %dma_start3A_103] : memref<10240x128xf32, #tpu.memory_space<hbm>> -> memref<10240x128xf32, #tpu.memory_space<hbm>>
    tpu.enqueue_indirect_dma source(%dma_start3A_104 : memref<10240x128xf32, #tpu.memory_space<hbm>>) target(%arg10 : memref<128x128xf32, #tpu.memory_space<vmem>>) offsets(%dma_start3A_101 : memref<128xi32, #tpu.memory_space<vmem>>) semaphore(%arg14 : memref<!tpu.dma_semaphore, #tpu.memory_space<semaphore_mem>>)
    %dma_start3A_105 = arith.constant 1 : i32
    %dma_start3A_106 = arith.constant 0 : i32
    %dma_start3A_107 = tpu.memref_slice %arg12[%dma_start3A_105, %dma_start3A_106] : memref<40x128xi32, #tpu.memory_space<vmem>> -> memref<1x128xi32, #tpu.memory_space<vmem>>
    %dma_start3A_108 = tpu.memref_squeeze %dma_start3A_107 : memref<1x128xi32, #tpu.memory_space<vmem>> -> memref<128xi32, #tpu.memory_space<vmem>>
    %dma_start3A_109 = arith.constant 0 : i32
    %dma_start3A_110 = arith.constant 0 : i32
    %dma_start3A_111 = tpu.memref_slice %arg3[%dma_start3A_109, %dma_start3A_110] : memref<10240x128xf32, #tpu.memory_space<hbm>> -> memref<10240x128xf32, #tpu.memory_space<hbm>>
    tpu.enqueue_indirect_dma source(%dma_start3A_111 : memref<10240x128xf32, #tpu.memory_space<hbm>>) target(%arg11 : memref<128x128xf32, #tpu.memory_space<vmem>>) offsets(%dma_start3A_108 : memref<128xi32, #tpu.memory_space<vmem>>) semaphore(%arg15 : memref<!tpu.dma_semaphore, #tpu.memory_space<semaphore_mem>>)
    %scan3A_112 = arith.constant 0 : i32
    %scan3A_113 = arith.constant 0 : i32
    %scan3A_114 = arith.constant 20 : i32
    %scan3A_115 = arith.addi %scan3A_113, %scan3A_114 : i32
    %scan3A_116 = arith.constant 1 : i32
    scf.for %scan3A_225 = %scan3A_113 to %scan3A_115 step %scan3A_116  : i32 {
      %mul3A_226 = arith.constant 2 : i32
      %mul3A_227 = arith.muli %mul3A_226, %scan3A_225 : i32
      %dma_wait3A = arith.constant 0 : i32
      %dma_wait3A_228 = tpu.memref_slice %arg12[%mul3A_227, %dma_wait3A] : memref<40x128xi32, #tpu.memory_space<vmem>> -> memref<1x128xi32, #tpu.memory_space<vmem>>
      %dma_wait3A_229 = tpu.memref_squeeze %dma_wait3A_228 : memref<1x128xi32, #tpu.memory_space<vmem>> -> memref<128xi32, #tpu.memory_space<vmem>>
      %dma_wait3A_230 = arith.constant 0 : i32
      %dma_wait3A_231 = arith.constant 0 : i32
      %dma_wait3A_232 = tpu.memref_slice %arg3[%dma_wait3A_230, %dma_wait3A_231] : memref<10240x128xf32, #tpu.memory_space<hbm>> -> memref<10240x128xf32, #tpu.memory_space<hbm>>
      tpu.wait_indirect_dma semaphore(%arg14 : memref<!tpu.dma_semaphore, #tpu.memory_space<semaphore_mem>>) src(%dma_wait3A_232 : memref<10240x128xf32, #tpu.memory_space<hbm>>) dst(%arg10 : memref<128x128xf32, #tpu.memory_space<vmem>>)
      "tpu.region"() ({
        %run_scoped3A_254 = tpu.sem_alloc : memref<!tpu.dma_semaphore, #tpu.memory_space<semaphore_mem>>
        %dma_start3A_255 = arith.constant 0 : i32
        %dma_start3A_256 = tpu.memref_slice %arg13[%mul3A_227, %dma_start3A_255] : memref<40x128xi32, #tpu.memory_space<vmem>> -> memref<1x128xi32, #tpu.memory_space<vmem>>
        %dma_start3A_257 = tpu.memref_squeeze %dma_start3A_256 : memref<1x128xi32, #tpu.memory_space<vmem>> -> memref<128xi32, #tpu.memory_space<vmem>>
        %dma_start3A_258 = arith.constant 0 : i32
        %dma_start3A_259 = arith.constant 0 : i32
        %dma_start3A_260 = tpu.memref_slice %arg9[%dma_start3A_258, %dma_start3A_259] : memref<10240x128xf32, #tpu.memory_space<vmem_shared>> -> memref<10240x128xf32, #tpu.memory_space<vmem_shared>>
        tpu.enqueue_indirect_dma source(%arg10 : memref<128x128xf32, #tpu.memory_space<vmem>>) target(%dma_start3A_260 : memref<10240x128xf32, #tpu.memory_space<vmem_shared>>) offsets(%dma_start3A_257 : memref<128xi32, #tpu.memory_space<vmem>>) semaphore(%run_scoped3A_254 : memref<!tpu.dma_semaphore, #tpu.memory_space<semaphore_mem>>) {add = true}
        %dma_wait3A_261 = arith.constant 0 : i32
        %dma_wait3A_262 = tpu.memref_slice %arg13[%mul3A_227, %dma_wait3A_261] : memref<40x128xi32, #tpu.memory_space<vmem>> -> memref<1x128xi32, #tpu.memory_space<vmem>>
        %dma_wait3A_263 = tpu.memref_squeeze %dma_wait3A_262 : memref<1x128xi32, #tpu.memory_space<vmem>> -> memref<128xi32, #tpu.memory_space<vmem>>
        %dma_wait3A_264 = arith.constant 0 : i32
        %dma_wait3A_265 = arith.constant 0 : i32
        %dma_wait3A_266 = tpu.memref_slice %arg9[%dma_wait3A_264, %dma_wait3A_265] : memref<10240x128xf32, #tpu.memory_space<vmem_shared>> -> memref<10240x128xf32, #tpu.memory_space<vmem_shared>>
        tpu.wait_indirect_dma semaphore(%run_scoped3A_254 : memref<!tpu.dma_semaphore, #tpu.memory_space<semaphore_mem>>) src(%arg10 : memref<128x128xf32, #tpu.memory_space<vmem>>) dst(%dma_wait3A_266 : memref<10240x128xf32, #tpu.memory_space<vmem_shared>>)
        tpu.yield
      }) : () -> ()
      %add3A_233 = arith.constant 2 : i32
      %add3A_234 = arith.addi %mul3A_227, %add3A_233 : i32
      %lt3A = arith.constant 40 : i32
      %lt3A_235 = arith.cmpi slt, %add3A_234, %lt3A : i32
      %convert_element_type3A = arith.extui %lt3A_235 : i1 to i32
      %cond3A = arith.constant 0 : i32
      %cond3A_236 = arith.cmpi ne, %convert_element_type3A, %cond3A : i32
      scf.if %cond3A_236 {
        %add3A_254 = arith.constant 2 : i32
        %add3A_255 = arith.addi %mul3A_227, %add3A_254 : i32
        %dma_start3A_256 = arith.constant 0 : i32
        %dma_start3A_257 = tpu.memref_slice %arg12[%add3A_255, %dma_start3A_256] : memref<40x128xi32, #tpu.memory_space<vmem>> -> memref<1x128xi32, #tpu.memory_space<vmem>>
        %dma_start3A_258 = tpu.memref_squeeze %dma_start3A_257 : memref<1x128xi32, #tpu.memory_space<vmem>> -> memref<128xi32, #tpu.memory_space<vmem>>
        %dma_start3A_259 = arith.constant 0 : i32
        %dma_start3A_260 = arith.constant 0 : i32
        %dma_start3A_261 = tpu.memref_slice %arg3[%dma_start3A_259, %dma_start3A_260] : memref<10240x128xf32, #tpu.memory_space<hbm>> -> memref<10240x128xf32, #tpu.memory_space<hbm>>
        tpu.enqueue_indirect_dma source(%dma_start3A_261 : memref<10240x128xf32, #tpu.memory_space<hbm>>) target(%arg10 : memref<128x128xf32, #tpu.memory_space<vmem>>) offsets(%dma_start3A_258 : memref<128xi32, #tpu.memory_space<vmem>>) semaphore(%arg14 : memref<!tpu.dma_semaphore, #tpu.memory_space<semaphore_mem>>)
      } else {
      }
      %add3A_237 = arith.constant 1 : i32
      %add3A_238 = arith.addi %mul3A_227, %add3A_237 : i32
      %dma_wait3A_239 = arith.constant 0 : i32
      %dma_wait3A_240 = tpu.memref_slice %arg12[%add3A_238, %dma_wait3A_239] : memref<40x128xi32, #tpu.memory_space<vmem>> -> memref<1x128xi32, #tpu.memory_space<vmem>>
      %dma_wait3A_241 = tpu.memref_squeeze %dma_wait3A_240 : memref<1x128xi32, #tpu.memory_space<vmem>> -> memref<128xi32, #tpu.memory_space<vmem>>
      %dma_wait3A_242 = arith.constant 0 : i32
      %dma_wait3A_243 = arith.constant 0 : i32
      %dma_wait3A_244 = tpu.memref_slice %arg3[%dma_wait3A_242, %dma_wait3A_243] : memref<10240x128xf32, #tpu.memory_space<hbm>> -> memref<10240x128xf32, #tpu.memory_space<hbm>>
      tpu.wait_indirect_dma semaphore(%arg15 : memref<!tpu.dma_semaphore, #tpu.memory_space<semaphore_mem>>) src(%dma_wait3A_244 : memref<10240x128xf32, #tpu.memory_space<hbm>>) dst(%arg11 : memref<128x128xf32, #tpu.memory_space<vmem>>)
      %add3A_245 = arith.constant 1 : i32
      %add3A_246 = arith.addi %mul3A_227, %add3A_245 : i32
      "tpu.region"() ({
        %run_scoped3A_254 = tpu.sem_alloc : memref<!tpu.dma_semaphore, #tpu.memory_space<semaphore_mem>>
        %dma_start3A_255 = arith.constant 0 : i32
        %dma_start3A_256 = tpu.memref_slice %arg13[%add3A_246, %dma_start3A_255] : memref<40x128xi32, #tpu.memory_space<vmem>> -> memref<1x128xi32, #tpu.memory_space<vmem>>
        %dma_start3A_257 = tpu.memref_squeeze %dma_start3A_256 : memref<1x128xi32, #tpu.memory_space<vmem>> -> memref<128xi32, #tpu.memory_space<vmem>>
        %dma_start3A_258 = arith.constant 0 : i32
        %dma_start3A_259 = arith.constant 0 : i32
        %dma_start3A_260 = tpu.memref_slice %arg9[%dma_start3A_258, %dma_start3A_259] : memref<10240x128xf32, #tpu.memory_space<vmem_shared>> -> memref<10240x128xf32, #tpu.memory_space<vmem_shared>>
        tpu.enqueue_indirect_dma source(%arg11 : memref<128x128xf32, #tpu.memory_space<vmem>>) target(%dma_start3A_260 : memref<10240x128xf32, #tpu.memory_space<vmem_shared>>) offsets(%dma_start3A_257 : memref<128xi32, #tpu.memory_space<vmem>>) semaphore(%run_scoped3A_254 : memref<!tpu.dma_semaphore, #tpu.memory_space<semaphore_mem>>) {add = true}
        %dma_wait3A_261 = arith.constant 0 : i32
        %dma_wait3A_262 = tpu.memref_slice %arg13[%add3A_246, %dma_wait3A_261] : memref<40x128xi32, #tpu.memory_space<vmem>> -> memref<1x128xi32, #tpu.memory_space<vmem>>
        %dma_wait3A_263 = tpu.memref_squeeze %dma_wait3A_262 : memref<1x128xi32, #tpu.memory_space<vmem>> -> memref<128xi32, #tpu.memory_space<vmem>>
        %dma_wait3A_264 = arith.constant 0 : i32
        %dma_wait3A_265 = arith.constant 0 : i32
        %dma_wait3A_266 = tpu.memref_slice %arg9[%dma_wait3A_264, %dma_wait3A_265] : memref<10240x128xf32, #tpu.memory_space<vmem_shared>> -> memref<10240x128xf32, #tpu.memory_space<vmem_shared>>
        tpu.wait_indirect_dma semaphore(%run_scoped3A_254 : memref<!tpu.dma_semaphore, #tpu.memory_space<semaphore_mem>>) src(%arg11 : memref<128x128xf32, #tpu.memory_space<vmem>>) dst(%dma_wait3A_266 : memref<10240x128xf32, #tpu.memory_space<vmem_shared>>)
        tpu.yield
      }) : () -> ()
      %add3A_247 = arith.constant 3 : i32
      %add3A_248 = arith.addi %mul3A_227, %add3A_247 : i32
      %lt3A_249 = arith.constant 40 : i32
      %lt3A_250 = arith.cmpi slt, %add3A_248, %lt3A_249 : i32
      %convert_element_type3A_251 = arith.extui %lt3A_250 : i1 to i32
      %cond3A_252 = arith.constant 0 : i32
      %cond3A_253 = arith.cmpi ne, %convert_element_type3A_251, %cond3A_252 : i32
      scf.if %cond3A_253 {
        %add3A_254 = arith.constant 3 : i32
        %add3A_255 = arith.addi %mul3A_227, %add3A_254 : i32
        %dma_start3A_256 = arith.constant 0 : i32
        %dma_start3A_257 = tpu.memref_slice %arg12[%add3A_255, %dma_start3A_256] : memref<40x128xi32, #tpu.memory_space<vmem>> -> memref<1x128xi32, #tpu.memory_space<vmem>>
        %dma_start3A_258 = tpu.memref_squeeze %dma_start3A_257 : memref<1x128xi32, #tpu.memory_space<vmem>> -> memref<128xi32, #tpu.memory_space<vmem>>
        %dma_start3A_259 = arith.constant 0 : i32
        %dma_start3A_260 = arith.constant 0 : i32
        %dma_start3A_261 = tpu.memref_slice %arg3[%dma_start3A_259, %dma_start3A_260] : memref<10240x128xf32, #tpu.memory_space<hbm>> -> memref<10240x128xf32, #tpu.memory_space<hbm>>
        tpu.enqueue_indirect_dma source(%dma_start3A_261 : memref<10240x128xf32, #tpu.memory_space<hbm>>) target(%arg11 : memref<128x128xf32, #tpu.memory_space<vmem>>) offsets(%dma_start3A_258 : memref<128xi32, #tpu.memory_space<vmem>>) semaphore(%arg15 : memref<!tpu.dma_semaphore, #tpu.memory_space<semaphore_mem>>)
      } else {
      }
    }
    %scan3A_117 = arith.constant 20 : i32
    %run_scoped3A_118 = arith.constant 1 : i32
    %run_scoped3A_119 = arith.constant 1 : i32
    "tpu.region"() ({
      %run_scoped3A_225 = tpu.sem_alloc : memref<!tpu.dma_semaphore, #tpu.memory_space<semaphore_mem>>
      %dma_start3A_226 = arith.constant 0 : i32
      %dma_start3A_227 = arith.constant 0 : i32
      %dma_start3A_228 = tpu.memref_slice %arg5[%run_scoped3A_118, %add3A, %run_scoped3A_119, %dma_start3A_226, %dma_start3A_227] : memref<3x32x2x40x128xi32, #tpu.memory_space<hbm>> -> memref<1x1x1x40x128xi32, #tpu.memory_space<hbm>>
      %dma_start3A_229 = tpu.memref_squeeze %dma_start3A_228 : memref<1x1x1x40x128xi32, #tpu.memory_space<hbm>> -> memref<40x128xi32, #tpu.memory_space<hbm>>
      %dma_start3A_230 = arith.constant 0 : i32
      %dma_start3A_231 = arith.constant 0 : i32
      %dma_start3A_232 = tpu.memref_slice %arg5[%run_scoped3A_118, %add3A, %run_scoped3A_119, %dma_start3A_230, %dma_start3A_231] : memref<3x32x2x40x128xi32, #tpu.memory_space<hbm>> -> memref<1x1x1x40x128xi32, #tpu.memory_space<hbm>>
      %dma_start3A_233 = tpu.memref_squeeze %dma_start3A_232 : memref<1x1x1x40x128xi32, #tpu.memory_space<hbm>> -> memref<40x128xi32, #tpu.memory_space<hbm>>
      tpu.enqueue_dma source(%dma_start3A_233 : memref<40x128xi32, #tpu.memory_space<hbm>>) target(%arg12 : memref<40x128xi32, #tpu.memory_space<vmem>>) target_semaphore(%run_scoped3A_225 : memref<!tpu.dma_semaphore, #tpu.memory_space<semaphore_mem>>)
      %dma_wait3A = arith.constant 0 : i32
      %dma_wait3A_234 = arith.constant 0 : i32
      %dma_wait3A_235 = tpu.memref_slice %arg5[%run_scoped3A_118, %add3A, %run_scoped3A_119, %dma_wait3A, %dma_wait3A_234] : memref<3x32x2x40x128xi32, #tpu.memory_space<hbm>> -> memref<1x1x1x40x128xi32, #tpu.memory_space<hbm>>
      %dma_wait3A_236 = tpu.memref_squeeze %dma_wait3A_235 : memref<1x1x1x40x128xi32, #tpu.memory_space<hbm>> -> memref<40x128xi32, #tpu.memory_space<hbm>>
      %dma_wait3A_237 = arith.constant 0 : i32
      %dma_wait3A_238 = arith.constant 0 : i32
      %dma_wait3A_239 = tpu.memref_slice %arg5[%run_scoped3A_118, %add3A, %run_scoped3A_119, %dma_wait3A_237, %dma_wait3A_238] : memref<3x32x2x40x128xi32, #tpu.memory_space<hbm>> -> memref<1x1x1x40x128xi32, #tpu.memory_space<hbm>>
      %dma_wait3A_240 = tpu.memref_squeeze %dma_wait3A_239 : memref<1x1x1x40x128xi32, #tpu.memory_space<hbm>> -> memref<40x128xi32, #tpu.memory_space<hbm>>
      tpu.wait_dma2 semaphore(%run_scoped3A_225 : memref<!tpu.dma_semaphore, #tpu.memory_space<semaphore_mem>>) src(%dma_wait3A_240 : memref<40x128xi32, #tpu.memory_space<hbm>>) dst(%arg12 : memref<40x128xi32, #tpu.memory_space<vmem>>)
      tpu.yield
    }) : () -> ()
    %run_scoped3A_120 = arith.constant 1 : i32
    %run_scoped3A_121 = arith.constant 1 : i32
    "tpu.region"() ({
      %run_scoped3A_225 = tpu.sem_alloc : memref<!tpu.dma_semaphore, #tpu.memory_space<semaphore_mem>>
      %dma_start3A_226 = arith.constant 0 : i32
      %dma_start3A_227 = arith.constant 0 : i32
      %dma_start3A_228 = tpu.memref_slice %arg6[%run_scoped3A_120, %add3A, %run_scoped3A_121, %dma_start3A_226, %dma_start3A_227] : memref<3x32x2x40x128xi32, #tpu.memory_space<hbm>> -> memref<1x1x1x40x128xi32, #tpu.memory_space<hbm>>
      %dma_start3A_229 = tpu.memref_squeeze %dma_start3A_228 : memref<1x1x1x40x128xi32, #tpu.memory_space<hbm>> -> memref<40x128xi32, #tpu.memory_space<hbm>>
      %dma_start3A_230 = arith.constant 0 : i32
      %dma_start3A_231 = arith.constant 0 : i32
      %dma_start3A_232 = tpu.memref_slice %arg6[%run_scoped3A_120, %add3A, %run_scoped3A_121, %dma_start3A_230, %dma_start3A_231] : memref<3x32x2x40x128xi32, #tpu.memory_space<hbm>> -> memref<1x1x1x40x128xi32, #tpu.memory_space<hbm>>
      %dma_start3A_233 = tpu.memref_squeeze %dma_start3A_232 : memref<1x1x1x40x128xi32, #tpu.memory_space<hbm>> -> memref<40x128xi32, #tpu.memory_space<hbm>>
      tpu.enqueue_dma source(%dma_start3A_233 : memref<40x128xi32, #tpu.memory_space<hbm>>) target(%arg13 : memref<40x128xi32, #tpu.memory_space<vmem>>) target_semaphore(%run_scoped3A_225 : memref<!tpu.dma_semaphore, #tpu.memory_space<semaphore_mem>>)
      %dma_wait3A = arith.constant 0 : i32
      %dma_wait3A_234 = arith.constant 0 : i32
      %dma_wait3A_235 = tpu.memref_slice %arg6[%run_scoped3A_120, %add3A, %run_scoped3A_121, %dma_wait3A, %dma_wait3A_234] : memref<3x32x2x40x128xi32, #tpu.memory_space<hbm>> -> memref<1x1x1x40x128xi32, #tpu.memory_space<hbm>>
      %dma_wait3A_236 = tpu.memref_squeeze %dma_wait3A_235 : memref<1x1x1x40x128xi32, #tpu.memory_space<hbm>> -> memref<40x128xi32, #tpu.memory_space<hbm>>
      %dma_wait3A_237 = arith.constant 0 : i32
      %dma_wait3A_238 = arith.constant 0 : i32
      %dma_wait3A_239 = tpu.memref_slice %arg6[%run_scoped3A_120, %add3A, %run_scoped3A_121, %dma_wait3A_237, %dma_wait3A_238] : memref<3x32x2x40x128xi32, #tpu.memory_space<hbm>> -> memref<1x1x1x40x128xi32, #tpu.memory_space<hbm>>
      %dma_wait3A_240 = tpu.memref_squeeze %dma_wait3A_239 : memref<1x1x1x40x128xi32, #tpu.memory_space<hbm>> -> memref<40x128xi32, #tpu.memory_space<hbm>>
      tpu.wait_dma2 semaphore(%run_scoped3A_225 : memref<!tpu.dma_semaphore, #tpu.memory_space<semaphore_mem>>) src(%dma_wait3A_240 : memref<40x128xi32, #tpu.memory_space<hbm>>) dst(%arg13 : memref<40x128xi32, #tpu.memory_space<vmem>>)
      tpu.yield
    }) : () -> ()
    %dma_start3A_122 = arith.constant 0 : i32
    %dma_start3A_123 = arith.constant 0 : i32
    %dma_start3A_124 = tpu.memref_slice %arg12[%dma_start3A_122, %dma_start3A_123] : memref<40x128xi32, #tpu.memory_space<vmem>> -> memref<1x128xi32, #tpu.memory_space<vmem>>
    %dma_start3A_125 = tpu.memref_squeeze %dma_start3A_124 : memref<1x128xi32, #tpu.memory_space<vmem>> -> memref<128xi32, #tpu.memory_space<vmem>>
    %dma_start3A_126 = arith.constant 0 : i32
    %dma_start3A_127 = arith.constant 0 : i32
    %dma_start3A_128 = tpu.memref_slice %arg3[%dma_start3A_126, %dma_start3A_127] : memref<10240x128xf32, #tpu.memory_space<hbm>> -> memref<10240x128xf32, #tpu.memory_space<hbm>>
    tpu.enqueue_indirect_dma source(%dma_start3A_128 : memref<10240x128xf32, #tpu.memory_space<hbm>>) target(%arg10 : memref<128x128xf32, #tpu.memory_space<vmem>>) offsets(%dma_start3A_125 : memref<128xi32, #tpu.memory_space<vmem>>) semaphore(%arg14 : memref<!tpu.dma_semaphore, #tpu.memory_space<semaphore_mem>>)
    %dma_start3A_129 = arith.constant 1 : i32
    %dma_start3A_130 = arith.constant 0 : i32
    %dma_start3A_131 = tpu.memref_slice %arg12[%dma_start3A_129, %dma_start3A_130] : memref<40x128xi32, #tpu.memory_space<vmem>> -> memref<1x128xi32, #tpu.memory_space<vmem>>
    %dma_start3A_132 = tpu.memref_squeeze %dma_start3A_131 : memref<1x128xi32, #tpu.memory_space<vmem>> -> memref<128xi32, #tpu.memory_space<vmem>>
    %dma_start3A_133 = arith.constant 0 : i32
    %dma_start3A_134 = arith.constant 0 : i32
    %dma_start3A_135 = tpu.memref_slice %arg3[%dma_start3A_133, %dma_start3A_134] : memref<10240x128xf32, #tpu.memory_space<hbm>> -> memref<10240x128xf32, #tpu.memory_space<hbm>>
    tpu.enqueue_indirect_dma source(%dma_start3A_135 : memref<10240x128xf32, #tpu.memory_space<hbm>>) target(%arg11 : memref<128x128xf32, #tpu.memory_space<vmem>>) offsets(%dma_start3A_132 : memref<128xi32, #tpu.memory_space<vmem>>) semaphore(%arg15 : memref<!tpu.dma_semaphore, #tpu.memory_space<semaphore_mem>>)
    %scan3A_136 = arith.constant 0 : i32
    %scan3A_137 = arith.constant 0 : i32
    %scan3A_138 = arith.constant 20 : i32
    %scan3A_139 = arith.addi %scan3A_137, %scan3A_138 : i32
    %scan3A_140 = arith.constant 1 : i32
    scf.for %scan3A_225 = %scan3A_137 to %scan3A_139 step %scan3A_140  : i32 {
      %mul3A_226 = arith.constant 2 : i32
      %mul3A_227 = arith.muli %mul3A_226, %scan3A_225 : i32
      %dma_wait3A = arith.constant 0 : i32
      %dma_wait3A_228 = tpu.memref_slice %arg12[%mul3A_227, %dma_wait3A] : memref<40x128xi32, #tpu.memory_space<vmem>> -> memref<1x128xi32, #tpu.memory_space<vmem>>
      %dma_wait3A_229 = tpu.memref_squeeze %dma_wait3A_228 : memref<1x128xi32, #tpu.memory_space<vmem>> -> memref<128xi32, #tpu.memory_space<vmem>>
      %dma_wait3A_230 = arith.constant 0 : i32
      %dma_wait3A_231 = arith.constant 0 : i32
      %dma_wait3A_232 = tpu.memref_slice %arg3[%dma_wait3A_230, %dma_wait3A_231] : memref<10240x128xf32, #tpu.memory_space<hbm>> -> memref<10240x128xf32, #tpu.memory_space<hbm>>
      tpu.wait_indirect_dma semaphore(%arg14 : memref<!tpu.dma_semaphore, #tpu.memory_space<semaphore_mem>>) src(%dma_wait3A_232 : memref<10240x128xf32, #tpu.memory_space<hbm>>) dst(%arg10 : memref<128x128xf32, #tpu.memory_space<vmem>>)
      "tpu.region"() ({
        %run_scoped3A_254 = tpu.sem_alloc : memref<!tpu.dma_semaphore, #tpu.memory_space<semaphore_mem>>
        %dma_start3A_255 = arith.constant 0 : i32
        %dma_start3A_256 = tpu.memref_slice %arg13[%mul3A_227, %dma_start3A_255] : memref<40x128xi32, #tpu.memory_space<vmem>> -> memref<1x128xi32, #tpu.memory_space<vmem>>
        %dma_start3A_257 = tpu.memref_squeeze %dma_start3A_256 : memref<1x128xi32, #tpu.memory_space<vmem>> -> memref<128xi32, #tpu.memory_space<vmem>>
        %dma_start3A_258 = arith.constant 0 : i32
        %dma_start3A_259 = arith.constant 0 : i32
        %dma_start3A_260 = tpu.memref_slice %arg9[%dma_start3A_258, %dma_start3A_259] : memref<10240x128xf32, #tpu.memory_space<vmem_shared>> -> memref<10240x128xf32, #tpu.memory_space<vmem_shared>>
        tpu.enqueue_indirect_dma source(%arg10 : memref<128x128xf32, #tpu.memory_space<vmem>>) target(%dma_start3A_260 : memref<10240x128xf32, #tpu.memory_space<vmem_shared>>) offsets(%dma_start3A_257 : memref<128xi32, #tpu.memory_space<vmem>>) semaphore(%run_scoped3A_254 : memref<!tpu.dma_semaphore, #tpu.memory_space<semaphore_mem>>) {add = true}
        %dma_wait3A_261 = arith.constant 0 : i32
        %dma_wait3A_262 = tpu.memref_slice %arg13[%mul3A_227, %dma_wait3A_261] : memref<40x128xi32, #tpu.memory_space<vmem>> -> memref<1x128xi32, #tpu.memory_space<vmem>>
        %dma_wait3A_263 = tpu.memref_squeeze %dma_wait3A_262 : memref<1x128xi32, #tpu.memory_space<vmem>> -> memref<128xi32, #tpu.memory_space<vmem>>
        %dma_wait3A_264 = arith.constant 0 : i32
        %dma_wait3A_265 = arith.constant 0 : i32
        %dma_wait3A_266 = tpu.memref_slice %arg9[%dma_wait3A_264, %dma_wait3A_265] : memref<10240x128xf32, #tpu.memory_space<vmem_shared>> -> memref<10240x128xf32, #tpu.memory_space<vmem_shared>>
        tpu.wait_indirect_dma semaphore(%run_scoped3A_254 : memref<!tpu.dma_semaphore, #tpu.memory_space<semaphore_mem>>) src(%arg10 : memref<128x128xf32, #tpu.memory_space<vmem>>) dst(%dma_wait3A_266 : memref<10240x128xf32, #tpu.memory_space<vmem_shared>>)
        tpu.yield
      }) : () -> ()
      %add3A_233 = arith.constant 2 : i32
      %add3A_234 = arith.addi %mul3A_227, %add3A_233 : i32
      %lt3A = arith.constant 40 : i32
      %lt3A_235 = arith.cmpi slt, %add3A_234, %lt3A : i32
      %convert_element_type3A = arith.extui %lt3A_235 : i1 to i32
      %cond3A = arith.constant 0 : i32
      %cond3A_236 = arith.cmpi ne, %convert_element_type3A, %cond3A : i32
      scf.if %cond3A_236 {
        %add3A_254 = arith.constant 2 : i32
        %add3A_255 = arith.addi %mul3A_227, %add3A_254 : i32
        %dma_start3A_256 = arith.constant 0 : i32
        %dma_start3A_257 = tpu.memref_slice %arg12[%add3A_255, %dma_start3A_256] : memref<40x128xi32, #tpu.memory_space<vmem>> -> memref<1x128xi32, #tpu.memory_space<vmem>>
        %dma_start3A_258 = tpu.memref_squeeze %dma_start3A_257 : memref<1x128xi32, #tpu.memory_space<vmem>> -> memref<128xi32, #tpu.memory_space<vmem>>
        %dma_start3A_259 = arith.constant 0 : i32
        %dma_start3A_260 = arith.constant 0 : i32
        %dma_start3A_261 = tpu.memref_slice %arg3[%dma_start3A_259, %dma_start3A_260] : memref<10240x128xf32, #tpu.memory_space<hbm>> -> memref<10240x128xf32, #tpu.memory_space<hbm>>
        tpu.enqueue_indirect_dma source(%dma_start3A_261 : memref<10240x128xf32, #tpu.memory_space<hbm>>) target(%arg10 : memref<128x128xf32, #tpu.memory_space<vmem>>) offsets(%dma_start3A_258 : memref<128xi32, #tpu.memory_space<vmem>>) semaphore(%arg14 : memref<!tpu.dma_semaphore, #tpu.memory_space<semaphore_mem>>)
      } else {
      }
      %add3A_237 = arith.constant 1 : i32
      %add3A_238 = arith.addi %mul3A_227, %add3A_237 : i32
      %dma_wait3A_239 = arith.constant 0 : i32
      %dma_wait3A_240 = tpu.memref_slice %arg12[%add3A_238, %dma_wait3A_239] : memref<40x128xi32, #tpu.memory_space<vmem>> -> memref<1x128xi32, #tpu.memory_space<vmem>>
      %dma_wait3A_241 = tpu.memref_squeeze %dma_wait3A_240 : memref<1x128xi32, #tpu.memory_space<vmem>> -> memref<128xi32, #tpu.memory_space<vmem>>
      %dma_wait3A_242 = arith.constant 0 : i32
      %dma_wait3A_243 = arith.constant 0 : i32
      %dma_wait3A_244 = tpu.memref_slice %arg3[%dma_wait3A_242, %dma_wait3A_243] : memref<10240x128xf32, #tpu.memory_space<hbm>> -> memref<10240x128xf32, #tpu.memory_space<hbm>>
      tpu.wait_indirect_dma semaphore(%arg15 : memref<!tpu.dma_semaphore, #tpu.memory_space<semaphore_mem>>) src(%dma_wait3A_244 : memref<10240x128xf32, #tpu.memory_space<hbm>>) dst(%arg11 : memref<128x128xf32, #tpu.memory_space<vmem>>)
      %add3A_245 = arith.constant 1 : i32
      %add3A_246 = arith.addi %mul3A_227, %add3A_245 : i32
      "tpu.region"() ({
        %run_scoped3A_254 = tpu.sem_alloc : memref<!tpu.dma_semaphore, #tpu.memory_space<semaphore_mem>>
        %dma_start3A_255 = arith.constant 0 : i32
        %dma_start3A_256 = tpu.memref_slice %arg13[%add3A_246, %dma_start3A_255] : memref<40x128xi32, #tpu.memory_space<vmem>> -> memref<1x128xi32, #tpu.memory_space<vmem>>
        %dma_start3A_257 = tpu.memref_squeeze %dma_start3A_256 : memref<1x128xi32, #tpu.memory_space<vmem>> -> memref<128xi32, #tpu.memory_space<vmem>>
        %dma_start3A_258 = arith.constant 0 : i32
        %dma_start3A_259 = arith.constant 0 : i32
        %dma_start3A_260 = tpu.memref_slice %arg9[%dma_start3A_258, %dma_start3A_259] : memref<10240x128xf32, #tpu.memory_space<vmem_shared>> -> memref<10240x128xf32, #tpu.memory_space<vmem_shared>>
        tpu.enqueue_indirect_dma source(%arg11 : memref<128x128xf32, #tpu.memory_space<vmem>>) target(%dma_start3A_260 : memref<10240x128xf32, #tpu.memory_space<vmem_shared>>) offsets(%dma_start3A_257 : memref<128xi32, #tpu.memory_space<vmem>>) semaphore(%run_scoped3A_254 : memref<!tpu.dma_semaphore, #tpu.memory_space<semaphore_mem>>) {add = true}
        %dma_wait3A_261 = arith.constant 0 : i32
        %dma_wait3A_262 = tpu.memref_slice %arg13[%add3A_246, %dma_wait3A_261] : memref<40x128xi32, #tpu.memory_space<vmem>> -> memref<1x128xi32, #tpu.memory_space<vmem>>
        %dma_wait3A_263 = tpu.memref_squeeze %dma_wait3A_262 : memref<1x128xi32, #tpu.memory_space<vmem>> -> memref<128xi32, #tpu.memory_space<vmem>>
        %dma_wait3A_264 = arith.constant 0 : i32
        %dma_wait3A_265 = arith.constant 0 : i32
        %dma_wait3A_266 = tpu.memref_slice %arg9[%dma_wait3A_264, %dma_wait3A_265] : memref<10240x128xf32, #tpu.memory_space<vmem_shared>> -> memref<10240x128xf32, #tpu.memory_space<vmem_shared>>
        tpu.wait_indirect_dma semaphore(%run_scoped3A_254 : memref<!tpu.dma_semaphore, #tpu.memory_space<semaphore_mem>>) src(%arg11 : memref<128x128xf32, #tpu.memory_space<vmem>>) dst(%dma_wait3A_266 : memref<10240x128xf32, #tpu.memory_space<vmem_shared>>)
        tpu.yield
      }) : () -> ()
      %add3A_247 = arith.constant 3 : i32
      %add3A_248 = arith.addi %mul3A_227, %add3A_247 : i32
      %lt3A_249 = arith.constant 40 : i32
      %lt3A_250 = arith.cmpi slt, %add3A_248, %lt3A_249 : i32
      %convert_element_type3A_251 = arith.extui %lt3A_250 : i1 to i32
      %cond3A_252 = arith.constant 0 : i32
      %cond3A_253 = arith.cmpi ne, %convert_element_type3A_251, %cond3A_252 : i32
      scf.if %cond3A_253 {
        %add3A_254 = arith.constant 3 : i32
        %add3A_255 = arith.addi %mul3A_227, %add3A_254 : i32
        %dma_start3A_256 = arith.constant 0 : i32
        %dma_start3A_257 = tpu.memref_slice %arg12[%add3A_255, %dma_start3A_256] : memref<40x128xi32, #tpu.memory_space<vmem>> -> memref<1x128xi32, #tpu.memory_space<vmem>>
        %dma_start3A_258 = tpu.memref_squeeze %dma_start3A_257 : memref<1x128xi32, #tpu.memory_space<vmem>> -> memref<128xi32, #tpu.memory_space<vmem>>
        %dma_start3A_259 = arith.constant 0 : i32
        %dma_start3A_260 = arith.constant 0 : i32
        %dma_start3A_261 = tpu.memref_slice %arg3[%dma_start3A_259, %dma_start3A_260] : memref<10240x128xf32, #tpu.memory_space<hbm>> -> memref<10240x128xf32, #tpu.memory_space<hbm>>
        tpu.enqueue_indirect_dma source(%dma_start3A_261 : memref<10240x128xf32, #tpu.memory_space<hbm>>) target(%arg11 : memref<128x128xf32, #tpu.memory_space<vmem>>) offsets(%dma_start3A_258 : memref<128xi32, #tpu.memory_space<vmem>>) semaphore(%arg15 : memref<!tpu.dma_semaphore, #tpu.memory_space<semaphore_mem>>)
      } else {
      }
    }
    %scan3A_141 = arith.constant 20 : i32
    %barrier3A_142 = arith.constant 0 : index
    tpu.barrier barrier_id(%barrier3A_142)
    %mul3A_143 = arith.constant 640 : i32
    %mul3A_144 = arith.muli %arg1, %mul3A_143 : i32
    %mul3A_145 = arith.constant 640 : i32
    %mul3A_146 = arith.muli %arg1, %mul3A_145 : i32
    %run_scoped3A_147 = arith.constant 1 : i32
    "tpu.region"() ({
      %run_scoped3A_225 = tpu.sem_alloc : memref<!tpu.dma_semaphore, #tpu.memory_space<semaphore_mem>>
      %dma_start3A_226 = arith.constant 0 : i32
      %dma_start3A_227 = tpu.memref_slice %arg8[%run_scoped3A_147, %arg0, %mul3A_146, %dma_start3A_226] : memref<3x2x10240x128xf32, #tpu.memory_space<hbm>> -> memref<1x1x640x128xf32, #tpu.memory_space<hbm>>
      %dma_start3A_228 = tpu.memref_squeeze %dma_start3A_227 : memref<1x1x640x128xf32, #tpu.memory_space<hbm>> -> memref<640x128xf32, #tpu.memory_space<hbm>>
      %dma_start3A_229 = arith.constant 0 : i32
      %dma_start3A_230 = tpu.memref_slice %arg9[%mul3A_144, %dma_start3A_229] : memref<10240x128xf32, #tpu.memory_space<vmem_shared>> -> memref<640x128xf32, #tpu.memory_space<vmem_shared>>
      tpu.enqueue_dma source(%dma_start3A_230 : memref<640x128xf32, #tpu.memory_space<vmem_shared>>) target(%dma_start3A_228 : memref<640x128xf32, #tpu.memory_space<hbm>>) target_semaphore(%run_scoped3A_225 : memref<!tpu.dma_semaphore, #tpu.memory_space<semaphore_mem>>)
      %dma_wait3A = arith.constant 0 : i32
      %dma_wait3A_231 = tpu.memref_slice %arg8[%run_scoped3A_147, %arg0, %mul3A_146, %dma_wait3A] : memref<3x2x10240x128xf32, #tpu.memory_space<hbm>> -> memref<1x1x640x128xf32, #tpu.memory_space<hbm>>
      %dma_wait3A_232 = tpu.memref_squeeze %dma_wait3A_231 : memref<1x1x640x128xf32, #tpu.memory_space<hbm>> -> memref<640x128xf32, #tpu.memory_space<hbm>>
      %dma_wait3A_233 = arith.constant 0 : i32
      %dma_wait3A_234 = tpu.memref_slice %arg9[%mul3A_144, %dma_wait3A_233] : memref<10240x128xf32, #tpu.memory_space<vmem_shared>> -> memref<640x128xf32, #tpu.memory_space<vmem_shared>>
      tpu.wait_dma2 semaphore(%run_scoped3A_225 : memref<!tpu.dma_semaphore, #tpu.memory_space<semaphore_mem>>) src(%dma_wait3A_234 : memref<640x128xf32, #tpu.memory_space<vmem_shared>>) dst(%dma_wait3A_232 : memref<640x128xf32, #tpu.memory_space<hbm>>)
      tpu.yield
    }) : () -> ()
    %barrier3A_148 = arith.constant 0 : index
    tpu.barrier barrier_id(%barrier3A_148)
    "tpu.region"() ({
      %run_scoped3A_225 = tpu.sem_alloc : memref<!tpu.dma_semaphore, #tpu.memory_space<semaphore_mem>>
      tpu.enqueue_dma source(%arg7 : memref<128x128xf32, #tpu.memory_space<hbm>>) target(%arg10 : memref<128x128xf32, #tpu.memory_space<vmem>>) target_semaphore(%run_scoped3A_225 : memref<!tpu.dma_semaphore, #tpu.memory_space<semaphore_mem>>)
      tpu.wait_dma2 semaphore(%run_scoped3A_225 : memref<!tpu.dma_semaphore, #tpu.memory_space<semaphore_mem>>) src(%arg7 : memref<128x128xf32, #tpu.memory_space<hbm>>) dst(%arg10 : memref<128x128xf32, #tpu.memory_space<vmem>>)
      tpu.yield
    }) : () -> ()
    %mul3A_149 = arith.constant 640 : i32
    %mul3A_150 = arith.muli %arg1, %mul3A_149 : i32
    %add3A_151 = arith.constant 0 : i32
    %add3A_152 = arith.addi %mul3A_150, %add3A_151 : i32
    "tpu.region"() ({
      %run_scoped3A_225 = tpu.sem_alloc : memref<!tpu.dma_semaphore, #tpu.memory_space<semaphore_mem>>
      %dma_start3A_226 = arith.constant 0 : i32
      %dma_start3A_227 = tpu.memref_slice %arg9[%add3A_152, %dma_start3A_226] : memref<10240x128xf32, #tpu.memory_space<vmem_shared>> -> memref<128x128xf32, #tpu.memory_space<vmem_shared>>
      %dma_start3A_228 = arith.constant 0 : i32
      %dma_start3A_229 = tpu.memref_slice %arg9[%add3A_152, %dma_start3A_228] : memref<10240x128xf32, #tpu.memory_space<vmem_shared>> -> memref<128x128xf32, #tpu.memory_space<vmem_shared>>
      tpu.enqueue_dma source(%arg10 : memref<128x128xf32, #tpu.memory_space<vmem>>) target(%dma_start3A_229 : memref<128x128xf32, #tpu.memory_space<vmem_shared>>) target_semaphore(%run_scoped3A_225 : memref<!tpu.dma_semaphore, #tpu.memory_space<semaphore_mem>>)
      %dma_wait3A = arith.constant 0 : i32
      %dma_wait3A_230 = tpu.memref_slice %arg9[%add3A_152, %dma_wait3A] : memref<10240x128xf32, #tpu.memory_space<vmem_shared>> -> memref<128x128xf32, #tpu.memory_space<vmem_shared>>
      %dma_wait3A_231 = arith.constant 0 : i32
      %dma_wait3A_232 = tpu.memref_slice %arg9[%add3A_152, %dma_wait3A_231] : memref<10240x128xf32, #tpu.memory_space<vmem_shared>> -> memref<128x128xf32, #tpu.memory_space<vmem_shared>>
      tpu.wait_dma2 semaphore(%run_scoped3A_225 : memref<!tpu.dma_semaphore, #tpu.memory_space<semaphore_mem>>) src(%arg10 : memref<128x128xf32, #tpu.memory_space<vmem>>) dst(%dma_wait3A_232 : memref<128x128xf32, #tpu.memory_space<vmem_shared>>)
      tpu.yield
    }) : () -> ()
    %mul3A_153 = arith.constant 640 : i32
    %mul3A_154 = arith.muli %arg1, %mul3A_153 : i32
    %add3A_155 = arith.constant 128 : i32
    %add3A_156 = arith.addi %mul3A_154, %add3A_155 : i32
    "tpu.region"() ({
      %run_scoped3A_225 = tpu.sem_alloc : memref<!tpu.dma_semaphore, #tpu.memory_space<semaphore_mem>>
      %dma_start3A_226 = arith.constant 0 : i32
      %dma_start3A_227 = tpu.memref_slice %arg9[%add3A_156, %dma_start3A_226] : memref<10240x128xf32, #tpu.memory_space<vmem_shared>> -> memref<128x128xf32, #tpu.memory_space<vmem_shared>>
      %dma_start3A_228 = arith.constant 0 : i32
      %dma_start3A_229 = tpu.memref_slice %arg9[%add3A_156, %dma_start3A_228] : memref<10240x128xf32, #tpu.memory_space<vmem_shared>> -> memref<128x128xf32, #tpu.memory_space<vmem_shared>>
      tpu.enqueue_dma source(%arg10 : memref<128x128xf32, #tpu.memory_space<vmem>>) target(%dma_start3A_229 : memref<128x128xf32, #tpu.memory_space<vmem_shared>>) target_semaphore(%run_scoped3A_225 : memref<!tpu.dma_semaphore, #tpu.memory_space<semaphore_mem>>)
      %dma_wait3A = arith.constant 0 : i32
      %dma_wait3A_230 = tpu.memref_slice %arg9[%add3A_156, %dma_wait3A] : memref<10240x128xf32, #tpu.memory_space<vmem_shared>> -> memref<128x128xf32, #tpu.memory_space<vmem_shared>>
      %dma_wait3A_231 = arith.constant 0 : i32
      %dma_wait3A_232 = tpu.memref_slice %arg9[%add3A_156, %dma_wait3A_231] : memref<10240x128xf32, #tpu.memory_space<vmem_shared>> -> memref<128x128xf32, #tpu.memory_space<vmem_shared>>
      tpu.wait_dma2 semaphore(%run_scoped3A_225 : memref<!tpu.dma_semaphore, #tpu.memory_space<semaphore_mem>>) src(%arg10 : memref<128x128xf32, #tpu.memory_space<vmem>>) dst(%dma_wait3A_232 : memref<128x128xf32, #tpu.memory_space<vmem_shared>>)
      tpu.yield
    }) : () -> ()
    %mul3A_157 = arith.constant 640 : i32
    %mul3A_158 = arith.muli %arg1, %mul3A_157 : i32
    %add3A_159 = arith.constant 256 : i32
    %add3A_160 = arith.addi %mul3A_158, %add3A_159 : i32
    "tpu.region"() ({
      %run_scoped3A_225 = tpu.sem_alloc : memref<!tpu.dma_semaphore, #tpu.memory_space<semaphore_mem>>
      %dma_start3A_226 = arith.constant 0 : i32
      %dma_start3A_227 = tpu.memref_slice %arg9[%add3A_160, %dma_start3A_226] : memref<10240x128xf32, #tpu.memory_space<vmem_shared>> -> memref<128x128xf32, #tpu.memory_space<vmem_shared>>
      %dma_start3A_228 = arith.constant 0 : i32
      %dma_start3A_229 = tpu.memref_slice %arg9[%add3A_160, %dma_start3A_228] : memref<10240x128xf32, #tpu.memory_space<vmem_shared>> -> memref<128x128xf32, #tpu.memory_space<vmem_shared>>
      tpu.enqueue_dma source(%arg10 : memref<128x128xf32, #tpu.memory_space<vmem>>) target(%dma_start3A_229 : memref<128x128xf32, #tpu.memory_space<vmem_shared>>) target_semaphore(%run_scoped3A_225 : memref<!tpu.dma_semaphore, #tpu.memory_space<semaphore_mem>>)
      %dma_wait3A = arith.constant 0 : i32
      %dma_wait3A_230 = tpu.memref_slice %arg9[%add3A_160, %dma_wait3A] : memref<10240x128xf32, #tpu.memory_space<vmem_shared>> -> memref<128x128xf32, #tpu.memory_space<vmem_shared>>
      %dma_wait3A_231 = arith.constant 0 : i32
      %dma_wait3A_232 = tpu.memref_slice %arg9[%add3A_160, %dma_wait3A_231] : memref<10240x128xf32, #tpu.memory_space<vmem_shared>> -> memref<128x128xf32, #tpu.memory_space<vmem_shared>>
      tpu.wait_dma2 semaphore(%run_scoped3A_225 : memref<!tpu.dma_semaphore, #tpu.memory_space<semaphore_mem>>) src(%arg10 : memref<128x128xf32, #tpu.memory_space<vmem>>) dst(%dma_wait3A_232 : memref<128x128xf32, #tpu.memory_space<vmem_shared>>)
      tpu.yield
    }) : () -> ()
    %mul3A_161 = arith.constant 640 : i32
    %mul3A_162 = arith.muli %arg1, %mul3A_161 : i32
    %add3A_163 = arith.constant 384 : i32
    %add3A_164 = arith.addi %mul3A_162, %add3A_163 : i32
    "tpu.region"() ({
      %run_scoped3A_225 = tpu.sem_alloc : memref<!tpu.dma_semaphore, #tpu.memory_space<semaphore_mem>>
      %dma_start3A_226 = arith.constant 0 : i32
      %dma_start3A_227 = tpu.memref_slice %arg9[%add3A_164, %dma_start3A_226] : memref<10240x128xf32, #tpu.memory_space<vmem_shared>> -> memref<128x128xf32, #tpu.memory_space<vmem_shared>>
      %dma_start3A_228 = arith.constant 0 : i32
      %dma_start3A_229 = tpu.memref_slice %arg9[%add3A_164, %dma_start3A_228] : memref<10240x128xf32, #tpu.memory_space<vmem_shared>> -> memref<128x128xf32, #tpu.memory_space<vmem_shared>>
      tpu.enqueue_dma source(%arg10 : memref<128x128xf32, #tpu.memory_space<vmem>>) target(%dma_start3A_229 : memref<128x128xf32, #tpu.memory_space<vmem_shared>>) target_semaphore(%run_scoped3A_225 : memref<!tpu.dma_semaphore, #tpu.memory_space<semaphore_mem>>)
      %dma_wait3A = arith.constant 0 : i32
      %dma_wait3A_230 = tpu.memref_slice %arg9[%add3A_164, %dma_wait3A] : memref<10240x128xf32, #tpu.memory_space<vmem_shared>> -> memref<128x128xf32, #tpu.memory_space<vmem_shared>>
      %dma_wait3A_231 = arith.constant 0 : i32
      %dma_wait3A_232 = tpu.memref_slice %arg9[%add3A_164, %dma_wait3A_231] : memref<10240x128xf32, #tpu.memory_space<vmem_shared>> -> memref<128x128xf32, #tpu.memory_space<vmem_shared>>
      tpu.wait_dma2 semaphore(%run_scoped3A_225 : memref<!tpu.dma_semaphore, #tpu.memory_space<semaphore_mem>>) src(%arg10 : memref<128x128xf32, #tpu.memory_space<vmem>>) dst(%dma_wait3A_232 : memref<128x128xf32, #tpu.memory_space<vmem_shared>>)
      tpu.yield
    }) : () -> ()
    %mul3A_165 = arith.constant 640 : i32
    %mul3A_166 = arith.muli %arg1, %mul3A_165 : i32
    %add3A_167 = arith.constant 512 : i32
    %add3A_168 = arith.addi %mul3A_166, %add3A_167 : i32
    "tpu.region"() ({
      %run_scoped3A_225 = tpu.sem_alloc : memref<!tpu.dma_semaphore, #tpu.memory_space<semaphore_mem>>
      %dma_start3A_226 = arith.constant 0 : i32
      %dma_start3A_227 = tpu.memref_slice %arg9[%add3A_168, %dma_start3A_226] : memref<10240x128xf32, #tpu.memory_space<vmem_shared>> -> memref<128x128xf32, #tpu.memory_space<vmem_shared>>
      %dma_start3A_228 = arith.constant 0 : i32
      %dma_start3A_229 = tpu.memref_slice %arg9[%add3A_168, %dma_start3A_228] : memref<10240x128xf32, #tpu.memory_space<vmem_shared>> -> memref<128x128xf32, #tpu.memory_space<vmem_shared>>
      tpu.enqueue_dma source(%arg10 : memref<128x128xf32, #tpu.memory_space<vmem>>) target(%dma_start3A_229 : memref<128x128xf32, #tpu.memory_space<vmem_shared>>) target_semaphore(%run_scoped3A_225 : memref<!tpu.dma_semaphore, #tpu.memory_space<semaphore_mem>>)
      %dma_wait3A = arith.constant 0 : i32
      %dma_wait3A_230 = tpu.memref_slice %arg9[%add3A_168, %dma_wait3A] : memref<10240x128xf32, #tpu.memory_space<vmem_shared>> -> memref<128x128xf32, #tpu.memory_space<vmem_shared>>
      %dma_wait3A_231 = arith.constant 0 : i32
      %dma_wait3A_232 = tpu.memref_slice %arg9[%add3A_168, %dma_wait3A_231] : memref<10240x128xf32, #tpu.memory_space<vmem_shared>> -> memref<128x128xf32, #tpu.memory_space<vmem_shared>>
      tpu.wait_dma2 semaphore(%run_scoped3A_225 : memref<!tpu.dma_semaphore, #tpu.memory_space<semaphore_mem>>) src(%arg10 : memref<128x128xf32, #tpu.memory_space<vmem>>) dst(%dma_wait3A_232 : memref<128x128xf32, #tpu.memory_space<vmem_shared>>)
      tpu.yield
    }) : () -> ()
    %barrier3A_169 = arith.constant 0 : index
    tpu.barrier barrier_id(%barrier3A_169)
    %run_scoped3A_170 = arith.constant 2 : i32
    %run_scoped3A_171 = arith.constant 0 : i32
    "tpu.region"() ({
      %run_scoped3A_225 = tpu.sem_alloc : memref<!tpu.dma_semaphore, #tpu.memory_space<semaphore_mem>>
      %dma_start3A_226 = arith.constant 0 : i32
      %dma_start3A_227 = arith.constant 0 : i32
      %dma_start3A_228 = tpu.memref_slice %arg5[%run_scoped3A_170, %add3A, %run_scoped3A_171, %dma_start3A_226, %dma_start3A_227] : memref<3x32x2x40x128xi32, #tpu.memory_space<hbm>> -> memref<1x1x1x40x128xi32, #tpu.memory_space<hbm>>
      %dma_start3A_229 = tpu.memref_squeeze %dma_start3A_228 : memref<1x1x1x40x128xi32, #tpu.memory_space<hbm>> -> memref<40x128xi32, #tpu.memory_space<hbm>>
      %dma_start3A_230 = arith.constant 0 : i32
      %dma_start3A_231 = arith.constant 0 : i32
      %dma_start3A_232 = tpu.memref_slice %arg5[%run_scoped3A_170, %add3A, %run_scoped3A_171, %dma_start3A_230, %dma_start3A_231] : memref<3x32x2x40x128xi32, #tpu.memory_space<hbm>> -> memref<1x1x1x40x128xi32, #tpu.memory_space<hbm>>
      %dma_start3A_233 = tpu.memref_squeeze %dma_start3A_232 : memref<1x1x1x40x128xi32, #tpu.memory_space<hbm>> -> memref<40x128xi32, #tpu.memory_space<hbm>>
      tpu.enqueue_dma source(%dma_start3A_233 : memref<40x128xi32, #tpu.memory_space<hbm>>) target(%arg12 : memref<40x128xi32, #tpu.memory_space<vmem>>) target_semaphore(%run_scoped3A_225 : memref<!tpu.dma_semaphore, #tpu.memory_space<semaphore_mem>>)
      %dma_wait3A = arith.constant 0 : i32
      %dma_wait3A_234 = arith.constant 0 : i32
      %dma_wait3A_235 = tpu.memref_slice %arg5[%run_scoped3A_170, %add3A, %run_scoped3A_171, %dma_wait3A, %dma_wait3A_234] : memref<3x32x2x40x128xi32, #tpu.memory_space<hbm>> -> memref<1x1x1x40x128xi32, #tpu.memory_space<hbm>>
      %dma_wait3A_236 = tpu.memref_squeeze %dma_wait3A_235 : memref<1x1x1x40x128xi32, #tpu.memory_space<hbm>> -> memref<40x128xi32, #tpu.memory_space<hbm>>
      %dma_wait3A_237 = arith.constant 0 : i32
      %dma_wait3A_238 = arith.constant 0 : i32
      %dma_wait3A_239 = tpu.memref_slice %arg5[%run_scoped3A_170, %add3A, %run_scoped3A_171, %dma_wait3A_237, %dma_wait3A_238] : memref<3x32x2x40x128xi32, #tpu.memory_space<hbm>> -> memref<1x1x1x40x128xi32, #tpu.memory_space<hbm>>
      %dma_wait3A_240 = tpu.memref_squeeze %dma_wait3A_239 : memref<1x1x1x40x128xi32, #tpu.memory_space<hbm>> -> memref<40x128xi32, #tpu.memory_space<hbm>>
      tpu.wait_dma2 semaphore(%run_scoped3A_225 : memref<!tpu.dma_semaphore, #tpu.memory_space<semaphore_mem>>) src(%dma_wait3A_240 : memref<40x128xi32, #tpu.memory_space<hbm>>) dst(%arg12 : memref<40x128xi32, #tpu.memory_space<vmem>>)
      tpu.yield
    }) : () -> ()
    %run_scoped3A_172 = arith.constant 2 : i32
    %run_scoped3A_173 = arith.constant 0 : i32
    "tpu.region"() ({
      %run_scoped3A_225 = tpu.sem_alloc : memref<!tpu.dma_semaphore, #tpu.memory_space<semaphore_mem>>
      %dma_start3A_226 = arith.constant 0 : i32
      %dma_start3A_227 = arith.constant 0 : i32
      %dma_start3A_228 = tpu.memref_slice %arg6[%run_scoped3A_172, %add3A, %run_scoped3A_173, %dma_start3A_226, %dma_start3A_227] : memref<3x32x2x40x128xi32, #tpu.memory_space<hbm>> -> memref<1x1x1x40x128xi32, #tpu.memory_space<hbm>>
      %dma_start3A_229 = tpu.memref_squeeze %dma_start3A_228 : memref<1x1x1x40x128xi32, #tpu.memory_space<hbm>> -> memref<40x128xi32, #tpu.memory_space<hbm>>
      %dma_start3A_230 = arith.constant 0 : i32
      %dma_start3A_231 = arith.constant 0 : i32
      %dma_start3A_232 = tpu.memref_slice %arg6[%run_scoped3A_172, %add3A, %run_scoped3A_173, %dma_start3A_230, %dma_start3A_231] : memref<3x32x2x40x128xi32, #tpu.memory_space<hbm>> -> memref<1x1x1x40x128xi32, #tpu.memory_space<hbm>>
      %dma_start3A_233 = tpu.memref_squeeze %dma_start3A_232 : memref<1x1x1x40x128xi32, #tpu.memory_space<hbm>> -> memref<40x128xi32, #tpu.memory_space<hbm>>
      tpu.enqueue_dma source(%dma_start3A_233 : memref<40x128xi32, #tpu.memory_space<hbm>>) target(%arg13 : memref<40x128xi32, #tpu.memory_space<vmem>>) target_semaphore(%run_scoped3A_225 : memref<!tpu.dma_semaphore, #tpu.memory_space<semaphore_mem>>)
      %dma_wait3A = arith.constant 0 : i32
      %dma_wait3A_234 = arith.constant 0 : i32
      %dma_wait3A_235 = tpu.memref_slice %arg6[%run_scoped3A_172, %add3A, %run_scoped3A_173, %dma_wait3A, %dma_wait3A_234] : memref<3x32x2x40x128xi32, #tpu.memory_space<hbm>> -> memref<1x1x1x40x128xi32, #tpu.memory_space<hbm>>
      %dma_wait3A_236 = tpu.memref_squeeze %dma_wait3A_235 : memref<1x1x1x40x128xi32, #tpu.memory_space<hbm>> -> memref<40x128xi32, #tpu.memory_space<hbm>>
      %dma_wait3A_237 = arith.constant 0 : i32
      %dma_wait3A_238 = arith.constant 0 : i32
      %dma_wait3A_239 = tpu.memref_slice %arg6[%run_scoped3A_172, %add3A, %run_scoped3A_173, %dma_wait3A_237, %dma_wait3A_238] : memref<3x32x2x40x128xi32, #tpu.memory_space<hbm>> -> memref<1x1x1x40x128xi32, #tpu.memory_space<hbm>>
      %dma_wait3A_240 = tpu.memref_squeeze %dma_wait3A_239 : memref<1x1x1x40x128xi32, #tpu.memory_space<hbm>> -> memref<40x128xi32, #tpu.memory_space<hbm>>
      tpu.wait_dma2 semaphore(%run_scoped3A_225 : memref<!tpu.dma_semaphore, #tpu.memory_space<semaphore_mem>>) src(%dma_wait3A_240 : memref<40x128xi32, #tpu.memory_space<hbm>>) dst(%arg13 : memref<40x128xi32, #tpu.memory_space<vmem>>)
      tpu.yield
    }) : () -> ()
    %dma_start3A_174 = arith.constant 0 : i32
    %dma_start3A_175 = arith.constant 0 : i32
    %dma_start3A_176 = tpu.memref_slice %arg12[%dma_start3A_174, %dma_start3A_175] : memref<40x128xi32, #tpu.memory_space<vmem>> -> memref<1x128xi32, #tpu.memory_space<vmem>>
    %dma_start3A_177 = tpu.memref_squeeze %dma_start3A_176 : memref<1x128xi32, #tpu.memory_space<vmem>> -> memref<128xi32, #tpu.memory_space<vmem>>
    %dma_start3A_178 = arith.constant 0 : i32
    %dma_start3A_179 = arith.constant 0 : i32
    %dma_start3A_180 = tpu.memref_slice %arg4[%dma_start3A_178, %dma_start3A_179] : memref<10240x128xf32, #tpu.memory_space<hbm>> -> memref<10240x128xf32, #tpu.memory_space<hbm>>
    tpu.enqueue_indirect_dma source(%dma_start3A_180 : memref<10240x128xf32, #tpu.memory_space<hbm>>) target(%arg10 : memref<128x128xf32, #tpu.memory_space<vmem>>) offsets(%dma_start3A_177 : memref<128xi32, #tpu.memory_space<vmem>>) semaphore(%arg14 : memref<!tpu.dma_semaphore, #tpu.memory_space<semaphore_mem>>)
    %dma_start3A_181 = arith.constant 1 : i32
    %dma_start3A_182 = arith.constant 0 : i32
    %dma_start3A_183 = tpu.memref_slice %arg12[%dma_start3A_181, %dma_start3A_182] : memref<40x128xi32, #tpu.memory_space<vmem>> -> memref<1x128xi32, #tpu.memory_space<vmem>>
    %dma_start3A_184 = tpu.memref_squeeze %dma_start3A_183 : memref<1x128xi32, #tpu.memory_space<vmem>> -> memref<128xi32, #tpu.memory_space<vmem>>
    %dma_start3A_185 = arith.constant 0 : i32
    %dma_start3A_186 = arith.constant 0 : i32
    %dma_start3A_187 = tpu.memref_slice %arg4[%dma_start3A_185, %dma_start3A_186] : memref<10240x128xf32, #tpu.memory_space<hbm>> -> memref<10240x128xf32, #tpu.memory_space<hbm>>
    tpu.enqueue_indirect_dma source(%dma_start3A_187 : memref<10240x128xf32, #tpu.memory_space<hbm>>) target(%arg11 : memref<128x128xf32, #tpu.memory_space<vmem>>) offsets(%dma_start3A_184 : memref<128xi32, #tpu.memory_space<vmem>>) semaphore(%arg15 : memref<!tpu.dma_semaphore, #tpu.memory_space<semaphore_mem>>)
    %scan3A_188 = arith.constant 0 : i32
    %scan3A_189 = arith.constant 0 : i32
    %scan3A_190 = arith.constant 20 : i32
    %scan3A_191 = arith.addi %scan3A_189, %scan3A_190 : i32
    %scan3A_192 = arith.constant 1 : i32
    scf.for %scan3A_225 = %scan3A_189 to %scan3A_191 step %scan3A_192  : i32 {
      %mul3A_226 = arith.constant 2 : i32
      %mul3A_227 = arith.muli %mul3A_226, %scan3A_225 : i32
      %dma_wait3A = arith.constant 0 : i32
      %dma_wait3A_228 = tpu.memref_slice %arg12[%mul3A_227, %dma_wait3A] : memref<40x128xi32, #tpu.memory_space<vmem>> -> memref<1x128xi32, #tpu.memory_space<vmem>>
      %dma_wait3A_229 = tpu.memref_squeeze %dma_wait3A_228 : memref<1x128xi32, #tpu.memory_space<vmem>> -> memref<128xi32, #tpu.memory_space<vmem>>
      %dma_wait3A_230 = arith.constant 0 : i32
      %dma_wait3A_231 = arith.constant 0 : i32
      %dma_wait3A_232 = tpu.memref_slice %arg4[%dma_wait3A_230, %dma_wait3A_231] : memref<10240x128xf32, #tpu.memory_space<hbm>> -> memref<10240x128xf32, #tpu.memory_space<hbm>>
      tpu.wait_indirect_dma semaphore(%arg14 : memref<!tpu.dma_semaphore, #tpu.memory_space<semaphore_mem>>) src(%dma_wait3A_232 : memref<10240x128xf32, #tpu.memory_space<hbm>>) dst(%arg10 : memref<128x128xf32, #tpu.memory_space<vmem>>)
      "tpu.region"() ({
        %run_scoped3A_254 = tpu.sem_alloc : memref<!tpu.dma_semaphore, #tpu.memory_space<semaphore_mem>>
        %dma_start3A_255 = arith.constant 0 : i32
        %dma_start3A_256 = tpu.memref_slice %arg13[%mul3A_227, %dma_start3A_255] : memref<40x128xi32, #tpu.memory_space<vmem>> -> memref<1x128xi32, #tpu.memory_space<vmem>>
        %dma_start3A_257 = tpu.memref_squeeze %dma_start3A_256 : memref<1x128xi32, #tpu.memory_space<vmem>> -> memref<128xi32, #tpu.memory_space<vmem>>
        %dma_start3A_258 = arith.constant 0 : i32
        %dma_start3A_259 = arith.constant 0 : i32
        %dma_start3A_260 = tpu.memref_slice %arg9[%dma_start3A_258, %dma_start3A_259] : memref<10240x128xf32, #tpu.memory_space<vmem_shared>> -> memref<10240x128xf32, #tpu.memory_space<vmem_shared>>
        tpu.enqueue_indirect_dma source(%arg10 : memref<128x128xf32, #tpu.memory_space<vmem>>) target(%dma_start3A_260 : memref<10240x128xf32, #tpu.memory_space<vmem_shared>>) offsets(%dma_start3A_257 : memref<128xi32, #tpu.memory_space<vmem>>) semaphore(%run_scoped3A_254 : memref<!tpu.dma_semaphore, #tpu.memory_space<semaphore_mem>>) {add = true}
        %dma_wait3A_261 = arith.constant 0 : i32
        %dma_wait3A_262 = tpu.memref_slice %arg13[%mul3A_227, %dma_wait3A_261] : memref<40x128xi32, #tpu.memory_space<vmem>> -> memref<1x128xi32, #tpu.memory_space<vmem>>
        %dma_wait3A_263 = tpu.memref_squeeze %dma_wait3A_262 : memref<1x128xi32, #tpu.memory_space<vmem>> -> memref<128xi32, #tpu.memory_space<vmem>>
        %dma_wait3A_264 = arith.constant 0 : i32
        %dma_wait3A_265 = arith.constant 0 : i32
        %dma_wait3A_266 = tpu.memref_slice %arg9[%dma_wait3A_264, %dma_wait3A_265] : memref<10240x128xf32, #tpu.memory_space<vmem_shared>> -> memref<10240x128xf32, #tpu.memory_space<vmem_shared>>
        tpu.wait_indirect_dma semaphore(%run_scoped3A_254 : memref<!tpu.dma_semaphore, #tpu.memory_space<semaphore_mem>>) src(%arg10 : memref<128x128xf32, #tpu.memory_space<vmem>>) dst(%dma_wait3A_266 : memref<10240x128xf32, #tpu.memory_space<vmem_shared>>)
        tpu.yield
      }) : () -> ()
      %add3A_233 = arith.constant 2 : i32
      %add3A_234 = arith.addi %mul3A_227, %add3A_233 : i32
      %lt3A = arith.constant 40 : i32
      %lt3A_235 = arith.cmpi slt, %add3A_234, %lt3A : i32
      %convert_element_type3A = arith.extui %lt3A_235 : i1 to i32
      %cond3A = arith.constant 0 : i32
      %cond3A_236 = arith.cmpi ne, %convert_element_type3A, %cond3A : i32
      scf.if %cond3A_236 {
        %add3A_254 = arith.constant 2 : i32
        %add3A_255 = arith.addi %mul3A_227, %add3A_254 : i32
        %dma_start3A_256 = arith.constant 0 : i32
        %dma_start3A_257 = tpu.memref_slice %arg12[%add3A_255, %dma_start3A_256] : memref<40x128xi32, #tpu.memory_space<vmem>> -> memref<1x128xi32, #tpu.memory_space<vmem>>
        %dma_start3A_258 = tpu.memref_squeeze %dma_start3A_257 : memref<1x128xi32, #tpu.memory_space<vmem>> -> memref<128xi32, #tpu.memory_space<vmem>>
        %dma_start3A_259 = arith.constant 0 : i32
        %dma_start3A_260 = arith.constant 0 : i32
        %dma_start3A_261 = tpu.memref_slice %arg4[%dma_start3A_259, %dma_start3A_260] : memref<10240x128xf32, #tpu.memory_space<hbm>> -> memref<10240x128xf32, #tpu.memory_space<hbm>>
        tpu.enqueue_indirect_dma source(%dma_start3A_261 : memref<10240x128xf32, #tpu.memory_space<hbm>>) target(%arg10 : memref<128x128xf32, #tpu.memory_space<vmem>>) offsets(%dma_start3A_258 : memref<128xi32, #tpu.memory_space<vmem>>) semaphore(%arg14 : memref<!tpu.dma_semaphore, #tpu.memory_space<semaphore_mem>>)
      } else {
      }
      %add3A_237 = arith.constant 1 : i32
      %add3A_238 = arith.addi %mul3A_227, %add3A_237 : i32
      %dma_wait3A_239 = arith.constant 0 : i32
      %dma_wait3A_240 = tpu.memref_slice %arg12[%add3A_238, %dma_wait3A_239] : memref<40x128xi32, #tpu.memory_space<vmem>> -> memref<1x128xi32, #tpu.memory_space<vmem>>
      %dma_wait3A_241 = tpu.memref_squeeze %dma_wait3A_240 : memref<1x128xi32, #tpu.memory_space<vmem>> -> memref<128xi32, #tpu.memory_space<vmem>>
      %dma_wait3A_242 = arith.constant 0 : i32
      %dma_wait3A_243 = arith.constant 0 : i32
      %dma_wait3A_244 = tpu.memref_slice %arg4[%dma_wait3A_242, %dma_wait3A_243] : memref<10240x128xf32, #tpu.memory_space<hbm>> -> memref<10240x128xf32, #tpu.memory_space<hbm>>
      tpu.wait_indirect_dma semaphore(%arg15 : memref<!tpu.dma_semaphore, #tpu.memory_space<semaphore_mem>>) src(%dma_wait3A_244 : memref<10240x128xf32, #tpu.memory_space<hbm>>) dst(%arg11 : memref<128x128xf32, #tpu.memory_space<vmem>>)
      %add3A_245 = arith.constant 1 : i32
      %add3A_246 = arith.addi %mul3A_227, %add3A_245 : i32
      "tpu.region"() ({
        %run_scoped3A_254 = tpu.sem_alloc : memref<!tpu.dma_semaphore, #tpu.memory_space<semaphore_mem>>
        %dma_start3A_255 = arith.constant 0 : i32
        %dma_start3A_256 = tpu.memref_slice %arg13[%add3A_246, %dma_start3A_255] : memref<40x128xi32, #tpu.memory_space<vmem>> -> memref<1x128xi32, #tpu.memory_space<vmem>>
        %dma_start3A_257 = tpu.memref_squeeze %dma_start3A_256 : memref<1x128xi32, #tpu.memory_space<vmem>> -> memref<128xi32, #tpu.memory_space<vmem>>
        %dma_start3A_258 = arith.constant 0 : i32
        %dma_start3A_259 = arith.constant 0 : i32
        %dma_start3A_260 = tpu.memref_slice %arg9[%dma_start3A_258, %dma_start3A_259] : memref<10240x128xf32, #tpu.memory_space<vmem_shared>> -> memref<10240x128xf32, #tpu.memory_space<vmem_shared>>
        tpu.enqueue_indirect_dma source(%arg11 : memref<128x128xf32, #tpu.memory_space<vmem>>) target(%dma_start3A_260 : memref<10240x128xf32, #tpu.memory_space<vmem_shared>>) offsets(%dma_start3A_257 : memref<128xi32, #tpu.memory_space<vmem>>) semaphore(%run_scoped3A_254 : memref<!tpu.dma_semaphore, #tpu.memory_space<semaphore_mem>>) {add = true}
        %dma_wait3A_261 = arith.constant 0 : i32
        %dma_wait3A_262 = tpu.memref_slice %arg13[%add3A_246, %dma_wait3A_261] : memref<40x128xi32, #tpu.memory_space<vmem>> -> memref<1x128xi32, #tpu.memory_space<vmem>>
        %dma_wait3A_263 = tpu.memref_squeeze %dma_wait3A_262 : memref<1x128xi32, #tpu.memory_space<vmem>> -> memref<128xi32, #tpu.memory_space<vmem>>
        %dma_wait3A_264 = arith.constant 0 : i32
        %dma_wait3A_265 = arith.constant 0 : i32
        %dma_wait3A_266 = tpu.memref_slice %arg9[%dma_wait3A_264, %dma_wait3A_265] : memref<10240x128xf32, #tpu.memory_space<vmem_shared>> -> memref<10240x128xf32, #tpu.memory_space<vmem_shared>>
        tpu.wait_indirect_dma semaphore(%run_scoped3A_254 : memref<!tpu.dma_semaphore, #tpu.memory_space<semaphore_mem>>) src(%arg11 : memref<128x128xf32, #tpu.memory_space<vmem>>) dst(%dma_wait3A_266 : memref<10240x128xf32, #tpu.memory_space<vmem_shared>>)
        tpu.yield
      }) : () -> ()
      %add3A_247 = arith.constant 3 : i32
      %add3A_248 = arith.addi %mul3A_227, %add3A_247 : i32
      %lt3A_249 = arith.constant 40 : i32
      %lt3A_250 = arith.cmpi slt, %add3A_248, %lt3A_249 : i32
      %convert_element_type3A_251 = arith.extui %lt3A_250 : i1 to i32
      %cond3A_252 = arith.constant 0 : i32
      %cond3A_253 = arith.cmpi ne, %convert_element_type3A_251, %cond3A_252 : i32
      scf.if %cond3A_253 {
        %add3A_254 = arith.constant 3 : i32
        %add3A_255 = arith.addi %mul3A_227, %add3A_254 : i32
        %dma_start3A_256 = arith.constant 0 : i32
        %dma_start3A_257 = tpu.memref_slice %arg12[%add3A_255, %dma_start3A_256] : memref<40x128xi32, #tpu.memory_space<vmem>> -> memref<1x128xi32, #tpu.memory_space<vmem>>
        %dma_start3A_258 = tpu.memref_squeeze %dma_start3A_257 : memref<1x128xi32, #tpu.memory_space<vmem>> -> memref<128xi32, #tpu.memory_space<vmem>>
        %dma_start3A_259 = arith.constant 0 : i32
        %dma_start3A_260 = arith.constant 0 : i32
        %dma_start3A_261 = tpu.memref_slice %arg4[%dma_start3A_259, %dma_start3A_260] : memref<10240x128xf32, #tpu.memory_space<hbm>> -> memref<10240x128xf32, #tpu.memory_space<hbm>>
        tpu.enqueue_indirect_dma source(%dma_start3A_261 : memref<10240x128xf32, #tpu.memory_space<hbm>>) target(%arg11 : memref<128x128xf32, #tpu.memory_space<vmem>>) offsets(%dma_start3A_258 : memref<128xi32, #tpu.memory_space<vmem>>) semaphore(%arg15 : memref<!tpu.dma_semaphore, #tpu.memory_space<semaphore_mem>>)
      } else {
      }
    }
    %scan3A_193 = arith.constant 20 : i32
    %run_scoped3A_194 = arith.constant 2 : i32
    %run_scoped3A_195 = arith.constant 1 : i32
    "tpu.region"() ({
      %run_scoped3A_225 = tpu.sem_alloc : memref<!tpu.dma_semaphore, #tpu.memory_space<semaphore_mem>>
      %dma_start3A_226 = arith.constant 0 : i32
      %dma_start3A_227 = arith.constant 0 : i32
      %dma_start3A_228 = tpu.memref_slice %arg5[%run_scoped3A_194, %add3A, %run_scoped3A_195, %dma_start3A_226, %dma_start3A_227] : memref<3x32x2x40x128xi32, #tpu.memory_space<hbm>> -> memref<1x1x1x40x128xi32, #tpu.memory_space<hbm>>
      %dma_start3A_229 = tpu.memref_squeeze %dma_start3A_228 : memref<1x1x1x40x128xi32, #tpu.memory_space<hbm>> -> memref<40x128xi32, #tpu.memory_space<hbm>>
      %dma_start3A_230 = arith.constant 0 : i32
      %dma_start3A_231 = arith.constant 0 : i32
      %dma_start3A_232 = tpu.memref_slice %arg5[%run_scoped3A_194, %add3A, %run_scoped3A_195, %dma_start3A_230, %dma_start3A_231] : memref<3x32x2x40x128xi32, #tpu.memory_space<hbm>> -> memref<1x1x1x40x128xi32, #tpu.memory_space<hbm>>
      %dma_start3A_233 = tpu.memref_squeeze %dma_start3A_232 : memref<1x1x1x40x128xi32, #tpu.memory_space<hbm>> -> memref<40x128xi32, #tpu.memory_space<hbm>>
      tpu.enqueue_dma source(%dma_start3A_233 : memref<40x128xi32, #tpu.memory_space<hbm>>) target(%arg12 : memref<40x128xi32, #tpu.memory_space<vmem>>) target_semaphore(%run_scoped3A_225 : memref<!tpu.dma_semaphore, #tpu.memory_space<semaphore_mem>>)
      %dma_wait3A = arith.constant 0 : i32
      %dma_wait3A_234 = arith.constant 0 : i32
      %dma_wait3A_235 = tpu.memref_slice %arg5[%run_scoped3A_194, %add3A, %run_scoped3A_195, %dma_wait3A, %dma_wait3A_234] : memref<3x32x2x40x128xi32, #tpu.memory_space<hbm>> -> memref<1x1x1x40x128xi32, #tpu.memory_space<hbm>>
      %dma_wait3A_236 = tpu.memref_squeeze %dma_wait3A_235 : memref<1x1x1x40x128xi32, #tpu.memory_space<hbm>> -> memref<40x128xi32, #tpu.memory_space<hbm>>
      %dma_wait3A_237 = arith.constant 0 : i32
      %dma_wait3A_238 = arith.constant 0 : i32
      %dma_wait3A_239 = tpu.memref_slice %arg5[%run_scoped3A_194, %add3A, %run_scoped3A_195, %dma_wait3A_237, %dma_wait3A_238] : memref<3x32x2x40x128xi32, #tpu.memory_space<hbm>> -> memref<1x1x1x40x128xi32, #tpu.memory_space<hbm>>
      %dma_wait3A_240 = tpu.memref_squeeze %dma_wait3A_239 : memref<1x1x1x40x128xi32, #tpu.memory_space<hbm>> -> memref<40x128xi32, #tpu.memory_space<hbm>>
      tpu.wait_dma2 semaphore(%run_scoped3A_225 : memref<!tpu.dma_semaphore, #tpu.memory_space<semaphore_mem>>) src(%dma_wait3A_240 : memref<40x128xi32, #tpu.memory_space<hbm>>) dst(%arg12 : memref<40x128xi32, #tpu.memory_space<vmem>>)
      tpu.yield
    }) : () -> ()
    %run_scoped3A_196 = arith.constant 2 : i32
    %run_scoped3A_197 = arith.constant 1 : i32
    "tpu.region"() ({
      %run_scoped3A_225 = tpu.sem_alloc : memref<!tpu.dma_semaphore, #tpu.memory_space<semaphore_mem>>
      %dma_start3A_226 = arith.constant 0 : i32
      %dma_start3A_227 = arith.constant 0 : i32
      %dma_start3A_228 = tpu.memref_slice %arg6[%run_scoped3A_196, %add3A, %run_scoped3A_197, %dma_start3A_226, %dma_start3A_227] : memref<3x32x2x40x128xi32, #tpu.memory_space<hbm>> -> memref<1x1x1x40x128xi32, #tpu.memory_space<hbm>>
      %dma_start3A_229 = tpu.memref_squeeze %dma_start3A_228 : memref<1x1x1x40x128xi32, #tpu.memory_space<hbm>> -> memref<40x128xi32, #tpu.memory_space<hbm>>
      %dma_start3A_230 = arith.constant 0 : i32
      %dma_start3A_231 = arith.constant 0 : i32
      %dma_start3A_232 = tpu.memref_slice %arg6[%run_scoped3A_196, %add3A, %run_scoped3A_197, %dma_start3A_230, %dma_start3A_231] : memref<3x32x2x40x128xi32, #tpu.memory_space<hbm>> -> memref<1x1x1x40x128xi32, #tpu.memory_space<hbm>>
      %dma_start3A_233 = tpu.memref_squeeze %dma_start3A_232 : memref<1x1x1x40x128xi32, #tpu.memory_space<hbm>> -> memref<40x128xi32, #tpu.memory_space<hbm>>
      tpu.enqueue_dma source(%dma_start3A_233 : memref<40x128xi32, #tpu.memory_space<hbm>>) target(%arg13 : memref<40x128xi32, #tpu.memory_space<vmem>>) target_semaphore(%run_scoped3A_225 : memref<!tpu.dma_semaphore, #tpu.memory_space<semaphore_mem>>)
      %dma_wait3A = arith.constant 0 : i32
      %dma_wait3A_234 = arith.constant 0 : i32
      %dma_wait3A_235 = tpu.memref_slice %arg6[%run_scoped3A_196, %add3A, %run_scoped3A_197, %dma_wait3A, %dma_wait3A_234] : memref<3x32x2x40x128xi32, #tpu.memory_space<hbm>> -> memref<1x1x1x40x128xi32, #tpu.memory_space<hbm>>
      %dma_wait3A_236 = tpu.memref_squeeze %dma_wait3A_235 : memref<1x1x1x40x128xi32, #tpu.memory_space<hbm>> -> memref<40x128xi32, #tpu.memory_space<hbm>>
      %dma_wait3A_237 = arith.constant 0 : i32
      %dma_wait3A_238 = arith.constant 0 : i32
      %dma_wait3A_239 = tpu.memref_slice %arg6[%run_scoped3A_196, %add3A, %run_scoped3A_197, %dma_wait3A_237, %dma_wait3A_238] : memref<3x32x2x40x128xi32, #tpu.memory_space<hbm>> -> memref<1x1x1x40x128xi32, #tpu.memory_space<hbm>>
      %dma_wait3A_240 = tpu.memref_squeeze %dma_wait3A_239 : memref<1x1x1x40x128xi32, #tpu.memory_space<hbm>> -> memref<40x128xi32, #tpu.memory_space<hbm>>
      tpu.wait_dma2 semaphore(%run_scoped3A_225 : memref<!tpu.dma_semaphore, #tpu.memory_space<semaphore_mem>>) src(%dma_wait3A_240 : memref<40x128xi32, #tpu.memory_space<hbm>>) dst(%arg13 : memref<40x128xi32, #tpu.memory_space<vmem>>)
      tpu.yield
    }) : () -> ()
    %dma_start3A_198 = arith.constant 0 : i32
    %dma_start3A_199 = arith.constant 0 : i32
    %dma_start3A_200 = tpu.memref_slice %arg12[%dma_start3A_198, %dma_start3A_199] : memref<40x128xi32, #tpu.memory_space<vmem>> -> memref<1x128xi32, #tpu.memory_space<vmem>>
    %dma_start3A_201 = tpu.memref_squeeze %dma_start3A_200 : memref<1x128xi32, #tpu.memory_space<vmem>> -> memref<128xi32, #tpu.memory_space<vmem>>
    %dma_start3A_202 = arith.constant 0 : i32
    %dma_start3A_203 = arith.constant 0 : i32
    %dma_start3A_204 = tpu.memref_slice %arg4[%dma_start3A_202, %dma_start3A_203] : memref<10240x128xf32, #tpu.memory_space<hbm>> -> memref<10240x128xf32, #tpu.memory_space<hbm>>
    tpu.enqueue_indirect_dma source(%dma_start3A_204 : memref<10240x128xf32, #tpu.memory_space<hbm>>) target(%arg10 : memref<128x128xf32, #tpu.memory_space<vmem>>) offsets(%dma_start3A_201 : memref<128xi32, #tpu.memory_space<vmem>>) semaphore(%arg14 : memref<!tpu.dma_semaphore, #tpu.memory_space<semaphore_mem>>)
    %dma_start3A_205 = arith.constant 1 : i32
    %dma_start3A_206 = arith.constant 0 : i32
    %dma_start3A_207 = tpu.memref_slice %arg12[%dma_start3A_205, %dma_start3A_206] : memref<40x128xi32, #tpu.memory_space<vmem>> -> memref<1x128xi32, #tpu.memory_space<vmem>>
    %dma_start3A_208 = tpu.memref_squeeze %dma_start3A_207 : memref<1x128xi32, #tpu.memory_space<vmem>> -> memref<128xi32, #tpu.memory_space<vmem>>
    %dma_start3A_209 = arith.constant 0 : i32
    %dma_start3A_210 = arith.constant 0 : i32
    %dma_start3A_211 = tpu.memref_slice %arg4[%dma_start3A_209, %dma_start3A_210] : memref<10240x128xf32, #tpu.memory_space<hbm>> -> memref<10240x128xf32, #tpu.memory_space<hbm>>
    tpu.enqueue_indirect_dma source(%dma_start3A_211 : memref<10240x128xf32, #tpu.memory_space<hbm>>) target(%arg11 : memref<128x128xf32, #tpu.memory_space<vmem>>) offsets(%dma_start3A_208 : memref<128xi32, #tpu.memory_space<vmem>>) semaphore(%arg15 : memref<!tpu.dma_semaphore, #tpu.memory_space<semaphore_mem>>)
    %scan3A_212 = arith.constant 0 : i32
    %scan3A_213 = arith.constant 0 : i32
    %scan3A_214 = arith.constant 20 : i32
    %scan3A_215 = arith.addi %scan3A_213, %scan3A_214 : i32
    %scan3A_216 = arith.constant 1 : i32
    scf.for %scan3A_225 = %scan3A_213 to %scan3A_215 step %scan3A_216  : i32 {
      %mul3A_226 = arith.constant 2 : i32
      %mul3A_227 = arith.muli %mul3A_226, %scan3A_225 : i32
      %dma_wait3A = arith.constant 0 : i32
      %dma_wait3A_228 = tpu.memref_slice %arg12[%mul3A_227, %dma_wait3A] : memref<40x128xi32, #tpu.memory_space<vmem>> -> memref<1x128xi32, #tpu.memory_space<vmem>>
      %dma_wait3A_229 = tpu.memref_squeeze %dma_wait3A_228 : memref<1x128xi32, #tpu.memory_space<vmem>> -> memref<128xi32, #tpu.memory_space<vmem>>
      %dma_wait3A_230 = arith.constant 0 : i32
      %dma_wait3A_231 = arith.constant 0 : i32
      %dma_wait3A_232 = tpu.memref_slice %arg4[%dma_wait3A_230, %dma_wait3A_231] : memref<10240x128xf32, #tpu.memory_space<hbm>> -> memref<10240x128xf32, #tpu.memory_space<hbm>>
      tpu.wait_indirect_dma semaphore(%arg14 : memref<!tpu.dma_semaphore, #tpu.memory_space<semaphore_mem>>) src(%dma_wait3A_232 : memref<10240x128xf32, #tpu.memory_space<hbm>>) dst(%arg10 : memref<128x128xf32, #tpu.memory_space<vmem>>)
      "tpu.region"() ({
        %run_scoped3A_254 = tpu.sem_alloc : memref<!tpu.dma_semaphore, #tpu.memory_space<semaphore_mem>>
        %dma_start3A_255 = arith.constant 0 : i32
        %dma_start3A_256 = tpu.memref_slice %arg13[%mul3A_227, %dma_start3A_255] : memref<40x128xi32, #tpu.memory_space<vmem>> -> memref<1x128xi32, #tpu.memory_space<vmem>>
        %dma_start3A_257 = tpu.memref_squeeze %dma_start3A_256 : memref<1x128xi32, #tpu.memory_space<vmem>> -> memref<128xi32, #tpu.memory_space<vmem>>
        %dma_start3A_258 = arith.constant 0 : i32
        %dma_start3A_259 = arith.constant 0 : i32
        %dma_start3A_260 = tpu.memref_slice %arg9[%dma_start3A_258, %dma_start3A_259] : memref<10240x128xf32, #tpu.memory_space<vmem_shared>> -> memref<10240x128xf32, #tpu.memory_space<vmem_shared>>
        tpu.enqueue_indirect_dma source(%arg10 : memref<128x128xf32, #tpu.memory_space<vmem>>) target(%dma_start3A_260 : memref<10240x128xf32, #tpu.memory_space<vmem_shared>>) offsets(%dma_start3A_257 : memref<128xi32, #tpu.memory_space<vmem>>) semaphore(%run_scoped3A_254 : memref<!tpu.dma_semaphore, #tpu.memory_space<semaphore_mem>>) {add = true}
        %dma_wait3A_261 = arith.constant 0 : i32
        %dma_wait3A_262 = tpu.memref_slice %arg13[%mul3A_227, %dma_wait3A_261] : memref<40x128xi32, #tpu.memory_space<vmem>> -> memref<1x128xi32, #tpu.memory_space<vmem>>
        %dma_wait3A_263 = tpu.memref_squeeze %dma_wait3A_262 : memref<1x128xi32, #tpu.memory_space<vmem>> -> memref<128xi32, #tpu.memory_space<vmem>>
        %dma_wait3A_264 = arith.constant 0 : i32
        %dma_wait3A_265 = arith.constant 0 : i32
        %dma_wait3A_266 = tpu.memref_slice %arg9[%dma_wait3A_264, %dma_wait3A_265] : memref<10240x128xf32, #tpu.memory_space<vmem_shared>> -> memref<10240x128xf32, #tpu.memory_space<vmem_shared>>
        tpu.wait_indirect_dma semaphore(%run_scoped3A_254 : memref<!tpu.dma_semaphore, #tpu.memory_space<semaphore_mem>>) src(%arg10 : memref<128x128xf32, #tpu.memory_space<vmem>>) dst(%dma_wait3A_266 : memref<10240x128xf32, #tpu.memory_space<vmem_shared>>)
        tpu.yield
      }) : () -> ()
      %add3A_233 = arith.constant 2 : i32
      %add3A_234 = arith.addi %mul3A_227, %add3A_233 : i32
      %lt3A = arith.constant 40 : i32
      %lt3A_235 = arith.cmpi slt, %add3A_234, %lt3A : i32
      %convert_element_type3A = arith.extui %lt3A_235 : i1 to i32
      %cond3A = arith.constant 0 : i32
      %cond3A_236 = arith.cmpi ne, %convert_element_type3A, %cond3A : i32
      scf.if %cond3A_236 {
        %add3A_254 = arith.constant 2 : i32
        %add3A_255 = arith.addi %mul3A_227, %add3A_254 : i32
        %dma_start3A_256 = arith.constant 0 : i32
        %dma_start3A_257 = tpu.memref_slice %arg12[%add3A_255, %dma_start3A_256] : memref<40x128xi32, #tpu.memory_space<vmem>> -> memref<1x128xi32, #tpu.memory_space<vmem>>
        %dma_start3A_258 = tpu.memref_squeeze %dma_start3A_257 : memref<1x128xi32, #tpu.memory_space<vmem>> -> memref<128xi32, #tpu.memory_space<vmem>>
        %dma_start3A_259 = arith.constant 0 : i32
        %dma_start3A_260 = arith.constant 0 : i32
        %dma_start3A_261 = tpu.memref_slice %arg4[%dma_start3A_259, %dma_start3A_260] : memref<10240x128xf32, #tpu.memory_space<hbm>> -> memref<10240x128xf32, #tpu.memory_space<hbm>>
        tpu.enqueue_indirect_dma source(%dma_start3A_261 : memref<10240x128xf32, #tpu.memory_space<hbm>>) target(%arg10 : memref<128x128xf32, #tpu.memory_space<vmem>>) offsets(%dma_start3A_258 : memref<128xi32, #tpu.memory_space<vmem>>) semaphore(%arg14 : memref<!tpu.dma_semaphore, #tpu.memory_space<semaphore_mem>>)
      } else {
      }
      %add3A_237 = arith.constant 1 : i32
      %add3A_238 = arith.addi %mul3A_227, %add3A_237 : i32
      %dma_wait3A_239 = arith.constant 0 : i32
      %dma_wait3A_240 = tpu.memref_slice %arg12[%add3A_238, %dma_wait3A_239] : memref<40x128xi32, #tpu.memory_space<vmem>> -> memref<1x128xi32, #tpu.memory_space<vmem>>
      %dma_wait3A_241 = tpu.memref_squeeze %dma_wait3A_240 : memref<1x128xi32, #tpu.memory_space<vmem>> -> memref<128xi32, #tpu.memory_space<vmem>>
      %dma_wait3A_242 = arith.constant 0 : i32
      %dma_wait3A_243 = arith.constant 0 : i32
      %dma_wait3A_244 = tpu.memref_slice %arg4[%dma_wait3A_242, %dma_wait3A_243] : memref<10240x128xf32, #tpu.memory_space<hbm>> -> memref<10240x128xf32, #tpu.memory_space<hbm>>
      tpu.wait_indirect_dma semaphore(%arg15 : memref<!tpu.dma_semaphore, #tpu.memory_space<semaphore_mem>>) src(%dma_wait3A_244 : memref<10240x128xf32, #tpu.memory_space<hbm>>) dst(%arg11 : memref<128x128xf32, #tpu.memory_space<vmem>>)
      %add3A_245 = arith.constant 1 : i32
      %add3A_246 = arith.addi %mul3A_227, %add3A_245 : i32
      "tpu.region"() ({
        %run_scoped3A_254 = tpu.sem_alloc : memref<!tpu.dma_semaphore, #tpu.memory_space<semaphore_mem>>
        %dma_start3A_255 = arith.constant 0 : i32
        %dma_start3A_256 = tpu.memref_slice %arg13[%add3A_246, %dma_start3A_255] : memref<40x128xi32, #tpu.memory_space<vmem>> -> memref<1x128xi32, #tpu.memory_space<vmem>>
        %dma_start3A_257 = tpu.memref_squeeze %dma_start3A_256 : memref<1x128xi32, #tpu.memory_space<vmem>> -> memref<128xi32, #tpu.memory_space<vmem>>
        %dma_start3A_258 = arith.constant 0 : i32
        %dma_start3A_259 = arith.constant 0 : i32
        %dma_start3A_260 = tpu.memref_slice %arg9[%dma_start3A_258, %dma_start3A_259] : memref<10240x128xf32, #tpu.memory_space<vmem_shared>> -> memref<10240x128xf32, #tpu.memory_space<vmem_shared>>
        tpu.enqueue_indirect_dma source(%arg11 : memref<128x128xf32, #tpu.memory_space<vmem>>) target(%dma_start3A_260 : memref<10240x128xf32, #tpu.memory_space<vmem_shared>>) offsets(%dma_start3A_257 : memref<128xi32, #tpu.memory_space<vmem>>) semaphore(%run_scoped3A_254 : memref<!tpu.dma_semaphore, #tpu.memory_space<semaphore_mem>>) {add = true}
        %dma_wait3A_261 = arith.constant 0 : i32
        %dma_wait3A_262 = tpu.memref_slice %arg13[%add3A_246, %dma_wait3A_261] : memref<40x128xi32, #tpu.memory_space<vmem>> -> memref<1x128xi32, #tpu.memory_space<vmem>>
        %dma_wait3A_263 = tpu.memref_squeeze %dma_wait3A_262 : memref<1x128xi32, #tpu.memory_space<vmem>> -> memref<128xi32, #tpu.memory_space<vmem>>
        %dma_wait3A_264 = arith.constant 0 : i32
        %dma_wait3A_265 = arith.constant 0 : i32
        %dma_wait3A_266 = tpu.memref_slice %arg9[%dma_wait3A_264, %dma_wait3A_265] : memref<10240x128xf32, #tpu.memory_space<vmem_shared>> -> memref<10240x128xf32, #tpu.memory_space<vmem_shared>>
        tpu.wait_indirect_dma semaphore(%run_scoped3A_254 : memref<!tpu.dma_semaphore, #tpu.memory_space<semaphore_mem>>) src(%arg11 : memref<128x128xf32, #tpu.memory_space<vmem>>) dst(%dma_wait3A_266 : memref<10240x128xf32, #tpu.memory_space<vmem_shared>>)
        tpu.yield
      }) : () -> ()
      %add3A_247 = arith.constant 3 : i32
      %add3A_248 = arith.addi %mul3A_227, %add3A_247 : i32
      %lt3A_249 = arith.constant 40 : i32
      %lt3A_250 = arith.cmpi slt, %add3A_248, %lt3A_249 : i32
      %convert_element_type3A_251 = arith.extui %lt3A_250 : i1 to i32
      %cond3A_252 = arith.constant 0 : i32
      %cond3A_253 = arith.cmpi ne, %convert_element_type3A_251, %cond3A_252 : i32
      scf.if %cond3A_253 {
        %add3A_254 = arith.constant 3 : i32
        %add3A_255 = arith.addi %mul3A_227, %add3A_254 : i32
        %dma_start3A_256 = arith.constant 0 : i32
        %dma_start3A_257 = tpu.memref_slice %arg12[%add3A_255, %dma_start3A_256] : memref<40x128xi32, #tpu.memory_space<vmem>> -> memref<1x128xi32, #tpu.memory_space<vmem>>
        %dma_start3A_258 = tpu.memref_squeeze %dma_start3A_257 : memref<1x128xi32, #tpu.memory_space<vmem>> -> memref<128xi32, #tpu.memory_space<vmem>>
        %dma_start3A_259 = arith.constant 0 : i32
        %dma_start3A_260 = arith.constant 0 : i32
        %dma_start3A_261 = tpu.memref_slice %arg4[%dma_start3A_259, %dma_start3A_260] : memref<10240x128xf32, #tpu.memory_space<hbm>> -> memref<10240x128xf32, #tpu.memory_space<hbm>>
        tpu.enqueue_indirect_dma source(%dma_start3A_261 : memref<10240x128xf32, #tpu.memory_space<hbm>>) target(%arg11 : memref<128x128xf32, #tpu.memory_space<vmem>>) offsets(%dma_start3A_258 : memref<128xi32, #tpu.memory_space<vmem>>) semaphore(%arg15 : memref<!tpu.dma_semaphore, #tpu.memory_space<semaphore_mem>>)
      } else {
      }
    }
    %scan3A_217 = arith.constant 20 : i32
    %barrier3A_218 = arith.constant 0 : index
    tpu.barrier barrier_id(%barrier3A_218)
    %mul3A_219 = arith.constant 640 : i32
    %mul3A_220 = arith.muli %arg1, %mul3A_219 : i32
    %mul3A_221 = arith.constant 640 : i32
    %mul3A_222 = arith.muli %arg1, %mul3A_221 : i32
    %run_scoped3A_223 = arith.constant 2 : i32
    "tpu.region"() ({
      %run_scoped3A_225 = tpu.sem_alloc : memref<!tpu.dma_semaphore, #tpu.memory_space<semaphore_mem>>
      %dma_start3A_226 = arith.constant 0 : i32
      %dma_start3A_227 = tpu.memref_slice %arg8[%run_scoped3A_223, %arg0, %mul3A_222, %dma_start3A_226] : memref<3x2x10240x128xf32, #tpu.memory_space<hbm>> -> memref<1x1x640x128xf32, #tpu.memory_space<hbm>>
      %dma_start3A_228 = tpu.memref_squeeze %dma_start3A_227 : memref<1x1x640x128xf32, #tpu.memory_space<hbm>> -> memref<640x128xf32, #tpu.memory_space<hbm>>
      %dma_start3A_229 = arith.constant 0 : i32
      %dma_start3A_230 = tpu.memref_slice %arg9[%mul3A_220, %dma_start3A_229] : memref<10240x128xf32, #tpu.memory_space<vmem_shared>> -> memref<640x128xf32, #tpu.memory_space<vmem_shared>>
      tpu.enqueue_dma source(%dma_start3A_230 : memref<640x128xf32, #tpu.memory_space<vmem_shared>>) target(%dma_start3A_228 : memref<640x128xf32, #tpu.memory_space<hbm>>) target_semaphore(%run_scoped3A_225 : memref<!tpu.dma_semaphore, #tpu.memory_space<semaphore_mem>>)
      %dma_wait3A = arith.constant 0 : i32
      %dma_wait3A_231 = tpu.memref_slice %arg8[%run_scoped3A_223, %arg0, %mul3A_222, %dma_wait3A] : memref<3x2x10240x128xf32, #tpu.memory_space<hbm>> -> memref<1x1x640x128xf32, #tpu.memory_space<hbm>>
      %dma_wait3A_232 = tpu.memref_squeeze %dma_wait3A_231 : memref<1x1x640x128xf32, #tpu.memory_space<hbm>> -> memref<640x128xf32, #tpu.memory_space<hbm>>
      %dma_wait3A_233 = arith.constant 0 : i32
      %dma_wait3A_234 = tpu.memref_slice %arg9[%mul3A_220, %dma_wait3A_233] : memref<10240x128xf32, #tpu.memory_space<vmem_shared>> -> memref<640x128xf32, #tpu.memory_space<vmem_shared>>
      tpu.wait_dma2 semaphore(%run_scoped3A_225 : memref<!tpu.dma_semaphore, #tpu.memory_space<semaphore_mem>>) src(%dma_wait3A_234 : memref<640x128xf32, #tpu.memory_space<vmem_shared>>) dst(%dma_wait3A_232 : memref<640x128xf32, #tpu.memory_space<hbm>>)
      tpu.yield
    }) : () -> ()
    %barrier3A_224 = arith.constant 0 : index
    tpu.barrier barrier_id(%barrier3A_224)
    return
  }
}

module attributes {stable_mosaic.version = 14 : i64} {
  func.func @_mm_body(%arg0: i32, %arg1: i32, %arg2: memref<1024x128xf32, #tpu.memory_space<vmem>>, %arg3: memref<1x128x128xf32, #tpu.memory_space<vmem>>, %arg4: memref<1x1024x128xf32, #tpu.memory_space<vmem>>) attributes {dimension_semantics = [#tpu.dimension_semantics<arbitrary>, #tpu.dimension_semantics<arbitrary>], iteration_bounds = array<i64: 3, 10>, scalar_prefetch = 0 : i64, scratch_operands = 0 : i64, tpu.core_type = #tpu.core_type<tc>, window_params = [{transform_indices = @transform_0, window_bounds = array<i64: 1024, 128>}, {transform_indices = @transform_1, window_bounds = array<i64: 1, 128, 128>}, {transform_indices = @transform_2, window_bounds = array<i64: 1, 1024, 128>}]} {
    %get3A = arith.constant 0 : index
    %get3A_0 = arith.constant 0 : index
    %get3A_1 = vector.load %arg2[%get3A, %get3A_0] : memref<1024x128xf32, #tpu.memory_space<vmem>>, vector<1024x128xf32>
    %get3A_2 = arith.constant 0 : index
    %get3A_3 = arith.constant 0 : index
    %get3A_4 = arith.constant 0 : index
    %get3A_5 = vector.load %arg3[%get3A_2, %get3A_3, %get3A_4] : memref<1x128x128xf32, #tpu.memory_space<vmem>>, vector<1x128x128xf32>
    %get3A_6 = vector.shape_cast %get3A_5 : vector<1x128x128xf32> to vector<128x128xf32>
    %dot_general3A = arith.constant dense<0.000000e+00> : vector<1024x128xf32>
    %dot_general3A_7 = tpu.matmul %get3A_1, %get3A_6, %dot_general3A {dimension_numbers = #tpu.dot_dimension_numbers<[1], [0], [0], [1], [0, 0, 1, 1], [], []>, precision = #tpu.contract_precision<fp32>, transpose_lhs_hint = false} : vector<1024x128xf32>, vector<128x128xf32>, vector<1024x128xf32> -> vector<1024x128xf32>
    %swap3A = arith.constant 0 : index
    %swap3A_8 = arith.constant 0 : index
    %swap3A_9 = arith.constant 0 : index
    %swap3A_10 = vector.load %arg4[%swap3A, %swap3A_8, %swap3A_9] : memref<1x1024x128xf32, #tpu.memory_space<vmem>>, vector<1x1024x128xf32>
    %swap3A_11 = vector.shape_cast %swap3A_10 : vector<1x1024x128xf32> to vector<1024x128xf32>
    %swap3A_12 = vector.shape_cast %dot_general3A_7 : vector<1024x128xf32> to vector<1x1024x128xf32>
    tpu.vector_store %arg4[%swap3A, %swap3A_8, %swap3A_9], %swap3A_12 {strides = array<i32>} : memref<1x1024x128xf32, #tpu.memory_space<vmem>>, vector<1x1024x128xf32>,
    return
  }
  func.func @transform_0(%arg0: i32, %arg1: i32) -> (i32, i32) {
    %c0_i32 = arith.constant 0 : i32
    %c0_i32_0 = arith.constant 0 : i32
    return %arg1, %c0_i32 : i32, i32
  }
  func.func @transform_1(%arg0: i32, %arg1: i32) -> (i32, i32, i32) {
    %c0_i32 = arith.constant 0 : i32
    %c0_i32_0 = arith.constant 0 : i32
    %c0_i32_1 = arith.constant 0 : i32
    return %arg0, %c0_i32, %c0_i32_0 : i32, i32, i32
  }
  func.func @transform_2(%arg0: i32, %arg1: i32) -> (i32, i32, i32) {
    %c0_i32 = arith.constant 0 : i32
    %c0_i32_0 = arith.constant 0 : i32
    return %arg0, %arg1, %c0_i32 : i32, i32, i32
  }
}

module attributes {stable_mosaic.version = 14 : i64} {
  func.func @_scale_body(%arg0: i32, %arg1: i32, %arg2: memref<1x1024x128xf32, #tpu.memory_space<vmem>>, %arg3: memref<1x2x1024x128xf32, #tpu.memory_space<vmem>>, %arg4: memref<1x1024x128xf32, #tpu.memory_space<vmem>>) attributes {dimension_semantics = [#tpu.dimension_semantics<arbitrary>, #tpu.dimension_semantics<arbitrary>], iteration_bounds = array<i64: 3, 10>, scalar_prefetch = 0 : i64, scratch_operands = 0 : i64, tpu.core_type = #tpu.core_type<tc>, window_params = [{transform_indices = @transform_0, window_bounds = array<i64: 1, 1024, 128>}, {transform_indices = @transform_1, window_bounds = array<i64: 1, 2, 1024, 128>}, {transform_indices = @transform_2, window_bounds = array<i64: 1, 1024, 128>}]} {
    %get3A = arith.constant 0 : index
    %get3A_0 = arith.constant 0 : index
    %get3A_1 = arith.constant 0 : index
    %get3A_2 = arith.constant 0 : index
    %get3A_3 = vector.load %arg3[%get3A, %get3A_0, %get3A_1, %get3A_2] : memref<1x2x1024x128xf32, #tpu.memory_space<vmem>>, vector<1x1x1024x1xf32>
    %get3A_4 = vector.shape_cast %get3A_3 : vector<1x1x1024x1xf32> to vector<1024x1xf32>
    %get3A_5 = arith.constant 0 : index
    %get3A_6 = arith.constant 1 : index
    %get3A_7 = arith.constant 0 : index
    %get3A_8 = arith.constant 0 : index
    %get3A_9 = vector.load %arg3[%get3A_5, %get3A_6, %get3A_7, %get3A_8] : memref<1x2x1024x128xf32, #tpu.memory_space<vmem>>, vector<1x1x1024x1xf32>
    %get3A_10 = vector.shape_cast %get3A_9 : vector<1x1x1024x1xf32> to vector<1024x1xf32>
    %add3A = arith.addf %get3A_4, %get3A_10 : vector<1024x1xf32>
    %add3A_11 = arith.constant 1.000000e+00 : f32
    %add3A_12 = vector.broadcast %add3A_11 : f32 to vector<1024x1xf32>
    %add3A_13 = arith.addf %add3A, %add3A_12 : vector<1024x1xf32>
    %rsqrt3A = math.rsqrt %add3A_13 : vector<1024x1xf32>
    %get3A_14 = arith.constant 0 : index
    %get3A_15 = arith.constant 0 : index
    %get3A_16 = arith.constant 0 : index
    %get3A_17 = vector.load %arg2[%get3A_14, %get3A_15, %get3A_16] : memref<1x1024x128xf32, #tpu.memory_space<vmem>>, vector<1x1024x128xf32>
    %get3A_18 = vector.shape_cast %get3A_17 : vector<1x1024x128xf32> to vector<1024x128xf32>
    %mul3A = vector.broadcast %rsqrt3A : vector<1024x1xf32> to vector<1024x128xf32>
    %mul3A_19 = arith.mulf %mul3A, %get3A_18 : vector<1024x128xf32>
    %swap3A = arith.constant 0 : index
    %swap3A_20 = arith.constant 0 : index
    %swap3A_21 = arith.constant 0 : index
    %swap3A_22 = vector.load %arg4[%swap3A, %swap3A_20, %swap3A_21] : memref<1x1024x128xf32, #tpu.memory_space<vmem>>, vector<1x1024x128xf32>
    %swap3A_23 = vector.shape_cast %swap3A_22 : vector<1x1024x128xf32> to vector<1024x128xf32>
    %swap3A_24 = vector.shape_cast %mul3A_19 : vector<1024x128xf32> to vector<1x1024x128xf32>
    tpu.vector_store %arg4[%swap3A, %swap3A_20, %swap3A_21], %swap3A_24 {strides = array<i32>} : memref<1x1024x128xf32, #tpu.memory_space<vmem>>, vector<1x1024x128xf32>,
    return
  }
  func.func @transform_0(%arg0: i32, %arg1: i32) -> (i32, i32, i32) {
    %c0_i32 = arith.constant 0 : i32
    %c0_i32_0 = arith.constant 0 : i32
    return %arg0, %arg1, %c0_i32 : i32, i32, i32
  }
  func.func @transform_1(%arg0: i32, %arg1: i32) -> (i32, i32, i32, i32) {
    %c0_i32 = arith.constant 0 : i32
    %c0_i32_0 = arith.constant 0 : i32
    %c0_i32_1 = arith.constant 0 : i32
    return %arg0, %c0_i32, %arg1, %c0_i32_0 : i32, i32, i32, i32
  }
  func.func @transform_2(%arg0: i32, %arg1: i32) -> (i32, i32, i32) {
    %c0_i32 = arith.constant 0 : i32
    %c0_i32_0 = arith.constant 0 : i32
    return %arg0, %arg1, %c0_i32 : i32, i32, i32
  }
}

module attributes {stable_mosaic.version = 14 : i64} {
  func.func @_mid_body(%arg0: i32, %arg1: i32, %arg2: memref<1x2x1024x128xf32, #tpu.memory_space<vmem>>, %arg3: memref<1x1024x128xf32, #tpu.memory_space<vmem>>, %arg4: memref<1x2x1024x128xf32, #tpu.memory_space<vmem>>, %arg5: memref<1x128x128xf32, #tpu.memory_space<vmem>>, %arg6: memref<3x128xf32, #tpu.memory_space<vmem>>, %arg7: memref<3x128xf32, #tpu.memory_space<vmem>>, %arg8: memref<3x128xf32, #tpu.memory_space<vmem>>, %arg9: memref<3x128xf32, #tpu.memory_space<vmem>>, %arg10: memref<1x1024x128xf32, #tpu.memory_space<vmem>>) attributes {dimension_semantics = [#tpu.dimension_semantics<arbitrary>, #tpu.dimension_semantics<arbitrary>], iteration_bounds = array<i64: 3, 10>, scalar_prefetch = 0 : i64, scratch_operands = 0 : i64, tpu.core_type = #tpu.core_type<tc>, window_params = [{transform_indices = @transform_0, window_bounds = array<i64: 1, 2, 1024, 128>}, {transform_indices = @transform_1, window_bounds = array<i64: 1, 1024, 128>}, {transform_indices = @transform_2, window_bounds = array<i64: 1, 2, 1024, 128>}, {transform_indices = @transform_3, window_bounds = array<i64: 1, 128, 128>}, {pipeline_mode = #tpu.pipeline_mode<synchronous>, transform_indices = @transform_4, window_bounds = array<i64: 3, 128>}, {pipeline_mode = #tpu.pipeline_mode<synchronous>, transform_indices = @transform_5, window_bounds = array<i64: 3, 128>}, {pipeline_mode = #tpu.pipeline_mode<synchronous>, transform_indices = @transform_6, window_bounds = array<i64: 3, 128>}, {pipeline_mode = #tpu.pipeline_mode<synchronous>, transform_indices = @transform_7, window_bounds = array<i64: 3, 128>}, {transform_indices = @transform_8, window_bounds = array<i64: 1, 1024, 128>}]} {
    %get3A = arith.constant 0 : index
    %get3A_0 = arith.constant 0 : index
    %get3A_1 = arith.constant 0 : index
    %get3A_2 = arith.constant 0 : index
    %get3A_3 = vector.load %arg4[%get3A, %get3A_0, %get3A_1, %get3A_2] : memref<1x2x1024x128xf32, #tpu.memory_space<vmem>>, vector<1x1x1024x1xf32>
    %get3A_4 = vector.shape_cast %get3A_3 : vector<1x1x1024x1xf32> to vector<1024x1xf32>
    %get3A_5 = arith.constant 0 : index
    %get3A_6 = arith.constant 1 : index
    %get3A_7 = arith.constant 0 : index
    %get3A_8 = arith.constant 0 : index
    %get3A_9 = vector.load %arg4[%get3A_5, %get3A_6, %get3A_7, %get3A_8] : memref<1x2x1024x128xf32, #tpu.memory_space<vmem>>, vector<1x1x1024x1xf32>
    %get3A_10 = vector.shape_cast %get3A_9 : vector<1x1x1024x1xf32> to vector<1024x1xf32>
    %add3A = arith.addf %get3A_4, %get3A_10 : vector<1024x1xf32>
    %add3A_11 = arith.constant 1.000000e+00 : f32
    %add3A_12 = vector.broadcast %add3A_11 : f32 to vector<1024x1xf32>
    %add3A_13 = arith.addf %add3A, %add3A_12 : vector<1024x1xf32>
    %rsqrt3A = math.rsqrt %add3A_13 : vector<1024x1xf32>
    %get3A_14 = arith.constant 0 : index
    %get3A_15 = arith.constant 0 : index
    %get3A_16 = arith.constant 0 : index
    %get3A_17 = arith.constant 0 : index
    %get3A_18 = vector.load %arg2[%get3A_14, %get3A_15, %get3A_16, %get3A_17] : memref<1x2x1024x128xf32, #tpu.memory_space<vmem>>, vector<1x1x1024x128xf32>
    %get3A_19 = vector.shape_cast %get3A_18 : vector<1x1x1024x128xf32> to vector<1024x128xf32>
    %get3A_20 = arith.constant 0 : index
    %get3A_21 = arith.constant 1 : index
    %get3A_22 = arith.constant 0 : index
    %get3A_23 = arith.constant 0 : index
    %get3A_24 = vector.load %arg2[%get3A_20, %get3A_21, %get3A_22, %get3A_23] : memref<1x2x1024x128xf32, #tpu.memory_space<vmem>>, vector<1x1x1024x128xf32>
    %get3A_25 = vector.shape_cast %get3A_24 : vector<1x1x1024x128xf32> to vector<1024x128xf32>
    %add3A_26 = arith.addf %get3A_19, %get3A_25 : vector<1024x128xf32>
    %get3A_27 = arith.constant 0 : index
    %get3A_28 = arith.constant 0 : index
    %get3A_29 = arith.constant 0 : index
    %get3A_30 = vector.load %arg3[%get3A_27, %get3A_28, %get3A_29] : memref<1x1024x128xf32, #tpu.memory_space<vmem>>, vector<1x1024x128xf32>
    %get3A_31 = vector.shape_cast %get3A_30 : vector<1x1024x128xf32> to vector<1024x128xf32>
    %add3A_32 = arith.addf %add3A_26, %get3A_31 : vector<1024x128xf32>
    %mul3A = vector.broadcast %rsqrt3A : vector<1024x1xf32> to vector<1024x128xf32>
    %mul3A_33 = arith.mulf %mul3A, %add3A_32 : vector<1024x128xf32>
    %get3A_34 = arith.index_cast %arg0 : i32 to index
    %get3A_35 = arith.constant 0 : index
    %get3A_36 = vector.load %arg6[%get3A_34, %get3A_35] : memref<3x128xf32, #tpu.memory_space<vmem>>, vector<1x128xf32>
    %get3A_37 = vector.shape_cast %get3A_36 : vector<1x128xf32> to vector<128xf32>
    %broadcast_in_dim3A = vector.shape_cast %get3A_37 : vector<128xf32> to vector<1x128xf32>
    %add3A_38 = vector.broadcast %broadcast_in_dim3A : vector<1x128xf32> to vector<1024x128xf32>
    %add3A_39 = arith.addf %mul3A_33, %add3A_38 : vector<1024x128xf32>
    %reduce_sum3A = arith.constant dense<0.000000e+00> : vector<1024xf32>
    %reduce_sum3A_40 = vector.multi_reduction <add>, %add3A_39, %reduce_sum3A [1] : vector<1024x128xf32> to vector<1024xf32>
    %broadcast_in_dim3A_41 = vector.shape_cast %reduce_sum3A_40 : vector<1024xf32> to vector<1024x1xf32>
    %div3A = arith.constant 1.280000e+02 : f32
    %div3A_42 = vector.broadcast %div3A : f32 to vector<1024x1xf32>
    %div3A_43 = arith.divf %broadcast_in_dim3A_41, %div3A_42 : vector<1024x1xf32>
    %sub3A = vector.broadcast %div3A_43 : vector<1024x1xf32> to vector<1024x128xf32>
    %sub3A_44 = arith.subf %add3A_39, %sub3A : vector<1024x128xf32>
    %square3A = arith.mulf %sub3A_44, %sub3A_44 : vector<1024x128xf32>
    %reduce_sum3A_45 = arith.constant dense<0.000000e+00> : vector<1024xf32>
    %reduce_sum3A_46 = vector.multi_reduction <add>, %square3A, %reduce_sum3A_45 [1] : vector<1024x128xf32> to vector<1024xf32>
    %broadcast_in_dim3A_47 = vector.shape_cast %reduce_sum3A_46 : vector<1024xf32> to vector<1024x1xf32>
    %div3A_48 = arith.constant 1.280000e+02 : f32
    %div3A_49 = vector.broadcast %div3A_48 : f32 to vector<1024x1xf32>
    %div3A_50 = arith.divf %broadcast_in_dim3A_47, %div3A_49 : vector<1024x1xf32>
    %sub3A_51 = vector.broadcast %div3A_43 : vector<1024x1xf32> to vector<1024x128xf32>
    %sub3A_52 = arith.subf %add3A_39, %sub3A_51 : vector<1024x128xf32>
    %add3A_53 = arith.constant 9.99999974E-6 : f32
    %add3A_54 = vector.broadcast %add3A_53 : f32 to vector<1024x1xf32>
    %add3A_55 = arith.addf %div3A_50, %add3A_54 : vector<1024x1xf32>
    %rsqrt3A_56 = math.rsqrt %add3A_55 : vector<1024x1xf32>
    %mul3A_57 = vector.broadcast %rsqrt3A_56 : vector<1024x1xf32> to vector<1024x128xf32>
    %mul3A_58 = arith.mulf %sub3A_52, %mul3A_57 : vector<1024x128xf32>
    %get3A_59 = arith.index_cast %arg0 : i32 to index
    %get3A_60 = arith.constant 0 : index
    %get3A_61 = vector.load %arg7[%get3A_59, %get3A_60] : memref<3x128xf32, #tpu.memory_space<vmem>>, vector<1x128xf32>
    %get3A_62 = vector.shape_cast %get3A_61 : vector<1x128xf32> to vector<128xf32>
    %broadcast_in_dim3A_63 = vector.shape_cast %get3A_62 : vector<128xf32> to vector<1x128xf32>
    %mul3A_64 = vector.broadcast %broadcast_in_dim3A_63 : vector<1x128xf32> to vector<1024x128xf32>
    %mul3A_65 = arith.mulf %mul3A_58, %mul3A_64 : vector<1024x128xf32>
    %get3A_66 = arith.index_cast %arg0 : i32 to index
    %get3A_67 = arith.constant 0 : index
    %get3A_68 = vector.load %arg8[%get3A_66, %get3A_67] : memref<3x128xf32, #tpu.memory_space<vmem>>, vector<1x128xf32>
    %get3A_69 = vector.shape_cast %get3A_68 : vector<1x128xf32> to vector<128xf32>
    %broadcast_in_dim3A_70 = vector.shape_cast %get3A_69 : vector<128xf32> to vector<1x128xf32>
    %add3A_71 = vector.broadcast %broadcast_in_dim3A_70 : vector<1x128xf32> to vector<1024x128xf32>
    %add3A_72 = arith.addf %mul3A_65, %add3A_71 : vector<1024x128xf32>
    %ge3A = arith.constant 0.000000e+00 : f32
    %ge3A_73 = vector.broadcast %ge3A : f32 to vector<1024x128xf32>
    %ge3A_74 = arith.cmpf oge, %add3A_72, %ge3A_73 : vector<1024x128xf32>
    %get3A_75 = arith.index_cast %arg0 : i32 to index
    %get3A_76 = arith.constant 0 : index
    %get3A_77 = vector.load %arg9[%get3A_75, %get3A_76] : memref<3x128xf32, #tpu.memory_space<vmem>>, vector<1x128xf32>
    %get3A_78 = vector.shape_cast %get3A_77 : vector<1x128xf32> to vector<128xf32>
    %broadcast_in_dim3A_79 = vector.shape_cast %get3A_78 : vector<128xf32> to vector<1x128xf32>
    %mul3A_80 = vector.broadcast %broadcast_in_dim3A_79 : vector<1x128xf32> to vector<1024x128xf32>
    %mul3A_81 = arith.mulf %mul3A_80, %add3A_72 : vector<1024x128xf32>
    %select_n3A = arith.select %ge3A_74, %add3A_72, %mul3A_81 : vector<1024x128xi1>, vector<1024x128xf32>
    %get3A_82 = arith.constant 0 : index
    %get3A_83 = arith.constant 0 : index
    %get3A_84 = arith.constant 0 : index
    %get3A_85 = vector.load %arg5[%get3A_82, %get3A_83, %get3A_84] : memref<1x128x128xf32, #tpu.memory_space<vmem>>, vector<1x128x128xf32>
    %get3A_86 = vector.shape_cast %get3A_85 : vector<1x128x128xf32> to vector<128x128xf32>
    %dot_general3A = arith.constant dense<0.000000e+00> : vector<1024x128xf32>
    %dot_general3A_87 = tpu.matmul %select_n3A, %get3A_86, %dot_general3A {dimension_numbers = #tpu.dot_dimension_numbers<[1], [0], [0], [1], [0, 0, 1, 1], [], []>, precision = #tpu.contract_precision<fp32>, transpose_lhs_hint = false} : vector<1024x128xf32>, vector<128x128xf32>, vector<1024x128xf32> -> vector<1024x128xf32>
    %mul3A_88 = vector.broadcast %rsqrt3A : vector<1024x1xf32> to vector<1024x128xf32>
    %mul3A_89 = arith.mulf %mul3A_88, %dot_general3A_87 : vector<1024x128xf32>
    %swap3A = arith.constant 0 : index
    %swap3A_90 = arith.constant 0 : index
    %swap3A_91 = arith.constant 0 : index
    %swap3A_92 = vector.load %arg10[%swap3A, %swap3A_90, %swap3A_91] : memref<1x1024x128xf32, #tpu.memory_space<vmem>>, vector<1x1024x128xf32>
    %swap3A_93 = vector.shape_cast %swap3A_92 : vector<1x1024x128xf32> to vector<1024x128xf32>
    %swap3A_94 = vector.shape_cast %mul3A_89 : vector<1024x128xf32> to vector<1x1024x128xf32>
    tpu.vector_store %arg10[%swap3A, %swap3A_90, %swap3A_91], %swap3A_94 {strides = array<i32>} : memref<1x1024x128xf32, #tpu.memory_space<vmem>>, vector<1x1024x128xf32>,
    return
  }
  func.func @transform_0(%arg0: i32, %arg1: i32) -> (i32, i32, i32, i32) {
    %c0_i32 = arith.constant 0 : i32
    %c0_i32_0 = arith.constant 0 : i32
    %c0_i32_1 = arith.constant 0 : i32
    return %arg0, %c0_i32, %arg1, %c0_i32_0 : i32, i32, i32, i32
  }
  func.func @transform_1(%arg0: i32, %arg1: i32) -> (i32, i32, i32) {
    %c0_i32 = arith.constant 0 : i32
    %c0_i32_0 = arith.constant 0 : i32
    return %arg0, %arg1, %c0_i32 : i32, i32, i32
  }
  func.func @transform_2(%arg0: i32, %arg1: i32) -> (i32, i32, i32, i32) {
    %c0_i32 = arith.constant 0 : i32
    %c0_i32_0 = arith.constant 0 : i32
    %c0_i32_1 = arith.constant 0 : i32
    return %arg0, %c0_i32, %arg1, %c0_i32_0 : i32, i32, i32, i32
  }
  func.func @transform_3(%arg0: i32, %arg1: i32) -> (i32, i32, i32) {
    %c0_i32 = arith.constant 0 : i32
    %c0_i32_0 = arith.constant 0 : i32
    %c0_i32_1 = arith.constant 0 : i32
    return %arg0, %c0_i32, %c0_i32_0 : i32, i32, i32
  }
  func.func @transform_4(%arg0: i32, %arg1: i32) -> (i32, i32) {
    %c0_i32 = arith.constant 0 : i32
    %c0_i32_0 = arith.constant 0 : i32
    %c0_i32_1 = arith.constant 0 : i32
    return %c0_i32, %c0_i32_0 : i32, i32
  }
  func.func @transform_5(%arg0: i32, %arg1: i32) -> (i32, i32) {
    %c0_i32 = arith.constant 0 : i32
    %c0_i32_0 = arith.constant 0 : i32
    %c0_i32_1 = arith.constant 0 : i32
    return %c0_i32, %c0_i32_0 : i32, i32
  }
  func.func @transform_6(%arg0: i32, %arg1: i32) -> (i32, i32) {
    %c0_i32 = arith.constant 0 : i32
    %c0_i32_0 = arith.constant 0 : i32
    %c0_i32_1 = arith.constant 0 : i32
    return %c0_i32, %c0_i32_0 : i32, i32
  }
  func.func @transform_7(%arg0: i32, %arg1: i32) -> (i32, i32) {
    %c0_i32 = arith.constant 0 : i32
    %c0_i32_0 = arith.constant 0 : i32
    %c0_i32_1 = arith.constant 0 : i32
    return %c0_i32, %c0_i32_0 : i32, i32
  }
  func.func @transform_8(%arg0: i32, %arg1: i32) -> (i32, i32, i32) {
    %c0_i32 = arith.constant 0 : i32
    %c0_i32_0 = arith.constant 0 : i32
    return %arg0, %arg1, %c0_i32 : i32, i32, i32
  }
}

module attributes {stable_mosaic.version = 14 : i64} {
  func.func @_fin_body(%arg0: i32, %arg1: memref<3x2x1024x128xf32, #tpu.memory_space<vmem>>, %arg2: memref<3x1024x128xf32, #tpu.memory_space<vmem>>, %arg3: memref<3x2x1024x128xf32, #tpu.memory_space<vmem>>, %arg4: memref<3x128xf32, #tpu.memory_space<vmem>>, %arg5: memref<3x128x128xf32, #tpu.memory_space<vmem>>, %arg6: memref<1x128xf32, #tpu.memory_space<vmem>>, %arg7: memref<1024x128xf32, #tpu.memory_space<vmem>>) attributes {dimension_semantics = [#tpu.dimension_semantics<arbitrary>], iteration_bounds = array<i64: 10>, scalar_prefetch = 0 : i64, scratch_operands = 0 : i64, tpu.core_type = #tpu.core_type<tc>, window_params = [{transform_indices = @transform_0, window_bounds = array<i64: 3, 2, 1024, 128>}, {transform_indices = @transform_1, window_bounds = array<i64: 3, 1024, 128>}, {transform_indices = @transform_2, window_bounds = array<i64: 3, 2, 1024, 128>}, {pipeline_mode = #tpu.pipeline_mode<synchronous>, transform_indices = @transform_3, window_bounds = array<i64: 3, 128>}, {pipeline_mode = #tpu.pipeline_mode<synchronous>, transform_indices = @transform_4, window_bounds = array<i64: 3, 128, 128>}, {pipeline_mode = #tpu.pipeline_mode<synchronous>, transform_indices = @transform_5, window_bounds = array<i64: 1, 128>}, {transform_indices = @transform_6, window_bounds = array<i64: 1024, 128>}]} {
    %broadcast_in_dim3A = arith.constant 0.000000e+00 : f32
    %broadcast_in_dim3A_0 = vector.broadcast %broadcast_in_dim3A : f32 to vector<1024x128xf32>
    %get3A = arith.constant 0 : index
    %get3A_1 = arith.constant 0 : index
    %get3A_2 = arith.constant 0 : index
    %get3A_3 = arith.constant 0 : index
    %get3A_4 = vector.load %arg3[%get3A, %get3A_1, %get3A_2, %get3A_3] : memref<3x2x1024x128xf32, #tpu.memory_space<vmem>>, vector<1x1x1024x1xf32>
    %get3A_5 = vector.shape_cast %get3A_4 : vector<1x1x1024x1xf32> to vector<1024x1xf32>
    %get3A_6 = arith.constant 0 : index
    %get3A_7 = arith.constant 1 : index
    %get3A_8 = arith.constant 0 : index
    %get3A_9 = arith.constant 0 : index
    %get3A_10 = vector.load %arg3[%get3A_6, %get3A_7, %get3A_8, %get3A_9] : memref<3x2x1024x128xf32, #tpu.memory_space<vmem>>, vector<1x1x1024x1xf32>
    %get3A_11 = vector.shape_cast %get3A_10 : vector<1x1x1024x1xf32> to vector<1024x1xf32>
    %add3A = arith.addf %get3A_5, %get3A_11 : vector<1024x1xf32>
    %add3A_12 = arith.constant 1.000000e+00 : f32
    %add3A_13 = vector.broadcast %add3A_12 : f32 to vector<1024x1xf32>
    %add3A_14 = arith.addf %add3A, %add3A_13 : vector<1024x1xf32>
    %rsqrt3A = math.rsqrt %add3A_14 : vector<1024x1xf32>
    %get3A_15 = arith.constant 0 : index
    %get3A_16 = arith.constant 0 : index
    %get3A_17 = arith.constant 0 : index
    %get3A_18 = arith.constant 0 : index
    %get3A_19 = vector.load %arg1[%get3A_15, %get3A_16, %get3A_17, %get3A_18] : memref<3x2x1024x128xf32, #tpu.memory_space<vmem>>, vector<1x1x1024x128xf32>
    %get3A_20 = vector.shape_cast %get3A_19 : vector<1x1x1024x128xf32> to vector<1024x128xf32>
    %get3A_21 = arith.constant 0 : index
    %get3A_22 = arith.constant 1 : index
    %get3A_23 = arith.constant 0 : index
    %get3A_24 = arith.constant 0 : index
    %get3A_25 = vector.load %arg1[%get3A_21, %get3A_22, %get3A_23, %get3A_24] : memref<3x2x1024x128xf32, #tpu.memory_space<vmem>>, vector<1x1x1024x128xf32>
    %get3A_26 = vector.shape_cast %get3A_25 : vector<1x1x1024x128xf32> to vector<1024x128xf32>
    %add3A_27 = arith.addf %get3A_20, %get3A_26 : vector<1024x128xf32>
    %get3A_28 = arith.constant 0 : index
    %get3A_29 = arith.constant 0 : index
    %get3A_30 = arith.constant 0 : index
    %get3A_31 = vector.load %arg2[%get3A_28, %get3A_29, %get3A_30] : memref<3x1024x128xf32, #tpu.memory_space<vmem>>, vector<1x1024x128xf32>
    %get3A_32 = vector.shape_cast %get3A_31 : vector<1x1024x128xf32> to vector<1024x128xf32>
    %add3A_33 = arith.addf %add3A_27, %get3A_32 : vector<1024x128xf32>
    %mul3A = vector.broadcast %rsqrt3A : vector<1024x1xf32> to vector<1024x128xf32>
    %mul3A_34 = arith.mulf %mul3A, %add3A_33 : vector<1024x128xf32>
    %get3A_35 = arith.constant 0 : index
    %get3A_36 = arith.constant 0 : index
    %get3A_37 = vector.load %arg4[%get3A_35, %get3A_36] : memref<3x128xf32, #tpu.memory_space<vmem>>, vector<1x128xf32>
    %get3A_38 = vector.shape_cast %get3A_37 : vector<1x128xf32> to vector<128xf32>
    %broadcast_in_dim3A_39 = vector.shape_cast %get3A_38 : vector<128xf32> to vector<1x128xf32>
    %add3A_40 = vector.broadcast %broadcast_in_dim3A_39 : vector<1x128xf32> to vector<1024x128xf32>
    %add3A_41 = arith.addf %mul3A_34, %add3A_40 : vector<1024x128xf32>
    %get3A_42 = arith.constant 0 : index
    %get3A_43 = arith.constant 0 : index
    %get3A_44 = arith.constant 0 : index
    %get3A_45 = vector.load %arg5[%get3A_42, %get3A_43, %get3A_44] : memref<3x128x128xf32, #tpu.memory_space<vmem>>, vector<1x128x128xf32>
    %get3A_46 = vector.shape_cast %get3A_45 : vector<1x128x128xf32> to vector<128x128xf32>
    %dot_general3A = arith.constant dense<0.000000e+00> : vector<1024x128xf32>
    %dot_general3A_47 = tpu.matmul %add3A_41, %get3A_46, %dot_general3A {dimension_numbers = #tpu.dot_dimension_numbers<[1], [0], [0], [1], [0, 0, 1, 1], [], []>, precision = #tpu.contract_precision<fp32>, transpose_lhs_hint = false} : vector<1024x128xf32>, vector<128x128xf32>, vector<1024x128xf32> -> vector<1024x128xf32>
    %add3A_48 = arith.addf %broadcast_in_dim3A_0, %dot_general3A_47 : vector<1024x128xf32>
    %add3A_49 = arith.addf %add3A_48, %add3A_41 : vector<1024x128xf32>
    %get3A_50 = arith.constant 1 : index
    %get3A_51 = arith.constant 0 : index
    %get3A_52 = arith.constant 0 : index
    %get3A_53 = arith.constant 0 : index
    %get3A_54 = vector.load %arg3[%get3A_50, %get3A_51, %get3A_52, %get3A_53] : memref<3x2x1024x128xf32, #tpu.memory_space<vmem>>, vector<1x1x1024x1xf32>
    %get3A_55 = vector.shape_cast %get3A_54 : vector<1x1x1024x1xf32> to vector<1024x1xf32>
    %get3A_56 = arith.constant 1 : index
    %get3A_57 = arith.constant 1 : index
    %get3A_58 = arith.constant 0 : index
    %get3A_59 = arith.constant 0 : index
    %get3A_60 = vector.load %arg3[%get3A_56, %get3A_57, %get3A_58, %get3A_59] : memref<3x2x1024x128xf32, #tpu.memory_space<vmem>>, vector<1x1x1024x1xf32>
    %get3A_61 = vector.shape_cast %get3A_60 : vector<1x1x1024x1xf32> to vector<1024x1xf32>
    %add3A_62 = arith.addf %get3A_55, %get3A_61 : vector<1024x1xf32>
    %add3A_63 = arith.constant 1.000000e+00 : f32
    %add3A_64 = vector.broadcast %add3A_63 : f32 to vector<1024x1xf32>
    %add3A_65 = arith.addf %add3A_62, %add3A_64 : vector<1024x1xf32>
    %rsqrt3A_66 = math.rsqrt %add3A_65 : vector<1024x1xf32>
    %get3A_67 = arith.constant 1 : index
    %get3A_68 = arith.constant 0 : index
    %get3A_69 = arith.constant 0 : index
    %get3A_70 = arith.constant 0 : index
    %get3A_71 = vector.load %arg1[%get3A_67, %get3A_68, %get3A_69, %get3A_70] : memref<3x2x1024x128xf32, #tpu.memory_space<vmem>>, vector<1x1x1024x128xf32>
    %get3A_72 = vector.shape_cast %get3A_71 : vector<1x1x1024x128xf32> to vector<1024x128xf32>
    %get3A_73 = arith.constant 1 : index
    %get3A_74 = arith.constant 1 : index
    %get3A_75 = arith.constant 0 : index
    %get3A_76 = arith.constant 0 : index
    %get3A_77 = vector.load %arg1[%get3A_73, %get3A_74, %get3A_75, %get3A_76] : memref<3x2x1024x128xf32, #tpu.memory_space<vmem>>, vector<1x1x1024x128xf32>
    %get3A_78 = vector.shape_cast %get3A_77 : vector<1x1x1024x128xf32> to vector<1024x128xf32>
    %add3A_79 = arith.addf %get3A_72, %get3A_78 : vector<1024x128xf32>
    %get3A_80 = arith.constant 1 : index
    %get3A_81 = arith.constant 0 : index
    %get3A_82 = arith.constant 0 : index
    %get3A_83 = vector.load %arg2[%get3A_80, %get3A_81, %get3A_82] : memref<3x1024x128xf32, #tpu.memory_space<vmem>>, vector<1x1024x128xf32>
    %get3A_84 = vector.shape_cast %get3A_83 : vector<1x1024x128xf32> to vector<1024x128xf32>
    %add3A_85 = arith.addf %add3A_79, %get3A_84 : vector<1024x128xf32>
    %mul3A_86 = vector.broadcast %rsqrt3A_66 : vector<1024x1xf32> to vector<1024x128xf32>
    %mul3A_87 = arith.mulf %mul3A_86, %add3A_85 : vector<1024x128xf32>
    %get3A_88 = arith.constant 1 : index
    %get3A_89 = arith.constant 0 : index
    %get3A_90 = vector.load %arg4[%get3A_88, %get3A_89] : memref<3x128xf32, #tpu.memory_space<vmem>>, vector<1x128xf32>
    %get3A_91 = vector.shape_cast %get3A_90 : vector<1x128xf32> to vector<128xf32>
    %broadcast_in_dim3A_92 = vector.shape_cast %get3A_91 : vector<128xf32> to vector<1x128xf32>
    %add3A_93 = vector.broadcast %broadcast_in_dim3A_92 : vector<1x128xf32> to vector<1024x128xf32>
    %add3A_94 = arith.addf %mul3A_87, %add3A_93 : vector<1024x128xf32>
    %get3A_95 = arith.constant 1 : index
    %get3A_96 = arith.constant 0 : index
    %get3A_97 = arith.constant 0 : index
    %get3A_98 = vector.load %arg5[%get3A_95, %get3A_96, %get3A_97] : memref<3x128x128xf32, #tpu.memory_space<vmem>>, vector<1x128x128xf32>
    %get3A_99 = vector.shape_cast %get3A_98 : vector<1x128x128xf32> to vector<128x128xf32>
    %dot_general3A_100 = arith.constant dense<0.000000e+00> : vector<1024x128xf32>
    %dot_general3A_101 = tpu.matmul %add3A_94, %get3A_99, %dot_general3A_100 {dimension_numbers = #tpu.dot_dimension_numbers<[1], [0], [0], [1], [0, 0, 1, 1], [], []>, precision = #tpu.contract_precision<fp32>, transpose_lhs_hint = false} : vector<1024x128xf32>, vector<128x128xf32>, vector<1024x128xf32> -> vector<1024x128xf32>
    %add3A_102 = arith.addf %add3A_49, %dot_general3A_101 : vector<1024x128xf32>
    %add3A_103 = arith.addf %add3A_102, %add3A_94 : vector<1024x128xf32>
    %get3A_104 = arith.constant 2 : index
    %get3A_105 = arith.constant 0 : index
    %get3A_106 = arith.constant 0 : index
    %get3A_107 = arith.constant 0 : index
    %get3A_108 = vector.load %arg3[%get3A_104, %get3A_105, %get3A_106, %get3A_107] : memref<3x2x1024x128xf32, #tpu.memory_space<vmem>>, vector<1x1x1024x1xf32>
    %get3A_109 = vector.shape_cast %get3A_108 : vector<1x1x1024x1xf32> to vector<1024x1xf32>
    %get3A_110 = arith.constant 2 : index
    %get3A_111 = arith.constant 1 : index
    %get3A_112 = arith.constant 0 : index
    %get3A_113 = arith.constant 0 : index
    %get3A_114 = vector.load %arg3[%get3A_110, %get3A_111, %get3A_112, %get3A_113] : memref<3x2x1024x128xf32, #tpu.memory_space<vmem>>, vector<1x1x1024x1xf32>
    %get3A_115 = vector.shape_cast %get3A_114 : vector<1x1x1024x1xf32> to vector<1024x1xf32>
    %add3A_116 = arith.addf %get3A_109, %get3A_115 : vector<1024x1xf32>
    %add3A_117 = arith.constant 1.000000e+00 : f32
    %add3A_118 = vector.broadcast %add3A_117 : f32 to vector<1024x1xf32>
    %add3A_119 = arith.addf %add3A_116, %add3A_118 : vector<1024x1xf32>
    %rsqrt3A_120 = math.rsqrt %add3A_119 : vector<1024x1xf32>
    %get3A_121 = arith.constant 2 : index
    %get3A_122 = arith.constant 0 : index
    %get3A_123 = arith.constant 0 : index
    %get3A_124 = arith.constant 0 : index
    %get3A_125 = vector.load %arg1[%get3A_121, %get3A_122, %get3A_123, %get3A_124] : memref<3x2x1024x128xf32, #tpu.memory_space<vmem>>, vector<1x1x1024x128xf32>
    %get3A_126 = vector.shape_cast %get3A_125 : vector<1x1x1024x128xf32> to vector<1024x128xf32>
    %get3A_127 = arith.constant 2 : index
    %get3A_128 = arith.constant 1 : index
    %get3A_129 = arith.constant 0 : index
    %get3A_130 = arith.constant 0 : index
    %get3A_131 = vector.load %arg1[%get3A_127, %get3A_128, %get3A_129, %get3A_130] : memref<3x2x1024x128xf32, #tpu.memory_space<vmem>>, vector<1x1x1024x128xf32>
    %get3A_132 = vector.shape_cast %get3A_131 : vector<1x1x1024x128xf32> to vector<1024x128xf32>
    %add3A_133 = arith.addf %get3A_126, %get3A_132 : vector<1024x128xf32>
    %get3A_134 = arith.constant 2 : index
    %get3A_135 = arith.constant 0 : index
    %get3A_136 = arith.constant 0 : index
    %get3A_137 = vector.load %arg2[%get3A_134, %get3A_135, %get3A_136] : memref<3x1024x128xf32, #tpu.memory_space<vmem>>, vector<1x1024x128xf32>
    %get3A_138 = vector.shape_cast %get3A_137 : vector<1x1024x128xf32> to vector<1024x128xf32>
    %add3A_139 = arith.addf %add3A_133, %get3A_138 : vector<1024x128xf32>
    %mul3A_140 = vector.broadcast %rsqrt3A_120 : vector<1024x1xf32> to vector<1024x128xf32>
    %mul3A_141 = arith.mulf %mul3A_140, %add3A_139 : vector<1024x128xf32>
    %get3A_142 = arith.constant 2 : index
    %get3A_143 = arith.constant 0 : index
    %get3A_144 = vector.load %arg4[%get3A_142, %get3A_143] : memref<3x128xf32, #tpu.memory_space<vmem>>, vector<1x128xf32>
    %get3A_145 = vector.shape_cast %get3A_144 : vector<1x128xf32> to vector<128xf32>
    %broadcast_in_dim3A_146 = vector.shape_cast %get3A_145 : vector<128xf32> to vector<1x128xf32>
    %add3A_147 = vector.broadcast %broadcast_in_dim3A_146 : vector<1x128xf32> to vector<1024x128xf32>
    %add3A_148 = arith.addf %mul3A_141, %add3A_147 : vector<1024x128xf32>
    %get3A_149 = arith.constant 2 : index
    %get3A_150 = arith.constant 0 : index
    %get3A_151 = arith.constant 0 : index
    %get3A_152 = vector.load %arg5[%get3A_149, %get3A_150, %get3A_151] : memref<3x128x128xf32, #tpu.memory_space<vmem>>, vector<1x128x128xf32>
    %get3A_153 = vector.shape_cast %get3A_152 : vector<1x128x128xf32> to vector<128x128xf32>
    %dot_general3A_154 = arith.constant dense<0.000000e+00> : vector<1024x128xf32>
    %dot_general3A_155 = tpu.matmul %add3A_148, %get3A_153, %dot_general3A_154 {dimension_numbers = #tpu.dot_dimension_numbers<[1], [0], [0], [1], [0, 0, 1, 1], [], []>, precision = #tpu.contract_precision<fp32>, transpose_lhs_hint = false} : vector<1024x128xf32>, vector<128x128xf32>, vector<1024x128xf32> -> vector<1024x128xf32>
    %add3A_156 = arith.addf %add3A_103, %dot_general3A_155 : vector<1024x128xf32>
    %add3A_157 = arith.addf %add3A_156, %add3A_148 : vector<1024x128xf32>
    %get3A_158 = arith.constant 0 : index
    %get3A_159 = arith.constant 0 : index
    %get3A_160 = vector.load %arg6[%get3A_158, %get3A_159] : memref<1x128xf32, #tpu.memory_space<vmem>>, vector<1x128xf32>
    %get3A_161 = vector.shape_cast %get3A_160 : vector<1x128xf32> to vector<128xf32>
    %broadcast_in_dim3A_162 = vector.shape_cast %get3A_161 : vector<128xf32> to vector<1x128xf32>
    %add3A_163 = vector.broadcast %broadcast_in_dim3A_162 : vector<1x128xf32> to vector<1024x128xf32>
    %add3A_164 = arith.addf %add3A_157, %add3A_163 : vector<1024x128xf32>
    %max3A = arith.constant 0.000000e+00 : f32
    %max3A_165 = vector.broadcast %max3A : f32 to vector<1024x128xf32>
    %max3A_166 = arith.maximumf %add3A_164, %max3A_165 : vector<1024x128xf32>
    %swap3A = arith.constant 0 : index
    %swap3A_167 = arith.constant 0 : index
    %swap3A_168 = vector.load %arg7[%swap3A, %swap3A_167] : memref<1024x128xf32, #tpu.memory_space<vmem>>, vector<1024x128xf32>
    tpu.vector_store %arg7[%swap3A, %swap3A_167], %max3A_166 {strides = array<i32>} : memref<1024x128xf32, #tpu.memory_space<vmem>>, vector<1024x128xf32>,
    return
  }
  func.func @transform_0(%arg0: i32) -> (i32, i32, i32, i32) {
    %c0_i32 = arith.constant 0 : i32
    %c0_i32_0 = arith.constant 0 : i32
    %c0_i32_1 = arith.constant 0 : i32
    %c0_i32_2 = arith.constant 0 : i32
    return %c0_i32, %c0_i32_0, %arg0, %c0_i32_1 : i32, i32, i32, i32
  }
  func.func @transform_1(%arg0: i32) -> (i32, i32, i32) {
    %c0_i32 = arith.constant 0 : i32
    %c0_i32_0 = arith.constant 0 : i32
    %c0_i32_1 = arith.constant 0 : i32
    return %c0_i32, %arg0, %c0_i32_0 : i32, i32, i32
  }
  func.func @transform_2(%arg0: i32) -> (i32, i32, i32, i32) {
    %c0_i32 = arith.constant 0 : i32
    %c0_i32_0 = arith.constant 0 : i32
    %c0_i32_1 = arith.constant 0 : i32
    %c0_i32_2 = arith.constant 0 : i32
    return %c0_i32, %c0_i32_0, %arg0, %c0_i32_1 : i32, i32, i32, i32
  }
  func.func @transform_3(%arg0: i32) -> (i32, i32) {
    %c0_i32 = arith.constant 0 : i32
    %c0_i32_0 = arith.constant 0 : i32
    %c0_i32_1 = arith.constant 0 : i32
    return %c0_i32, %c0_i32_0 : i32, i32
  }
  func.func @transform_4(%arg0: i32) -> (i32, i32, i32) {
    %c0_i32 = arith.constant 0 : i32
    %c0_i32_0 = arith.constant 0 : i32
    %c0_i32_1 = arith.constant 0 : i32
    %c0_i32_2 = arith.constant 0 : i32
    return %c0_i32, %c0_i32_0, %c0_i32_1 : i32, i32, i32
  }
  func.func @transform_5(%arg0: i32) -> (i32, i32) {
    %c0_i32 = arith.constant 0 : i32
    %c0_i32_0 = arith.constant 0 : i32
    %c0_i32_1 = arith.constant 0 : i32
    return %c0_i32, %c0_i32_0 : i32, i32
  }
  func.func @transform_6(%arg0: i32) -> (i32, i32) {
    %c0_i32 = arith.constant 0 : i32
    %c0_i32_0 = arith.constant 0 : i32
    return %arg0, %c0_i32 : i32, i32
  }
}

</mosaic_0001>

<sc_bundles>
// kernel: kernel.12.cloned.1.call-start
scs
__scs_entry_jumppad:
0x0: {  	(pc) =	sbr.rel $0x88, $3  }
0x1: {  	(tag) =	ssettag $0x0;
	lr =	simm.s32 $0x1  }
0x2: {  	[smem:$0x3F86] =	sst lr;
	_ =	strace $0xD0000000  }
0x3: {  	_ = 	snop  }
0x4: {  	_ = 	snop  }
0x5: {  	_ = 	snop  }
0x6: {  	_ = 	snop  }
0x7: {  	_ = 	snop  }
__scs_overlays_trampoline_lowered:
0x8: {  	[smem:$0x3F95] =	sst s0  }
0x9: {  	[smem:$0x3F96] =	sst s1  }
0xa: {  	[smem:$0x3F97] =	sst s2  }
0xb: {  	[smem:$0x3F98] =	sst s3  }
0xc: {  	[smem:$0x3F99] =	sst s4  }
0xd: {  	[smem:$0x3F9A] =	sst s5  }
0xe: {  	[smem:$0x3F9B] =	sst s6  }
0xf: {  	[smem:$0x3F9C] =	sst s7  }
0x10: {  	[smem:$0x3F9D] =	sst s8  }
0x11: {  	[smem:$0x3F9E] =	sst s9;
	s0 =	simm.s32 @!p0 $0x0  }
0x12: {  	s1 =	sld [smem:$0x3F84];
	s0 =	simm.s32 @p0 $0x1  }
0x13: {  	[smem:$0x3F9F] =	sst s0;
	s0 =	simm.s32 @!p1 $0x0  }
0x14: {  	s2 =	sld [smem:$0x3F83];
	s0 =	simm.s32 @p1 $0x1  }
0x15: {  	[smem:$0x3FA0] =	sst s0;
	s0 =	simm.s32 @!p2 $0x0  }
0x16: {  	s3 =	sld [smem:$0x3FDB];
	s0 =	simm.s32 @p2 $0x1  }
0x17: {  	s4 =	simm.s32 $0x1BF5;
	[smem:$0x3FA2] =	sst s0  }
0x18: {  	s0 =	sld [smem:$0x3F85];
	_ =	swait.ge [sflag:s4], $0x0  }
0x19: {  	s7 =	sld [smem:$0x3F86]  }
0x1a: {  	s8 =	sadd.s32 $0xFFFFE003, lr  }
0x1b: {  	s9 =	sadd.s32 $0xFFFFFEF7, lr;
	s5 =	simm.s32 $0xFFFFFFFF;
	p2 =	slt.u32 s8, $0xFFFFF086  }
0x1c: {  	p1 =	slt.u32 s9, $0xF7A;
	s5 =	simm.s32 @!p2 $0x0  }
0x1d: {  	s5 =	simm.s32 @p1 $0x1;
	p0 =	seq.s32 s7, s2  }
0x1e: {  	s7 =	smul.u32 @!p0 $0xF7A, s2;
	p2 =	seq.s32 @!p0 s5, $0x0  }
0x1f: {  	s9 =	smul.u32 $0xF7A, s1;
	s8 =	simm.s32 @!p0 $0x1BF5;
	p2 =	por !p2, p0  }
0x20: {  	[sflag:s8] =	ssyncset.s32 @!p0 $0xFFFFF086;
	s6 =	sadd.s32 @!p0 s3, s7;
	s7 =	simm.s32 @!p0 $0x108  }
0x21: {  	s3 =	sadd.s32 s3, s9;
	s6 =	sadd.s32 @!p0 $0x88, s6;
	s7 =	simm.s32 @p2 $0x1082  }
0x22: {  	[simem:s7], [sflag:s8] =	dma.local @!p0 [hbm:s6], $0xF7A  }
0x23: {  	s9 =	sor.u32 $0xD0000000, s2;
	s6 =	simm.s32 $0x108;
	_ =	swait.ge @!p0 [sflag:s8], $0x0  }
0x24: {  	s3 =	sadd.s32 $0x88, s3;
	s6 =	simm.s32 @!p1 $0x1082;
	[sflag:s4] =	ssyncset.s32 $0xFFFFF086  }
0x25: {  	[simem:s6], [sflag:s4] =	dma.local [hbm:s3], $0xF7A  }
0x26: {  	[smem:$0x3F86] =	sst s1;
	(tag) =	ssettag s2;
	_ =	strace s9  }
0x27: {  	s1 =	sld [smem:$0x3F96]  }
0x28: {  	s2 =	sld [smem:$0x3F97]  }
0x29: {  	s4 =	sld [smem:$0x3F99]  }
0x2a: {  	p0 =	seq.s32 s5, $0x0;
	s5 =	sld [smem:$0x3F9A]  }
0x2b: {  	s6 =	sld [smem:$0x3F9B]  }
0x2c: {  	s7 =	sld [smem:$0x3F9C]  }
0x2d: {  	s3 =	simm.s32 $0x108;
	s8 =	sld [smem:$0x3F9D]  }
0x2e: {  	s3 =	simm.s32 @!p0 $0x1082;
	s9 =	sld [smem:$0x3F9E]  }
0x2f: {  	lr =	sadd.s32 s0, s3;
	s0 =	sld [smem:$0x3F95]  }
0x30: {  	s3 =	sld [smem:$0x3F98]  }
0x31: {  	[smem:$0x3FA1] =	sst s10  }
0x32: {  	s10 =	sld [smem:$0x3F9F];
	_ =	sdelay $0x3  }
0x33: {  	p0 =	seq.s32 s10, $0x1;
	s10 =	sld [smem:$0x3FA1];
	_ =	sdelay $0x3  }
0x34: {  	[smem:$0x3FA1] =	sst s10  }
0x35: {  	s10 =	sld [smem:$0x3FA0];
	_ =	sdelay $0x3  }
0x36: {  	p1 =	seq.s32 s10, $0x1;
	s10 =	sld [smem:$0x3FA1];
	_ =	sdelay $0x3  }
0x37: {  	[smem:$0x3FA1] =	sst s10  }
0x38: {  	s10 =	sld [smem:$0x3FA2]  }
0x39: {  	_ = 	snop;
	(pc) =	sbr.ind lr, $3  }
0x3a: {  	_ = 	snop  }
0x3b: {  	_ = 	snop  }
0x3c: {  	p2 =	seq.s32 s10, $0x1;
	s10 =	sld [smem:$0x3FA1]  }
0x3d: {  	_ =	shalt  }
0x3e: {  	_ =	shalt  }
0x3f: {  	_ =	shalt  }
0x40: {  	_ =	shalt  }
0x41: {  	_ =	shalt  }
0x42: {  	_ =	shalt  }
0x43: {  	_ =	shalt  }
0x44: {  	_ =	shalt  }
0x45: {  	_ =	shalt  }
0x46: {  	_ =	shalt  }
0x47: {  	_ =	shalt  }
0x48: {  	_ =	shalt  }
0x49: {  	_ =	shalt  }
0x4a: {  	_ =	shalt  }
0x4b: {  	_ =	shalt  }
0x4c: {  	_ =	shalt  }
0x4d: {  	_ =	shalt  }
0x4e: {  	_ =	shalt  }
0x4f: {  	_ =	shalt  }
0x50: {  	_ =	shalt  }
0x51: {  	_ =	shalt  }
0x52: {  	_ =	shalt  }
0x53: {  	_ =	shalt  }
0x54: {  	_ =	shalt  }
0x55: {  	_ =	shalt  }
0x56: {  	_ =	shalt  }
0x57: {  	_ =	shalt  }
0x58: {  	_ =	shalt  }
0x59: {  	_ =	shalt  }
0x5a: {  	_ =	shalt  }
0x5b: {  	_ =	shalt  }
0x5c: {  	_ =	shalt  }
0x5d: {  	_ =	shalt  }
0x5e: {  	_ =	shalt  }
0x5f: {  	_ =	shalt  }
0x60: {  	_ =	shalt  }
0x61: {  	_ =	shalt  }
0x62: {  	_ =	shalt  }
0x63: {  	_ =	shalt  }
0x64: {  	_ =	shalt  }
0x65: {  	_ =	shalt  }
0x66: {  	_ =	shalt  }
0x67: {  	_ =	shalt  }
0x68: {  	_ =	shalt  }
0x69: {  	_ =	shalt  }
0x6a: {  	_ =	shalt  }
0x6b: {  	_ =	shalt  }
0x6c: {  	_ =	shalt  }
0x6d: {  	_ =	shalt  }
0x6e: {  	_ =	shalt  }
0x6f: {  	_ =	shalt  }
0x70: {  	_ =	shalt  }
0x71: {  	_ =	shalt  }
0x72: {  	_ =	shalt  }
0x73: {  	_ =	shalt  }
0x74: {  	_ =	shalt  }
0x75: {  	_ =	shalt  }
0x76: {  	_ =	shalt  }
0x77: {  	_ =	shalt  }
0x78: {  	_ =	shalt  }
0x79: {  	_ =	shalt  }
0x7a: {  	_ =	shalt  }
0x7b: {  	_ =	shalt  }
0x7c: {  	_ =	shalt  }
0x7d: {  	_ =	shalt  }
0x7e: {  	_ =	shalt  }
0x7f: {  	_ =	shalt  }
0x80: {  	_ =	shalt  }
0x81: {  	_ =	shalt  }
0x82: {  	_ =	shalt  }
0x83: {  	_ =	shalt  }
0x84: {  	_ =	shalt  }
0x85: {  	_ =	shalt  }
0x86: {  	_ =	shalt  }
0x87: {  	_ =	shalt  }
.Lfunc_end0:
.L_simem_size_0:
called_computation.1_lowered:
.L_overlay_start_0:
0x88: {  	s2 =	sld [smem:$0x3FD9]  }
0x89: {  	s3 =	sld [smem:$0x3FFE];
	_ =	sdelay $0x1  }
0x8a: {  	s1 =	srdreg.scid  }
0x8b: {  	s0 =	sand.u32 $0x1, s1  }
0x8c: {  	s17 =	sshll.u32 s0, $0xA;
	s2 =	sadd.s32 s3, s2  }
0x8d: {  	s2 =	sadd.s32 s2, s17  }
0x8e: {  	[smem:$0x3FAD] =	sst s2  }
0x8f: {  	_ = 	snop  }
0x90: {  	s2 =	sld [smem:$0x3FD0];
	(tm) =	ssettm $0x1  }
0x91: {  	s18 =	sld [smem:$0x3FFB];
	_ =	sdelay $0x3  }
0x92: {  	_ =	strace s18  }
0x93: {  	s3 =	sld [smem:$0x3FFC];
	_ =	sdelay $0x3  }
0x94: {  	_ =	strace s3  }
0x95: {  	s3 =	sld [smem:$0x3FFD];
	_ =	sdelay $0x3  }
0x96: {  	_ =	strace s3  }
0x97: {  	_ =	strace $0x8FFFFFFF  }
0x98: {  	s19 =	sld [smem:$0x3FDB];
	_ =	sdelay $0x1  }
0x99: {  	s4 =	simm.s32 $_scs_section_size  }
0x9a: {  	s5 =	simm.s32 $_size__tile_overlayer_lowered;
	s6 =	simm.s32 $_tile_overlayer_lowered  }
0x9b: {  	s22 =	simm.s32 $0x1BFF;
	s21 =	sshll.u32 s6, $0x1;
	s3 =	sadd.s32 s4, s19  }
0x9c: {  	s7 =	simm.s32 $0x0;
	s20 =	sshll.u32 s5, $0x1;
	s5 =	sadd.s32 s21, s3  }
0x9d: {  	[timem:s7], [sflag:s22] =	dma.local [hbm:s5], s20  }
0x9e: {  	_ =	swait.ge [sflag:s22], s20  }
0x9f: {  	s4 =	ssub.s32 $0x0, s20;
	[sflag:s22] =	ssyncset.done $0x0  }
0xa0: {  	[sflag:s22] =	ssyncadd.s32 s4;
	_ =	sdelay $0x1  }
0xa1: {  	s23 =	simm.s32 $0x1B8B  }
0xa2: {  	_ =	swait.ge [sflag:s23], $0x1  }
0xa3: {  	[sflag:s23] =	ssyncset.done $0x0  }
0xa4: {  	s25 =	simm.s32 $0x1B8E;
	s24 =	sld [smem:$0x3FFE];
	[sflag:s23] =	ssyncadd.s32 $0xFFFFFFFF  }
0xa5: {  	s26 =	simm.s32 $execute0_lowered;
	[smem:$0x3FD2] =	sst s25  }
0xa6: {  	s5 =	sshll.u32 s26, $0x1;
	_ =	strace $0x80000049;
	[dreg:$0x1] =	wrdreg $0xFFFFFFFF  }
0xa7: {  	s28 =	simm.s32 $_size_execute0_lowered;
	s3 =	sadd.s32 s3, s5;
	[dreg:$0x0] =	wrdreg $0x0  }
0xa8: {  	s5 =	sshll.u32 s28, $0x1;
	[dreg:$0x2] =	wrdreg s3  }
0xa9: {  	[dreg:$0x3] =	wrdreg s5  }
0xaa: {  	[dreg:$0x4] =	wrdreg $0xC0  }
0xab: {  	_ =	task [dreg:s7], $0x5FFFF  }
0xac: {  	[dreg:$0x1] =	wrdreg $0xFFFFFFFF  }
0xad: {  	[dreg:$0x0] =	wrdreg $0x60  }
0xae: {  	[dreg:$0x2] =	wrdreg s24  }
0xaf: {  	[dreg:$0x3] =	wrdreg s2  }
0xb0: {  	[dreg:$0x4] =	wrdreg $0x0  }
0xb1: {  	[dreg:$0x5] =	wrdreg $0x9  }
0xb2: {  	_ =	task.clear_ibuf [dreg:s7], $0x6FFFF;
	_ =	strace $0x90000049  }
0xb3: {  	s29 =	simm.s32 $0x9;
	_ =	strace $0x8000004B  }
0xb4: {  	_ =	swait.ge [sflag:s29], $0x1  }
0xb5: {  	[sflag:s29] =	ssyncadd.s32 $0xFFFFFFFF  }
0xb6: {  	_ =	strace $0x9000004B  }
0xb7: {  	_ =	sfence  }
0xb8: {  	s30 =	sld [smem:$0x0];
	_ =	sdelay $0x2  }
0xb9: {  	s31 =	sshll.u32 s1, $0xD;
	s1 =	sshrl.u32 s1, $0x2  }
0xba: {  	s3 =	sand.u32 $0x4000, s31;
	s1 =	sadd.s32 s1, s30  }
0xbb: {  	s0 =	sor.u32 s3, s0;
	s1 =	sshll.u32 s1, $0x11  }
0xbc: {  	s0 =	sor.u32 s1, s0  }
0xbd: {  	s0 =	sadd.s32 $0x8F2B, s0  }
0xbe: {  	[sflag:s0] =	ssyncadd.remote.s32 $0x1  }
0xbf: {  	_ =	sfence.sel $0xFFFF  }
0xc0: {  	[dreg:$0x0] =	wrdreg $0xFFFFFFFF;
	(pc) =	sbr.abs _section_cstart, $3  }
0xc1: {  	[dreg:$0x1] =	wrdreg $0xFFFFFFFF  }
0xc2: {  	_ =	task.clear_ibuf [dreg:s7], $0x2FFFF;
	_ =	strace $0x9FFFFFFF  }
0xc3: {  	(tm) =	ssettm $0x7FFFFFFF  }
tec
execute0_lowered:
.L_overlay_start_1:
0x0: {  	(tag) =	ssettag $0x1  }
0x1: {  	s0 =	rddreg [dreg:$0x0]  }
0x2: {  	s2 =	rddreg [dreg:$0x1]  }
0x3: {  	s1 =	rddreg [dreg:$0x2];
	s3 =	simm.s32 $0x0  }
0x4: {  	s4 =	srdreg.scid;
	s13 =	stileid.u32;
	s30 =	simm.s32 $0x14000  }
0x5: {  	s31 =	simm.s32 $0x3;
	[smem:$0x7FF] =	sst s3;
	s8 =	sand.u32 $0x1, s4  }
0x6: {  	s4 =	sadd.s32 $0x1DB000, s0;
	s9 =	smul.u32 $0x14000, s13;
	s5 =	sadd.s32 $0x1B3000, s0  }
0x7: {  	s6 =	sadd.s32 $0x18B000, s0;
	s10 =	sadd.s32 $0x16D000, s0;
	s12 =	smul.u32 $0x50000, s13  }
0x8: {  	s7 =	smul.u32 $0x140000, s8;
	_ =	strace $0x8000004A;
	s11 =	sshll.u32 s8, $0x4  }
0x9: {  	s26 =	ssub.s32 $0x2, s8;
	s11 =	sor.u32 s13, s11;
	s14 =	sshrl.u32 s12, $0x2  }
0xa: {  	s15 =	sshrl.u32 s26, $0x1;
	s12 =	simm.s32 $0x18000;
	s9 =	sadd.s32 s9, s7  }
0xb: {  	s7 =	sadd.s32 $0x4000, s0;
	s11 =	smul.u32 $0x2800, s11;
	s8 =	sadd.s32 s14, s1  }
0xc: {  	s16 =	ssub.s32 s26, s15;
	s15 =	simm.s32 $0x1E700;
	s9 =	sshrl.u32 s9, $0x3  }
0xd: {  	s28 =	sadd.s32 $0xC000, s8;
	s29 =	sadd.s32 $0x10000, s8;
	s11 =	sshrl.u32 s11, $0x3  }
0xe: {  	s0 =	sadd.s32 s9, s0;
	s9 =	sadd.s32 $0x4000, s8;
	s17 =	sadd.s32 s10, s11  }
0xf: {  	s18 =	sadd.s32 s2, s11;
	s19 =	sadd.s32 $0x280, s11;
	[dreg:$0x4] =	wrdreg s17  }
0x10: {  	s20 =	sadd.s32 $0xA000, s11;
	s21 =	sadd.s32 $0x203000, s0;
	[dreg:$0x5] =	wrdreg s18  }
0x11: {  	s23 =	sadd.s32 $0xA280, s11;
	s14 =	sadd.s32 s10, s19;
	[dreg:$0x8] =	wrdreg s21  }
0x12: {  	s25 =	sadd.s32 $0x14000, s11;
	s13 =	sadd.s32 s2, s19;
	[dreg:$0x6] =	wrdreg s14  }
0x13: {  	s11 =	sadd.s32 $0x14280, s11;
	s22 =	sadd.s32 s10, s20;
	[dreg:$0x7] =	wrdreg s13  }
0x14: {  	s24 =	sadd.s32 s10, s23;
	s26 =	sadd.s32 s10, s25;
	[dreg:$0x9] =	wrdreg s22  }
0x15: {  	s10 =	sadd.s32 s10, s11;
	s17 =	simm.s32 $0x0;
	[dreg:$0xb] =	wrdreg s24  }
0x16: {  	s13 =	sadd.s32 s2, s20;
	s14 =	sadd.s32 s2, s23;
	[dreg:$0xd] =	wrdreg s26  }
0x17: {  	[dreg:$0xf] =	wrdreg s10;
	s23 =	sadd.s32 $0x253000, s0;
	s24 =	sadd.s32 $0x2A3000, s0  }
0x18: {  	s26 =	sadd.s32 $0x8000, s8;
	s0 =	simm.s32 $0x1C000;
	[dreg:$0xa] =	wrdreg s13  }
0x19: {  	s10 =	simm.s32 $0x80;
	[dreg:$0xc] =	wrdreg s14;
	s13 =	sadd.s32 s2, s25  }
0x1a: {  	s2 =	sadd.s32 s2, s11;
	s25 =	smax.u32 s16, $0x1;
	s11 =	simm.s32 $0x1C080  }
0x1b: {  	s14 =	simm.s32 $0x2;
	s16 =	simm.s32 $0x1E780;
	[dreg:$0xe] =	wrdreg s13  }
0x1c: {  	[dreg:$0x10] =	wrdreg s2;
	s2 =	simm.s32 $0x1D400;
	s13 =	simm.s32 $0x1  }
.LBB2_1:
0x1d: {  	[tilespmem:s30], [sflag:$0x3] =	stream.linear.gather [hbm4b:s7+s3], $0x4000, $0x38;
	[tilespmem:$0x1E800] =	vst v63  }
0x1e: {  	_ =	swait.ge [sflag:s31], $0x4000  }
0x1f: {  	[sflag:s31] =	ssyncset.done $0x0  }
0x20: {  	[sflag:s31] =	ssyncadd.s32 $0xFFFFC000  }
0x21: {  	[spmem:s8] =	stream.linear.scatter [tilespmem:s30], [sflag:$0x3], $0x4000, $0x38;
	[tilespmem:$0x1E800] =	vst v63  }
0x22: {  	_ =	swait.ge [sflag:s31], $0x4000  }
0x23: {  	[sflag:s31] =	ssyncset.done $0x0  }
0x24: {  	[sflag:s31] =	ssyncadd.s32 $0xFFFFC000  }
0x25: {  	[spmem:s9] =	stream.linear.scatter [tilespmem:s30], [sflag:$0x3], $0x4000, $0x38;
	[tilespmem:$0x1E800] =	vst v63  }
0x26: {  	_ =	swait.ge [sflag:s31], $0x4000  }
0x27: {  	[sflag:s31] =	ssyncset.done $0x0  }
0x28: {  	[sflag:s31] =	ssyncadd.s32 $0xFFFFC000  }
0x29: {  	[spmem:s26] =	stream.linear.scatter [tilespmem:s30], [sflag:$0x3], $0x4000, $0x38;
	[tilespmem:$0x1E800] =	vst v63  }
0x2a: {  	_ =	swait.ge [sflag:s31], $0x4000  }
0x2b: {  	[sflag:s31] =	ssyncset.done $0x0  }
0x2c: {  	[sflag:s31] =	ssyncadd.s32 $0xFFFFC000  }
0x2d: {  	[spmem:s28] =	stream.linear.scatter [tilespmem:s30], [sflag:$0x3], $0x4000, $0x38;
	[tilespmem:$0x1E800] =	vst v63  }
0x2e: {  	_ =	swait.ge [sflag:s31], $0x4000  }
0x2f: {  	[sflag:s31] =	ssyncset.done $0x0  }
0x30: {  	[sflag:s31] =	ssyncadd.s32 $0xFFFFC000  }
0x31: {  	[spmem:s29] =	stream.linear.scatter [tilespmem:s30], [sflag:$0x3], $0x4000, $0x38;
	[tilespmem:$0x1E800] =	vst v63  }
0x32: {  	_ =	swait.ge [sflag:s31], $0x4000  }
0x33: {  	[sflag:s31] =	ssyncset.done $0x0  }
0x34: {  	[sflag:s31] =	ssyncadd.s32 $0xFFFFC000  }
0x35: {  	[bflag:$0x0] =	sbarrier.arrive $0xFFFF  }
0x36: {  	s18 =	rddreg [dreg:$0x4]  }
0x37: {  	[tilespmem:s0], [sflag:$0x3] =	stream.linear.gather [hbm4b:s18+s3], $0x1400, $0x38;
	[tilespmem:$0x1E800] =	vst v63  }
0x38: {  	_ =	swait.ge [sflag:s31], $0x1400  }
0x39: {  	[sflag:s31] =	ssyncset.done $0x0  }
0x3a: {  	s19 =	rddreg [dreg:$0x5];
	[sflag:s31] =	ssyncadd.s32 $0xFFFFEC00  }
0x3b: {  	[tilespmem:s2], [sflag:$0x3] =	stream.linear.gather [hbm4b:s19+s3], $0x1400, $0x38;
	[tilespmem:$0x1E800] =	vst v63  }
0x3c: {  	_ =	swait.ge [sflag:s31], $0x1400  }
0x3d: {  	[sflag:s31] =	ssyncset.done $0x0  }
0x3e: {  	[sflag:s31] =	ssyncadd.s32 $0xFFFFEC00  }
0x3f: {  	[tilespmem:s30], [sflag:$0x1] =	stream.indirect.gather [hbm4b:s4+s10], $0x80, s0, s10, $0xb8;
	[tilespmem:$0x1E800] =	vst v63  }
0x40: {  	_ = 	snop  }
0x41: {  	[tilespmem:s12], [sflag:$0x2] =	stream.indirect.gather [hbm4b:s4+s10], $0x80, s11, s10, $0xb8;
	[tilespmem:$0x1E800] =	vst v63  }
0x42: {  	_ =	swait.ge [sflag:s13], $0x4000  }
0x43: {  	[sflag:s13] =	ssyncset.done $0x0  }
0x44: {  	s20 =	simm.s32 $0x1D400;
	[sflag:s13] =	ssyncadd.s32 $0xFFFFC000  }
0x45: {  	[spmem:s1] =	stream.indirect.scatter.add.f32 [tilespmem:s30], [sflag:$0x3], $0x80, s20, s10, $0xb8;
	[tilespmem:$0x1E800] =	vst v63  }
0x46: {  	_ =	swait.ge [sflag:s31], $0x4000  }
0x47: {  	[sflag:s31] =	ssyncset.done $0x0  }
0x48: {  	s21 =	simm.s32 $0x1C100;
	[sflag:s31] =	ssyncadd.s32 $0xFFFFC000  }
0x49: {  	[tilespmem:s30], [sflag:$0x1] =	stream.indirect.gather [hbm4b:s4+s10], $0x80, s21, s10, $0xb8;
	[tilespmem:$0x1E800] =	vst v63  }
0x4a: {  	_ =	swait.ge [sflag:s14], $0x4000  }
0x4b: {  	[sflag:s14] =	ssyncset.done $0x0  }
0x4c: {  	s22 =	simm.s32 $0x1D480;
	[sflag:s14] =	ssyncadd.s32 $0xFFFFC000  }
0x4d: {  	[spmem:s1] =	stream.indirect.scatter.add.f32 [tilespmem:s12], [sflag:$0x3], $0x80, s22, s10, $0xb8;
	[tilespmem:$0x1E800] =	vst v63  }
0x4e: {  	_ =	swait.ge [sflag:s31], $0x4000  }
0x4f: {  	[sflag:s31] =	ssyncset.done $0x0  }
0x50: {  	s18 =	simm.s32 $0x400;
	s19 =	simm.s32 $0x1C180;
	[sflag:s31] =	ssyncadd.s32 $0xFFFFC000  }
.LBB2_2:
0x51: {  	[tilespmem:s12], [sflag:$0x2] =	stream.indirect.gather [hbm4b:s4+s10], $0x80, s19, s10, $0xb8;
	[tilespmem:$0x1E800] =	vst v63  }
0x52: {  	s19 =	smov.u32 s18  }
0x53: {  	p0 =	sne.s32 s18, $0x4800;
	s18 =	sadd.s32 $0x400, s18;
	_ =	swait.ge [sflag:s13], $0x4000  }
0x54: {  	s19 =	sshra.s32 s19, $0x2;
	[sflag:s13] =	ssyncset.done $0x0  }
0x55: {  	s20 =	sadd.s32 $0x1D400, s19;
	[sflag:s13] =	ssyncadd.s32 $0xFFFFC000  }
0x56: {  	[spmem:s1] =	stream.indirect.scatter.add.f32 [tilespmem:s30], [sflag:$0x3], $0x80, s20, s10, $0xb8;
	[tilespmem:$0x1E800] =	vst v63  }
0x57: {  	_ =	swait.ge [sflag:s31], $0x4000  }
0x58: {  	[sflag:s31] =	ssyncset.done $0x0  }
0x59: {  	s20 =	sadd.s32 $0x1C100, s19;
	[sflag:s31] =	ssyncadd.s32 $0xFFFFC000  }
0x5a: {  	[tilespmem:s30], [sflag:$0x1] =	stream.indirect.gather [hbm4b:s4+s10], $0x80, s20, s10, $0xb8;
	[tilespmem:$0x1E800] =	vst v63  }
0x5b: {  	_ =	swait.ge [sflag:s14], $0x4000  }
0x5c: {  	[sflag:s14] =	ssyncset.done $0x0  }
.Ltmp0:
0x5d: {  	s20 =	sadd.s32 $0x1D480, s19;
	[sflag:s14] =	ssyncadd.s32 $0xFFFFC000;
	(pc) =	sbr.rel @p0 .LBB2_2-.Ltmp0, $4  }
0x5e: {  	[spmem:s1] =	stream.indirect.scatter.add.f32 [tilespmem:s12], [sflag:$0x3], $0x80, s20, s10, $0xb8;
	[tilespmem:$0x1E800] =	vst v63  }
0x5f: {  	_ =	swait.ge [sflag:s31], $0x4000  }
0x60: {  	[sflag:s31] =	ssyncset.done $0x0  }
0x61: {  	s19 =	sadd.s32 $0x1C180, s19;
	[sflag:s31] =	ssyncadd.s32 $0xFFFFC000  }
0x62: {  	[tilespmem:s12], [sflag:$0x2] =	stream.indirect.gather [hbm4b:s4+s10], $0x80, s19, s10, $0xb8;
	[tilespmem:$0x1E800] =	vst v63  }
0x63: {  	_ =	swait.ge [sflag:s13], $0x4000  }
0x64: {  	[sflag:s13] =	ssyncset.done $0x0  }
0x65: {  	[sflag:s13] =	ssyncadd.s32 $0xFFFFC000  }
0x66: {  	[spmem:s1] =	stream.indirect.scatter.add.f32 [tilespmem:s30], [sflag:$0x3], $0x80, s15, s10, $0xb8;
	[tilespmem:$0x1E800] =	vst v63  }
0x67: {  	_ =	swait.ge [sflag:s31], $0x4000  }
0x68: {  	[sflag:s31] =	ssyncset.done $0x0  }
0x69: {  	[sflag:s31] =	ssyncadd.s32 $0xFFFFC000  }
0x6a: {  	_ =	swait.ge [sflag:s14], $0x4000  }
0x6b: {  	[sflag:s14] =	ssyncset.done $0x0  }
0x6c: {  	[sflag:s14] =	ssyncadd.s32 $0xFFFFC000  }
0x6d: {  	[spmem:s1] =	stream.indirect.scatter.add.f32 [tilespmem:s12], [sflag:$0x3], $0x80, s16, s10, $0xb8;
	[tilespmem:$0x1E800] =	vst v63  }
0x6e: {  	_ =	swait.ge [sflag:s31], $0x4000  }
0x6f: {  	[sflag:s31] =	ssyncset.done $0x0  }
0x70: {  	s18 =	simm.s32 $0x0;
	s21 =	rddreg [dreg:$0x6];
	[sflag:s31] =	ssyncadd.s32 $0xFFFFC000  }
0x71: {  	[tilespmem:s0], [sflag:$0x3] =	stream.linear.gather [hbm4b:s21+s18], $0x1400, $0x38;
	[tilespmem:$0x1E800] =	vst v63  }
0x72: {  	_ =	swait.ge [sflag:s31], $0x1400  }
0x73: {  	[sflag:s31] =	ssyncset.done $0x0  }
0x74: {  	s22 =	rddreg [dreg:$0x7];
	[sflag:s31] =	ssyncadd.s32 $0xFFFFEC00  }
0x75: {  	[tilespmem:s2], [sflag:$0x3] =	stream.linear.gather [hbm4b:s22+s18], $0x1400, $0x38;
	[tilespmem:$0x1E800] =	vst v63  }
0x76: {  	_ =	swait.ge [sflag:s31], $0x1400  }
0x77: {  	[sflag:s31] =	ssyncset.done $0x0  }
0x78: {  	[sflag:s31] =	ssyncadd.s32 $0xFFFFEC00  }
0x79: {  	[tilespmem:s30], [sflag:$0x1] =	stream.indirect.gather [hbm4b:s4+s10], $0x80, s0, s10, $0xb8;
	[tilespmem:$0x1E800] =	vst v63  }
0x7a: {  	_ = 	snop  }
0x7b: {  	[tilespmem:s12], [sflag:$0x2] =	stream.indirect.gather [hbm4b:s4+s10], $0x80, s11, s10, $0xb8;
	[tilespmem:$0x1E800] =	vst v63  }
0x7c: {  	_ =	swait.ge [sflag:s13], $0x4000  }
0x7d: {  	[sflag:s13] =	ssyncset.done $0x0  }
0x7e: {  	s20 =	simm.s32 $0x1D400;
	[sflag:s13] =	ssyncadd.s32 $0xFFFFC000  }
0x7f: {  	[spmem:s1] =	stream.indirect.scatter.add.f32 [tilespmem:s30], [sflag:$0x3], $0x80, s20, s10, $0xb8;
	[tilespmem:$0x1E800] =	vst v63  }
0x80: {  	_ =	swait.ge [sflag:s31], $0x4000  }
0x81: {  	[sflag:s31] =	ssyncset.done $0x0  }
0x82: {  	s21 =	simm.s32 $0x1C100;
	[sflag:s31] =	ssyncadd.s32 $0xFFFFC000  }
0x83: {  	[tilespmem:s30], [sflag:$0x1] =	stream.indirect.gather [hbm4b:s4+s10], $0x80, s21, s10, $0xb8;
	[tilespmem:$0x1E800] =	vst v63  }
0x84: {  	_ =	swait.ge [sflag:s14], $0x4000  }
0x85: {  	[sflag:s14] =	ssyncset.done $0x0  }
0x86: {  	s22 =	simm.s32 $0x1D480;
	[sflag:s14] =	ssyncadd.s32 $0xFFFFC000  }
0x87: {  	[spmem:s1] =	stream.indirect.scatter.add.f32 [tilespmem:s12], [sflag:$0x3], $0x80, s22, s10, $0xb8;
	[tilespmem:$0x1E800] =	vst v63  }
0x88: {  	_ =	swait.ge [sflag:s31], $0x4000  }
0x89: {  	[sflag:s31] =	ssyncset.done $0x0  }
0x8a: {  	s19 =	simm.s32 $0x1C180;
	s18 =	simm.s32 $0x400;
	[sflag:s31] =	ssyncadd.s32 $0xFFFFC000  }
.LBB2_4:
0x8b: {  	[tilespmem:s12], [sflag:$0x2] =	stream.indirect.gather [hbm4b:s4+s10], $0x80, s19, s10, $0xb8;
	[tilespmem:$0x1E800] =	vst v63  }
0x8c: {  	s19 =	smov.u32 s18  }
0x8d: {  	p0 =	sne.s32 s18, $0x4800;
	s18 =	sadd.s32 $0x400, s18;
	_ =	swait.ge [sflag:s13], $0x4000  }
0x8e: {  	s19 =	sshra.s32 s19, $0x2;
	[sflag:s13] =	ssyncset.done $0x0  }
0x8f: {  	s20 =	sadd.s32 $0x1D400, s19;
	[sflag:s13] =	ssyncadd.s32 $0xFFFFC000  }
0x90: {  	[spmem:s1] =	stream.indirect.scatter.add.f32 [tilespmem:s30], [sflag:$0x3], $0x80, s20, s10, $0xb8;
	[tilespmem:$0x1E800] =	vst v63  }
0x91: {  	_ =	swait.ge [sflag:s31], $0x4000  }
0x92: {  	[sflag:s31] =	ssyncset.done $0x0  }
0x93: {  	s20 =	sadd.s32 $0x1C100, s19;
	[sflag:s31] =	ssyncadd.s32 $0xFFFFC000  }
0x94: {  	[tilespmem:s30], [sflag:$0x1] =	stream.indirect.gather [hbm4b:s4+s10], $0x80, s20, s10, $0xb8;
	[tilespmem:$0x1E800] =	vst v63  }
0x95: {  	_ =	swait.ge [sflag:s14], $0x4000  }
0x96: {  	[sflag:s14] =	ssyncset.done $0x0  }
.Ltmp1:
0x97: {  	s20 =	sadd.s32 $0x1D480, s19;
	[sflag:s14] =	ssyncadd.s32 $0xFFFFC000;
	(pc) =	sbr.rel @p0 .LBB2_4-.Ltmp1, $4  }
0x98: {  	[spmem:s1] =	stream.indirect.scatter.add.f32 [tilespmem:s12], [sflag:$0x3], $0x80, s20, s10, $0xb8;
	[tilespmem:$0x1E800] =	vst v63  }
0x99: {  	_ =	swait.ge [sflag:s31], $0x4000  }
0x9a: {  	[sflag:s31] =	ssyncset.done $0x0  }
0x9b: {  	s19 =	sadd.s32 $0x1C180, s19;
	[sflag:s31] =	ssyncadd.s32 $0xFFFFC000  }
0x9c: {  	[tilespmem:s12], [sflag:$0x2] =	stream.indirect.gather [hbm4b:s4+s10], $0x80, s19, s10, $0xb8;
	[tilespmem:$0x1E800] =	vst v63  }
0x9d: {  	_ =	swait.ge [sflag:s13], $0x4000  }
0x9e: {  	[sflag:s13] =	ssyncset.done $0x0  }
0x9f: {  	[sflag:s13] =	ssyncadd.s32 $0xFFFFC000  }
0xa0: {  	[spmem:s1] =	stream.indirect.scatter.add.f32 [tilespmem:s30], [sflag:$0x3], $0x80, s15, s10, $0xb8;
	[tilespmem:$0x1E800] =	vst v63  }
0xa1: {  	_ =	swait.ge [sflag:s31], $0x4000  }
0xa2: {  	[sflag:s31] =	ssyncset.done $0x0  }
0xa3: {  	[sflag:s31] =	ssyncadd.s32 $0xFFFFC000  }
0xa4: {  	_ =	swait.ge [sflag:s14], $0x4000  }
0xa5: {  	[sflag:s14] =	ssyncset.done $0x0  }
0xa6: {  	[sflag:s14] =	ssyncadd.s32 $0xFFFFC000  }
0xa7: {  	[spmem:s1] =	stream.indirect.scatter.add.f32 [tilespmem:s12], [sflag:$0x3], $0x80, s16, s10, $0xb8;
	[tilespmem:$0x1E800] =	vst v63  }
0xa8: {  	_ =	swait.ge [sflag:s31], $0x4000  }
0xa9: {  	[sflag:s31] =	ssyncset.done $0x0  }
0xaa: {  	s18 =	stileid.u32;
	[sflag:s31] =	ssyncadd.s32 $0xFFFFC000  }
0xab: {  	s18 =	sshll.u32 s18, $0x6;
	[bflag:$0x0] =	sbarrier.arrive $0xFFFF  }
0xac: {  	s19 =	sshrl.u32 s8, $0x3;
	s18 =	sor.u32 $0x1C03, s18;
	s20 =	rddreg [dreg:$0x8]  }
0xad: {  	[hbm:s20], [sflag:s18] =	dma.local [spmem:s19], $0x2800  }
0xae: {  	_ =	swait.ge [sflag:s31], $0x2800  }
0xaf: {  	[sflag:s31] =	ssyncset.done $0x0  }
0xb0: {  	[sflag:s31] =	ssyncadd.s32 $0xFFFFD800  }
0xb1: {  	s20 =	simm.s32 $0x0;
	[bflag:$0x0] =	sbarrier.arrive $0xFFFF  }
0xb2: {  	[tilespmem:s30], [sflag:$0x3] =	stream.linear.gather [hbm4b:s7+s20], $0x4000, $0x38;
	[tilespmem:$0x1E800] =	vst v63  }
0xb3: {  	_ =	swait.ge [sflag:s31], $0x4000  }
0xb4: {  	[sflag:s31] =	ssyncset.done $0x0  }
0xb5: {  	[sflag:s31] =	ssyncadd.s32 $0xFFFFC000  }
0xb6: {  	[spmem:s8] =	stream.linear.scatter [tilespmem:s30], [sflag:$0x3], $0x4000, $0x38;
	[tilespmem:$0x1E800] =	vst v63  }
0xb7: {  	_ =	swait.ge [sflag:s31], $0x4000  }
0xb8: {  	[sflag:s31] =	ssyncset.done $0x0  }
0xb9: {  	[sflag:s31] =	ssyncadd.s32 $0xFFFFC000  }
0xba: {  	[spmem:s9] =	stream.linear.scatter [tilespmem:s30], [sflag:$0x3], $0x4000, $0x38;
	[tilespmem:$0x1E800] =	vst v63  }
0xbb: {  	_ =	swait.ge [sflag:s31], $0x4000  }
0xbc: {  	[sflag:s31] =	ssyncset.done $0x0  }
0xbd: {  	[sflag:s31] =	ssyncadd.s32 $0xFFFFC000  }
0xbe: {  	[spmem:s26] =	stream.linear.scatter [tilespmem:s30], [sflag:$0x3], $0x4000, $0x38;
	[tilespmem:$0x1E800] =	vst v63  }
0xbf: {  	_ =	swait.ge [sflag:s31], $0x4000  }
0xc0: {  	[sflag:s31] =	ssyncset.done $0x0  }
0xc1: {  	[sflag:s31] =	ssyncadd.s32 $0xFFFFC000  }
0xc2: {  	[spmem:s28] =	stream.linear.scatter [tilespmem:s30], [sflag:$0x3], $0x4000, $0x38;
	[tilespmem:$0x1E800] =	vst v63  }
0xc3: {  	_ =	swait.ge [sflag:s31], $0x4000  }
0xc4: {  	[sflag:s31] =	ssyncset.done $0x0  }
0xc5: {  	[sflag:s31] =	ssyncadd.s32 $0xFFFFC000  }
0xc6: {  	[spmem:s29] =	stream.linear.scatter [tilespmem:s30], [sflag:$0x3], $0x4000, $0x38;
	[tilespmem:$0x1E800] =	vst v63  }
0xc7: {  	_ =	swait.ge [sflag:s31], $0x4000  }
0xc8: {  	[sflag:s31] =	ssyncset.done $0x0  }
0xc9: {  	[sflag:s31] =	ssyncadd.s32 $0xFFFFC000  }
0xca: {  	[bflag:$0x0] =	sbarrier.arrive $0xFFFF  }
0xcb: {  	s21 =	rddreg [dreg:$0x9]  }
0xcc: {  	[tilespmem:s0], [sflag:$0x3] =	stream.linear.gather [hbm4b:s21+s20], $0x1400, $0x38;
	[tilespmem:$0x1E800] =	vst v63  }
0xcd: {  	_ =	swait.ge [sflag:s31], $0x1400  }
0xce: {  	[sflag:s31] =	ssyncset.done $0x0  }
0xcf: {  	s22 =	rddreg [dreg:$0xa];
	[sflag:s31] =	ssyncadd.s32 $0xFFFFEC00  }
0xd0: {  	[tilespmem:s2], [sflag:$0x3] =	stream.linear.gather [hbm4b:s22+s20], $0x1400, $0x38;
	[tilespmem:$0x1E800] =	vst v63  }
0xd1: {  	_ =	swait.ge [sflag:s31], $0x1400  }
0xd2: {  	[sflag:s31] =	ssyncset.done $0x0  }
0xd3: {  	[sflag:s31] =	ssyncadd.s32 $0xFFFFEC00  }
0xd4: {  	[tilespmem:s30], [sflag:$0x1] =	stream.indirect.gather [hbm4b:s5+s10], $0x80, s0, s10, $0xb8;
	[tilespmem:$0x1E800] =	vst v63  }
0xd5: {  	_ = 	snop  }
0xd6: {  	[tilespmem:s12], [sflag:$0x2] =	stream.indirect.gather [hbm4b:s5+s10], $0x80, s11, s10, $0xb8;
	[tilespmem:$0x1E800] =	vst v63  }
0xd7: {  	_ =	swait.ge [sflag:s13], $0x4000  }
0xd8: {  	[sflag:s13] =	ssyncset.done $0x0  }
0xd9: {  	s22 =	simm.s32 $0x1D400;
	[sflag:s13] =	ssyncadd.s32 $0xFFFFC000  }
0xda: {  	[spmem:s1] =	stream.indirect.scatter.add.f32 [tilespmem:s30], [sflag:$0x3], $0x80, s22, s10, $0xb8;
	[tilespmem:$0x1E800] =	vst v63  }
0xdb: {  	_ =	swait.ge [sflag:s31], $0x4000  }
0xdc: {  	[sflag:s31] =	ssyncset.done $0x0  }
0xdd: {  	s21 =	simm.s32 $0x1C100;
	[sflag:s31] =	ssyncadd.s32 $0xFFFFC000  }
0xde: {  	[tilespmem:s30], [sflag:$0x1] =	stream.indirect.gather [hbm4b:s5+s10], $0x80, s21, s10, $0xb8;
	[tilespmem:$0x1E800] =	vst v63  }
0xdf: {  	_ =	swait.ge [sflag:s14], $0x4000  }
0xe0: {  	[sflag:s14] =	ssyncset.done $0x0  }
0xe1: {  	s22 =	simm.s32 $0x1D480;
	[sflag:s14] =	ssyncadd.s32 $0xFFFFC000  }
0xe2: {  	[spmem:s1] =	stream.indirect.scatter.add.f32 [tilespmem:s12], [sflag:$0x3], $0x80, s22, s10, $0xb8;
	[tilespmem:$0x1E800] =	vst v63  }
0xe3: {  	_ =	swait.ge [sflag:s31], $0x4000  }
0xe4: {  	[sflag:s31] =	ssyncset.done $0x0  }
0xe5: {  	s20 =	simm.s32 $0x400;
	s21 =	simm.s32 $0x1C180;
	[sflag:s31] =	ssyncadd.s32 $0xFFFFC000  }
.LBB2_6:
0xe6: {  	[tilespmem:s12], [sflag:$0x2] =	stream.indirect.gather [hbm4b:s5+s10], $0x80, s21, s10, $0xb8;
	[tilespmem:$0x1E800] =	vst v63  }
0xe7: {  	s21 =	smov.u32 s20  }
0xe8: {  	p0 =	sne.s32 s20, $0x4800;
	s20 =	sadd.s32 $0x400, s20;
	_ =	swait.ge [sflag:s13], $0x4000  }
0xe9: {  	s21 =	sshra.s32 s21, $0x2;
	[sflag:s13] =	ssyncset.done $0x0  }
0xea: {  	s22 =	sadd.s32 $0x1D400, s21;
	[sflag:s13] =	ssyncadd.s32 $0xFFFFC000  }
0xeb: {  	[spmem:s1] =	stream.indirect.scatter.add.f32 [tilespmem:s30], [sflag:$0x3], $0x80, s22, s10, $0xb8;
	[tilespmem:$0x1E800] =	vst v63  }
0xec: {  	_ =	swait.ge [sflag:s31], $0x4000  }
0xed: {  	[sflag:s31] =	ssyncset.done $0x0  }
0xee: {  	s22 =	sadd.s32 $0x1C100, s21;
	[sflag:s31] =	ssyncadd.s32 $0xFFFFC000  }
0xef: {  	[tilespmem:s30], [sflag:$0x1] =	stream.indirect.gather [hbm4b:s5+s10], $0x80, s22, s10, $0xb8;
	[tilespmem:$0x1E800] =	vst v63  }
0xf0: {  	_ =	swait.ge [sflag:s14], $0x4000  }
0xf1: {  	[sflag:s14] =	ssyncset.done $0x0  }
.Ltmp2:
0xf2: {  	s22 =	sadd.s32 $0x1D480, s21;
	[sflag:s14] =	ssyncadd.s32 $0xFFFFC000;
	(pc) =	sbr.rel @p0 .LBB2_6-.Ltmp2, $4  }
0xf3: {  	[spmem:s1] =	stream.indirect.scatter.add.f32 [tilespmem:s12], [sflag:$0x3], $0x80, s22, s10, $0xb8;
	[tilespmem:$0x1E800] =	vst v63  }
0xf4: {  	_ =	swait.ge [sflag:s31], $0x4000  }
0xf5: {  	[sflag:s31] =	ssyncset.done $0x0  }
0xf6: {  	s21 =	sadd.s32 $0x1C180, s21;
	[sflag:s31] =	ssyncadd.s32 $0xFFFFC000  }
0xf7: {  	[tilespmem:s12], [sflag:$0x2] =	stream.indirect.gather [hbm4b:s5+s10], $0x80, s21, s10, $0xb8;
	[tilespmem:$0x1E800] =	vst v63  }
0xf8: {  	_ =	swait.ge [sflag:s13], $0x4000  }
0xf9: {  	[sflag:s13] =	ssyncset.done $0x0  }
0xfa: {  	[sflag:s13] =	ssyncadd.s32 $0xFFFFC000  }
0xfb: {  	[spmem:s1] =	stream.indirect.scatter.add.f32 [tilespmem:s30], [sflag:$0x3], $0x80, s15, s10, $0xb8;
	[tilespmem:$0x1E800] =	vst v63  }
0xfc: {  	_ =	swait.ge [sflag:s31], $0x4000  }
0xfd: {  	[sflag:s31] =	ssyncset.done $0x0  }
0xfe: {  	[sflag:s31] =	ssyncadd.s32 $0xFFFFC000  }
0xff: {  	_ =	swait.ge [sflag:s14], $0x4000  }
0x100: {  	[sflag:s14] =	ssyncset.done $0x0  }
0x101: {  	[sflag:s14] =	ssyncadd.s32 $0xFFFFC000  }
0x102: {  	[spmem:s1] =	stream.indirect.scatter.add.f32 [tilespmem:s12], [sflag:$0x3], $0x80, s16, s10, $0xb8;
	[tilespmem:$0x1E800] =	vst v63  }
0x103: {  	_ =	swait.ge [sflag:s31], $0x4000  }
0x104: {  	[sflag:s31] =	ssyncset.done $0x0  }
0x105: {  	s20 =	simm.s32 $0x0;
	s22 =	rddreg [dreg:$0xb];
	[sflag:s31] =	ssyncadd.s32 $0xFFFFC000  }
0x106: {  	[tilespmem:s0], [sflag:$0x3] =	stream.linear.gather [hbm4b:s22+s20], $0x1400, $0x38;
	[tilespmem:$0x1E800] =	vst v63  }
0x107: {  	_ =	swait.ge [sflag:s31], $0x1400  }
0x108: {  	[sflag:s31] =	ssyncset.done $0x0  }
0x109: {  	s22 =	rddreg [dreg:$0xc];
	[sflag:s31] =	ssyncadd.s32 $0xFFFFEC00  }
0x10a: {  	[tilespmem:s2], [sflag:$0x3] =	stream.linear.gather [hbm4b:s22+s20], $0x1400, $0x38;
	[tilespmem:$0x1E800] =	vst v63  }
0x10b: {  	_ =	swait.ge [sflag:s31], $0x1400  }
0x10c: {  	[sflag:s31] =	ssyncset.done $0x0  }
0x10d: {  	[sflag:s31] =	ssyncadd.s32 $0xFFFFEC00  }
0x10e: {  	[tilespmem:s30], [sflag:$0x1] =	stream.indirect.gather [hbm4b:s5+s10], $0x80, s0, s10, $0xb8;
	[tilespmem:$0x1E800] =	vst v63  }
0x10f: {  	_ = 	snop  }
0x110: {  	[tilespmem:s12], [sflag:$0x2] =	stream.indirect.gather [hbm4b:s5+s10], $0x80, s11, s10, $0xb8;
	[tilespmem:$0x1E800] =	vst v63  }
0x111: {  	_ =	swait.ge [sflag:s13], $0x4000  }
0x112: {  	[sflag:s13] =	ssyncset.done $0x0  }
0x113: {  	s22 =	simm.s32 $0x1D400;
	[sflag:s13] =	ssyncadd.s32 $0xFFFFC000  }
0x114: {  	[spmem:s1] =	stream.indirect.scatter.add.f32 [tilespmem:s30], [sflag:$0x3], $0x80, s22, s10, $0xb8;
	[tilespmem:$0x1E800] =	vst v63  }
0x115: {  	_ =	swait.ge [sflag:s31], $0x4000  }
0x116: {  	[sflag:s31] =	ssyncset.done $0x0  }
0x117: {  	s21 =	simm.s32 $0x1C100;
	[sflag:s31] =	ssyncadd.s32 $0xFFFFC000  }
0x118: {  	[tilespmem:s30], [sflag:$0x1] =	stream.indirect.gather [hbm4b:s5+s10], $0x80, s21, s10, $0xb8;
	[tilespmem:$0x1E800] =	vst v63  }
0x119: {  	_ =	swait.ge [sflag:s14], $0x4000  }
0x11a: {  	[sflag:s14] =	ssyncset.done $0x0  }
0x11b: {  	s22 =	simm.s32 $0x1D480;
	[sflag:s14] =	ssyncadd.s32 $0xFFFFC000  }
0x11c: {  	[spmem:s1] =	stream.indirect.scatter.add.f32 [tilespmem:s12], [sflag:$0x3], $0x80, s22, s10, $0xb8;
	[tilespmem:$0x1E800] =	vst v63  }
0x11d: {  	_ =	swait.ge [sflag:s31], $0x4000  }
0x11e: {  	[sflag:s31] =	ssyncset.done $0x0  }
0x11f: {  	s20 =	simm.s32 $0x400;
	s21 =	simm.s32 $0x1C180;
	[sflag:s31] =	ssyncadd.s32 $0xFFFFC000  }
.LBB2_8:
0x120: {  	[tilespmem:s12], [sflag:$0x2] =	stream.indirect.gather [hbm4b:s5+s10], $0x80, s21, s10, $0xb8;
	[tilespmem:$0x1E800] =	vst v63  }
0x121: {  	s21 =	smov.u32 s20  }
0x122: {  	p0 =	sne.s32 s20, $0x4800;
	s20 =	sadd.s32 $0x400, s20;
	_ =	swait.ge [sflag:s13], $0x4000  }
0x123: {  	s21 =	sshra.s32 s21, $0x2;
	[sflag:s13] =	ssyncset.done $0x0  }
0x124: {  	s22 =	sadd.s32 $0x1D400, s21;
	[sflag:s13] =	ssyncadd.s32 $0xFFFFC000  }
0x125: {  	[spmem:s1] =	stream.indirect.scatter.add.f32 [tilespmem:s30], [sflag:$0x3], $0x80, s22, s10, $0xb8;
	[tilespmem:$0x1E800] =	vst v63  }
0x126: {  	_ =	swait.ge [sflag:s31], $0x4000  }
0x127: {  	[sflag:s31] =	ssyncset.done $0x0  }
0x128: {  	s22 =	sadd.s32 $0x1C100, s21;
	[sflag:s31] =	ssyncadd.s32 $0xFFFFC000  }
0x129: {  	[tilespmem:s30], [sflag:$0x1] =	stream.indirect.gather [hbm4b:s5+s10], $0x80, s22, s10, $0xb8;
	[tilespmem:$0x1E800] =	vst v63  }
0x12a: {  	_ =	swait.ge [sflag:s14], $0x4000  }
0x12b: {  	[sflag:s14] =	ssyncset.done $0x0  }
.Ltmp3:
0x12c: {  	s22 =	sadd.s32 $0x1D480, s21;
	[sflag:s14] =	ssyncadd.s32 $0xFFFFC000;
	(pc) =	sbr.rel @p0 .LBB2_8-.Ltmp3, $4  }
0x12d: {  	[spmem:s1] =	stream.indirect.scatter.add.f32 [tilespmem:s12], [sflag:$0x3], $0x80, s22, s10, $0xb8;
	[tilespmem:$0x1E800] =	vst v63  }
0x12e: {  	_ =	swait.ge [sflag:s31], $0x4000  }
0x12f: {  	[sflag:s31] =	ssyncset.done $0x0  }
0x130: {  	s21 =	sadd.s32 $0x1C180, s21;
	[sflag:s31] =	ssyncadd.s32 $0xFFFFC000  }
0x131: {  	[tilespmem:s12], [sflag:$0x2] =	stream.indirect.gather [hbm4b:s5+s10], $0x80, s21, s10, $0xb8;
	[tilespmem:$0x1E800] =	vst v63  }
0x132: {  	_ =	swait.ge [sflag:s13], $0x4000  }
0x133: {  	[sflag:s13] =	ssyncset.done $0x0  }
0x134: {  	[sflag:s13] =	ssyncadd.s32 $0xFFFFC000  }
0x135: {  	[spmem:s1] =	stream.indirect.scatter.add.f32 [tilespmem:s30], [sflag:$0x3], $0x80, s15, s10, $0xb8;
	[tilespmem:$0x1E800] =	vst v63  }
0x136: {  	_ =	swait.ge [sflag:s31], $0x4000  }
0x137: {  	[sflag:s31] =	ssyncset.done $0x0  }
0x138: {  	[sflag:s31] =	ssyncadd.s32 $0xFFFFC000  }
0x139: {  	_ =	swait.ge [sflag:s14], $0x4000  }
0x13a: {  	[sflag:s14] =	ssyncset.done $0x0  }
0x13b: {  	[sflag:s14] =	ssyncadd.s32 $0xFFFFC000  }
0x13c: {  	[spmem:s1] =	stream.indirect.scatter.add.f32 [tilespmem:s12], [sflag:$0x3], $0x80, s16, s10, $0xb8;
	[tilespmem:$0x1E800] =	vst v63  }
0x13d: {  	_ =	swait.ge [sflag:s31], $0x4000  }
0x13e: {  	[sflag:s31] =	ssyncset.done $0x0  }
0x13f: {  	[sflag:s31] =	ssyncadd.s32 $0xFFFFC000  }
0x140: {  	[bflag:$0x0] =	sbarrier.arrive $0xFFFF  }
0x141: {  	[hbm:s23], [sflag:s18] =	dma.local [spmem:s19], $0x2800  }
0x142: {  	_ =	swait.ge [sflag:s31], $0x2800  }
0x143: {  	[sflag:s31] =	ssyncset.done $0x0  }
0x144: {  	[sflag:s31] =	ssyncadd.s32 $0xFFFFD800  }
0x145: {  	s20 =	simm.s32 $0x0;
	[bflag:$0x0] =	sbarrier.arrive $0xFFFF  }
0x146: {  	[tilespmem:s30], [sflag:$0x3] =	stream.linear.gather [hbm4b:s7+s20], $0x4000, $0x38;
	[tilespmem:$0x1E800] =	vst v63  }
0x147: {  	_ =	swait.ge [sflag:s31], $0x4000  }
0x148: {  	[sflag:s31] =	ssyncset.done $0x0  }
0x149: {  	[sflag:s31] =	ssyncadd.s32 $0xFFFFC000  }
0x14a: {  	[spmem:s8] =	stream.linear.scatter [tilespmem:s30], [sflag:$0x3], $0x4000, $0x38;
	[tilespmem:$0x1E800] =	vst v63  }
0x14b: {  	_ =	swait.ge [sflag:s31], $0x4000  }
0x14c: {  	[sflag:s31] =	ssyncset.done $0x0  }
0x14d: {  	[sflag:s31] =	ssyncadd.s32 $0xFFFFC000  }
0x14e: {  	[spmem:s9] =	stream.linear.scatter [tilespmem:s30], [sflag:$0x3], $0x4000, $0x38;
	[tilespmem:$0x1E800] =	vst v63  }
0x14f: {  	_ =	swait.ge [sflag:s31], $0x4000  }
0x150: {  	[sflag:s31] =	ssyncset.done $0x0  }
0x151: {  	[sflag:s31] =	ssyncadd.s32 $0xFFFFC000  }
0x152: {  	[spmem:s26] =	stream.linear.scatter [tilespmem:s30], [sflag:$0x3], $0x4000, $0x38;
	[tilespmem:$0x1E800] =	vst v63  }
0x153: {  	_ =	swait.ge [sflag:s31], $0x4000  }
0x154: {  	[sflag:s31] =	ssyncset.done $0x0  }
0x155: {  	[sflag:s31] =	ssyncadd.s32 $0xFFFFC000  }
0x156: {  	[spmem:s28] =	stream.linear.scatter [tilespmem:s30], [sflag:$0x3], $0x4000, $0x38;
	[tilespmem:$0x1E800] =	vst v63  }
0x157: {  	_ =	swait.ge [sflag:s31], $0x4000  }
0x158: {  	[sflag:s31] =	ssyncset.done $0x0  }
0x159: {  	[sflag:s31] =	ssyncadd.s32 $0xFFFFC000  }
0x15a: {  	[spmem:s29] =	stream.linear.scatter [tilespmem:s30], [sflag:$0x3], $0x4000, $0x38;
	[tilespmem:$0x1E800] =	vst v63  }
0x15b: {  	_ =	swait.ge [sflag:s31], $0x4000  }
0x15c: {  	[sflag:s31] =	ssyncset.done $0x0  }
0x15d: {  	[sflag:s31] =	ssyncadd.s32 $0xFFFFC000  }
0x15e: {  	[bflag:$0x0] =	sbarrier.arrive $0xFFFF  }
0x15f: {  	s22 =	rddreg [dreg:$0xd]  }
0x160: {  	[tilespmem:s0], [sflag:$0x3] =	stream.linear.gather [hbm4b:s22+s20], $0x1400, $0x38;
	[tilespmem:$0x1E800] =	vst v63  }
0x161: {  	_ =	swait.ge [sflag:s31], $0x1400  }
0x162: {  	[sflag:s31] =	ssyncset.done $0x0  }
0x163: {  	s22 =	rddreg [dreg:$0xe];
	[sflag:s31] =	ssyncadd.s32 $0xFFFFEC00  }
0x164: {  	[tilespmem:s2], [sflag:$0x3] =	stream.linear.gather [hbm4b:s22+s20], $0x1400, $0x38;
	[tilespmem:$0x1E800] =	vst v63  }
0x165: {  	_ =	swait.ge [sflag:s31], $0x1400  }
0x166: {  	[sflag:s31] =	ssyncset.done $0x0  }
0x167: {  	[sflag:s31] =	ssyncadd.s32 $0xFFFFEC00  }
0x168: {  	[tilespmem:s30], [sflag:$0x1] =	stream.indirect.gather [hbm4b:s6+s10], $0x80, s0, s10, $0xb8;
	[tilespmem:$0x1E800] =	vst v63  }
0x169: {  	_ = 	snop  }
0x16a: {  	[tilespmem:s12], [sflag:$0x2] =	stream.indirect.gather [hbm4b:s6+s10], $0x80, s11, s10, $0xb8;
	[tilespmem:$0x1E800] =	vst v63  }
0x16b: {  	_ =	swait.ge [sflag:s13], $0x4000  }
0x16c: {  	[sflag:s13] =	ssyncset.done $0x0  }
0x16d: {  	s22 =	simm.s32 $0x1D400;
	[sflag:s13] =	ssyncadd.s32 $0xFFFFC000  }
0x16e: {  	[spmem:s1] =	stream.indirect.scatter.add.f32 [tilespmem:s30], [sflag:$0x3], $0x80, s22, s10, $0xb8;
	[tilespmem:$0x1E800] =	vst v63  }
0x16f: {  	_ =	swait.ge [sflag:s31], $0x4000  }
0x170: {  	[sflag:s31] =	ssyncset.done $0x0  }
0x171: {  	s21 =	simm.s32 $0x1C100;
	[sflag:s31] =	ssyncadd.s32 $0xFFFFC000  }
0x172: {  	[tilespmem:s30], [sflag:$0x1] =	stream.indirect.gather [hbm4b:s6+s10], $0x80, s21, s10, $0xb8;
	[tilespmem:$0x1E800] =	vst v63  }
0x173: {  	_ =	swait.ge [sflag:s14], $0x4000  }
0x174: {  	[sflag:s14] =	ssyncset.done $0x0  }
0x175: {  	s22 =	simm.s32 $0x1D480;
	[sflag:s14] =	ssyncadd.s32 $0xFFFFC000  }
0x176: {  	[spmem:s1] =	stream.indirect.scatter.add.f32 [tilespmem:s12], [sflag:$0x3], $0x80, s22, s10, $0xb8;
	[tilespmem:$0x1E800] =	vst v63  }
0x177: {  	_ =	swait.ge [sflag:s31], $0x4000  }
0x178: {  	[sflag:s31] =	ssyncset.done $0x0  }
0x179: {  	s20 =	simm.s32 $0x400;
	s21 =	simm.s32 $0x1C180;
	[sflag:s31] =	ssyncadd.s32 $0xFFFFC000  }
.LBB2_10:
0x17a: {  	[tilespmem:s12], [sflag:$0x2] =	stream.indirect.gather [hbm4b:s6+s10], $0x80, s21, s10, $0xb8;
	[tilespmem:$0x1E800] =	vst v63  }
0x17b: {  	s21 =	smov.u32 s20  }
0x17c: {  	p0 =	sne.s32 s20, $0x4800;
	s20 =	sadd.s32 $0x400, s20;
	_ =	swait.ge [sflag:s13], $0x4000  }
0x17d: {  	s21 =	sshra.s32 s21, $0x2;
	[sflag:s13] =	ssyncset.done $0x0  }
0x17e: {  	s22 =	sadd.s32 $0x1D400, s21;
	[sflag:s13] =	ssyncadd.s32 $0xFFFFC000  }
0x17f: {  	[spmem:s1] =	stream.indirect.scatter.add.f32 [tilespmem:s30], [sflag:$0x3], $0x80, s22, s10, $0xb8;
	[tilespmem:$0x1E800] =	vst v63  }
0x180: {  	_ =	swait.ge [sflag:s31], $0x4000  }
0x181: {  	[sflag:s31] =	ssyncset.done $0x0  }
0x182: {  	s22 =	sadd.s32 $0x1C100, s21;
	[sflag:s31] =	ssyncadd.s32 $0xFFFFC000  }
0x183: {  	[tilespmem:s30], [sflag:$0x1] =	stream.indirect.gather [hbm4b:s6+s10], $0x80, s22, s10, $0xb8;
	[tilespmem:$0x1E800] =	vst v63  }
0x184: {  	_ =	swait.ge [sflag:s14], $0x4000  }
0x185: {  	[sflag:s14] =	ssyncset.done $0x0  }
.Ltmp4:
0x186: {  	s22 =	sadd.s32 $0x1D480, s21;
	[sflag:s14] =	ssyncadd.s32 $0xFFFFC000;
	(pc) =	sbr.rel @p0 .LBB2_10-.Ltmp4, $4  }
0x187: {  	[spmem:s1] =	stream.indirect.scatter.add.f32 [tilespmem:s12], [sflag:$0x3], $0x80, s22, s10, $0xb8;
	[tilespmem:$0x1E800] =	vst v63  }
0x188: {  	_ =	swait.ge [sflag:s31], $0x4000  }
0x189: {  	[sflag:s31] =	ssyncset.done $0x0  }
0x18a: {  	s21 =	sadd.s32 $0x1C180, s21;
	[sflag:s31] =	ssyncadd.s32 $0xFFFFC000  }
0x18b: {  	[tilespmem:s12], [sflag:$0x2] =	stream.indirect.gather [hbm4b:s6+s10], $0x80, s21, s10, $0xb8;
	[tilespmem:$0x1E800] =	vst v63  }
0x18c: {  	_ =	swait.ge [sflag:s13], $0x4000  }
0x18d: {  	[sflag:s13] =	ssyncset.done $0x0  }
0x18e: {  	[sflag:s13] =	ssyncadd.s32 $0xFFFFC000  }
0x18f: {  	[spmem:s1] =	stream.indirect.scatter.add.f32 [tilespmem:s30], [sflag:$0x3], $0x80, s15, s10, $0xb8;
	[tilespmem:$0x1E800] =	vst v63  }
0x190: {  	_ =	swait.ge [sflag:s31], $0x4000  }
0x191: {  	[sflag:s31] =	ssyncset.done $0x0  }
0x192: {  	[sflag:s31] =	ssyncadd.s32 $0xFFFFC000  }
0x193: {  	_ =	swait.ge [sflag:s14], $0x4000  }
0x194: {  	[sflag:s14] =	ssyncset.done $0x0  }
0x195: {  	[sflag:s14] =	ssyncadd.s32 $0xFFFFC000  }
0x196: {  	[spmem:s1] =	stream.indirect.scatter.add.f32 [tilespmem:s12], [sflag:$0x3], $0x80, s16, s10, $0xb8;
	[tilespmem:$0x1E800] =	vst v63  }
0x197: {  	_ =	swait.ge [sflag:s31], $0x4000  }
0x198: {  	[sflag:s31] =	ssyncset.done $0x0  }
0x199: {  	s20 =	simm.s32 $0x0;
	s22 =	rddreg [dreg:$0xf];
	[sflag:s31] =	ssyncadd.s32 $0xFFFFC000  }
0x19a: {  	[tilespmem:s0], [sflag:$0x3] =	stream.linear.gather [hbm4b:s22+s20], $0x1400, $0x38;
	[tilespmem:$0x1E800] =	vst v63  }
0x19b: {  	_ =	swait.ge [sflag:s31], $0x1400  }
0x19c: {  	[sflag:s31] =	ssyncset.done $0x0  }
0x19d: {  	s22 =	rddreg [dreg:$0x10];
	[sflag:s31] =	ssyncadd.s32 $0xFFFFEC00  }
0x19e: {  	[tilespmem:s2], [sflag:$0x3] =	stream.linear.gather [hbm4b:s22+s20], $0x1400, $0x38;
	[tilespmem:$0x1E800] =	vst v63  }
0x19f: {  	_ =	swait.ge [sflag:s31], $0x1400  }
0x1a0: {  	[sflag:s31] =	ssyncset.done $0x0  }
0x1a1: {  	[sflag:s31] =	ssyncadd.s32 $0xFFFFEC00  }
0x1a2: {  	[tilespmem:s30], [sflag:$0x1] =	stream.indirect.gather [hbm4b:s6+s10], $0x80, s0, s10, $0xb8;
	[tilespmem:$0x1E800] =	vst v63  }
0x1a3: {  	_ = 	snop  }
0x1a4: {  	[tilespmem:s12], [sflag:$0x2] =	stream.indirect.gather [hbm4b:s6+s10], $0x80, s11, s10, $0xb8;
	[tilespmem:$0x1E800] =	vst v63  }
0x1a5: {  	_ =	swait.ge [sflag:s13], $0x4000  }
0x1a6: {  	[sflag:s13] =	ssyncset.done $0x0  }
0x1a7: {  	s22 =	simm.s32 $0x1D400;
	[sflag:s13] =	ssyncadd.s32 $0xFFFFC000  }
0x1a8: {  	[spmem:s1] =	stream.indirect.scatter.add.f32 [tilespmem:s30], [sflag:$0x3], $0x80, s22, s10, $0xb8;
	[tilespmem:$0x1E800] =	vst v63  }
0x1a9: {  	_ =	swait.ge [sflag:s31], $0x4000  }
0x1aa: {  	[sflag:s31] =	ssyncset.done $0x0  }
0x1ab: {  	s21 =	simm.s32 $0x1C100;
	[sflag:s31] =	ssyncadd.s32 $0xFFFFC000  }
0x1ac: {  	[tilespmem:s30], [sflag:$0x1] =	stream.indirect.gather [hbm4b:s6+s10], $0x80, s21, s10, $0xb8;
	[tilespmem:$0x1E800] =	vst v63  }
0x1ad: {  	_ =	swait.ge [sflag:s14], $0x4000  }
0x1ae: {  	[sflag:s14] =	ssyncset.done $0x0  }
0x1af: {  	s22 =	simm.s32 $0x1D480;
	[sflag:s14] =	ssyncadd.s32 $0xFFFFC000  }
0x1b0: {  	[spmem:s1] =	stream.indirect.scatter.add.f32 [tilespmem:s12], [sflag:$0x3], $0x80, s22, s10, $0xb8;
	[tilespmem:$0x1E800] =	vst v63  }
0x1b1: {  	_ =	swait.ge [sflag:s31], $0x4000  }
0x1b2: {  	[sflag:s31] =	ssyncset.done $0x0  }
0x1b3: {  	s20 =	simm.s32 $0x400;
	s21 =	simm.s32 $0x1C180;
	[sflag:s31] =	ssyncadd.s32 $0xFFFFC000  }
.LBB2_12:
0x1b4: {  	[tilespmem:s12], [sflag:$0x2] =	stream.indirect.gather [hbm4b:s6+s10], $0x80, s21, s10, $0xb8;
	[tilespmem:$0x1E800] =	vst v63  }
0x1b5: {  	s21 =	smov.u32 s20  }
0x1b6: {  	p0 =	sne.s32 s20, $0x4800;
	s20 =	sadd.s32 $0x400, s20;
	_ =	swait.ge [sflag:s13], $0x4000  }
0x1b7: {  	s21 =	sshra.s32 s21, $0x2;
	[sflag:s13] =	ssyncset.done $0x0  }
0x1b8: {  	s22 =	sadd.s32 $0x1D400, s21;
	[sflag:s13] =	ssyncadd.s32 $0xFFFFC000  }
0x1b9: {  	[spmem:s1] =	stream.indirect.scatter.add.f32 [tilespmem:s30], [sflag:$0x3], $0x80, s22, s10, $0xb8;
	[tilespmem:$0x1E800] =	vst v63  }
0x1ba: {  	_ =	swait.ge [sflag:s31], $0x4000  }
0x1bb: {  	[sflag:s31] =	ssyncset.done $0x0  }
0x1bc: {  	s22 =	sadd.s32 $0x1C100, s21;
	[sflag:s31] =	ssyncadd.s32 $0xFFFFC000  }
0x1bd: {  	[tilespmem:s30], [sflag:$0x1] =	stream.indirect.gather [hbm4b:s6+s10], $0x80, s22, s10, $0xb8;
	[tilespmem:$0x1E800] =	vst v63  }
0x1be: {  	_ =	swait.ge [sflag:s14], $0x4000  }
0x1bf: {  	[sflag:s14] =	ssyncset.done $0x0  }
.Ltmp5:
0x1c0: {  	s22 =	sadd.s32 $0x1D480, s21;
	[sflag:s14] =	ssyncadd.s32 $0xFFFFC000;
	(pc) =	sbr.rel @p0 .LBB2_12-.Ltmp5, $4  }
0x1c1: {  	[spmem:s1] =	stream.indirect.scatter.add.f32 [tilespmem:s12], [sflag:$0x3], $0x80, s22, s10, $0xb8;
	[tilespmem:$0x1E800] =	vst v63  }
0x1c2: {  	_ =	swait.ge [sflag:s31], $0x4000  }
0x1c3: {  	[sflag:s31] =	ssyncset.done $0x0  }
0x1c4: {  	s21 =	sadd.s32 $0x1C180, s21;
	[sflag:s31] =	ssyncadd.s32 $0xFFFFC000  }
0x1c5: {  	[tilespmem:s12], [sflag:$0x2] =	stream.indirect.gather [hbm4b:s6+s10], $0x80, s21, s10, $0xb8;
	[tilespmem:$0x1E800] =	vst v63  }
0x1c6: {  	_ =	swait.ge [sflag:s13], $0x4000  }
0x1c7: {  	[sflag:s13] =	ssyncset.done $0x0  }
0x1c8: {  	[sflag:s13] =	ssyncadd.s32 $0xFFFFC000  }
0x1c9: {  	[spmem:s1] =	stream.indirect.scatter.add.f32 [tilespmem:s30], [sflag:$0x3], $0x80, s15, s10, $0xb8;
	[tilespmem:$0x1E800] =	vst v63  }
0x1ca: {  	_ =	swait.ge [sflag:s31], $0x4000  }
0x1cb: {  	[sflag:s31] =	ssyncset.done $0x0  }
0x1cc: {  	[sflag:s31] =	ssyncadd.s32 $0xFFFFC000  }
0x1cd: {  	_ =	swait.ge [sflag:s14], $0x4000  }
0x1ce: {  	[sflag:s14] =	ssyncset.done $0x0  }
0x1cf: {  	[sflag:s14] =	ssyncadd.s32 $0xFFFFC000  }
0x1d0: {  	[spmem:s1] =	stream.indirect.scatter.add.f32 [tilespmem:s12], [sflag:$0x3], $0x80, s16, s10, $0xb8;
	[tilespmem:$0x1E800] =	vst v63  }
0x1d1: {  	_ =	swait.ge [sflag:s31], $0x4000  }
0x1d2: {  	[sflag:s31] =	ssyncset.done $0x0  }
0x1d3: {  	s17 =	sadd.s32 $0x1, s17;
	[sflag:s31] =	ssyncadd.s32 $0xFFFFC000  }
0x1d4: {  	p0 =	sne.s32 s17, s25;
	[bflag:$0x0] =	sbarrier.arrive $0xFFFF  }
0x1d5: {  	[hbm:s24], [sflag:s18] =	dma.local [spmem:s19], $0x2800  }
.Ltmp6:
0x1d6: {  	_ =	swait.ge [sflag:s31], $0x2800;
	(pc) =	sbr.rel @p0 .LBB2_1-.Ltmp6, $3  }
0x1d7: {  	[sflag:s31] =	ssyncset.done $0x0  }
0x1d8: {  	[sflag:s31] =	ssyncadd.s32 $0xFFFFD800  }
0x1d9: {  	[bflag:$0x0] =	sbarrier.arrive $0xFFFF;
	_ =	sdelay $0x1  }
0x1da: {  	_ =	sfence.sel $0x180000  }
0x1db: {  	[bflag:$0x0] =	sbarrier.arrive $0xFFFF  }
0x1dc: {  	_ =	strace $0x9000004A  }
0x1dd: {  	s0 =	stileid.u32;
	[bflag:$0x2] =	sbarrier.arrive $0xFFFF  }
0x1de: {  	p0 =	sne.s32 s0, $0x0;
	s0 =	rddreg [dreg:$0x3]  }
0x1df: {  	s0 =	sadd.s32 @!p0 $0x100000, s0  }
0x1e0: {  	[sflag:s0] =	ssyncadd.tile.s32 @!p0 $0x1;
	_ =	shalt  }
.Lfunc_end2:
_tile_overlayer_lowered:
.L_overlay_start_2:
0x1e1: {  	(tag) =	ssettag $0x2  }
0x1e2: {  	s0 =	rddreg [dreg:$0x0];
	s2 =	stileid.u32  }
0x1e3: {  	s1 =	rddreg [dreg:$0x1];
	p0 =	sne.s32 s2, $0x0  }
0x1e4: {  	s3 =	rddreg [dreg:$0x2];
	[bflag:$0x3] =	sbarrier.arrive $0xFFFF;
	s2 =	simm.s32 @!p0 $0x1C03  }
0x1e5: {  	[timem:s3], [sflag:s2] =	dma.local @!p0 [hbm:s0], s1  }
0x1e6: {  	s0 =	simm.s32 @!p0 $0x3  }
0x1e7: {  	_ =	swait.ge @!p0 [sflag:s0], s1  }
0x1e8: {  	s1 =	ssub.s32 @!p0 $0x0, s1;
	[sflag:s0] =	ssyncset.done @!p0 $0x0  }
0x1e9: {  	[sflag:s0] =	ssyncadd.s32 @!p0 s1  }
0x1ea: {  	[bflag:$0x3] =	sbarrier.arrive $0xFFFF  }
0x1eb: {  	_ =	shalt  }

// kernel: kernel.15.cloned.1.call-start
scs
__scs_entry_jumppad:
0x0: {  	(pc) =	sbr.rel $0x88, $3  }
0x1: {  	(tag) =	ssettag $0x0;
	lr =	simm.s32 $0x1  }
0x2: {  	[smem:$0x3F86] =	sst lr;
	_ =	strace $0xD0000000  }
0x3: {  	_ = 	snop  }
0x4: {  	_ = 	snop  }
0x5: {  	_ = 	snop  }
0x6: {  	_ = 	snop  }
0x7: {  	_ = 	snop  }
__scs_overlays_trampoline_lowered:
0x8: {  	[smem:$0x3F95] =	sst s0  }
0x9: {  	[smem:$0x3F96] =	sst s1  }
0xa: {  	[smem:$0x3F97] =	sst s2  }
0xb: {  	[smem:$0x3F98] =	sst s3  }
0xc: {  	[smem:$0x3F99] =	sst s4  }
0xd: {  	[smem:$0x3F9A] =	sst s5  }
0xe: {  	[smem:$0x3F9B] =	sst s6  }
0xf: {  	[smem:$0x3F9C] =	sst s7  }
0x10: {  	[smem:$0x3F9D] =	sst s8  }
0x11: {  	[smem:$0x3F9E] =	sst s9;
	s0 =	simm.s32 @!p0 $0x0  }
0x12: {  	s1 =	sld [smem:$0x3F84];
	s0 =	simm.s32 @p0 $0x1  }
0x13: {  	[smem:$0x3F9F] =	sst s0;
	s0 =	simm.s32 @!p1 $0x0  }
0x14: {  	s2 =	sld [smem:$0x3F83];
	s0 =	simm.s32 @p1 $0x1  }
0x15: {  	[smem:$0x3FA0] =	sst s0;
	s0 =	simm.s32 @!p2 $0x0  }
0x16: {  	s3 =	sld [smem:$0x3FDB];
	s0 =	simm.s32 @p2 $0x1  }
0x17: {  	s4 =	simm.s32 $0x1BF5;
	[smem:$0x3FA2] =	sst s0  }
0x18: {  	s0 =	sld [smem:$0x3F85];
	_ =	swait.ge [sflag:s4], $0x0  }
0x19: {  	s7 =	sld [smem:$0x3F86]  }
0x1a: {  	s8 =	sadd.s32 $0xFFFFE003, lr  }
0x1b: {  	s9 =	sadd.s32 $0xFFFFFEF7, lr;
	s5 =	simm.s32 $0xFFFFFFFF;
	p2 =	slt.u32 s8, $0xFFFFF086  }
0x1c: {  	p1 =	slt.u32 s9, $0xF7A;
	s5 =	simm.s32 @!p2 $0x0  }
0x1d: {  	s5 =	simm.s32 @p1 $0x1;
	p0 =	seq.s32 s7, s2  }
0x1e: {  	s7 =	smul.u32 @!p0 $0xF7A, s2;
	p2 =	seq.s32 @!p0 s5, $0x0  }
0x1f: {  	s9 =	smul.u32 $0xF7A, s1;
	s8 =	simm.s32 @!p0 $0x1BF5;
	p2 =	por !p2, p0  }
0x20: {  	[sflag:s8] =	ssyncset.s32 @!p0 $0xFFFFF086;
	s6 =	sadd.s32 @!p0 s3, s7;
	s7 =	simm.s32 @!p0 $0x108  }
0x21: {  	s3 =	sadd.s32 s3, s9;
	s6 =	sadd.s32 @!p0 $0x88, s6;
	s7 =	simm.s32 @p2 $0x1082  }
0x22: {  	[simem:s7], [sflag:s8] =	dma.local @!p0 [hbm:s6], $0xF7A  }
0x23: {  	s9 =	sor.u32 $0xD0000000, s2;
	s6 =	simm.s32 $0x108;
	_ =	swait.ge @!p0 [sflag:s8], $0x0  }
0x24: {  	s3 =	sadd.s32 $0x88, s3;
	s6 =	simm.s32 @!p1 $0x1082;
	[sflag:s4] =	ssyncset.s32 $0xFFFFF086  }
0x25: {  	[simem:s6], [sflag:s4] =	dma.local [hbm:s3], $0xF7A  }
0x26: {  	[smem:$0x3F86] =	sst s1;
	(tag) =	ssettag s2;
	_ =	strace s9  }
0x27: {  	s1 =	sld [smem:$0x3F96]  }
0x28: {  	s2 =	sld [smem:$0x3F97]  }
0x29: {  	s4 =	sld [smem:$0x3F99]  }
0x2a: {  	p0 =	seq.s32 s5, $0x0;
	s5 =	sld [smem:$0x3F9A]  }
0x2b: {  	s6 =	sld [smem:$0x3F9B]  }
0x2c: {  	s7 =	sld [smem:$0x3F9C]  }
0x2d: {  	s3 =	simm.s32 $0x108;
	s8 =	sld [smem:$0x3F9D]  }
0x2e: {  	s3 =	simm.s32 @!p0 $0x1082;
	s9 =	sld [smem:$0x3F9E]  }
0x2f: {  	lr =	sadd.s32 s0, s3;
	s0 =	sld [smem:$0x3F95]  }
0x30: {  	s3 =	sld [smem:$0x3F98]  }
0x31: {  	[smem:$0x3FA1] =	sst s10  }
0x32: {  	s10 =	sld [smem:$0x3F9F];
	_ =	sdelay $0x3  }
0x33: {  	p0 =	seq.s32 s10, $0x1;
	s10 =	sld [smem:$0x3FA1];
	_ =	sdelay $0x3  }
0x34: {  	[smem:$0x3FA1] =	sst s10  }
0x35: {  	s10 =	sld [smem:$0x3FA0];
	_ =	sdelay $0x3  }
0x36: {  	p1 =	seq.s32 s10, $0x1;
	s10 =	sld [smem:$0x3FA1];
	_ =	sdelay $0x3  }
0x37: {  	[smem:$0x3FA1] =	sst s10  }
0x38: {  	s10 =	sld [smem:$0x3FA2]  }
0x39: {  	_ = 	snop;
	(pc) =	sbr.ind lr, $3  }
0x3a: {  	_ = 	snop  }
0x3b: {  	_ = 	snop  }
0x3c: {  	p2 =	seq.s32 s10, $0x1;
	s10 =	sld [smem:$0x3FA1]  }
0x3d: {  	_ =	shalt  }
0x3e: {  	_ =	shalt  }
0x3f: {  	_ =	shalt  }
0x40: {  	_ =	shalt  }
0x41: {  	_ =	shalt  }
0x42: {  	_ =	shalt  }
0x43: {  	_ =	shalt  }
0x44: {  	_ =	shalt  }
0x45: {  	_ =	shalt  }
0x46: {  	_ =	shalt  }
0x47: {  	_ =	shalt  }
0x48: {  	_ =	shalt  }
0x49: {  	_ =	shalt  }
0x4a: {  	_ =	shalt  }
0x4b: {  	_ =	shalt  }
0x4c: {  	_ =	shalt  }
0x4d: {  	_ =	shalt  }
0x4e: {  	_ =	shalt  }
0x4f: {  	_ =	shalt  }
0x50: {  	_ =	shalt  }
0x51: {  	_ =	shalt  }
0x52: {  	_ =	shalt  }
0x53: {  	_ =	shalt  }
0x54: {  	_ =	shalt  }
0x55: {  	_ =	shalt  }
0x56: {  	_ =	shalt  }
0x57: {  	_ =	shalt  }
0x58: {  	_ =	shalt  }
0x59: {  	_ =	shalt  }
0x5a: {  	_ =	shalt  }
0x5b: {  	_ =	shalt  }
0x5c: {  	_ =	shalt  }
0x5d: {  	_ =	shalt  }
0x5e: {  	_ =	shalt  }
0x5f: {  	_ =	shalt  }
0x60: {  	_ =	shalt  }
0x61: {  	_ =	shalt  }
0x62: {  	_ =	shalt  }
0x63: {  	_ =	shalt  }
0x64: {  	_ =	shalt  }
0x65: {  	_ =	shalt  }
0x66: {  	_ =	shalt  }
0x67: {  	_ =	shalt  }
0x68: {  	_ =	shalt  }
0x69: {  	_ =	shalt  }
0x6a: {  	_ =	shalt  }
0x6b: {  	_ =	shalt  }
0x6c: {  	_ =	shalt  }
0x6d: {  	_ =	shalt  }
0x6e: {  	_ =	shalt  }
0x6f: {  	_ =	shalt  }
0x70: {  	_ =	shalt  }
0x71: {  	_ =	shalt  }
0x72: {  	_ =	shalt  }
0x73: {  	_ =	shalt  }
0x74: {  	_ =	shalt  }
0x75: {  	_ =	shalt  }
0x76: {  	_ =	shalt  }
0x77: {  	_ =	shalt  }
0x78: {  	_ =	shalt  }
0x79: {  	_ =	shalt  }
0x7a: {  	_ =	shalt  }
0x7b: {  	_ =	shalt  }
0x7c: {  	_ =	shalt  }
0x7d: {  	_ =	shalt  }
0x7e: {  	_ =	shalt  }
0x7f: {  	_ =	shalt  }
0x80: {  	_ =	shalt  }
0x81: {  	_ =	shalt  }
0x82: {  	_ =	shalt  }
0x83: {  	_ =	shalt  }
0x84: {  	_ =	shalt  }
0x85: {  	_ =	shalt  }
0x86: {  	_ =	shalt  }
0x87: {  	_ =	shalt  }
.Lfunc_end0:
.L_simem_size_0:
called_computation.2_lowered:
.L_overlay_start_0:
0x88: {  	s2 =	sld [smem:$0x3FD9]  }
0x89: {  	s3 =	sld [smem:$0x3FFE];
	_ =	sdelay $0x1  }
0x8a: {  	s1 =	srdreg.scid  }
0x8b: {  	s0 =	sand.u32 $0x1, s1  }
0x8c: {  	s17 =	sshll.u32 s0, $0xA;
	s2 =	sadd.s32 s3, s2  }
0x8d: {  	s2 =	sadd.s32 s2, s17  }
0x8e: {  	[smem:$0x3FAD] =	sst s2  }
0x8f: {  	_ = 	snop  }
0x90: {  	s2 =	sld [smem:$0x3FD0];
	(tm) =	ssettm $0x1  }
0x91: {  	s18 =	sld [smem:$0x3FFB];
	_ =	sdelay $0x3  }
0x92: {  	_ =	strace s18  }
0x93: {  	s3 =	sld [smem:$0x3FFC];
	_ =	sdelay $0x3  }
0x94: {  	_ =	strace s3  }
0x95: {  	s3 =	sld [smem:$0x3FFD];
	_ =	sdelay $0x3  }
0x96: {  	_ =	strace s3  }
0x97: {  	_ =	strace $0x8FFFFFFF  }
0x98: {  	s19 =	sld [smem:$0x3FDB];
	_ =	sdelay $0x1  }
0x99: {  	s4 =	simm.s32 $_scs_section_size  }
0x9a: {  	s5 =	simm.s32 $_size__tile_overlayer_lowered;
	s6 =	simm.s32 $_tile_overlayer_lowered  }
0x9b: {  	s22 =	simm.s32 $0x1BFF;
	s21 =	sshll.u32 s6, $0x1;
	s3 =	sadd.s32 s4, s19  }
0x9c: {  	s7 =	simm.s32 $0x0;
	s20 =	sshll.u32 s5, $0x1;
	s5 =	sadd.s32 s21, s3  }
0x9d: {  	[timem:s7], [sflag:s22] =	dma.local [hbm:s5], s20  }
0x9e: {  	_ =	swait.ge [sflag:s22], s20  }
0x9f: {  	s4 =	ssub.s32 $0x0, s20;
	[sflag:s22] =	ssyncset.done $0x0  }
0xa0: {  	[sflag:s22] =	ssyncadd.s32 s4;
	_ =	sdelay $0x1  }
0xa1: {  	s23 =	simm.s32 $0x1B8B  }
0xa2: {  	_ =	swait.ge [sflag:s23], $0x1  }
0xa3: {  	[sflag:s23] =	ssyncset.done $0x0  }
0xa4: {  	s25 =	simm.s32 $0x1B8E;
	s24 =	sld [smem:$0x3FFE];
	[sflag:s23] =	ssyncadd.s32 $0xFFFFFFFF  }
0xa5: {  	s26 =	simm.s32 $execute0_lowered;
	[smem:$0x3FD2] =	sst s25  }
0xa6: {  	s5 =	sshll.u32 s26, $0x1;
	_ =	strace $0x8000004C;
	[dreg:$0x1] =	wrdreg $0xFFFFFFFF  }
0xa7: {  	s28 =	simm.s32 $_size_execute0_lowered;
	s3 =	sadd.s32 s3, s5;
	[dreg:$0x0] =	wrdreg $0x0  }
0xa8: {  	s5 =	sshll.u32 s28, $0x1;
	[dreg:$0x2] =	wrdreg s3  }
0xa9: {  	[dreg:$0x3] =	wrdreg s5  }
0xaa: {  	[dreg:$0x4] =	wrdreg $0xC0  }
0xab: {  	_ =	task [dreg:s7], $0x5FFFF  }
0xac: {  	[dreg:$0x1] =	wrdreg $0xFFFFFFFF  }
0xad: {  	[dreg:$0x0] =	wrdreg $0x60  }
0xae: {  	[dreg:$0x2] =	wrdreg s24  }
0xaf: {  	[dreg:$0x3] =	wrdreg s2  }
0xb0: {  	[dreg:$0x4] =	wrdreg $0x0  }
0xb1: {  	[dreg:$0x5] =	wrdreg $0x9  }
0xb2: {  	_ =	task.clear_ibuf [dreg:s7], $0x6FFFF;
	_ =	strace $0x9000004C  }
0xb3: {  	s29 =	simm.s32 $0x9;
	_ =	strace $0x8000004E  }
0xb4: {  	_ =	swait.ge [sflag:s29], $0x1  }
0xb5: {  	[sflag:s29] =	ssyncadd.s32 $0xFFFFFFFF  }
0xb6: {  	_ =	strace $0x9000004E  }
0xb7: {  	_ =	sfence  }
0xb8: {  	s30 =	sld [smem:$0x0];
	_ =	sdelay $0x2  }
0xb9: {  	s31 =	sshll.u32 s1, $0xD;
	s1 =	sshrl.u32 s1, $0x2  }
0xba: {  	s3 =	sand.u32 $0x4000, s31;
	s1 =	sadd.s32 s1, s30  }
0xbb: {  	s0 =	sor.u32 s3, s0;
	s1 =	sshll.u32 s1, $0x11  }
0xbc: {  	s0 =	sor.u32 s1, s0  }
0xbd: {  	s0 =	sadd.s32 $0x8F2B, s0  }
0xbe: {  	[sflag:s0] =	ssyncadd.remote.s32 $0x1  }
0xbf: {  	_ =	sfence.sel $0xFFFF  }
0xc0: {  	[dreg:$0x0] =	wrdreg $0xFFFFFFFF;
	(pc) =	sbr.abs _section_cstart, $3  }
0xc1: {  	[dreg:$0x1] =	wrdreg $0xFFFFFFFF  }
0xc2: {  	_ =	task.clear_ibuf [dreg:s7], $0x2FFFF;
	_ =	strace $0x9FFFFFFF  }
0xc3: {  	(tm) =	ssettm $0x7FFFFFFF  }
tec
execute0_lowered:
.L_overlay_start_1:
0x0: {  	(tag) =	ssettag $0x1  }
0x1: {  	s0 =	rddreg [dreg:$0x0]  }
0x2: {  	s2 =	rddreg [dreg:$0x1]  }
0x3: {  	s1 =	rddreg [dreg:$0x2];
	s3 =	simm.s32 $0x0  }
0x4: {  	s4 =	srdreg.scid;
	s13 =	stileid.u32;
	s30 =	simm.s32 $0x14000  }
0x5: {  	s31 =	simm.s32 $0x3;
	[smem:$0x7FF] =	sst s3;
	s8 =	sand.u32 $0x1, s4  }
0x6: {  	s4 =	sadd.s32 $0x1DB000, s0;
	s9 =	smul.u32 $0x14000, s13;
	s5 =	sadd.s32 $0x1B3000, s0  }
0x7: {  	s6 =	sadd.s32 $0x18B000, s0;
	s10 =	sadd.s32 $0x16D000, s0;
	s12 =	smul.u32 $0x50000, s13  }
0x8: {  	s7 =	smul.u32 $0x140000, s8;
	_ =	strace $0x8000004D;
	s11 =	sshll.u32 s8, $0x4  }
0x9: {  	s26 =	ssub.s32 $0x2, s8;
	s11 =	sor.u32 s13, s11;
	s14 =	sshrl.u32 s12, $0x2  }
0xa: {  	s15 =	sshrl.u32 s26, $0x1;
	s12 =	simm.s32 $0x18000;
	s9 =	sadd.s32 s9, s7  }
0xb: {  	s7 =	sadd.s32 $0x4000, s0;
	s11 =	smul.u32 $0x2800, s11;
	s8 =	sadd.s32 s14, s1  }
0xc: {  	s16 =	ssub.s32 s26, s15;
	s15 =	simm.s32 $0x1E700;
	s9 =	sshrl.u32 s9, $0x3  }
0xd: {  	s28 =	sadd.s32 $0xC000, s8;
	s29 =	sadd.s32 $0x10000, s8;
	s11 =	sshrl.u32 s11, $0x3  }
0xe: {  	s0 =	sadd.s32 s9, s0;
	s9 =	sadd.s32 $0x4000, s8;
	s17 =	sadd.s32 s10, s11  }
0xf: {  	s18 =	sadd.s32 s2, s11;
	s19 =	sadd.s32 $0x280, s11;
	[dreg:$0x4] =	wrdreg s17  }
0x10: {  	s20 =	sadd.s32 $0xA000, s11;
	s21 =	sadd.s32 $0x203000, s0;
	[dreg:$0x5] =	wrdreg s18  }
0x11: {  	s23 =	sadd.s32 $0xA280, s11;
	s14 =	sadd.s32 s10, s19;
	[dreg:$0x8] =	wrdreg s21  }
0x12: {  	s25 =	sadd.s32 $0x14000, s11;
	s13 =	sadd.s32 s2, s19;
	[dreg:$0x6] =	wrdreg s14  }
0x13: {  	s11 =	sadd.s32 $0x14280, s11;
	s22 =	sadd.s32 s10, s20;
	[dreg:$0x7] =	wrdreg s13  }
0x14: {  	s24 =	sadd.s32 s10, s23;
	s26 =	sadd.s32 s10, s25;
	[dreg:$0x9] =	wrdreg s22  }
0x15: {  	s10 =	sadd.s32 s10, s11;
	s17 =	simm.s32 $0x0;
	[dreg:$0xb] =	wrdreg s24  }
0x16: {  	s13 =	sadd.s32 s2, s20;
	s14 =	sadd.s32 s2, s23;
	[dreg:$0xd] =	wrdreg s26  }
0x17: {  	[dreg:$0xf] =	wrdreg s10;
	s23 =	sadd.s32 $0x253000, s0;
	s24 =	sadd.s32 $0x2A3000, s0  }
0x18: {  	s26 =	sadd.s32 $0x8000, s8;
	s0 =	simm.s32 $0x1C000;
	[dreg:$0xa] =	wrdreg s13  }
0x19: {  	s10 =	simm.s32 $0x80;
	[dreg:$0xc] =	wrdreg s14;
	s13 =	sadd.s32 s2, s25  }
0x1a: {  	s2 =	sadd.s32 s2, s11;
	s25 =	smax.u32 s16, $0x1;
	s11 =	simm.s32 $0x1C080  }
0x1b: {  	s14 =	simm.s32 $0x2;
	s16 =	simm.s32 $0x1E780;
	[dreg:$0xe] =	wrdreg s13  }
0x1c: {  	[dreg:$0x10] =	wrdreg s2;
	s2 =	simm.s32 $0x1D400;
	s13 =	simm.s32 $0x1  }
.LBB2_1:
0x1d: {  	[tilespmem:s30], [sflag:$0x3] =	stream.linear.gather [hbm4b:s7+s3], $0x4000, $0x38;
	[tilespmem:$0x1E800] =	vst v63  }
0x1e: {  	_ =	swait.ge [sflag:s31], $0x4000  }
0x1f: {  	[sflag:s31] =	ssyncset.done $0x0  }
0x20: {  	[sflag:s31] =	ssyncadd.s32 $0xFFFFC000  }
0x21: {  	[spmem:s8] =	stream.linear.scatter [tilespmem:s30], [sflag:$0x3], $0x4000, $0x38;
	[tilespmem:$0x1E800] =	vst v63  }
0x22: {  	_ =	swait.ge [sflag:s31], $0x4000  }
0x23: {  	[sflag:s31] =	ssyncset.done $0x0  }
0x24: {  	[sflag:s31] =	ssyncadd.s32 $0xFFFFC000  }
0x25: {  	[spmem:s9] =	stream.linear.scatter [tilespmem:s30], [sflag:$0x3], $0x4000, $0x38;
	[tilespmem:$0x1E800] =	vst v63  }
0x26: {  	_ =	swait.ge [sflag:s31], $0x4000  }
0x27: {  	[sflag:s31] =	ssyncset.done $0x0  }
0x28: {  	[sflag:s31] =	ssyncadd.s32 $0xFFFFC000  }
0x29: {  	[spmem:s26] =	stream.linear.scatter [tilespmem:s30], [sflag:$0x3], $0x4000, $0x38;
	[tilespmem:$0x1E800] =	vst v63  }
0x2a: {  	_ =	swait.ge [sflag:s31], $0x4000  }
0x2b: {  	[sflag:s31] =	ssyncset.done $0x0  }
0x2c: {  	[sflag:s31] =	ssyncadd.s32 $0xFFFFC000  }
0x2d: {  	[spmem:s28] =	stream.linear.scatter [tilespmem:s30], [sflag:$0x3], $0x4000, $0x38;
	[tilespmem:$0x1E800] =	vst v63  }
0x2e: {  	_ =	swait.ge [sflag:s31], $0x4000  }
0x2f: {  	[sflag:s31] =	ssyncset.done $0x0  }
0x30: {  	[sflag:s31] =	ssyncadd.s32 $0xFFFFC000  }
0x31: {  	[spmem:s29] =	stream.linear.scatter [tilespmem:s30], [sflag:$0x3], $0x4000, $0x38;
	[tilespmem:$0x1E800] =	vst v63  }
0x32: {  	_ =	swait.ge [sflag:s31], $0x4000  }
0x33: {  	[sflag:s31] =	ssyncset.done $0x0  }
0x34: {  	[sflag:s31] =	ssyncadd.s32 $0xFFFFC000  }
0x35: {  	[bflag:$0x0] =	sbarrier.arrive $0xFFFF  }
0x36: {  	s18 =	rddreg [dreg:$0x4]  }
0x37: {  	[tilespmem:s0], [sflag:$0x3] =	stream.linear.gather [hbm4b:s18+s3], $0x1400, $0x38;
	[tilespmem:$0x1E800] =	vst v63  }
0x38: {  	_ =	swait.ge [sflag:s31], $0x1400  }
0x39: {  	[sflag:s31] =	ssyncset.done $0x0  }
0x3a: {  	s19 =	rddreg [dreg:$0x5];
	[sflag:s31] =	ssyncadd.s32 $0xFFFFEC00  }
0x3b: {  	[tilespmem:s2], [sflag:$0x3] =	stream.linear.gather [hbm4b:s19+s3], $0x1400, $0x38;
	[tilespmem:$0x1E800] =	vst v63  }
0x3c: {  	_ =	swait.ge [sflag:s31], $0x1400  }
0x3d: {  	[sflag:s31] =	ssyncset.done $0x0  }
0x3e: {  	[sflag:s31] =	ssyncadd.s32 $0xFFFFEC00  }
0x3f: {  	[tilespmem:s30], [sflag:$0x1] =	stream.indirect.gather [hbm4b:s4+s10], $0x80, s0, s10, $0xb8;
	[tilespmem:$0x1E800] =	vst v63  }
0x40: {  	_ = 	snop  }
0x41: {  	[tilespmem:s12], [sflag:$0x2] =	stream.indirect.gather [hbm4b:s4+s10], $0x80, s11, s10, $0xb8;
	[tilespmem:$0x1E800] =	vst v63  }
0x42: {  	_ =	swait.ge [sflag:s13], $0x4000  }
0x43: {  	[sflag:s13] =	ssyncset.done $0x0  }
0x44: {  	s20 =	simm.s32 $0x1D400;
	[sflag:s13] =	ssyncadd.s32 $0xFFFFC000  }
0x45: {  	[spmem:s1] =	stream.indirect.scatter.add.f32 [tilespmem:s30], [sflag:$0x3], $0x80, s20, s10, $0xb8;
	[tilespmem:$0x1E800] =	vst v63  }
0x46: {  	_ =	swait.ge [sflag:s31], $0x4000  }
0x47: {  	[sflag:s31] =	ssyncset.done $0x0  }
0x48: {  	s21 =	simm.s32 $0x1C100;
	[sflag:s31] =	ssyncadd.s32 $0xFFFFC000  }
0x49: {  	[tilespmem:s30], [sflag:$0x1] =	stream.indirect.gather [hbm4b:s4+s10], $0x80, s21, s10, $0xb8;
	[tilespmem:$0x1E800] =	vst v63  }
0x4a: {  	_ =	swait.ge [sflag:s14], $0x4000  }
0x4b: {  	[sflag:s14] =	ssyncset.done $0x0  }
0x4c: {  	s22 =	simm.s32 $0x1D480;
	[sflag:s14] =	ssyncadd.s32 $0xFFFFC000  }
0x4d: {  	[spmem:s1] =	stream.indirect.scatter.add.f32 [tilespmem:s12], [sflag:$0x3], $0x80, s22, s10, $0xb8;
	[tilespmem:$0x1E800] =	vst v63  }
0x4e: {  	_ =	swait.ge [sflag:s31], $0x4000  }
0x4f: {  	[sflag:s31] =	ssyncset.done $0x0  }
0x50: {  	s18 =	simm.s32 $0x400;
	s19 =	simm.s32 $0x1C180;
	[sflag:s31] =	ssyncadd.s32 $0xFFFFC000  }
.LBB2_2:
0x51: {  	[tilespmem:s12], [sflag:$0x2] =	stream.indirect.gather [hbm4b:s4+s10], $0x80, s19, s10, $0xb8;
	[tilespmem:$0x1E800] =	vst v63  }
0x52: {  	s19 =	smov.u32 s18  }
0x53: {  	p0 =	sne.s32 s18, $0x4800;
	s18 =	sadd.s32 $0x400, s18;
	_ =	swait.ge [sflag:s13], $0x4000  }
0x54: {  	s19 =	sshra.s32 s19, $0x2;
	[sflag:s13] =	ssyncset.done $0x0  }
0x55: {  	s20 =	sadd.s32 $0x1D400, s19;
	[sflag:s13] =	ssyncadd.s32 $0xFFFFC000  }
0x56: {  	[spmem:s1] =	stream.indirect.scatter.add.f32 [tilespmem:s30], [sflag:$0x3], $0x80, s20, s10, $0xb8;
	[tilespmem:$0x1E800] =	vst v63  }
0x57: {  	_ =	swait.ge [sflag:s31], $0x4000  }
0x58: {  	[sflag:s31] =	ssyncset.done $0x0  }
0x59: {  	s20 =	sadd.s32 $0x1C100, s19;
	[sflag:s31] =	ssyncadd.s32 $0xFFFFC000  }
0x5a: {  	[tilespmem:s30], [sflag:$0x1] =	stream.indirect.gather [hbm4b:s4+s10], $0x80, s20, s10, $0xb8;
	[tilespmem:$0x1E800] =	vst v63  }
0x5b: {  	_ =	swait.ge [sflag:s14], $0x4000  }
0x5c: {  	[sflag:s14] =	ssyncset.done $0x0  }
.Ltmp0:
0x5d: {  	s20 =	sadd.s32 $0x1D480, s19;
	[sflag:s14] =	ssyncadd.s32 $0xFFFFC000;
	(pc) =	sbr.rel @p0 .LBB2_2-.Ltmp0, $4  }
0x5e: {  	[spmem:s1] =	stream.indirect.scatter.add.f32 [tilespmem:s12], [sflag:$0x3], $0x80, s20, s10, $0xb8;
	[tilespmem:$0x1E800] =	vst v63  }
0x5f: {  	_ =	swait.ge [sflag:s31], $0x4000  }
0x60: {  	[sflag:s31] =	ssyncset.done $0x0  }
0x61: {  	s19 =	sadd.s32 $0x1C180, s19;
	[sflag:s31] =	ssyncadd.s32 $0xFFFFC000  }
0x62: {  	[tilespmem:s12], [sflag:$0x2] =	stream.indirect.gather [hbm4b:s4+s10], $0x80, s19, s10, $0xb8;
	[tilespmem:$0x1E800] =	vst v63  }
0x63: {  	_ =	swait.ge [sflag:s13], $0x4000  }
0x64: {  	[sflag:s13] =	ssyncset.done $0x0  }
0x65: {  	[sflag:s13] =	ssyncadd.s32 $0xFFFFC000  }
0x66: {  	[spmem:s1] =	stream.indirect.scatter.add.f32 [tilespmem:s30], [sflag:$0x3], $0x80, s15, s10, $0xb8;
	[tilespmem:$0x1E800] =	vst v63  }
0x67: {  	_ =	swait.ge [sflag:s31], $0x4000  }
0x68: {  	[sflag:s31] =	ssyncset.done $0x0  }
0x69: {  	[sflag:s31] =	ssyncadd.s32 $0xFFFFC000  }
0x6a: {  	_ =	swait.ge [sflag:s14], $0x4000  }
0x6b: {  	[sflag:s14] =	ssyncset.done $0x0  }
0x6c: {  	[sflag:s14] =	ssyncadd.s32 $0xFFFFC000  }
0x6d: {  	[spmem:s1] =	stream.indirect.scatter.add.f32 [tilespmem:s12], [sflag:$0x3], $0x80, s16, s10, $0xb8;
	[tilespmem:$0x1E800] =	vst v63  }
0x6e: {  	_ =	swait.ge [sflag:s31], $0x4000  }
0x6f: {  	[sflag:s31] =	ssyncset.done $0x0  }
0x70: {  	s18 =	simm.s32 $0x0;
	s21 =	rddreg [dreg:$0x6];
	[sflag:s31] =	ssyncadd.s32 $0xFFFFC000  }
0x71: {  	[tilespmem:s0], [sflag:$0x3] =	stream.linear.gather [hbm4b:s21+s18], $0x1400, $0x38;
	[tilespmem:$0x1E800] =	vst v63  }
0x72: {  	_ =	swait.ge [sflag:s31], $0x1400  }
0x73: {  	[sflag:s31] =	ssyncset.done $0x0  }
0x74: {  	s22 =	rddreg [dreg:$0x7];
	[sflag:s31] =	ssyncadd.s32 $0xFFFFEC00  }
0x75: {  	[tilespmem:s2], [sflag:$0x3] =	stream.linear.gather [hbm4b:s22+s18], $0x1400, $0x38;
	[tilespmem:$0x1E800] =	vst v63  }
0x76: {  	_ =	swait.ge [sflag:s31], $0x1400  }
0x77: {  	[sflag:s31] =	ssyncset.done $0x0  }
0x78: {  	[sflag:s31] =	ssyncadd.s32 $0xFFFFEC00  }
0x79: {  	[tilespmem:s30], [sflag:$0x1] =	stream.indirect.gather [hbm4b:s4+s10], $0x80, s0, s10, $0xb8;
	[tilespmem:$0x1E800] =	vst v63  }
0x7a: {  	_ = 	snop  }
0x7b: {  	[tilespmem:s12], [sflag:$0x2] =	stream.indirect.gather [hbm4b:s4+s10], $0x80, s11, s10, $0xb8;
	[tilespmem:$0x1E800] =	vst v63  }
0x7c: {  	_ =	swait.ge [sflag:s13], $0x4000  }
0x7d: {  	[sflag:s13] =	ssyncset.done $0x0  }
0x7e: {  	s20 =	simm.s32 $0x1D400;
	[sflag:s13] =	ssyncadd.s32 $0xFFFFC000  }
0x7f: {  	[spmem:s1] =	stream.indirect.scatter.add.f32 [tilespmem:s30], [sflag:$0x3], $0x80, s20, s10, $0xb8;
	[tilespmem:$0x1E800] =	vst v63  }
0x80: {  	_ =	swait.ge [sflag:s31], $0x4000  }
0x81: {  	[sflag:s31] =	ssyncset.done $0x0  }
0x82: {  	s21 =	simm.s32 $0x1C100;
	[sflag:s31] =	ssyncadd.s32 $0xFFFFC000  }
0x83: {  	[tilespmem:s30], [sflag:$0x1] =	stream.indirect.gather [hbm4b:s4+s10], $0x80, s21, s10, $0xb8;
	[tilespmem:$0x1E800] =	vst v63  }
0x84: {  	_ =	swait.ge [sflag:s14], $0x4000  }
0x85: {  	[sflag:s14] =	ssyncset.done $0x0  }
0x86: {  	s22 =	simm.s32 $0x1D480;
	[sflag:s14] =	ssyncadd.s32 $0xFFFFC000  }
0x87: {  	[spmem:s1] =	stream.indirect.scatter.add.f32 [tilespmem:s12], [sflag:$0x3], $0x80, s22, s10, $0xb8;
	[tilespmem:$0x1E800] =	vst v63  }
0x88: {  	_ =	swait.ge [sflag:s31], $0x4000  }
0x89: {  	[sflag:s31] =	ssyncset.done $0x0  }
0x8a: {  	s19 =	simm.s32 $0x1C180;
	s18 =	simm.s32 $0x400;
	[sflag:s31] =	ssyncadd.s32 $0xFFFFC000  }
.LBB2_4:
0x8b: {  	[tilespmem:s12], [sflag:$0x2] =	stream.indirect.gather [hbm4b:s4+s10], $0x80, s19, s10, $0xb8;
	[tilespmem:$0x1E800] =	vst v63  }
0x8c: {  	s19 =	smov.u32 s18  }
0x8d: {  	p0 =	sne.s32 s18, $0x4800;
	s18 =	sadd.s32 $0x400, s18;
	_ =	swait.ge [sflag:s13], $0x4000  }
0x8e: {  	s19 =	sshra.s32 s19, $0x2;
	[sflag:s13] =	ssyncset.done $0x0  }
0x8f: {  	s20 =	sadd.s32 $0x1D400, s19;
	[sflag:s13] =	ssyncadd.s32 $0xFFFFC000  }
0x90: {  	[spmem:s1] =	stream.indirect.scatter.add.f32 [tilespmem:s30], [sflag:$0x3], $0x80, s20, s10, $0xb8;
	[tilespmem:$0x1E800] =	vst v63  }
0x91: {  	_ =	swait.ge [sflag:s31], $0x4000  }
0x92: {  	[sflag:s31] =	ssyncset.done $0x0  }
0x93: {  	s20 =	sadd.s32 $0x1C100, s19;
	[sflag:s31] =	ssyncadd.s32 $0xFFFFC000  }
0x94: {  	[tilespmem:s30], [sflag:$0x1] =	stream.indirect.gather [hbm4b:s4+s10], $0x80, s20, s10, $0xb8;
	[tilespmem:$0x1E800] =	vst v63  }
0x95: {  	_ =	swait.ge [sflag:s14], $0x4000  }
0x96: {  	[sflag:s14] =	ssyncset.done $0x0  }
.Ltmp1:
0x97: {  	s20 =	sadd.s32 $0x1D480, s19;
	[sflag:s14] =	ssyncadd.s32 $0xFFFFC000;
	(pc) =	sbr.rel @p0 .LBB2_4-.Ltmp1, $4  }
0x98: {  	[spmem:s1] =	stream.indirect.scatter.add.f32 [tilespmem:s12], [sflag:$0x3], $0x80, s20, s10, $0xb8;
	[tilespmem:$0x1E800] =	vst v63  }
0x99: {  	_ =	swait.ge [sflag:s31], $0x4000  }
0x9a: {  	[sflag:s31] =	ssyncset.done $0x0  }
0x9b: {  	s19 =	sadd.s32 $0x1C180, s19;
	[sflag:s31] =	ssyncadd.s32 $0xFFFFC000  }
0x9c: {  	[tilespmem:s12], [sflag:$0x2] =	stream.indirect.gather [hbm4b:s4+s10], $0x80, s19, s10, $0xb8;
	[tilespmem:$0x1E800] =	vst v63  }
0x9d: {  	_ =	swait.ge [sflag:s13], $0x4000  }
0x9e: {  	[sflag:s13] =	ssyncset.done $0x0  }
0x9f: {  	[sflag:s13] =	ssyncadd.s32 $0xFFFFC000  }
0xa0: {  	[spmem:s1] =	stream.indirect.scatter.add.f32 [tilespmem:s30], [sflag:$0x3], $0x80, s15, s10, $0xb8;
	[tilespmem:$0x1E800] =	vst v63  }
0xa1: {  	_ =	swait.ge [sflag:s31], $0x4000  }
0xa2: {  	[sflag:s31] =	ssyncset.done $0x0  }
0xa3: {  	[sflag:s31] =	ssyncadd.s32 $0xFFFFC000  }
0xa4: {  	_ =	swait.ge [sflag:s14], $0x4000  }
0xa5: {  	[sflag:s14] =	ssyncset.done $0x0  }
0xa6: {  	[sflag:s14] =	ssyncadd.s32 $0xFFFFC000  }
0xa7: {  	[spmem:s1] =	stream.indirect.scatter.add.f32 [tilespmem:s12], [sflag:$0x3], $0x80, s16, s10, $0xb8;
	[tilespmem:$0x1E800] =	vst v63  }
0xa8: {  	_ =	swait.ge [sflag:s31], $0x4000  }
0xa9: {  	[sflag:s31] =	ssyncset.done $0x0  }
0xaa: {  	s18 =	stileid.u32;
	[sflag:s31] =	ssyncadd.s32 $0xFFFFC000  }
0xab: {  	s18 =	sshll.u32 s18, $0x6;
	[bflag:$0x0] =	sbarrier.arrive $0xFFFF  }
0xac: {  	s19 =	sshrl.u32 s8, $0x3;
	s18 =	sor.u32 $0x1C03, s18;
	s20 =	rddreg [dreg:$0x8]  }
0xad: {  	[hbm:s20], [sflag:s18] =	dma.local [spmem:s19], $0x2800  }
0xae: {  	_ =	swait.ge [sflag:s31], $0x2800  }
0xaf: {  	[sflag:s31] =	ssyncset.done $0x0  }
0xb0: {  	[sflag:s31] =	ssyncadd.s32 $0xFFFFD800  }
0xb1: {  	s20 =	simm.s32 $0x0;
	[bflag:$0x0] =	sbarrier.arrive $0xFFFF  }
0xb2: {  	[tilespmem:s30], [sflag:$0x3] =	stream.linear.gather [hbm4b:s7+s20], $0x4000, $0x38;
	[tilespmem:$0x1E800] =	vst v63  }
0xb3: {  	_ =	swait.ge [sflag:s31], $0x4000  }
0xb4: {  	[sflag:s31] =	ssyncset.done $0x0  }
0xb5: {  	[sflag:s31] =	ssyncadd.s32 $0xFFFFC000  }
0xb6: {  	[spmem:s8] =	stream.linear.scatter [tilespmem:s30], [sflag:$0x3], $0x4000, $0x38;
	[tilespmem:$0x1E800] =	vst v63  }
0xb7: {  	_ =	swait.ge [sflag:s31], $0x4000  }
0xb8: {  	[sflag:s31] =	ssyncset.done $0x0  }
0xb9: {  	[sflag:s31] =	ssyncadd.s32 $0xFFFFC000  }
0xba: {  	[spmem:s9] =	stream.linear.scatter [tilespmem:s30], [sflag:$0x3], $0x4000, $0x38;
	[tilespmem:$0x1E800] =	vst v63  }
0xbb: {  	_ =	swait.ge [sflag:s31], $0x4000  }
0xbc: {  	[sflag:s31] =	ssyncset.done $0x0  }
0xbd: {  	[sflag:s31] =	ssyncadd.s32 $0xFFFFC000  }
0xbe: {  	[spmem:s26] =	stream.linear.scatter [tilespmem:s30], [sflag:$0x3], $0x4000, $0x38;
	[tilespmem:$0x1E800] =	vst v63  }
0xbf: {  	_ =	swait.ge [sflag:s31], $0x4000  }
0xc0: {  	[sflag:s31] =	ssyncset.done $0x0  }
0xc1: {  	[sflag:s31] =	ssyncadd.s32 $0xFFFFC000  }
0xc2: {  	[spmem:s28] =	stream.linear.scatter [tilespmem:s30], [sflag:$0x3], $0x4000, $0x38;
	[tilespmem:$0x1E800] =	vst v63  }
0xc3: {  	_ =	swait.ge [sflag:s31], $0x4000  }
0xc4: {  	[sflag:s31] =	ssyncset.done $0x0  }
0xc5: {  	[sflag:s31] =	ssyncadd.s32 $0xFFFFC000  }
0xc6: {  	[spmem:s29] =	stream.linear.scatter [tilespmem:s30], [sflag:$0x3], $0x4000, $0x38;
	[tilespmem:$0x1E800] =	vst v63  }
0xc7: {  	_ =	swait.ge [sflag:s31], $0x4000  }
0xc8: {  	[sflag:s31] =	ssyncset.done $0x0  }
0xc9: {  	[sflag:s31] =	ssyncadd.s32 $0xFFFFC000  }
0xca: {  	[bflag:$0x0] =	sbarrier.arrive $0xFFFF  }
0xcb: {  	s21 =	rddreg [dreg:$0x9]  }
0xcc: {  	[tilespmem:s0], [sflag:$0x3] =	stream.linear.gather [hbm4b:s21+s20], $0x1400, $0x38;
	[tilespmem:$0x1E800] =	vst v63  }
0xcd: {  	_ =	swait.ge [sflag:s31], $0x1400  }
0xce: {  	[sflag:s31] =	ssyncset.done $0x0  }
0xcf: {  	s22 =	rddreg [dreg:$0xa];
	[sflag:s31] =	ssyncadd.s32 $0xFFFFEC00  }
0xd0: {  	[tilespmem:s2], [sflag:$0x3] =	stream.linear.gather [hbm4b:s22+s20], $0x1400, $0x38;
	[tilespmem:$0x1E800] =	vst v63  }
0xd1: {  	_ =	swait.ge [sflag:s31], $0x1400  }
0xd2: {  	[sflag:s31] =	ssyncset.done $0x0  }
0xd3: {  	[sflag:s31] =	ssyncadd.s32 $0xFFFFEC00  }
0xd4: {  	[tilespmem:s30], [sflag:$0x1] =	stream.indirect.gather [hbm4b:s5+s10], $0x80, s0, s10, $0xb8;
	[tilespmem:$0x1E800] =	vst v63  }
0xd5: {  	_ = 	snop  }
0xd6: {  	[tilespmem:s12], [sflag:$0x2] =	stream.indirect.gather [hbm4b:s5+s10], $0x80, s11, s10, $0xb8;
	[tilespmem:$0x1E800] =	vst v63  }
0xd7: {  	_ =	swait.ge [sflag:s13], $0x4000  }
0xd8: {  	[sflag:s13] =	ssyncset.done $0x0  }
0xd9: {  	s22 =	simm.s32 $0x1D400;
	[sflag:s13] =	ssyncadd.s32 $0xFFFFC000  }
0xda: {  	[spmem:s1] =	stream.indirect.scatter.add.f32 [tilespmem:s30], [sflag:$0x3], $0x80, s22, s10, $0xb8;
	[tilespmem:$0x1E800] =	vst v63  }
0xdb: {  	_ =	swait.ge [sflag:s31], $0x4000  }
0xdc: {  	[sflag:s31] =	ssyncset.done $0x0  }
0xdd: {  	s21 =	simm.s32 $0x1C100;
	[sflag:s31] =	ssyncadd.s32 $0xFFFFC000  }
0xde: {  	[tilespmem:s30], [sflag:$0x1] =	stream.indirect.gather [hbm4b:s5+s10], $0x80, s21, s10, $0xb8;
	[tilespmem:$0x1E800] =	vst v63  }
0xdf: {  	_ =	swait.ge [sflag:s14], $0x4000  }
0xe0: {  	[sflag:s14] =	ssyncset.done $0x0  }
0xe1: {  	s22 =	simm.s32 $0x1D480;
	[sflag:s14] =	ssyncadd.s32 $0xFFFFC000  }
0xe2: {  	[spmem:s1] =	stream.indirect.scatter.add.f32 [tilespmem:s12], [sflag:$0x3], $0x80, s22, s10, $0xb8;
	[tilespmem:$0x1E800] =	vst v63  }
0xe3: {  	_ =	swait.ge [sflag:s31], $0x4000  }
0xe4: {  	[sflag:s31] =	ssyncset.done $0x0  }
0xe5: {  	s20 =	simm.s32 $0x400;
	s21 =	simm.s32 $0x1C180;
	[sflag:s31] =	ssyncadd.s32 $0xFFFFC000  }
.LBB2_6:
0xe6: {  	[tilespmem:s12], [sflag:$0x2] =	stream.indirect.gather [hbm4b:s5+s10], $0x80, s21, s10, $0xb8;
	[tilespmem:$0x1E800] =	vst v63  }
0xe7: {  	s21 =	smov.u32 s20  }
0xe8: {  	p0 =	sne.s32 s20, $0x4800;
	s20 =	sadd.s32 $0x400, s20;
	_ =	swait.ge [sflag:s13], $0x4000  }
0xe9: {  	s21 =	sshra.s32 s21, $0x2;
	[sflag:s13] =	ssyncset.done $0x0  }
0xea: {  	s22 =	sadd.s32 $0x1D400, s21;
	[sflag:s13] =	ssyncadd.s32 $0xFFFFC000  }
0xeb: {  	[spmem:s1] =	stream.indirect.scatter.add.f32 [tilespmem:s30], [sflag:$0x3], $0x80, s22, s10, $0xb8;
	[tilespmem:$0x1E800] =	vst v63  }
0xec: {  	_ =	swait.ge [sflag:s31], $0x4000  }
0xed: {  	[sflag:s31] =	ssyncset.done $0x0  }
0xee: {  	s22 =	sadd.s32 $0x1C100, s21;
	[sflag:s31] =	ssyncadd.s32 $0xFFFFC000  }
0xef: {  	[tilespmem:s30], [sflag:$0x1] =	stream.indirect.gather [hbm4b:s5+s10], $0x80, s22, s10, $0xb8;
	[tilespmem:$0x1E800] =	vst v63  }
0xf0: {  	_ =	swait.ge [sflag:s14], $0x4000  }
0xf1: {  	[sflag:s14] =	ssyncset.done $0x0  }
.Ltmp2:
0xf2: {  	s22 =	sadd.s32 $0x1D480, s21;
	[sflag:s14] =	ssyncadd.s32 $0xFFFFC000;
	(pc) =	sbr.rel @p0 .LBB2_6-.Ltmp2, $4  }
0xf3: {  	[spmem:s1] =	stream.indirect.scatter.add.f32 [tilespmem:s12], [sflag:$0x3], $0x80, s22, s10, $0xb8;
	[tilespmem:$0x1E800] =	vst v63  }
0xf4: {  	_ =	swait.ge [sflag:s31], $0x4000  }
0xf5: {  	[sflag:s31] =	ssyncset.done $0x0  }
0xf6: {  	s21 =	sadd.s32 $0x1C180, s21;
	[sflag:s31] =	ssyncadd.s32 $0xFFFFC000  }
0xf7: {  	[tilespmem:s12], [sflag:$0x2] =	stream.indirect.gather [hbm4b:s5+s10], $0x80, s21, s10, $0xb8;
	[tilespmem:$0x1E800] =	vst v63  }
0xf8: {  	_ =	swait.ge [sflag:s13], $0x4000  }
0xf9: {  	[sflag:s13] =	ssyncset.done $0x0  }
0xfa: {  	[sflag:s13] =	ssyncadd.s32 $0xFFFFC000  }
0xfb: {  	[spmem:s1] =	stream.indirect.scatter.add.f32 [tilespmem:s30], [sflag:$0x3], $0x80, s15, s10, $0xb8;
	[tilespmem:$0x1E800] =	vst v63  }
0xfc: {  	_ =	swait.ge [sflag:s31], $0x4000  }
0xfd: {  	[sflag:s31] =	ssyncset.done $0x0  }
0xfe: {  	[sflag:s31] =	ssyncadd.s32 $0xFFFFC000  }
0xff: {  	_ =	swait.ge [sflag:s14], $0x4000  }
0x100: {  	[sflag:s14] =	ssyncset.done $0x0  }
0x101: {  	[sflag:s14] =	ssyncadd.s32 $0xFFFFC000  }
0x102: {  	[spmem:s1] =	stream.indirect.scatter.add.f32 [tilespmem:s12], [sflag:$0x3], $0x80, s16, s10, $0xb8;
	[tilespmem:$0x1E800] =	vst v63  }
0x103: {  	_ =	swait.ge [sflag:s31], $0x4000  }
0x104: {  	[sflag:s31] =	ssyncset.done $0x0  }
0x105: {  	s20 =	simm.s32 $0x0;
	s22 =	rddreg [dreg:$0xb];
	[sflag:s31] =	ssyncadd.s32 $0xFFFFC000  }
0x106: {  	[tilespmem:s0], [sflag:$0x3] =	stream.linear.gather [hbm4b:s22+s20], $0x1400, $0x38;
	[tilespmem:$0x1E800] =	vst v63  }
0x107: {  	_ =	swait.ge [sflag:s31], $0x1400  }
0x108: {  	[sflag:s31] =	ssyncset.done $0x0  }
0x109: {  	s22 =	rddreg [dreg:$0xc];
	[sflag:s31] =	ssyncadd.s32 $0xFFFFEC00  }
0x10a: {  	[tilespmem:s2], [sflag:$0x3] =	stream.linear.gather [hbm4b:s22+s20], $0x1400, $0x38;
	[tilespmem:$0x1E800] =	vst v63  }
0x10b: {  	_ =	swait.ge [sflag:s31], $0x1400  }
0x10c: {  	[sflag:s31] =	ssyncset.done $0x0  }
0x10d: {  	[sflag:s31] =	ssyncadd.s32 $0xFFFFEC00  }
0x10e: {  	[tilespmem:s30], [sflag:$0x1] =	stream.indirect.gather [hbm4b:s5+s10], $0x80, s0, s10, $0xb8;
	[tilespmem:$0x1E800] =	vst v63  }
0x10f: {  	_ = 	snop  }
0x110: {  	[tilespmem:s12], [sflag:$0x2] =	stream.indirect.gather [hbm4b:s5+s10], $0x80, s11, s10, $0xb8;
	[tilespmem:$0x1E800] =	vst v63  }
0x111: {  	_ =	swait.ge [sflag:s13], $0x4000  }
0x112: {  	[sflag:s13] =	ssyncset.done $0x0  }
0x113: {  	s22 =	simm.s32 $0x1D400;
	[sflag:s13] =	ssyncadd.s32 $0xFFFFC000  }
0x114: {  	[spmem:s1] =	stream.indirect.scatter.add.f32 [tilespmem:s30], [sflag:$0x3], $0x80, s22, s10, $0xb8;
	[tilespmem:$0x1E800] =	vst v63  }
0x115: {  	_ =	swait.ge [sflag:s31], $0x4000  }
0x116: {  	[sflag:s31] =	ssyncset.done $0x0  }
0x117: {  	s21 =	simm.s32 $0x1C100;
	[sflag:s31] =	ssyncadd.s32 $0xFFFFC000  }
0x118: {  	[tilespmem:s30], [sflag:$0x1] =	stream.indirect.gather [hbm4b:s5+s10], $0x80, s21, s10, $0xb8;
	[tilespmem:$0x1E800] =	vst v63  }
0x119: {  	_ =	swait.ge [sflag:s14], $0x4000  }
0x11a: {  	[sflag:s14] =	ssyncset.done $0x0  }
0x11b: {  	s22 =	simm.s32 $0x1D480;
	[sflag:s14] =	ssyncadd.s32 $0xFFFFC000  }
0x11c: {  	[spmem:s1] =	stream.indirect.scatter.add.f32 [tilespmem:s12], [sflag:$0x3], $0x80, s22, s10, $0xb8;
	[tilespmem:$0x1E800] =	vst v63  }
0x11d: {  	_ =	swait.ge [sflag:s31], $0x4000  }
0x11e: {  	[sflag:s31] =	ssyncset.done $0x0  }
0x11f: {  	s20 =	simm.s32 $0x400;
	s21 =	simm.s32 $0x1C180;
	[sflag:s31] =	ssyncadd.s32 $0xFFFFC000  }
.LBB2_8:
0x120: {  	[tilespmem:s12], [sflag:$0x2] =	stream.indirect.gather [hbm4b:s5+s10], $0x80, s21, s10, $0xb8;
	[tilespmem:$0x1E800] =	vst v63  }
0x121: {  	s21 =	smov.u32 s20  }
0x122: {  	p0 =	sne.s32 s20, $0x4800;
	s20 =	sadd.s32 $0x400, s20;
	_ =	swait.ge [sflag:s13], $0x4000  }
0x123: {  	s21 =	sshra.s32 s21, $0x2;
	[sflag:s13] =	ssyncset.done $0x0  }
0x124: {  	s22 =	sadd.s32 $0x1D400, s21;
	[sflag:s13] =	ssyncadd.s32 $0xFFFFC000  }
0x125: {  	[spmem:s1] =	stream.indirect.scatter.add.f32 [tilespmem:s30], [sflag:$0x3], $0x80, s22, s10, $0xb8;
	[tilespmem:$0x1E800] =	vst v63  }
0x126: {  	_ =	swait.ge [sflag:s31], $0x4000  }
0x127: {  	[sflag:s31] =	ssyncset.done $0x0  }
0x128: {  	s22 =	sadd.s32 $0x1C100, s21;
	[sflag:s31] =	ssyncadd.s32 $0xFFFFC000  }
0x129: {  	[tilespmem:s30], [sflag:$0x1] =	stream.indirect.gather [hbm4b:s5+s10], $0x80, s22, s10, $0xb8;
	[tilespmem:$0x1E800] =	vst v63  }
0x12a: {  	_ =	swait.ge [sflag:s14], $0x4000  }
0x12b: {  	[sflag:s14] =	ssyncset.done $0x0  }
.Ltmp3:
0x12c: {  	s22 =	sadd.s32 $0x1D480, s21;
	[sflag:s14] =	ssyncadd.s32 $0xFFFFC000;
	(pc) =	sbr.rel @p0 .LBB2_8-.Ltmp3, $4  }
0x12d: {  	[spmem:s1] =	stream.indirect.scatter.add.f32 [tilespmem:s12], [sflag:$0x3], $0x80, s22, s10, $0xb8;
	[tilespmem:$0x1E800] =	vst v63  }
0x12e: {  	_ =	swait.ge [sflag:s31], $0x4000  }
0x12f: {  	[sflag:s31] =	ssyncset.done $0x0  }
0x130: {  	s21 =	sadd.s32 $0x1C180, s21;
	[sflag:s31] =	ssyncadd.s32 $0xFFFFC000  }
0x131: {  	[tilespmem:s12], [sflag:$0x2] =	stream.indirect.gather [hbm4b:s5+s10], $0x80, s21, s10, $0xb8;
	[tilespmem:$0x1E800] =	vst v63  }
0x132: {  	_ =	swait.ge [sflag:s13], $0x4000  }
0x133: {  	[sflag:s13] =	ssyncset.done $0x0  }
0x134: {  	[sflag:s13] =	ssyncadd.s32 $0xFFFFC000  }
0x135: {  	[spmem:s1] =	stream.indirect.scatter.add.f32 [tilespmem:s30], [sflag:$0x3], $0x80, s15, s10, $0xb8;
	[tilespmem:$0x1E800] =	vst v63  }
0x136: {  	_ =	swait.ge [sflag:s31], $0x4000  }
0x137: {  	[sflag:s31] =	ssyncset.done $0x0  }
0x138: {  	[sflag:s31] =	ssyncadd.s32 $0xFFFFC000  }
0x139: {  	_ =	swait.ge [sflag:s14], $0x4000  }
0x13a: {  	[sflag:s14] =	ssyncset.done $0x0  }
0x13b: {  	[sflag:s14] =	ssyncadd.s32 $0xFFFFC000  }
0x13c: {  	[spmem:s1] =	stream.indirect.scatter.add.f32 [tilespmem:s12], [sflag:$0x3], $0x80, s16, s10, $0xb8;
	[tilespmem:$0x1E800] =	vst v63  }
0x13d: {  	_ =	swait.ge [sflag:s31], $0x4000  }
0x13e: {  	[sflag:s31] =	ssyncset.done $0x0  }
0x13f: {  	[sflag:s31] =	ssyncadd.s32 $0xFFFFC000  }
0x140: {  	[bflag:$0x0] =	sbarrier.arrive $0xFFFF  }
0x141: {  	[hbm:s23], [sflag:s18] =	dma.local [spmem:s19], $0x2800  }
0x142: {  	_ =	swait.ge [sflag:s31], $0x2800  }
0x143: {  	[sflag:s31] =	ssyncset.done $0x0  }
0x144: {  	[sflag:s31] =	ssyncadd.s32 $0xFFFFD800  }
0x145: {  	s20 =	simm.s32 $0x0;
	[bflag:$0x0] =	sbarrier.arrive $0xFFFF  }
0x146: {  	[tilespmem:s30], [sflag:$0x3] =	stream.linear.gather [hbm4b:s7+s20], $0x4000, $0x38;
	[tilespmem:$0x1E800] =	vst v63  }
0x147: {  	_ =	swait.ge [sflag:s31], $0x4000  }
0x148: {  	[sflag:s31] =	ssyncset.done $0x0  }
0x149: {  	[sflag:s31] =	ssyncadd.s32 $0xFFFFC000  }
0x14a: {  	[spmem:s8] =	stream.linear.scatter [tilespmem:s30], [sflag:$0x3], $0x4000, $0x38;
	[tilespmem:$0x1E800] =	vst v63  }
0x14b: {  	_ =	swait.ge [sflag:s31], $0x4000  }
0x14c: {  	[sflag:s31] =	ssyncset.done $0x0  }
0x14d: {  	[sflag:s31] =	ssyncadd.s32 $0xFFFFC000  }
0x14e: {  	[spmem:s9] =	stream.linear.scatter [tilespmem:s30], [sflag:$0x3], $0x4000, $0x38;
	[tilespmem:$0x1E800] =	vst v63  }
0x14f: {  	_ =	swait.ge [sflag:s31], $0x4000  }
0x150: {  	[sflag:s31] =	ssyncset.done $0x0  }
0x151: {  	[sflag:s31] =	ssyncadd.s32 $0xFFFFC000  }
0x152: {  	[spmem:s26] =	stream.linear.scatter [tilespmem:s30], [sflag:$0x3], $0x4000, $0x38;
	[tilespmem:$0x1E800] =	vst v63  }
0x153: {  	_ =	swait.ge [sflag:s31], $0x4000  }
0x154: {  	[sflag:s31] =	ssyncset.done $0x0  }
0x155: {  	[sflag:s31] =	ssyncadd.s32 $0xFFFFC000  }
0x156: {  	[spmem:s28] =	stream.linear.scatter [tilespmem:s30], [sflag:$0x3], $0x4000, $0x38;
	[tilespmem:$0x1E800] =	vst v63  }
0x157: {  	_ =	swait.ge [sflag:s31], $0x4000  }
0x158: {  	[sflag:s31] =	ssyncset.done $0x0  }
0x159: {  	[sflag:s31] =	ssyncadd.s32 $0xFFFFC000  }
0x15a: {  	[spmem:s29] =	stream.linear.scatter [tilespmem:s30], [sflag:$0x3], $0x4000, $0x38;
	[tilespmem:$0x1E800] =	vst v63  }
0x15b: {  	_ =	swait.ge [sflag:s31], $0x4000  }
0x15c: {  	[sflag:s31] =	ssyncset.done $0x0  }
0x15d: {  	[sflag:s31] =	ssyncadd.s32 $0xFFFFC000  }
0x15e: {  	[bflag:$0x0] =	sbarrier.arrive $0xFFFF  }
0x15f: {  	s22 =	rddreg [dreg:$0xd]  }
0x160: {  	[tilespmem:s0], [sflag:$0x3] =	stream.linear.gather [hbm4b:s22+s20], $0x1400, $0x38;
	[tilespmem:$0x1E800] =	vst v63  }
0x161: {  	_ =	swait.ge [sflag:s31], $0x1400  }
0x162: {  	[sflag:s31] =	ssyncset.done $0x0  }
0x163: {  	s22 =	rddreg [dreg:$0xe];
	[sflag:s31] =	ssyncadd.s32 $0xFFFFEC00  }
0x164: {  	[tilespmem:s2], [sflag:$0x3] =	stream.linear.gather [hbm4b:s22+s20], $0x1400, $0x38;
	[tilespmem:$0x1E800] =	vst v63  }
0x165: {  	_ =	swait.ge [sflag:s31], $0x1400  }
0x166: {  	[sflag:s31] =	ssyncset.done $0x0  }
0x167: {  	[sflag:s31] =	ssyncadd.s32 $0xFFFFEC00  }
0x168: {  	[tilespmem:s30], [sflag:$0x1] =	stream.indirect.gather [hbm4b:s6+s10], $0x80, s0, s10, $0xb8;
	[tilespmem:$0x1E800] =	vst v63  }
0x169: {  	_ = 	snop  }
0x16a: {  	[tilespmem:s12], [sflag:$0x2] =	stream.indirect.gather [hbm4b:s6+s10], $0x80, s11, s10, $0xb8;
	[tilespmem:$0x1E800] =	vst v63  }
0x16b: {  	_ =	swait.ge [sflag:s13], $0x4000  }
0x16c: {  	[sflag:s13] =	ssyncset.done $0x0  }
0x16d: {  	s22 =	simm.s32 $0x1D400;
	[sflag:s13] =	ssyncadd.s32 $0xFFFFC000  }
0x16e: {  	[spmem:s1] =	stream.indirect.scatter.add.f32 [tilespmem:s30], [sflag:$0x3], $0x80, s22, s10, $0xb8;
	[tilespmem:$0x1E800] =	vst v63  }
0x16f: {  	_ =	swait.ge [sflag:s31], $0x4000  }
0x170: {  	[sflag:s31] =	ssyncset.done $0x0  }
0x171: {  	s21 =	simm.s32 $0x1C100;
	[sflag:s31] =	ssyncadd.s32 $0xFFFFC000  }
0x172: {  	[tilespmem:s30], [sflag:$0x1] =	stream.indirect.gather [hbm4b:s6+s10], $0x80, s21, s10, $0xb8;
	[tilespmem:$0x1E800] =	vst v63  }
0x173: {  	_ =	swait.ge [sflag:s14], $0x4000  }
0x174: {  	[sflag:s14] =	ssyncset.done $0x0  }
0x175: {  	s22 =	simm.s32 $0x1D480;
	[sflag:s14] =	ssyncadd.s32 $0xFFFFC000  }
0x176: {  	[spmem:s1] =	stream.indirect.scatter.add.f32 [tilespmem:s12], [sflag:$0x3], $0x80, s22, s10, $0xb8;
	[tilespmem:$0x1E800] =	vst v63  }
0x177: {  	_ =	swait.ge [sflag:s31], $0x4000  }
0x178: {  	[sflag:s31] =	ssyncset.done $0x0  }
0x179: {  	s20 =	simm.s32 $0x400;
	s21 =	simm.s32 $0x1C180;
	[sflag:s31] =	ssyncadd.s32 $0xFFFFC000  }
.LBB2_10:
0x17a: {  	[tilespmem:s12], [sflag:$0x2] =	stream.indirect.gather [hbm4b:s6+s10], $0x80, s21, s10, $0xb8;
	[tilespmem:$0x1E800] =	vst v63  }
0x17b: {  	s21 =	smov.u32 s20  }
0x17c: {  	p0 =	sne.s32 s20, $0x4800;
	s20 =	sadd.s32 $0x400, s20;
	_ =	swait.ge [sflag:s13], $0x4000  }
0x17d: {  	s21 =	sshra.s32 s21, $0x2;
	[sflag:s13] =	ssyncset.done $0x0  }
0x17e: {  	s22 =	sadd.s32 $0x1D400, s21;
	[sflag:s13] =	ssyncadd.s32 $0xFFFFC000  }
0x17f: {  	[spmem:s1] =	stream.indirect.scatter.add.f32 [tilespmem:s30], [sflag:$0x3], $0x80, s22, s10, $0xb8;
	[tilespmem:$0x1E800] =	vst v63  }
0x180: {  	_ =	swait.ge [sflag:s31], $0x4000  }
0x181: {  	[sflag:s31] =	ssyncset.done $0x0  }
0x182: {  	s22 =	sadd.s32 $0x1C100, s21;
	[sflag:s31] =	ssyncadd.s32 $0xFFFFC000  }
0x183: {  	[tilespmem:s30], [sflag:$0x1] =	stream.indirect.gather [hbm4b:s6+s10], $0x80, s22, s10, $0xb8;
	[tilespmem:$0x1E800] =	vst v63  }
0x184: {  	_ =	swait.ge [sflag:s14], $0x4000  }
0x185: {  	[sflag:s14] =	ssyncset.done $0x0  }
.Ltmp4:
0x186: {  	s22 =	sadd.s32 $0x1D480, s21;
	[sflag:s14] =	ssyncadd.s32 $0xFFFFC000;
	(pc) =	sbr.rel @p0 .LBB2_10-.Ltmp4, $4  }
0x187: {  	[spmem:s1] =	stream.indirect.scatter.add.f32 [tilespmem:s12], [sflag:$0x3], $0x80, s22, s10, $0xb8;
	[tilespmem:$0x1E800] =	vst v63  }
0x188: {  	_ =	swait.ge [sflag:s31], $0x4000  }
0x189: {  	[sflag:s31] =	ssyncset.done $0x0  }
0x18a: {  	s21 =	sadd.s32 $0x1C180, s21;
	[sflag:s31] =	ssyncadd.s32 $0xFFFFC000  }
0x18b: {  	[tilespmem:s12], [sflag:$0x2] =	stream.indirect.gather [hbm4b:s6+s10], $0x80, s21, s10, $0xb8;
	[tilespmem:$0x1E800] =	vst v63  }
0x18c: {  	_ =	swait.ge [sflag:s13], $0x4000  }
0x18d: {  	[sflag:s13] =	ssyncset.done $0x0  }
0x18e: {  	[sflag:s13] =	ssyncadd.s32 $0xFFFFC000  }
0x18f: {  	[spmem:s1] =	stream.indirect.scatter.add.f32 [tilespmem:s30], [sflag:$0x3], $0x80, s15, s10, $0xb8;
	[tilespmem:$0x1E800] =	vst v63  }
0x190: {  	_ =	swait.ge [sflag:s31], $0x4000  }
0x191: {  	[sflag:s31] =	ssyncset.done $0x0  }
0x192: {  	[sflag:s31] =	ssyncadd.s32 $0xFFFFC000  }
0x193: {  	_ =	swait.ge [sflag:s14], $0x4000  }
0x194: {  	[sflag:s14] =	ssyncset.done $0x0  }
0x195: {  	[sflag:s14] =	ssyncadd.s32 $0xFFFFC000  }
0x196: {  	[spmem:s1] =	stream.indirect.scatter.add.f32 [tilespmem:s12], [sflag:$0x3], $0x80, s16, s10, $0xb8;
	[tilespmem:$0x1E800] =	vst v63  }
0x197: {  	_ =	swait.ge [sflag:s31], $0x4000  }
0x198: {  	[sflag:s31] =	ssyncset.done $0x0  }
0x199: {  	s20 =	simm.s32 $0x0;
	s22 =	rddreg [dreg:$0xf];
	[sflag:s31] =	ssyncadd.s32 $0xFFFFC000  }
0x19a: {  	[tilespmem:s0], [sflag:$0x3] =	stream.linear.gather [hbm4b:s22+s20], $0x1400, $0x38;
	[tilespmem:$0x1E800] =	vst v63  }
0x19b: {  	_ =	swait.ge [sflag:s31], $0x1400  }
0x19c: {  	[sflag:s31] =	ssyncset.done $0x0  }
0x19d: {  	s22 =	rddreg [dreg:$0x10];
	[sflag:s31] =	ssyncadd.s32 $0xFFFFEC00  }
0x19e: {  	[tilespmem:s2], [sflag:$0x3] =	stream.linear.gather [hbm4b:s22+s20], $0x1400, $0x38;
	[tilespmem:$0x1E800] =	vst v63  }
0x19f: {  	_ =	swait.ge [sflag:s31], $0x1400  }
0x1a0: {  	[sflag:s31] =	ssyncset.done $0x0  }
0x1a1: {  	[sflag:s31] =	ssyncadd.s32 $0xFFFFEC00  }
0x1a2: {  	[tilespmem:s30], [sflag:$0x1] =	stream.indirect.gather [hbm4b:s6+s10], $0x80, s0, s10, $0xb8;
	[tilespmem:$0x1E800] =	vst v63  }
0x1a3: {  	_ = 	snop  }
0x1a4: {  	[tilespmem:s12], [sflag:$0x2] =	stream.indirect.gather [hbm4b:s6+s10], $0x80, s11, s10, $0xb8;
	[tilespmem:$0x1E800] =	vst v63  }
0x1a5: {  	_ =	swait.ge [sflag:s13], $0x4000  }
0x1a6: {  	[sflag:s13] =	ssyncset.done $0x0  }
0x1a7: {  	s22 =	simm.s32 $0x1D400;
	[sflag:s13] =	ssyncadd.s32 $0xFFFFC000  }
0x1a8: {  	[spmem:s1] =	stream.indirect.scatter.add.f32 [tilespmem:s30], [sflag:$0x3], $0x80, s22, s10, $0xb8;
	[tilespmem:$0x1E800] =	vst v63  }
0x1a9: {  	_ =	swait.ge [sflag:s31], $0x4000  }
0x1aa: {  	[sflag:s31] =	ssyncset.done $0x0  }
0x1ab: {  	s21 =	simm.s32 $0x1C100;
	[sflag:s31] =	ssyncadd.s32 $0xFFFFC000  }
0x1ac: {  	[tilespmem:s30], [sflag:$0x1] =	stream.indirect.gather [hbm4b:s6+s10], $0x80, s21, s10, $0xb8;
	[tilespmem:$0x1E800] =	vst v63  }
0x1ad: {  	_ =	swait.ge [sflag:s14], $0x4000  }
0x1ae: {  	[sflag:s14] =	ssyncset.done $0x0  }
0x1af: {  	s22 =	simm.s32 $0x1D480;
	[sflag:s14] =	ssyncadd.s32 $0xFFFFC000  }
0x1b0: {  	[spmem:s1] =	stream.indirect.scatter.add.f32 [tilespmem:s12], [sflag:$0x3], $0x80, s22, s10, $0xb8;
	[tilespmem:$0x1E800] =	vst v63  }
0x1b1: {  	_ =	swait.ge [sflag:s31], $0x4000  }
0x1b2: {  	[sflag:s31] =	ssyncset.done $0x0  }
0x1b3: {  	s20 =	simm.s32 $0x400;
	s21 =	simm.s32 $0x1C180;
	[sflag:s31] =	ssyncadd.s32 $0xFFFFC000  }
.LBB2_12:
0x1b4: {  	[tilespmem:s12], [sflag:$0x2] =	stream.indirect.gather [hbm4b:s6+s10], $0x80, s21, s10, $0xb8;
	[tilespmem:$0x1E800] =	vst v63  }
0x1b5: {  	s21 =	smov.u32 s20  }
0x1b6: {  	p0 =	sne.s32 s20, $0x4800;
	s20 =	sadd.s32 $0x400, s20;
	_ =	swait.ge [sflag:s13], $0x4000  }
0x1b7: {  	s21 =	sshra.s32 s21, $0x2;
	[sflag:s13] =	ssyncset.done $0x0  }
0x1b8: {  	s22 =	sadd.s32 $0x1D400, s21;
	[sflag:s13] =	ssyncadd.s32 $0xFFFFC000  }
0x1b9: {  	[spmem:s1] =	stream.indirect.scatter.add.f32 [tilespmem:s30], [sflag:$0x3], $0x80, s22, s10, $0xb8;
	[tilespmem:$0x1E800] =	vst v63  }
0x1ba: {  	_ =	swait.ge [sflag:s31], $0x4000  }
0x1bb: {  	[sflag:s31] =	ssyncset.done $0x0  }
0x1bc: {  	s22 =	sadd.s32 $0x1C100, s21;
	[sflag:s31] =	ssyncadd.s32 $0xFFFFC000  }
0x1bd: {  	[tilespmem:s30], [sflag:$0x1] =	stream.indirect.gather [hbm4b:s6+s10], $0x80, s22, s10, $0xb8;
	[tilespmem:$0x1E800] =	vst v63  }
0x1be: {  	_ =	swait.ge [sflag:s14], $0x4000  }
0x1bf: {  	[sflag:s14] =	ssyncset.done $0x0  }
.Ltmp5:
0x1c0: {  	s22 =	sadd.s32 $0x1D480, s21;
	[sflag:s14] =	ssyncadd.s32 $0xFFFFC000;
	(pc) =	sbr.rel @p0 .LBB2_12-.Ltmp5, $4  }
0x1c1: {  	[spmem:s1] =	stream.indirect.scatter.add.f32 [tilespmem:s12], [sflag:$0x3], $0x80, s22, s10, $0xb8;
	[tilespmem:$0x1E800] =	vst v63  }
0x1c2: {  	_ =	swait.ge [sflag:s31], $0x4000  }
0x1c3: {  	[sflag:s31] =	ssyncset.done $0x0  }
0x1c4: {  	s21 =	sadd.s32 $0x1C180, s21;
	[sflag:s31] =	ssyncadd.s32 $0xFFFFC000  }
0x1c5: {  	[tilespmem:s12], [sflag:$0x2] =	stream.indirect.gather [hbm4b:s6+s10], $0x80, s21, s10, $0xb8;
	[tilespmem:$0x1E800] =	vst v63  }
0x1c6: {  	_ =	swait.ge [sflag:s13], $0x4000  }
0x1c7: {  	[sflag:s13] =	ssyncset.done $0x0  }
0x1c8: {  	[sflag:s13] =	ssyncadd.s32 $0xFFFFC000  }
0x1c9: {  	[spmem:s1] =	stream.indirect.scatter.add.f32 [tilespmem:s30], [sflag:$0x3], $0x80, s15, s10, $0xb8;
	[tilespmem:$0x1E800] =	vst v63  }
0x1ca: {  	_ =	swait.ge [sflag:s31], $0x4000  }
0x1cb: {  	[sflag:s31] =	ssyncset.done $0x0  }
0x1cc: {  	[sflag:s31] =	ssyncadd.s32 $0xFFFFC000  }
0x1cd: {  	_ =	swait.ge [sflag:s14], $0x4000  }
0x1ce: {  	[sflag:s14] =	ssyncset.done $0x0  }
0x1cf: {  	[sflag:s14] =	ssyncadd.s32 $0xFFFFC000  }
0x1d0: {  	[spmem:s1] =	stream.indirect.scatter.add.f32 [tilespmem:s12], [sflag:$0x3], $0x80, s16, s10, $0xb8;
	[tilespmem:$0x1E800] =	vst v63  }
0x1d1: {  	_ =	swait.ge [sflag:s31], $0x4000  }
0x1d2: {  	[sflag:s31] =	ssyncset.done $0x0  }
0x1d3: {  	s17 =	sadd.s32 $0x1, s17;
	[sflag:s31] =	ssyncadd.s32 $0xFFFFC000  }
0x1d4: {  	p0 =	sne.s32 s17, s25;
	[bflag:$0x0] =	sbarrier.arrive $0xFFFF  }
0x1d5: {  	[hbm:s24], [sflag:s18] =	dma.local [spmem:s19], $0x2800  }
.Ltmp6:
0x1d6: {  	_ =	swait.ge [sflag:s31], $0x2800;
	(pc) =	sbr.rel @p0 .LBB2_1-.Ltmp6, $3  }
0x1d7: {  	[sflag:s31] =	ssyncset.done $0x0  }
0x1d8: {  	[sflag:s31] =	ssyncadd.s32 $0xFFFFD800  }
0x1d9: {  	[bflag:$0x0] =	sbarrier.arrive $0xFFFF;
	_ =	sdelay $0x1  }
0x1da: {  	_ =	sfence.sel $0x180000  }
0x1db: {  	[bflag:$0x0] =	sbarrier.arrive $0xFFFF  }
0x1dc: {  	_ =	strace $0x9000004D  }
0x1dd: {  	s0 =	stileid.u32;
	[bflag:$0x2] =	sbarrier.arrive $0xFFFF  }
0x1de: {  	p0 =	sne.s32 s0, $0x0;
	s0 =	rddreg [dreg:$0x3]  }
0x1df: {  	s0 =	sadd.s32 @!p0 $0x100000, s0  }
0x1e0: {  	[sflag:s0] =	ssyncadd.tile.s32 @!p0 $0x1;
	_ =	shalt  }
.Lfunc_end2:
_tile_overlayer_lowered:
.L_overlay_start_2:
0x1e1: {  	(tag) =	ssettag $0x2  }
0x1e2: {  	s0 =	rddreg [dreg:$0x0];
	s2 =	stileid.u32  }
0x1e3: {  	s1 =	rddreg [dreg:$0x1];
	p0 =	sne.s32 s2, $0x0  }
0x1e4: {  	s3 =	rddreg [dreg:$0x2];
	[bflag:$0x3] =	sbarrier.arrive $0xFFFF;
	s2 =	simm.s32 @!p0 $0x1C03  }
0x1e5: {  	[timem:s3], [sflag:s2] =	dma.local @!p0 [hbm:s0], s1  }
0x1e6: {  	s0 =	simm.s32 @!p0 $0x3  }
0x1e7: {  	_ =	swait.ge @!p0 [sflag:s0], s1  }
0x1e8: {  	s1 =	ssub.s32 @!p0 $0x0, s1;
	[sflag:s0] =	ssyncset.done @!p0 $0x0  }
0x1e9: {  	[sflag:s0] =	ssyncadd.s32 @!p0 s1  }
0x1ea: {  	[bflag:$0x3] =	sbarrier.arrive $0xFFFF  }
0x1eb: {  	_ =	shalt  }

// kernel: kernel.9.cloned.1.call-start
scs
__scs_entry_jumppad:
0x0: {  	(pc) =	sbr.rel $0x88, $3  }
0x1: {  	(tag) =	ssettag $0x0;
	lr =	simm.s32 $0x1  }
0x2: {  	[smem:$0x3F86] =	sst lr;
	_ =	strace $0xD0000000  }
0x3: {  	_ = 	snop  }
0x4: {  	_ = 	snop  }
0x5: {  	_ = 	snop  }
0x6: {  	_ = 	snop  }
0x7: {  	_ = 	snop  }
__scs_overlays_trampoline_lowered:
0x8: {  	[smem:$0x3F95] =	sst s0  }
0x9: {  	[smem:$0x3F96] =	sst s1  }
0xa: {  	[smem:$0x3F97] =	sst s2  }
0xb: {  	[smem:$0x3F98] =	sst s3  }
0xc: {  	[smem:$0x3F99] =	sst s4  }
0xd: {  	[smem:$0x3F9A] =	sst s5  }
0xe: {  	[smem:$0x3F9B] =	sst s6  }
0xf: {  	[smem:$0x3F9C] =	sst s7  }
0x10: {  	[smem:$0x3F9D] =	sst s8  }
0x11: {  	[smem:$0x3F9E] =	sst s9;
	s0 =	simm.s32 @!p0 $0x0  }
0x12: {  	s1 =	sld [smem:$0x3F84];
	s0 =	simm.s32 @p0 $0x1  }
0x13: {  	[smem:$0x3F9F] =	sst s0;
	s0 =	simm.s32 @!p1 $0x0  }
0x14: {  	s2 =	sld [smem:$0x3F83];
	s0 =	simm.s32 @p1 $0x1  }
0x15: {  	[smem:$0x3FA0] =	sst s0;
	s0 =	simm.s32 @!p2 $0x0  }
0x16: {  	s3 =	sld [smem:$0x3FDB];
	s0 =	simm.s32 @p2 $0x1  }
0x17: {  	s4 =	simm.s32 $0x1BF5;
	[smem:$0x3FA2] =	sst s0  }
0x18: {  	s0 =	sld [smem:$0x3F85];
	_ =	swait.ge [sflag:s4], $0x0  }
0x19: {  	s7 =	sld [smem:$0x3F86]  }
0x1a: {  	s8 =	sadd.s32 $0xFFFFE003, lr  }
0x1b: {  	s9 =	sadd.s32 $0xFFFFFEF7, lr;
	s5 =	simm.s32 $0xFFFFFFFF;
	p2 =	slt.u32 s8, $0xFFFFF086  }
0x1c: {  	p1 =	slt.u32 s9, $0xF7A;
	s5 =	simm.s32 @!p2 $0x0  }
0x1d: {  	s5 =	simm.s32 @p1 $0x1;
	p0 =	seq.s32 s7, s2  }
0x1e: {  	s7 =	smul.u32 @!p0 $0xF7A, s2;
	p2 =	seq.s32 @!p0 s5, $0x0  }
0x1f: {  	s9 =	smul.u32 $0xF7A, s1;
	s8 =	simm.s32 @!p0 $0x1BF5;
	p2 =	por !p2, p0  }
0x20: {  	[sflag:s8] =	ssyncset.s32 @!p0 $0xFFFFF086;
	s6 =	sadd.s32 @!p0 s3, s7;
	s7 =	simm.s32 @!p0 $0x108  }
0x21: {  	s3 =	sadd.s32 s3, s9;
	s6 =	sadd.s32 @!p0 $0x88, s6;
	s7 =	simm.s32 @p2 $0x1082  }
0x22: {  	[simem:s7], [sflag:s8] =	dma.local @!p0 [hbm:s6], $0xF7A  }
0x23: {  	s9 =	sor.u32 $0xD0000000, s2;
	s6 =	simm.s32 $0x108;
	_ =	swait.ge @!p0 [sflag:s8], $0x0  }
0x24: {  	s3 =	sadd.s32 $0x88, s3;
	s6 =	simm.s32 @!p1 $0x1082;
	[sflag:s4] =	ssyncset.s32 $0xFFFFF086  }
0x25: {  	[simem:s6], [sflag:s4] =	dma.local [hbm:s3], $0xF7A  }
0x26: {  	[smem:$0x3F86] =	sst s1;
	(tag) =	ssettag s2;
	_ =	strace s9  }
0x27: {  	s1 =	sld [smem:$0x3F96]  }
0x28: {  	s2 =	sld [smem:$0x3F97]  }
0x29: {  	s4 =	sld [smem:$0x3F99]  }
0x2a: {  	p0 =	seq.s32 s5, $0x0;
	s5 =	sld [smem:$0x3F9A]  }
0x2b: {  	s6 =	sld [smem:$0x3F9B]  }
0x2c: {  	s7 =	sld [smem:$0x3F9C]  }
0x2d: {  	s3 =	simm.s32 $0x108;
	s8 =	sld [smem:$0x3F9D]  }
0x2e: {  	s3 =	simm.s32 @!p0 $0x1082;
	s9 =	sld [smem:$0x3F9E]  }
0x2f: {  	lr =	sadd.s32 s0, s3;
	s0 =	sld [smem:$0x3F95]  }
0x30: {  	s3 =	sld [smem:$0x3F98]  }
0x31: {  	[smem:$0x3FA1] =	sst s10  }
0x32: {  	s10 =	sld [smem:$0x3F9F];
	_ =	sdelay $0x3  }
0x33: {  	p0 =	seq.s32 s10, $0x1;
	s10 =	sld [smem:$0x3FA1];
	_ =	sdelay $0x3  }
0x34: {  	[smem:$0x3FA1] =	sst s10  }
0x35: {  	s10 =	sld [smem:$0x3FA0];
	_ =	sdelay $0x3  }
0x36: {  	p1 =	seq.s32 s10, $0x1;
	s10 =	sld [smem:$0x3FA1];
	_ =	sdelay $0x3  }
0x37: {  	[smem:$0x3FA1] =	sst s10  }
0x38: {  	s10 =	sld [smem:$0x3FA2]  }
0x39: {  	_ = 	snop;
	(pc) =	sbr.ind lr, $3  }
0x3a: {  	_ = 	snop  }
0x3b: {  	_ = 	snop  }
0x3c: {  	p2 =	seq.s32 s10, $0x1;
	s10 =	sld [smem:$0x3FA1]  }
0x3d: {  	_ =	shalt  }
0x3e: {  	_ =	shalt  }
0x3f: {  	_ =	shalt  }
0x40: {  	_ =	shalt  }
0x41: {  	_ =	shalt  }
0x42: {  	_ =	shalt  }
0x43: {  	_ =	shalt  }
0x44: {  	_ =	shalt  }
0x45: {  	_ =	shalt  }
0x46: {  	_ =	shalt  }
0x47: {  	_ =	shalt  }
0x48: {  	_ =	shalt  }
0x49: {  	_ =	shalt  }
0x4a: {  	_ =	shalt  }
0x4b: {  	_ =	shalt  }
0x4c: {  	_ =	shalt  }
0x4d: {  	_ =	shalt  }
0x4e: {  	_ =	shalt  }
0x4f: {  	_ =	shalt  }
0x50: {  	_ =	shalt  }
0x51: {  	_ =	shalt  }
0x52: {  	_ =	shalt  }
0x53: {  	_ =	shalt  }
0x54: {  	_ =	shalt  }
0x55: {  	_ =	shalt  }
0x56: {  	_ =	shalt  }
0x57: {  	_ =	shalt  }
0x58: {  	_ =	shalt  }
0x59: {  	_ =	shalt  }
0x5a: {  	_ =	shalt  }
0x5b: {  	_ =	shalt  }
0x5c: {  	_ =	shalt  }
0x5d: {  	_ =	shalt  }
0x5e: {  	_ =	shalt  }
0x5f: {  	_ =	shalt  }
0x60: {  	_ =	shalt  }
0x61: {  	_ =	shalt  }
0x62: {  	_ =	shalt  }
0x63: {  	_ =	shalt  }
0x64: {  	_ =	shalt  }
0x65: {  	_ =	shalt  }
0x66: {  	_ =	shalt  }
0x67: {  	_ =	shalt  }
0x68: {  	_ =	shalt  }
0x69: {  	_ =	shalt  }
0x6a: {  	_ =	shalt  }
0x6b: {  	_ =	shalt  }
0x6c: {  	_ =	shalt  }
0x6d: {  	_ =	shalt  }
0x6e: {  	_ =	shalt  }
0x6f: {  	_ =	shalt  }
0x70: {  	_ =	shalt  }
0x71: {  	_ =	shalt  }
0x72: {  	_ =	shalt  }
0x73: {  	_ =	shalt  }
0x74: {  	_ =	shalt  }
0x75: {  	_ =	shalt  }
0x76: {  	_ =	shalt  }
0x77: {  	_ =	shalt  }
0x78: {  	_ =	shalt  }
0x79: {  	_ =	shalt  }
0x7a: {  	_ =	shalt  }
0x7b: {  	_ =	shalt  }
0x7c: {  	_ =	shalt  }
0x7d: {  	_ =	shalt  }
0x7e: {  	_ =	shalt  }
0x7f: {  	_ =	shalt  }
0x80: {  	_ =	shalt  }
0x81: {  	_ =	shalt  }
0x82: {  	_ =	shalt  }
0x83: {  	_ =	shalt  }
0x84: {  	_ =	shalt  }
0x85: {  	_ =	shalt  }
0x86: {  	_ =	shalt  }
0x87: {  	_ =	shalt  }
.Lfunc_end0:
.L_simem_size_0:
called_computation_lowered:
.L_overlay_start_0:
0x88: {  	s2 =	sld [smem:$0x3FD9]  }
0x89: {  	s3 =	sld [smem:$0x3FFE];
	_ =	sdelay $0x1  }
0x8a: {  	s1 =	srdreg.scid  }
0x8b: {  	s0 =	sand.u32 $0x1, s1  }
0x8c: {  	s17 =	sshll.u32 s0, $0xA;
	s2 =	sadd.s32 s3, s2  }
0x8d: {  	s2 =	sadd.s32 s2, s17  }
0x8e: {  	[smem:$0x3FAD] =	sst s2  }
0x8f: {  	_ = 	snop  }
0x90: {  	s2 =	sld [smem:$0x3FD0];
	(tm) =	ssettm $0x1  }
0x91: {  	s18 =	sld [smem:$0x3FFB];
	_ =	sdelay $0x3  }
0x92: {  	_ =	strace s18  }
0x93: {  	s3 =	sld [smem:$0x3FFC];
	_ =	sdelay $0x3  }
0x94: {  	_ =	strace s3  }
0x95: {  	s3 =	sld [smem:$0x3FFD];
	_ =	sdelay $0x3  }
0x96: {  	_ =	strace s3  }
0x97: {  	_ =	strace $0x8FFFFFFF  }
0x98: {  	s19 =	sld [smem:$0x3FDB];
	_ =	sdelay $0x1  }
0x99: {  	s4 =	simm.s32 $_scs_section_size  }
0x9a: {  	s5 =	simm.s32 $_size__tile_overlayer_lowered;
	s6 =	simm.s32 $_tile_overlayer_lowered  }
0x9b: {  	s22 =	simm.s32 $0x1BFF;
	s21 =	sshll.u32 s6, $0x1;
	s3 =	sadd.s32 s4, s19  }
0x9c: {  	s7 =	simm.s32 $0x0;
	s20 =	sshll.u32 s5, $0x1;
	s5 =	sadd.s32 s21, s3  }
0x9d: {  	[timem:s7], [sflag:s22] =	dma.local [hbm:s5], s20  }
0x9e: {  	_ =	swait.ge [sflag:s22], s20  }
0x9f: {  	s4 =	ssub.s32 $0x0, s20;
	[sflag:s22] =	ssyncset.done $0x0  }
0xa0: {  	[sflag:s22] =	ssyncadd.s32 s4;
	_ =	sdelay $0x1  }
0xa1: {  	s23 =	simm.s32 $0x1B8B  }
0xa2: {  	_ =	swait.ge [sflag:s23], $0x1  }
0xa3: {  	[sflag:s23] =	ssyncset.done $0x0  }
0xa4: {  	s25 =	simm.s32 $0x1B8E;
	s24 =	sld [smem:$0x3FFE];
	[sflag:s23] =	ssyncadd.s32 $0xFFFFFFFF  }
0xa5: {  	s26 =	simm.s32 $execute0_lowered;
	[smem:$0x3FD2] =	sst s25  }
0xa6: {  	s5 =	sshll.u32 s26, $0x1;
	_ =	strace $0x80000046;
	[dreg:$0x1] =	wrdreg $0xFFFFFFFF  }
0xa7: {  	s28 =	simm.s32 $_size_execute0_lowered;
	s3 =	sadd.s32 s3, s5;
	[dreg:$0x0] =	wrdreg $0x0  }
0xa8: {  	s5 =	sshll.u32 s28, $0x1;
	[dreg:$0x2] =	wrdreg s3  }
0xa9: {  	[dreg:$0x3] =	wrdreg s5  }
0xaa: {  	[dreg:$0x4] =	wrdreg $0xC0  }
0xab: {  	_ =	task [dreg:s7], $0x5FFFF  }
0xac: {  	[dreg:$0x1] =	wrdreg $0xFFFFFFFF  }
0xad: {  	[dreg:$0x0] =	wrdreg $0x60  }
0xae: {  	[dreg:$0x2] =	wrdreg s2  }
0xaf: {  	[dreg:$0x3] =	wrdreg s24  }
0xb0: {  	[dreg:$0x4] =	wrdreg $0x0  }
0xb1: {  	[dreg:$0x5] =	wrdreg $0x9  }
0xb2: {  	_ =	task.clear_ibuf [dreg:s7], $0x6FFFF;
	_ =	strace $0x90000046  }
0xb3: {  	s29 =	simm.s32 $0x9;
	_ =	strace $0x80000048  }
0xb4: {  	_ =	swait.ge [sflag:s29], $0x1  }
0xb5: {  	[sflag:s29] =	ssyncadd.s32 $0xFFFFFFFF  }
0xb6: {  	_ =	strace $0x90000048  }
0xb7: {  	_ =	sfence  }
0xb8: {  	s30 =	sld [smem:$0x0];
	_ =	sdelay $0x2  }
0xb9: {  	s31 =	sshll.u32 s1, $0xD;
	s1 =	sshrl.u32 s1, $0x2  }
0xba: {  	s3 =	sand.u32 $0x4000, s31;
	s1 =	sadd.s32 s1, s30  }
0xbb: {  	s0 =	sor.u32 s3, s0;
	s1 =	sshll.u32 s1, $0x11  }
0xbc: {  	s0 =	sor.u32 s1, s0  }
0xbd: {  	s0 =	sadd.s32 $0x8F2B, s0  }
0xbe: {  	[sflag:s0] =	ssyncadd.remote.s32 $0x1  }
0xbf: {  	_ =	sfence.sel $0xFFFF  }
0xc0: {  	[dreg:$0x0] =	wrdreg $0xFFFFFFFF;
	(pc) =	sbr.abs _section_cstart, $3  }
0xc1: {  	[dreg:$0x1] =	wrdreg $0xFFFFFFFF  }
0xc2: {  	_ =	task.clear_ibuf [dreg:s7], $0x2FFFF;
	_ =	strace $0x9FFFFFFF  }
0xc3: {  	(tm) =	ssettm $0x7FFFFFFF  }
tec
execute0_lowered:
.L_overlay_start_1:
0x0: {  	(tag) =	ssettag $0x1  }
0x1: {  	s10 =	rddreg [dreg:$0x0]  }
0x2: {  	s6 =	rddreg [dreg:$0x1]  }
0x3: {  	s1 =	rddreg [dreg:$0x2];
	s2 =	srdreg.scid  }
0x4: {  	s0 =	rddreg [dreg:$0x3];
	s3 =	simm.s32 $0x0;
	s18 =	simm.s32 $0x14000  }
0x5: {  	s19 =	simm.s32 $0x1;
	s20 =	simm.s32 $0x18000;
	s21 =	simm.s32 $0x80  }
0x6: {  	s22 =	simm.s32 $0x0;
	s7 =	sand.u32 $0x1, s2;
	s2 =	stileid.u32  }
0x7: {  	[smem:$0x7FF] =	sst s3;
	s4 =	sadd.s32 $0x4800, s6;
	s5 =	smul.u32 $0x140000, s7  }
0x8: {  	s8 =	smul.u32 $0x14000, s2;
	_ =	strace $0x80000047;
	s9 =	sshll.u32 s7, $0x4  }
0x9: {  	s11 =	smul.u32 $0x50000, s2;
	s7 =	ssub.s32 $0x2, s7;
	s9 =	sor.u32 s2, s9  }
0xa: {  	s30 =	sshrl.u32 s7, $0x1;
	s8 =	sadd.s32 s8, s5;
	s5 =	sadd.s32 $0x4000, s6  }
0xb: {  	s11 =	sshrl.u32 s11, $0x2;
	s9 =	smul.u32 $0x2800, s9;
	s8 =	sshrl.u32 s8, $0x3  }
0xc: {  	s17 =	ssub.s32 s7, s30;
	s16 =	sadd.s32 s8, s6;
	s6 =	sadd.s32 s11, s1  }
0xd: {  	s17 =	smax.u32 s17, $0x1;
	s31 =	sshrl.u32 s9, $0x3;
	s7 =	sadd.s32 $0x4000, s6  }
0xe: {  	s8 =	sadd.s32 $0x8000, s6;
	s9 =	sadd.s32 $0xC000, s6;
	s10 =	sadd.s32 s10, s31  }
0xf: {  	s11 =	sadd.s32 $0x10000, s6;
	s12 =	sadd.s32 $0x5000, s16;
	s14 =	sadd.s32 $0x55000, s16  }
0x10: {  	s16 =	sadd.s32 $0xA5000, s16;
	s13 =	sadd.s32 $0xA000, s10;
	s15 =	sadd.s32 $0x14000, s10  }
.LBB2_1:
0x11: {  	[tilespmem:s18], [sflag:$0x1] =	stream.linear.gather [hbm4b:s5+s3], $0x4000, $0x38;
	[tilespmem:$0x1A800] =	vst v63  }
0x12: {  	_ =	swait.ge [sflag:s19], $0x4000  }
0x13: {  	[sflag:s19] =	ssyncset.done $0x0  }
0x14: {  	[sflag:s19] =	ssyncadd.s32 $0xFFFFC000  }
0x15: {  	[spmem:s6] =	stream.linear.scatter [tilespmem:s18], [sflag:$0x1], $0x4000, $0x38;
	[tilespmem:$0x1A800] =	vst v63  }
0x16: {  	_ =	swait.ge [sflag:s19], $0x4000  }
0x17: {  	[sflag:s19] =	ssyncset.done $0x0  }
0x18: {  	[sflag:s19] =	ssyncadd.s32 $0xFFFFC000  }
0x19: {  	[spmem:s7] =	stream.linear.scatter [tilespmem:s18], [sflag:$0x1], $0x4000, $0x38;
	[tilespmem:$0x1A800] =	vst v63  }
0x1a: {  	_ =	swait.ge [sflag:s19], $0x4000  }
0x1b: {  	[sflag:s19] =	ssyncset.done $0x0  }
0x1c: {  	[sflag:s19] =	ssyncadd.s32 $0xFFFFC000  }
0x1d: {  	[spmem:s8] =	stream.linear.scatter [tilespmem:s18], [sflag:$0x1], $0x4000, $0x38;
	[tilespmem:$0x1A800] =	vst v63  }
0x1e: {  	_ =	swait.ge [sflag:s19], $0x4000  }
0x1f: {  	[sflag:s19] =	ssyncset.done $0x0  }
0x20: {  	[sflag:s19] =	ssyncadd.s32 $0xFFFFC000  }
0x21: {  	[spmem:s9] =	stream.linear.scatter [tilespmem:s18], [sflag:$0x1], $0x4000, $0x38;
	[tilespmem:$0x1A800] =	vst v63  }
0x22: {  	_ =	swait.ge [sflag:s19], $0x4000  }
0x23: {  	[sflag:s19] =	ssyncset.done $0x0  }
0x24: {  	[sflag:s19] =	ssyncadd.s32 $0xFFFFC000  }
0x25: {  	[spmem:s11] =	stream.linear.scatter [tilespmem:s18], [sflag:$0x1], $0x4000, $0x38;
	[tilespmem:$0x1A800] =	vst v63  }
0x26: {  	_ =	swait.ge [sflag:s19], $0x4000  }
0x27: {  	[sflag:s19] =	ssyncset.done $0x0  }
0x28: {  	[sflag:s19] =	ssyncadd.s32 $0xFFFFC000  }
0x29: {  	[tilespmem:s18], [sflag:$0x1] =	stream.linear.gather [hbm4b:s4+s3], $0x4000, $0x38;
	[tilespmem:$0x1A800] =	vst v63  }
0x2a: {  	_ =	swait.ge [sflag:s19], $0x4000  }
0x2b: {  	[sflag:s19] =	ssyncset.done $0x0  }
0x2c: {  	[sflag:s19] =	ssyncadd.s32 $0xFFFFC000  }
0x2d: {  	[bflag:$0x0] =	sbarrier.arrive $0xFFFF  }
0x2e: {  	[tilespmem:s20], [sflag:$0x1] =	stream.linear.gather [hbm4b:s10+s3], $0x2800, $0x38;
	[tilespmem:$0x1A800] =	vst v63  }
0x2f: {  	_ =	swait.ge [sflag:s19], $0x2800  }
0x30: {  	[sflag:s19] =	ssyncset.done $0x0  }
0x31: {  	s23 =	simm.s32 $0x18000;
	[sflag:s19] =	ssyncadd.s32 $0xFFFFD800  }
0x32: {  	[spmem:s1] =	stream.indirect.scatter.add.f32 [tilespmem:s18], [sflag:$0x1], $0x80, s23, s21, $0xb8;
	[tilespmem:$0x1A800] =	vst v63  }
0x33: {  	s23 =	simm.s32 $0x200;
	_ =	swait.ge [sflag:s19], $0x4000  }
.LBB2_2:
0x34: {  	s24 =	sshra.s32 s23, $0x2;
	[sflag:s19] =	ssyncset.done $0x0;
	p0 =	sne.s32 s23, $0x4E00  }
.Ltmp0:
0x35: {  	s24 =	sadd.s32 $0x18000, s24;
	[sflag:s19] =	ssyncadd.s32 $0xFFFFC000;
	(pc) =	sbr.rel @p0 .LBB2_2-.Ltmp0, $3  }
0x36: {  	[spmem:s1] =	stream.indirect.scatter.add.f32 [tilespmem:s18], [sflag:$0x1], $0x80, s24, s21, $0xb8;
	[tilespmem:$0x1A800] =	vst v63  }
0x37: {  	s23 =	sadd.s32 $0x200, s23;
	_ =	sdelay $0x1  }
0x38: {  	_ =	swait.ge [sflag:s19], $0x4000  }
0x39: {  	[sflag:s19] =	ssyncset.done $0x0  }
0x3a: {  	s23 =	simm.s32 $0x19400;
	[sflag:s19] =	ssyncadd.s32 $0xFFFFC000  }
0x3b: {  	[spmem:s1] =	stream.indirect.scatter.add.f32 [tilespmem:s18], [sflag:$0x1], $0x80, s23, s21, $0xb8;
	[tilespmem:$0x1A800] =	vst v63  }
0x3c: {  	s23 =	simm.s32 $0x200;
	_ =	swait.ge [sflag:s19], $0x4000  }
.LBB2_4:
0x3d: {  	s24 =	sshra.s32 s23, $0x2;
	[sflag:s19] =	ssyncset.done $0x0;
	p0 =	sne.s32 s23, $0x4E00  }
.Ltmp1:
0x3e: {  	s24 =	sadd.s32 $0x19400, s24;
	[sflag:s19] =	ssyncadd.s32 $0xFFFFC000;
	(pc) =	sbr.rel @p0 .LBB2_4-.Ltmp1, $3  }
0x3f: {  	[spmem:s1] =	stream.indirect.scatter.add.f32 [tilespmem:s18], [sflag:$0x1], $0x80, s24, s21, $0xb8;
	[tilespmem:$0x1A800] =	vst v63  }
0x40: {  	s23 =	sadd.s32 $0x200, s23;
	_ =	sdelay $0x1  }
0x41: {  	_ =	swait.ge [sflag:s19], $0x4000  }
0x42: {  	[sflag:s19] =	ssyncset.done $0x0  }
0x43: {  	s23 =	sshll.u32 s2, $0x6;
	[sflag:s19] =	ssyncadd.s32 $0xFFFFC000  }
0x44: {  	s24 =	sshrl.u32 s6, $0x3;
	s23 =	sor.u32 $0x1C01, s23;
	[bflag:$0x0] =	sbarrier.arrive $0xFFFF  }
0x45: {  	[hbm:s12], [sflag:s23] =	dma.local [spmem:s24], $0x2800  }
0x46: {  	_ =	swait.ge [sflag:s19], $0x2800  }
0x47: {  	[sflag:s19] =	ssyncset.done $0x0  }
0x48: {  	[sflag:s19] =	ssyncadd.s32 $0xFFFFD800  }
0x49: {  	s25 =	simm.s32 $0x0;
	[bflag:$0x0] =	sbarrier.arrive $0xFFFF  }
0x4a: {  	[tilespmem:s18], [sflag:$0x1] =	stream.linear.gather [hbm4b:s5+s25], $0x4000, $0x38;
	[tilespmem:$0x1A800] =	vst v63  }
0x4b: {  	_ =	swait.ge [sflag:s19], $0x4000  }
0x4c: {  	[sflag:s19] =	ssyncset.done $0x0  }
0x4d: {  	[sflag:s19] =	ssyncadd.s32 $0xFFFFC000  }
0x4e: {  	[spmem:s6] =	stream.linear.scatter [tilespmem:s18], [sflag:$0x1], $0x4000, $0x38;
	[tilespmem:$0x1A800] =	vst v63  }
0x4f: {  	_ =	swait.ge [sflag:s19], $0x4000  }
0x50: {  	[sflag:s19] =	ssyncset.done $0x0  }
0x51: {  	[sflag:s19] =	ssyncadd.s32 $0xFFFFC000  }
0x52: {  	[spmem:s7] =	stream.linear.scatter [tilespmem:s18], [sflag:$0x1], $0x4000, $0x38;
	[tilespmem:$0x1A800] =	vst v63  }
0x53: {  	_ =	swait.ge [sflag:s19], $0x4000  }
0x54: {  	[sflag:s19] =	ssyncset.done $0x0  }
0x55: {  	[sflag:s19] =	ssyncadd.s32 $0xFFFFC000  }
0x56: {  	[spmem:s8] =	stream.linear.scatter [tilespmem:s18], [sflag:$0x1], $0x4000, $0x38;
	[tilespmem:$0x1A800] =	vst v63  }
0x57: {  	_ =	swait.ge [sflag:s19], $0x4000  }
0x58: {  	[sflag:s19] =	ssyncset.done $0x0  }
0x59: {  	[sflag:s19] =	ssyncadd.s32 $0xFFFFC000  }
0x5a: {  	[spmem:s9] =	stream.linear.scatter [tilespmem:s18], [sflag:$0x1], $0x4000, $0x38;
	[tilespmem:$0x1A800] =	vst v63  }
0x5b: {  	_ =	swait.ge [sflag:s19], $0x4000  }
0x5c: {  	[sflag:s19] =	ssyncset.done $0x0  }
0x5d: {  	[sflag:s19] =	ssyncadd.s32 $0xFFFFC000  }
0x5e: {  	[spmem:s11] =	stream.linear.scatter [tilespmem:s18], [sflag:$0x1], $0x4000, $0x38;
	[tilespmem:$0x1A800] =	vst v63  }
0x5f: {  	_ =	swait.ge [sflag:s19], $0x4000  }
0x60: {  	[sflag:s19] =	ssyncset.done $0x0  }
0x61: {  	[sflag:s19] =	ssyncadd.s32 $0xFFFFC000  }
0x62: {  	[tilespmem:s18], [sflag:$0x1] =	stream.linear.gather [hbm4b:s4+s25], $0x4000, $0x38;
	[tilespmem:$0x1A800] =	vst v63  }
0x63: {  	_ =	swait.ge [sflag:s19], $0x4000  }
0x64: {  	[sflag:s19] =	ssyncset.done $0x0  }
0x65: {  	[sflag:s19] =	ssyncadd.s32 $0xFFFFC000  }
0x66: {  	[bflag:$0x0] =	sbarrier.arrive $0xFFFF  }
0x67: {  	[tilespmem:s20], [sflag:$0x1] =	stream.linear.gather [hbm4b:s13+s25], $0x2800, $0x38;
	[tilespmem:$0x1A800] =	vst v63  }
0x68: {  	_ =	swait.ge [sflag:s19], $0x2800  }
0x69: {  	[sflag:s19] =	ssyncset.done $0x0  }
0x6a: {  	s31 =	simm.s32 $0x18000;
	[sflag:s19] =	ssyncadd.s32 $0xFFFFD800  }
0x6b: {  	[spmem:s1] =	stream.indirect.scatter.add.f32 [tilespmem:s18], [sflag:$0x1], $0x80, s31, s21, $0xb8;
	[tilespmem:$0x1A800] =	vst v63  }
0x6c: {  	s25 =	simm.s32 $0x200;
	_ =	swait.ge [sflag:s19], $0x4000  }
.LBB2_6:
0x6d: {  	s26 =	sshra.s32 s25, $0x2;
	[sflag:s19] =	ssyncset.done $0x0;
	p0 =	sne.s32 s25, $0x4E00  }
.Ltmp2:
0x6e: {  	s26 =	sadd.s32 $0x18000, s26;
	[sflag:s19] =	ssyncadd.s32 $0xFFFFC000;
	(pc) =	sbr.rel @p0 .LBB2_6-.Ltmp2, $3  }
0x6f: {  	[spmem:s1] =	stream.indirect.scatter.add.f32 [tilespmem:s18], [sflag:$0x1], $0x80, s26, s21, $0xb8;
	[tilespmem:$0x1A800] =	vst v63  }
0x70: {  	s25 =	sadd.s32 $0x200, s25;
	_ =	sdelay $0x1  }
0x71: {  	_ =	swait.ge [sflag:s19], $0x4000  }
0x72: {  	[sflag:s19] =	ssyncset.done $0x0  }
0x73: {  	s25 =	simm.s32 $0x19400;
	[sflag:s19] =	ssyncadd.s32 $0xFFFFC000  }
0x74: {  	[spmem:s1] =	stream.indirect.scatter.add.f32 [tilespmem:s18], [sflag:$0x1], $0x80, s25, s21, $0xb8;
	[tilespmem:$0x1A800] =	vst v63  }
0x75: {  	s25 =	simm.s32 $0x200;
	_ =	swait.ge [sflag:s19], $0x4000  }
.LBB2_8:
0x76: {  	s26 =	sshra.s32 s25, $0x2;
	[sflag:s19] =	ssyncset.done $0x0;
	p0 =	sne.s32 s25, $0x4E00  }
.Ltmp3:
0x77: {  	s26 =	sadd.s32 $0x19400, s26;
	[sflag:s19] =	ssyncadd.s32 $0xFFFFC000;
	(pc) =	sbr.rel @p0 .LBB2_8-.Ltmp3, $3  }
0x78: {  	[spmem:s1] =	stream.indirect.scatter.add.f32 [tilespmem:s18], [sflag:$0x1], $0x80, s26, s21, $0xb8;
	[tilespmem:$0x1A800] =	vst v63  }
0x79: {  	s25 =	sadd.s32 $0x200, s25;
	_ =	sdelay $0x1  }
0x7a: {  	_ =	swait.ge [sflag:s19], $0x4000  }
0x7b: {  	[sflag:s19] =	ssyncset.done $0x0  }
0x7c: {  	[sflag:s19] =	ssyncadd.s32 $0xFFFFC000  }
0x7d: {  	[bflag:$0x0] =	sbarrier.arrive $0xFFFF  }
0x7e: {  	[hbm:s14], [sflag:s23] =	dma.local [spmem:s24], $0x2800  }
0x7f: {  	_ =	swait.ge [sflag:s19], $0x2800  }
0x80: {  	[sflag:s19] =	ssyncset.done $0x0  }
0x81: {  	[sflag:s19] =	ssyncadd.s32 $0xFFFFD800  }
0x82: {  	s25 =	simm.s32 $0x0;
	[bflag:$0x0] =	sbarrier.arrive $0xFFFF  }
0x83: {  	[tilespmem:s18], [sflag:$0x1] =	stream.linear.gather [hbm4b:s5+s25], $0x4000, $0x38;
	[tilespmem:$0x1A800] =	vst v63  }
0x84: {  	_ =	swait.ge [sflag:s19], $0x4000  }
0x85: {  	[sflag:s19] =	ssyncset.done $0x0  }
0x86: {  	[sflag:s19] =	ssyncadd.s32 $0xFFFFC000  }
0x87: {  	[spmem:s6] =	stream.linear.scatter [tilespmem:s18], [sflag:$0x1], $0x4000, $0x38;
	[tilespmem:$0x1A800] =	vst v63  }
0x88: {  	_ =	swait.ge [sflag:s19], $0x4000  }
0x89: {  	[sflag:s19] =	ssyncset.done $0x0  }
0x8a: {  	[sflag:s19] =	ssyncadd.s32 $0xFFFFC000  }
0x8b: {  	[spmem:s7] =	stream.linear.scatter [tilespmem:s18], [sflag:$0x1], $0x4000, $0x38;
	[tilespmem:$0x1A800] =	vst v63  }
0x8c: {  	_ =	swait.ge [sflag:s19], $0x4000  }
0x8d: {  	[sflag:s19] =	ssyncset.done $0x0  }
0x8e: {  	[sflag:s19] =	ssyncadd.s32 $0xFFFFC000  }
0x8f: {  	[spmem:s8] =	stream.linear.scatter [tilespmem:s18], [sflag:$0x1], $0x4000, $0x38;
	[tilespmem:$0x1A800] =	vst v63  }
0x90: {  	_ =	swait.ge [sflag:s19], $0x4000  }
0x91: {  	[sflag:s19] =	ssyncset.done $0x0  }
0x92: {  	[sflag:s19] =	ssyncadd.s32 $0xFFFFC000  }
0x93: {  	[spmem:s9] =	stream.linear.scatter [tilespmem:s18], [sflag:$0x1], $0x4000, $0x38;
	[tilespmem:$0x1A800] =	vst v63  }
0x94: {  	_ =	swait.ge [sflag:s19], $0x4000  }
0x95: {  	[sflag:s19] =	ssyncset.done $0x0  }
0x96: {  	[sflag:s19] =	ssyncadd.s32 $0xFFFFC000  }
0x97: {  	[spmem:s11] =	stream.linear.scatter [tilespmem:s18], [sflag:$0x1], $0x4000, $0x38;
	[tilespmem:$0x1A800] =	vst v63  }
0x98: {  	_ =	swait.ge [sflag:s19], $0x4000  }
0x99: {  	[sflag:s19] =	ssyncset.done $0x0  }
0x9a: {  	[sflag:s19] =	ssyncadd.s32 $0xFFFFC000  }
0x9b: {  	[tilespmem:s18], [sflag:$0x1] =	stream.linear.gather [hbm4b:s4+s25], $0x4000, $0x38;
	[tilespmem:$0x1A800] =	vst v63  }
0x9c: {  	_ =	swait.ge [sflag:s19], $0x4000  }
0x9d: {  	[sflag:s19] =	ssyncset.done $0x0  }
0x9e: {  	[sflag:s19] =	ssyncadd.s32 $0xFFFFC000  }
0x9f: {  	[bflag:$0x0] =	sbarrier.arrive $0xFFFF  }
0xa0: {  	[tilespmem:s20], [sflag:$0x1] =	stream.linear.gather [hbm4b:s15+s25], $0x2800, $0x38;
	[tilespmem:$0x1A800] =	vst v63  }
0xa1: {  	_ =	swait.ge [sflag:s19], $0x2800  }
0xa2: {  	[sflag:s19] =	ssyncset.done $0x0  }
0xa3: {  	s31 =	simm.s32 $0x18000;
	[sflag:s19] =	ssyncadd.s32 $0xFFFFD800  }
0xa4: {  	[spmem:s1] =	stream.indirect.scatter.add.f32 [tilespmem:s18], [sflag:$0x1], $0x80, s31, s21, $0xb8;
	[tilespmem:$0x1A800] =	vst v63  }
0xa5: {  	s25 =	simm.s32 $0x200;
	_ =	swait.ge [sflag:s19], $0x4000  }
.LBB2_10:
0xa6: {  	s26 =	sshra.s32 s25, $0x2;
	[sflag:s19] =	ssyncset.done $0x0;
	p0 =	sne.s32 s25, $0x4E00  }
.Ltmp4:
0xa7: {  	s26 =	sadd.s32 $0x18000, s26;
	[sflag:s19] =	ssyncadd.s32 $0xFFFFC000;
	(pc) =	sbr.rel @p0 .LBB2_10-.Ltmp4, $3  }
0xa8: {  	[spmem:s1] =	stream.indirect.scatter.add.f32 [tilespmem:s18], [sflag:$0x1], $0x80, s26, s21, $0xb8;
	[tilespmem:$0x1A800] =	vst v63  }
0xa9: {  	s25 =	sadd.s32 $0x200, s25;
	_ =	sdelay $0x1  }
0xaa: {  	_ =	swait.ge [sflag:s19], $0x4000  }
0xab: {  	[sflag:s19] =	ssyncset.done $0x0  }
0xac: {  	s25 =	simm.s32 $0x19400;
	[sflag:s19] =	ssyncadd.s32 $0xFFFFC000  }
0xad: {  	[spmem:s1] =	stream.indirect.scatter.add.f32 [tilespmem:s18], [sflag:$0x1], $0x80, s25, s21, $0xb8;
	[tilespmem:$0x1A800] =	vst v63  }
0xae: {  	s25 =	simm.s32 $0x200;
	_ =	swait.ge [sflag:s19], $0x4000  }
.LBB2_12:
0xaf: {  	s26 =	sshra.s32 s25, $0x2;
	[sflag:s19] =	ssyncset.done $0x0;
	p0 =	sne.s32 s25, $0x4E00  }
.Ltmp5:
0xb0: {  	s26 =	sadd.s32 $0x19400, s26;
	[sflag:s19] =	ssyncadd.s32 $0xFFFFC000;
	(pc) =	sbr.rel @p0 .LBB2_12-.Ltmp5, $3  }
0xb1: {  	[spmem:s1] =	stream.indirect.scatter.add.f32 [tilespmem:s18], [sflag:$0x1], $0x80, s26, s21, $0xb8;
	[tilespmem:$0x1A800] =	vst v63  }
0xb2: {  	s25 =	sadd.s32 $0x200, s25;
	_ =	sdelay $0x1  }
0xb3: {  	_ =	swait.ge [sflag:s19], $0x4000  }
0xb4: {  	[sflag:s19] =	ssyncset.done $0x0  }
0xb5: {  	s22 =	sadd.s32 $0x1, s22;
	[sflag:s19] =	ssyncadd.s32 $0xFFFFC000  }
0xb6: {  	p0 =	sne.s32 s22, s17;
	[bflag:$0x0] =	sbarrier.arrive $0xFFFF  }
0xb7: {  	[hbm:s16], [sflag:s23] =	dma.local [spmem:s24], $0x2800  }
.Ltmp6:
0xb8: {  	_ =	swait.ge [sflag:s19], $0x2800;
	(pc) =	sbr.rel @p0 .LBB2_1-.Ltmp6, $3  }
0xb9: {  	[sflag:s19] =	ssyncset.done $0x0  }
0xba: {  	[sflag:s19] =	ssyncadd.s32 $0xFFFFD800  }
0xbb: {  	[bflag:$0x0] =	sbarrier.arrive $0xFFFF;
	_ =	sdelay $0x1  }
0xbc: {  	_ =	sfence.sel $0x180000  }
0xbd: {  	[bflag:$0x0] =	sbarrier.arrive $0xFFFF  }
0xbe: {  	p0 =	sne.s32 s2, $0x0;
	_ =	strace $0x90000047  }
0xbf: {  	s0 =	sadd.s32 @!p0 $0x100000, s0;
	[bflag:$0x2] =	sbarrier.arrive $0xFFFF  }
0xc0: {  	[sflag:s0] =	ssyncadd.tile.s32 @!p0 $0x1;
	_ =	shalt  }
.Lfunc_end2:
_tile_overlayer_lowered:
.L_overlay_start_2:
0xc1: {  	(tag) =	ssettag $0x2  }
0xc2: {  	s0 =	rddreg [dreg:$0x0];
	s2 =	stileid.u32  }
0xc3: {  	s1 =	rddreg [dreg:$0x1];
	p0 =	sne.s32 s2, $0x0  }
0xc4: {  	s3 =	rddreg [dreg:$0x2];
	[bflag:$0x3] =	sbarrier.arrive $0xFFFF;
	s2 =	simm.s32 @!p0 $0x1C01  }
0xc5: {  	[timem:s3], [sflag:s2] =	dma.local @!p0 [hbm:s0], s1  }
0xc6: {  	s0 =	simm.s32 @!p0 $0x1  }
0xc7: {  	_ =	swait.ge @!p0 [sflag:s0], s1  }
0xc8: {  	s1 =	ssub.s32 @!p0 $0x0, s1;
	[sflag:s0] =	ssyncset.done @!p0 $0x0  }
0xc9: {  	[sflag:s0] =	ssyncadd.s32 @!p0 s1  }
0xca: {  	[bflag:$0x3] =	sbarrier.arrive $0xFFFF  }
0xcb: {  	_ =	shalt  }

</sc_bundles>
